<compile_context>
chip_gen: v7x
topology: tpu7x:2x2x1
jax: 0.10.2.dev20260603
libtpu: 0.0.44.dev20260713+nightly
codegen_flags: <defaults>
</compile_context>

<pallas_src>
import functools

import jax
import jax.numpy as jnp
from jax import lax
from jax.experimental import pallas as pl
from jax.experimental.pallas import tpu as pltpu
from jax.experimental.pallas import tpu_sc as plsc

MAX_OBJECTS = 16384
SLOTS = 8
D_MEMORY = 256
M = 4096

NC = 2
NS = 16
NW = NC * NS
BPW = M // NW
CH = 8
NB = 4
PH2 = MAX_OBJECTS // 2
NCH = BPW // CH
KHALF = MAX_OBJECTS // 2
NGRP = M // 16
UNROLL = 4


def _gather_body(idx_hbm, mem_hbm, pose_hbm, mask_hbm,
                 mem_out, pose_out, mask_out,
                 idx_v, mem_v, pose_v, pout_v, mask_tab_v, mask_loc_v,
                 sem_g, sem_o, sem_p, sem_k):
    wid = lax.axis_index("s") * NC + lax.axis_index("c")
    base = wid * BPW

    pltpu.sync_copy(idx_hbm, idx_v)

    s_slot = wid // 4
    s_row = wid % 4

    lane = lax.iota(jnp.int32, 16)

    def pose_range(h, lo, n):
        def body(i, _):
            for u in range(UNROLL):
                g = lo + i * UNROLL + u
                obj = idx_v[pl.ds(g * 16, 16)]
                local = obj - h * PH2
                ok = (local >= 0) & (local < PH2)
                safe = jnp.clip(local, 0, PH2 - 1)
                pos = g * 16 + lane
                for b in range(4):
                    bvec = jnp.full((16,), b, jnp.int32)
                    vals = plsc.load_gather(pose_v, [bvec, safe])
                    plsc.store_scatter(pout_v, [bvec, pos], vals, mask=ok)
            return 0
        lax.fori_loop(0, n // UNROLL, body, 0)

    quota0 = [0, 0, 0] + [44] * 4 + [40, 40] + [0] * 7
    quota1 = [0] * 11 + [52] * 4 + [48]
    q0_lo = [sum(quota0[:c]) for c in range(NCH)]
    q1_lo = [sum(quota1[:c]) for c in range(NCH)]

    def start_gather(c, buf):
        return pltpu.async_copy(
            mem_hbm.at[idx_v.at[pl.ds(base + c * CH, CH)]],
            mem_v.at[buf], sem_g)

    cps = [start_gather(0, 0), start_gather(1, 1)]
    cp_k = pltpu.async_copy(mask_hbm.at[pl.ds(0, KHALF)], mask_tab_v, sem_k)
    cp_p = pltpu.async_copy(
        pose_hbm.at[s_slot, s_row, :, pl.ds(0, PH2)], pose_v, sem_p)
    outs = [None] * NCH
    for c in range(NCH):
        cps[c].wait()
        outs[c] = pltpu.async_copy(
            mem_v.at[c % NB], mem_out.at[pl.ds(base + c * CH, CH)], sem_o)
        g = c + 2
        if g < NCH:
            if g >= NB:
                outs[g - NB].wait()
            cps.append(start_gather(g, g % NB))
        if quota0[c]:
            if q0_lo[c] == 0:
                cp_p.wait()
            pose_range(0, q0_lo[c], quota0[c])
        if c == 8:
            cp_p = pltpu.async_copy(
                pose_hbm.at[s_slot, s_row, :, pl.ds(PH2, PH2)], pose_v, sem_p)
        if quota1[c]:
            if q1_lo[c] == 0:
                cp_p.wait()
            pose_range(1, q1_lo[c], quota1[c])
    for c in range(NCH - NB, NCH):
        outs[c].wait()
    pltpu.sync_copy(pout_v, pose_out.at[s_slot, s_row])

    for h in range(2):
        if h == 0:
            cp_k.wait()
        else:
            pltpu.async_copy(mask_hbm.at[pl.ds(KHALF, KHALF)],
                             mask_tab_v, sem_k).wait()
        for g in range(BPW // 16):
            obj = idx_v[pl.ds(base + g * 16, 16)]
            local = obj - h * KHALF
            ok = (local >= 0) & (local < KHALF)
            safe = jnp.clip(local, 0, KHALF - 1)
            vals = plsc.load_gather(mask_tab_v, [safe])
            plsc.store_scatter(mask_loc_v, [g * 16 + lane], vals, mask=ok)
    pltpu.sync_copy(mask_loc_v, mask_out.at[pl.ds(base, BPW)])


@jax.jit
def _retrieve(object_indices, memory, poses_t, mask_packed):
    mesh = plsc.VectorSubcoreMesh(core_axis_name="c", subcore_axis_name="s")
    run = functools.partial(
        pl.kernel,
        out_type=(
            jax.ShapeDtypeStruct((M, SLOTS, D_MEMORY), jnp.float32),
            jax.ShapeDtypeStruct((SLOTS, 4, 4, M), jnp.float32),
            jax.ShapeDtypeStruct((M,), jnp.int32),
        ),
        mesh=mesh,
        compiler_params=pltpu.CompilerParams(needs_layout_passes=False),
        scratch_types=[
            pltpu.VMEM((M,), jnp.int32),
            pltpu.VMEM((NB, CH, SLOTS, D_MEMORY), jnp.float32),
            pltpu.VMEM((4, PH2), jnp.float32),
            pltpu.VMEM((4, M), jnp.float32),
            pltpu.VMEM((KHALF,), jnp.int32),
            pltpu.VMEM((BPW,), jnp.int32),
            pltpu.SemaphoreType.DMA,
            pltpu.SemaphoreType.DMA,
            pltpu.SemaphoreType.DMA,
            pltpu.SemaphoreType.DMA,
        ],
    )(_gather_body)
    return run(object_indices, memory, poses_t, mask_packed)


def kernel(object_indices, memory, capture_poses, slot_filled):
    idx = object_indices.astype(jnp.int32)
    poses_t = jnp.transpose(capture_poses, (1, 2, 3, 0))
    mask_packed = jnp.sum(
        slot_filled.astype(jnp.int32) << jnp.arange(SLOTS, dtype=jnp.int32),
        axis=1, dtype=jnp.int32)

    memory_entries, pose_o, mask_o = _retrieve(idx, memory, poses_t,
                                               mask_packed)

    entry_poses = jnp.transpose(pose_o, (3, 0, 1, 2))
    entry_mask = (
        (mask_o[:, None] >> jnp.arange(SLOTS, dtype=jnp.int32)) & 1) != 0
    return (memory_entries, entry_poses, entry_mask)

# --- scband reference (transcript-rebuilt; emitter-appended) ---
"""Pipeline reference for scband-per-object-episodic-memory-29953101922436 (READ-ONLY COPY).

The authoritative reference and input builder live on the scoring server;
editing this copy changes nothing except your own understanding.
"""

import jax, jax.numpy as jnp
import numpy as np

MAX_OBJECTS = 16384
SLOTS = 8
D_MEMORY = 256
M = 4096

def setup_inputs(seed: int = 0) -> dict:
    key = jax.random.key(seed)
    k1, k2, k3 = jax.random.split(key, 3)
    object_indices = jax.random.randint(k1, (M,), 0, MAX_OBJECTS, dtype=jnp.int64 if jax.config.jax_enable_x64 else jnp.int32)
    # learned/stateful buffers of the module, materialized as inputs
    memory = jax.random.normal(k2, (MAX_OBJECTS, SLOTS, D_MEMORY), dtype=jnp.float32)
    capture_poses = jax.random.normal(k3, (MAX_OBJECTS, SLOTS, 4, 4), dtype=jnp.float32)
    slot_filled = jnp.ones((MAX_OBJECTS, SLOTS), dtype=bool)
    return {"object_indices": object_indices, "memory": memory, "capture_poses": capture_poses, "slot_filled": slot_filled}

def reference(object_indices, memory, capture_poses, slot_filled):
    # Faithful translation of PerObjectEpisodicMemory.retrieve:
    #   memory_entries = self.memory[object_indices]
    #   entry_poses    = self.capture_poses[object_indices]
    #   entry_mask     = self.slot_filled[object_indices]
    memory_entries = jnp.take(memory, object_indices, axis=0)
    entry_poses = jnp.take(capture_poses, object_indices, axis=0)
    entry_mask = jnp.take(slot_filled, object_indices, axis=0)
    return (memory_entries, entry_poses, entry_mask)

if __name__ == "__main__":
    import jax
    _d = setup_inputs()
    print(jax.jit(kernel)(*tuple(_d.values())))

</pallas_src>

<mosaic_0001>
#map = affine_map<(d0, d1) -> (0)>
#map1 = affine_map<(d0, d1) -> (0, 0, 0)>
#map2 = affine_map<(d0, d1) -> (0, 0, 0, 0)>
module attributes {stable_mosaic.version = 14 : i64} {
  func.func @_gather_body(%arg0: i32, %arg1: i32, %arg2: memref<4096xi32, #tpu.memory_space<hbm>>, %arg3: memref<16384x8x256xf32, #tpu.memory_space<hbm>>, %arg4: memref<8x4x4x16384xf32, #tpu.memory_space<hbm>>, %arg5: memref<16384xi32, #tpu.memory_space<hbm>>, %arg6: memref<4096x8x256xf32, #tpu.memory_space<hbm>>, %arg7: memref<8x4x4x4096xf32, #tpu.memory_space<hbm>>, %arg8: memref<4096xi32, #tpu.memory_space<hbm>>, %arg9: memref<4096xi32, #tpu.memory_space<vmem>>, %arg10: memref<4x8x8x256xf32, #tpu.memory_space<vmem>>, %arg11: memref<4x8192xf32, #tpu.memory_space<vmem>>, %arg12: memref<4x4096xf32, #tpu.memory_space<vmem>>, %arg13: memref<8192xi32, #tpu.memory_space<vmem>>, %arg14: memref<128xi32, #tpu.memory_space<vmem>>, %arg15: memref<!tpu.dma_semaphore, #tpu.memory_space<semaphore_mem>>, %arg16: memref<!tpu.dma_semaphore, #tpu.memory_space<semaphore_mem>>, %arg17: memref<!tpu.dma_semaphore, #tpu.memory_space<semaphore_mem>>, %arg18: memref<!tpu.dma_semaphore, #tpu.memory_space<semaphore_mem>>) attributes {dimension_semantics = [#tpu.dimension_semantics<core_parallel>, #tpu.dimension_semantics<subcore_parallel>], iteration_bounds = array<i64: 2, 16>, scalar_prefetch = 0 : i64, scratch_operands = 10 : i64, tpu.core_type = #tpu.core_type<sc_vector_subcore>, window_params = [{transform_indices = #map}, {transform_indices = #map1}, {transform_indices = #map2}, {transform_indices = #map}, {transform_indices = #map1}, {transform_indices = #map2}, {transform_indices = #map}]} {
    %mul3A = arith.constant 2 : i32
    %mul3A_0 = arith.muli %arg1, %mul3A : i32
    %add3A = arith.addi %mul3A_0, %arg0 : i32
    %mul3A_1 = arith.constant 128 : i32
    %mul3A_2 = arith.muli %add3A, %mul3A_1 : i32
    "tpu.region"() ({
      %run_scoped3A = tpu.sem_alloc : memref<!tpu.dma_semaphore, #tpu.memory_space<semaphore_mem>>
      tpu.enqueue_dma source(%arg2 : memref<4096xi32, #tpu.memory_space<hbm>>) target(%arg9 : memref<4096xi32, #tpu.memory_space<vmem>>) target_semaphore(%run_scoped3A : memref<!tpu.dma_semaphore, #tpu.memory_space<semaphore_mem>>)
      tpu.wait_dma2 semaphore(%run_scoped3A : memref<!tpu.dma_semaphore, #tpu.memory_space<semaphore_mem>>) src(%arg2 : memref<4096xi32, #tpu.memory_space<hbm>>) dst(%arg9 : memref<4096xi32, #tpu.memory_space<vmem>>)
      tpu.yield
    }) : () -> ()
    %jit3A = arith.constant 4 : i32
    %div3A = arith.divsi %add3A, %jit3A : i32
    %sign3A = arith.constant 0 : i32
    %sign3A_3 = arith.cmpi sgt, %add3A, %sign3A : i32
    %sign3A_4 = arith.extui %sign3A_3 : i1 to i32
    %sign3A_5 = arith.constant 0 : i32
    %sign3A_6 = arith.cmpi slt, %add3A, %sign3A_5 : i32
    %sign3A_7 = arith.extui %sign3A_6 : i1 to i32
    %sign3A_8 = arith.subi %sign3A_4, %sign3A_7 : i32
    %sign3A_9 = arith.constant 0 : i32
    %sign3A_10 = arith.cmpi sgt, %jit3A, %sign3A_9 : i32
    %sign3A_11 = arith.extui %sign3A_10 : i1 to i32
    %sign3A_12 = arith.constant 0 : i32
    %sign3A_13 = arith.cmpi slt, %jit3A, %sign3A_12 : i32
    %sign3A_14 = arith.extui %sign3A_13 : i1 to i32
    %sign3A_15 = arith.subi %sign3A_11, %sign3A_14 : i32
    %ne3A = arith.cmpi ne, %sign3A_8, %sign3A_15 : i32
    %rem3A = arith.remsi %add3A, %jit3A : i32
    %ne3A_16 = arith.constant 0 : i32
    %ne3A_17 = arith.cmpi ne, %rem3A, %ne3A_16 : i32
    %and3A = arith.andi %ne3A, %ne3A_17 : i1
    %sub3A = arith.constant 1 : i32
    %sub3A_18 = arith.subi %div3A, %sub3A : i32
    %select_n3A = arith.select %and3A, %sub3A_18, %div3A : i32
    %jit3A_19 = arith.constant 4 : i32
    %eq3A = arith.constant 0 : i32
    %eq3A_20 = arith.cmpi eq, %jit3A_19, %eq3A : i32
    %jit3A_21 = arith.constant 1 : i32
    %select_n3A_22 = arith.select %eq3A_20, %jit3A_21, %jit3A_19 : i32
    %rem3A_23 = arith.remsi %add3A, %select_n3A_22 : i32
    %ne3A_24 = arith.constant 0 : i32
    %ne3A_25 = arith.cmpi ne, %rem3A_23, %ne3A_24 : i32
    %lt3A = arith.constant 0 : i32
    %lt3A_26 = arith.cmpi slt, %rem3A_23, %lt3A : i32
    %lt3A_27 = arith.constant 0 : i32
    %lt3A_28 = arith.cmpi slt, %select_n3A_22, %lt3A_27 : i32
    %ne3A_29 = arith.xori %lt3A_26, %lt3A_28 : i1
    %and3A_30 = arith.andi %ne3A_29, %ne3A_25 : i1
    %add3A_31 = arith.addi %rem3A_23, %select_n3A_22 : i32
    %select_n3A_32 = arith.select %and3A_30, %add3A_31, %rem3A_23 : i32
    %iota3A = tpu.iota {dimensions = array<i32: 0>} : vector<16xi32>
    %add3A_33 = arith.constant 0 : i32
    %add3A_34 = arith.addi %mul3A_2, %add3A_33 : i32
    %dma_start3A = arith.constant 0 : i32
    %dma_start3A_35 = arith.constant 0 : i32
    %dma_start3A_36 = arith.constant 0 : i32
    %dma_start3A_37 = arith.constant 0 : i32
    %dma_start3A_38 = tpu.memref_slice %arg10[%dma_start3A, %dma_start3A_35, %dma_start3A_36, %dma_start3A_37] : memref<4x8x8x256xf32, #tpu.memory_space<vmem>> -> memref<1x8x8x256xf32, #tpu.memory_space<vmem>>
    %dma_start3A_39 = tpu.memref_squeeze %dma_start3A_38 : memref<1x8x8x256xf32, #tpu.memory_space<vmem>> -> memref<8x8x256xf32, #tpu.memory_space<vmem>>
    %dma_start3A_40 = tpu.memref_slice %arg9[%add3A_34] : memref<4096xi32, #tpu.memory_space<vmem>> -> memref<8xi32, #tpu.memory_space<vmem>>
    %dma_start3A_41 = arith.constant 0 : i32
    %dma_start3A_42 = arith.constant 0 : i32
    %dma_start3A_43 = arith.constant 0 : i32
    %dma_start3A_44 = tpu.memref_slice %arg3[%dma_start3A_41, %dma_start3A_42, %dma_start3A_43] : memref<16384x8x256xf32, #tpu.memory_space<hbm>> -> memref<16384x8x256xf32, #tpu.memory_space<hbm>>
    tpu.enqueue_indirect_dma source(%dma_start3A_44 : memref<16384x8x256xf32, #tpu.memory_space<hbm>>) target(%dma_start3A_39 : memref<8x8x256xf32, #tpu.memory_space<vmem>>) offsets(%dma_start3A_40 : memref<8xi32, #tpu.memory_space<vmem>>) semaphore(%arg15 : memref<!tpu.dma_semaphore, #tpu.memory_space<semaphore_mem>>)
    %add3A_45 = arith.constant 8 : i32
    %add3A_46 = arith.addi %mul3A_2, %add3A_45 : i32
    %dma_start3A_47 = arith.constant 1 : i32
    %dma_start3A_48 = arith.constant 0 : i32
    %dma_start3A_49 = arith.constant 0 : i32
    %dma_start3A_50 = arith.constant 0 : i32
    %dma_start3A_51 = tpu.memref_slice %arg10[%dma_start3A_47, %dma_start3A_48, %dma_start3A_49, %dma_start3A_50] : memref<4x8x8x256xf32, #tpu.memory_space<vmem>> -> memref<1x8x8x256xf32, #tpu.memory_space<vmem>>
    %dma_start3A_52 = tpu.memref_squeeze %dma_start3A_51 : memref<1x8x8x256xf32, #tpu.memory_space<vmem>> -> memref<8x8x256xf32, #tpu.memory_space<vmem>>
    %dma_start3A_53 = tpu.memref_slice %arg9[%add3A_46] : memref<4096xi32, #tpu.memory_space<vmem>> -> memref<8xi32, #tpu.memory_space<vmem>>
    %dma_start3A_54 = arith.constant 0 : i32
    %dma_start3A_55 = arith.constant 0 : i32
    %dma_start3A_56 = arith.constant 0 : i32
    %dma_start3A_57 = tpu.memref_slice %arg3[%dma_start3A_54, %dma_start3A_55, %dma_start3A_56] : memref<16384x8x256xf32, #tpu.memory_space<hbm>> -> memref<16384x8x256xf32, #tpu.memory_space<hbm>>
    tpu.enqueue_indirect_dma source(%dma_start3A_57 : memref<16384x8x256xf32, #tpu.memory_space<hbm>>) target(%dma_start3A_52 : memref<8x8x256xf32, #tpu.memory_space<vmem>>) offsets(%dma_start3A_53 : memref<8xi32, #tpu.memory_space<vmem>>) semaphore(%arg15 : memref<!tpu.dma_semaphore, #tpu.memory_space<semaphore_mem>>)
    %dma_start3A_58 = arith.constant 0 : i32
    %dma_start3A_59 = tpu.memref_slice %arg5[%dma_start3A_58] : memref<16384xi32, #tpu.memory_space<hbm>> -> memref<8192xi32, #tpu.memory_space<hbm>>
    %dma_start3A_60 = arith.constant 0 : i32
    %dma_start3A_61 = tpu.memref_slice %arg5[%dma_start3A_60] : memref<16384xi32, #tpu.memory_space<hbm>> -> memref<8192xi32, #tpu.memory_space<hbm>>
    tpu.enqueue_dma source(%dma_start3A_61 : memref<8192xi32, #tpu.memory_space<hbm>>) target(%arg13 : memref<8192xi32, #tpu.memory_space<vmem>>) target_semaphore(%arg18 : memref<!tpu.dma_semaphore, #tpu.memory_space<semaphore_mem>>)
    %dma_start3A_62 = arith.constant 0 : i32
    %dma_start3A_63 = arith.constant 0 : i32
    %dma_start3A_64 = tpu.memref_slice %arg4[%select_n3A, %select_n3A_32, %dma_start3A_62, %dma_start3A_63] : memref<8x4x4x16384xf32, #tpu.memory_space<hbm>> -> memref<1x1x4x8192xf32, #tpu.memory_space<hbm>>
    %dma_start3A_65 = tpu.memref_squeeze %dma_start3A_64 : memref<1x1x4x8192xf32, #tpu.memory_space<hbm>> -> memref<4x8192xf32, #tpu.memory_space<hbm>>
    %dma_start3A_66 = arith.constant 0 : i32
    %dma_start3A_67 = arith.constant 0 : i32
    %dma_start3A_68 = tpu.memref_slice %arg4[%select_n3A, %select_n3A_32, %dma_start3A_66, %dma_start3A_67] : memref<8x4x4x16384xf32, #tpu.memory_space<hbm>> -> memref<1x1x4x8192xf32, #tpu.memory_space<hbm>>
    %dma_start3A_69 = tpu.memref_squeeze %dma_start3A_68 : memref<1x1x4x8192xf32, #tpu.memory_space<hbm>> -> memref<4x8192xf32, #tpu.memory_space<hbm>>
    tpu.enqueue_dma source(%dma_start3A_69 : memref<4x8192xf32, #tpu.memory_space<hbm>>) target(%arg11 : memref<4x8192xf32, #tpu.memory_space<vmem>>) target_semaphore(%arg17 : memref<!tpu.dma_semaphore, #tpu.memory_space<semaphore_mem>>)
    %dma_wait3A = arith.constant 0 : i32
    %dma_wait3A_70 = arith.constant 0 : i32
    %dma_wait3A_71 = arith.constant 0 : i32
    %dma_wait3A_72 = arith.constant 0 : i32
    %dma_wait3A_73 = tpu.memref_slice %arg10[%dma_wait3A, %dma_wait3A_70, %dma_wait3A_71, %dma_wait3A_72] : memref<4x8x8x256xf32, #tpu.memory_space<vmem>> -> memref<1x8x8x256xf32, #tpu.memory_space<vmem>>
    %dma_wait3A_74 = tpu.memref_squeeze %dma_wait3A_73 : memref<1x8x8x256xf32, #tpu.memory_space<vmem>> -> memref<8x8x256xf32, #tpu.memory_space<vmem>>
    %dma_wait3A_75 = tpu.memref_slice %arg9[%add3A_34] : memref<4096xi32, #tpu.memory_space<vmem>> -> memref<8xi32, #tpu.memory_space<vmem>>
    %dma_wait3A_76 = arith.constant 0 : i32
    %dma_wait3A_77 = arith.constant 0 : i32
    %dma_wait3A_78 = arith.constant 0 : i32
    %dma_wait3A_79 = tpu.memref_slice %arg3[%dma_wait3A_76, %dma_wait3A_77, %dma_wait3A_78] : memref<16384x8x256xf32, #tpu.memory_space<hbm>> -> memref<16384x8x256xf32, #tpu.memory_space<hbm>>
    tpu.wait_indirect_dma semaphore(%arg15 : memref<!tpu.dma_semaphore, #tpu.memory_space<semaphore_mem>>) src(%dma_wait3A_79 : memref<16384x8x256xf32, #tpu.memory_space<hbm>>) dst(%dma_wait3A_74 : memref<8x8x256xf32, #tpu.memory_space<vmem>>)
    %add3A_80 = arith.constant 0 : i32
    %add3A_81 = arith.addi %mul3A_2, %add3A_80 : i32
    %dma_start3A_82 = arith.constant 0 : i32
    %dma_start3A_83 = arith.constant 0 : i32
    %dma_start3A_84 = arith.constant 0 : i32
    %dma_start3A_85 = arith.constant 0 : i32
    %dma_start3A_86 = tpu.memref_slice %arg10[%dma_start3A_82, %dma_start3A_83, %dma_start3A_84, %dma_start3A_85] : memref<4x8x8x256xf32, #tpu.memory_space<vmem>> -> memref<1x8x8x256xf32, #tpu.memory_space<vmem>>
    %dma_start3A_87 = tpu.memref_squeeze %dma_start3A_86 : memref<1x8x8x256xf32, #tpu.memory_space<vmem>> -> memref<8x8x256xf32, #tpu.memory_space<vmem>>
    %dma_start3A_88 = arith.constant 0 : i32
    %dma_start3A_89 = arith.constant 0 : i32
    %dma_start3A_90 = tpu.memref_slice %arg6[%add3A_81, %dma_start3A_88, %dma_start3A_89] : memref<4096x8x256xf32, #tpu.memory_space<hbm>> -> memref<8x8x256xf32, #tpu.memory_space<hbm>>
    %dma_start3A_91 = arith.constant 0 : i32
    %dma_start3A_92 = arith.constant 0 : i32
    %dma_start3A_93 = tpu.memref_slice %arg6[%add3A_81, %dma_start3A_91, %dma_start3A_92] : memref<4096x8x256xf32, #tpu.memory_space<hbm>> -> memref<8x8x256xf32, #tpu.memory_space<hbm>>
    %dma_start3A_94 = arith.constant 0 : i32
    %dma_start3A_95 = arith.constant 0 : i32
    %dma_start3A_96 = arith.constant 0 : i32
    %dma_start3A_97 = tpu.memref_slice %arg10[%dma_start3A_82, %dma_start3A_94, %dma_start3A_95, %dma_start3A_96] : memref<4x8x8x256xf32, #tpu.memory_space<vmem>> -> memref<1x8x8x256xf32, #tpu.memory_space<vmem>>
    %dma_start3A_98 = tpu.memref_squeeze %dma_start3A_97 : memref<1x8x8x256xf32, #tpu.memory_space<vmem>> -> memref<8x8x256xf32, #tpu.memory_space<vmem>>
    tpu.enqueue_dma source(%dma_start3A_98 : memref<8x8x256xf32, #tpu.memory_space<vmem>>) target(%dma_start3A_93 : memref<8x8x256xf32, #tpu.memory_space<hbm>>) target_semaphore(%arg16 : memref<!tpu.dma_semaphore, #tpu.memory_space<semaphore_mem>>)
    %add3A_99 = arith.constant 16 : i32
    %add3A_100 = arith.addi %mul3A_2, %add3A_99 : i32
    %dma_start3A_101 = arith.constant 2 : i32
    %dma_start3A_102 = arith.constant 0 : i32
    %dma_start3A_103 = arith.constant 0 : i32
    %dma_start3A_104 = arith.constant 0 : i32
    %dma_start3A_105 = tpu.memref_slice %arg10[%dma_start3A_101, %dma_start3A_102, %dma_start3A_103, %dma_start3A_104] : memref<4x8x8x256xf32, #tpu.memory_space<vmem>> -> memref<1x8x8x256xf32, #tpu.memory_space<vmem>>
    %dma_start3A_106 = tpu.memref_squeeze %dma_start3A_105 : memref<1x8x8x256xf32, #tpu.memory_space<vmem>> -> memref<8x8x256xf32, #tpu.memory_space<vmem>>
    %dma_start3A_107 = tpu.memref_slice %arg9[%add3A_100] : memref<4096xi32, #tpu.memory_space<vmem>> -> memref<8xi32, #tpu.memory_space<vmem>>
    %dma_start3A_108 = arith.constant 0 : i32
    %dma_start3A_109 = arith.constant 0 : i32
    %dma_start3A_110 = arith.constant 0 : i32
    %dma_start3A_111 = tpu.memref_slice %arg3[%dma_start3A_108, %dma_start3A_109, %dma_start3A_110] : memref<16384x8x256xf32, #tpu.memory_space<hbm>> -> memref<16384x8x256xf32, #tpu.memory_space<hbm>>
    tpu.enqueue_indirect_dma source(%dma_start3A_111 : memref<16384x8x256xf32, #tpu.memory_space<hbm>>) target(%dma_start3A_106 : memref<8x8x256xf32, #tpu.memory_space<vmem>>) offsets(%dma_start3A_107 : memref<8xi32, #tpu.memory_space<vmem>>) semaphore(%arg15 : memref<!tpu.dma_semaphore, #tpu.memory_space<semaphore_mem>>)
    %dma_wait3A_112 = arith.constant 1 : i32
    %dma_wait3A_113 = arith.constant 0 : i32
    %dma_wait3A_114 = arith.constant 0 : i32
    %dma_wait3A_115 = arith.constant 0 : i32
    %dma_wait3A_116 = tpu.memref_slice %arg10[%dma_wait3A_112, %dma_wait3A_113, %dma_wait3A_114, %dma_wait3A_115] : memref<4x8x8x256xf32, #tpu.memory_space<vmem>> -> memref<1x8x8x256xf32, #tpu.memory_space<vmem>>
    %dma_wait3A_117 = tpu.memref_squeeze %dma_wait3A_116 : memref<1x8x8x256xf32, #tpu.memory_space<vmem>> -> memref<8x8x256xf32, #tpu.memory_space<vmem>>
    %dma_wait3A_118 = tpu.memref_slice %arg9[%add3A_46] : memref<4096xi32, #tpu.memory_space<vmem>> -> memref<8xi32, #tpu.memory_space<vmem>>
    %dma_wait3A_119 = arith.constant 0 : i32
    %dma_wait3A_120 = arith.constant 0 : i32
    %dma_wait3A_121 = arith.constant 0 : i32
    %dma_wait3A_122 = tpu.memref_slice %arg3[%dma_wait3A_119, %dma_wait3A_120, %dma_wait3A_121] : memref<16384x8x256xf32, #tpu.memory_space<hbm>> -> memref<16384x8x256xf32, #tpu.memory_space<hbm>>
    tpu.wait_indirect_dma semaphore(%arg15 : memref<!tpu.dma_semaphore, #tpu.memory_space<semaphore_mem>>) src(%dma_wait3A_122 : memref<16384x8x256xf32, #tpu.memory_space<hbm>>) dst(%dma_wait3A_117 : memref<8x8x256xf32, #tpu.memory_space<vmem>>)
    %add3A_123 = arith.constant 8 : i32
    %add3A_124 = arith.addi %mul3A_2, %add3A_123 : i32
    %dma_start3A_125 = arith.constant 1 : i32
    %dma_start3A_126 = arith.constant 0 : i32
    %dma_start3A_127 = arith.constant 0 : i32
    %dma_start3A_128 = arith.constant 0 : i32
    %dma_start3A_129 = tpu.memref_slice %arg10[%dma_start3A_125, %dma_start3A_126, %dma_start3A_127, %dma_start3A_128] : memref<4x8x8x256xf32, #tpu.memory_space<vmem>> -> memref<1x8x8x256xf32, #tpu.memory_space<vmem>>
    %dma_start3A_130 = tpu.memref_squeeze %dma_start3A_129 : memref<1x8x8x256xf32, #tpu.memory_space<vmem>> -> memref<8x8x256xf32, #tpu.memory_space<vmem>>
    %dma_start3A_131 = arith.constant 0 : i32
    %dma_start3A_132 = arith.constant 0 : i32
    %dma_start3A_133 = tpu.memref_slice %arg6[%add3A_124, %dma_start3A_131, %dma_start3A_132] : memref<4096x8x256xf32, #tpu.memory_space<hbm>> -> memref<8x8x256xf32, #tpu.memory_space<hbm>>
    %dma_start3A_134 = arith.constant 0 : i32
    %dma_start3A_135 = arith.constant 0 : i32
    %dma_start3A_136 = tpu.memref_slice %arg6[%add3A_124, %dma_start3A_134, %dma_start3A_135] : memref<4096x8x256xf32, #tpu.memory_space<hbm>> -> memref<8x8x256xf32, #tpu.memory_space<hbm>>
    %dma_start3A_137 = arith.constant 0 : i32
    %dma_start3A_138 = arith.constant 0 : i32
    %dma_start3A_139 = arith.constant 0 : i32
    %dma_start3A_140 = tpu.memref_slice %arg10[%dma_start3A_125, %dma_start3A_137, %dma_start3A_138, %dma_start3A_139] : memref<4x8x8x256xf32, #tpu.memory_space<vmem>> -> memref<1x8x8x256xf32, #tpu.memory_space<vmem>>
    %dma_start3A_141 = tpu.memref_squeeze %dma_start3A_140 : memref<1x8x8x256xf32, #tpu.memory_space<vmem>> -> memref<8x8x256xf32, #tpu.memory_space<vmem>>
    tpu.enqueue_dma source(%dma_start3A_141 : memref<8x8x256xf32, #tpu.memory_space<vmem>>) target(%dma_start3A_136 : memref<8x8x256xf32, #tpu.memory_space<hbm>>) target_semaphore(%arg16 : memref<!tpu.dma_semaphore, #tpu.memory_space<semaphore_mem>>)
    %add3A_142 = arith.constant 24 : i32
    %add3A_143 = arith.addi %mul3A_2, %add3A_142 : i32
    %dma_start3A_144 = arith.constant 3 : i32
    %dma_start3A_145 = arith.constant 0 : i32
    %dma_start3A_146 = arith.constant 0 : i32
    %dma_start3A_147 = arith.constant 0 : i32
    %dma_start3A_148 = tpu.memref_slice %arg10[%dma_start3A_144, %dma_start3A_145, %dma_start3A_146, %dma_start3A_147] : memref<4x8x8x256xf32, #tpu.memory_space<vmem>> -> memref<1x8x8x256xf32, #tpu.memory_space<vmem>>
    %dma_start3A_149 = tpu.memref_squeeze %dma_start3A_148 : memref<1x8x8x256xf32, #tpu.memory_space<vmem>> -> memref<8x8x256xf32, #tpu.memory_space<vmem>>
    %dma_start3A_150 = tpu.memref_slice %arg9[%add3A_143] : memref<4096xi32, #tpu.memory_space<vmem>> -> memref<8xi32, #tpu.memory_space<vmem>>
    %dma_start3A_151 = arith.constant 0 : i32
    %dma_start3A_152 = arith.constant 0 : i32
    %dma_start3A_153 = arith.constant 0 : i32
    %dma_start3A_154 = tpu.memref_slice %arg3[%dma_start3A_151, %dma_start3A_152, %dma_start3A_153] : memref<16384x8x256xf32, #tpu.memory_space<hbm>> -> memref<16384x8x256xf32, #tpu.memory_space<hbm>>
    tpu.enqueue_indirect_dma source(%dma_start3A_154 : memref<16384x8x256xf32, #tpu.memory_space<hbm>>) target(%dma_start3A_149 : memref<8x8x256xf32, #tpu.memory_space<vmem>>) offsets(%dma_start3A_150 : memref<8xi32, #tpu.memory_space<vmem>>) semaphore(%arg15 : memref<!tpu.dma_semaphore, #tpu.memory_space<semaphore_mem>>)
    %dma_wait3A_155 = arith.constant 2 : i32
    %dma_wait3A_156 = arith.constant 0 : i32
    %dma_wait3A_157 = arith.constant 0 : i32
    %dma_wait3A_158 = arith.constant 0 : i32
    %dma_wait3A_159 = tpu.memref_slice %arg10[%dma_wait3A_155, %dma_wait3A_156, %dma_wait3A_157, %dma_wait3A_158] : memref<4x8x8x256xf32, #tpu.memory_space<vmem>> -> memref<1x8x8x256xf32, #tpu.memory_space<vmem>>
    %dma_wait3A_160 = tpu.memref_squeeze %dma_wait3A_159 : memref<1x8x8x256xf32, #tpu.memory_space<vmem>> -> memref<8x8x256xf32, #tpu.memory_space<vmem>>
    %dma_wait3A_161 = tpu.memref_slice %arg9[%add3A_100] : memref<4096xi32, #tpu.memory_space<vmem>> -> memref<8xi32, #tpu.memory_space<vmem>>
    %dma_wait3A_162 = arith.constant 0 : i32
    %dma_wait3A_163 = arith.constant 0 : i32
    %dma_wait3A_164 = arith.constant 0 : i32
    %dma_wait3A_165 = tpu.memref_slice %arg3[%dma_wait3A_162, %dma_wait3A_163, %dma_wait3A_164] : memref<16384x8x256xf32, #tpu.memory_space<hbm>> -> memref<16384x8x256xf32, #tpu.memory_space<hbm>>
    tpu.wait_indirect_dma semaphore(%arg15 : memref<!tpu.dma_semaphore, #tpu.memory_space<semaphore_mem>>) src(%dma_wait3A_165 : memref<16384x8x256xf32, #tpu.memory_space<hbm>>) dst(%dma_wait3A_160 : memref<8x8x256xf32, #tpu.memory_space<vmem>>)
    %add3A_166 = arith.constant 16 : i32
    %add3A_167 = arith.addi %mul3A_2, %add3A_166 : i32
    %dma_start3A_168 = arith.constant 2 : i32
    %dma_start3A_169 = arith.constant 0 : i32
    %dma_start3A_170 = arith.constant 0 : i32
    %dma_start3A_171 = arith.constant 0 : i32
    %dma_start3A_172 = tpu.memref_slice %arg10[%dma_start3A_168, %dma_start3A_169, %dma_start3A_170, %dma_start3A_171] : memref<4x8x8x256xf32, #tpu.memory_space<vmem>> -> memref<1x8x8x256xf32, #tpu.memory_space<vmem>>
    %dma_start3A_173 = tpu.memref_squeeze %dma_start3A_172 : memref<1x8x8x256xf32, #tpu.memory_space<vmem>> -> memref<8x8x256xf32, #tpu.memory_space<vmem>>
    %dma_start3A_174 = arith.constant 0 : i32
    %dma_start3A_175 = arith.constant 0 : i32
    %dma_start3A_176 = tpu.memref_slice %arg6[%add3A_167, %dma_start3A_174, %dma_start3A_175] : memref<4096x8x256xf32, #tpu.memory_space<hbm>> -> memref<8x8x256xf32, #tpu.memory_space<hbm>>
    %dma_start3A_177 = arith.constant 0 : i32
    %dma_start3A_178 = arith.constant 0 : i32
    %dma_start3A_179 = tpu.memref_slice %arg6[%add3A_167, %dma_start3A_177, %dma_start3A_178] : memref<4096x8x256xf32, #tpu.memory_space<hbm>> -> memref<8x8x256xf32, #tpu.memory_space<hbm>>
    %dma_start3A_180 = arith.constant 0 : i32
    %dma_start3A_181 = arith.constant 0 : i32
    %dma_start3A_182 = arith.constant 0 : i32
    %dma_start3A_183 = tpu.memref_slice %arg10[%dma_start3A_168, %dma_start3A_180, %dma_start3A_181, %dma_start3A_182] : memref<4x8x8x256xf32, #tpu.memory_space<vmem>> -> memref<1x8x8x256xf32, #tpu.memory_space<vmem>>
    %dma_start3A_184 = tpu.memref_squeeze %dma_start3A_183 : memref<1x8x8x256xf32, #tpu.memory_space<vmem>> -> memref<8x8x256xf32, #tpu.memory_space<vmem>>
    tpu.enqueue_dma source(%dma_start3A_184 : memref<8x8x256xf32, #tpu.memory_space<vmem>>) target(%dma_start3A_179 : memref<8x8x256xf32, #tpu.memory_space<hbm>>) target_semaphore(%arg16 : memref<!tpu.dma_semaphore, #tpu.memory_space<semaphore_mem>>)
    %dma_wait3A_185 = arith.constant 0 : i32
    %dma_wait3A_186 = arith.constant 0 : i32
    %dma_wait3A_187 = arith.constant 0 : i32
    %dma_wait3A_188 = arith.constant 0 : i32
    %dma_wait3A_189 = tpu.memref_slice %arg10[%dma_wait3A_185, %dma_wait3A_186, %dma_wait3A_187, %dma_wait3A_188] : memref<4x8x8x256xf32, #tpu.memory_space<vmem>> -> memref<1x8x8x256xf32, #tpu.memory_space<vmem>>
    %dma_wait3A_190 = tpu.memref_squeeze %dma_wait3A_189 : memref<1x8x8x256xf32, #tpu.memory_space<vmem>> -> memref<8x8x256xf32, #tpu.memory_space<vmem>>
    %dma_wait3A_191 = arith.constant 0 : i32
    %dma_wait3A_192 = arith.constant 0 : i32
    %dma_wait3A_193 = tpu.memref_slice %arg6[%add3A_81, %dma_wait3A_191, %dma_wait3A_192] : memref<4096x8x256xf32, #tpu.memory_space<hbm>> -> memref<8x8x256xf32, #tpu.memory_space<hbm>>
    %dma_wait3A_194 = arith.constant 0 : i32
    %dma_wait3A_195 = arith.constant 0 : i32
    %dma_wait3A_196 = tpu.memref_slice %arg6[%add3A_81, %dma_wait3A_194, %dma_wait3A_195] : memref<4096x8x256xf32, #tpu.memory_space<hbm>> -> memref<8x8x256xf32, #tpu.memory_space<hbm>>
    %dma_wait3A_197 = arith.constant 0 : i32
    %dma_wait3A_198 = arith.constant 0 : i32
    %dma_wait3A_199 = arith.constant 0 : i32
    %dma_wait3A_200 = tpu.memref_slice %arg10[%dma_wait3A_185, %dma_wait3A_197, %dma_wait3A_198, %dma_wait3A_199] : memref<4x8x8x256xf32, #tpu.memory_space<vmem>> -> memref<1x8x8x256xf32, #tpu.memory_space<vmem>>
    %dma_wait3A_201 = tpu.memref_squeeze %dma_wait3A_200 : memref<1x8x8x256xf32, #tpu.memory_space<vmem>> -> memref<8x8x256xf32, #tpu.memory_space<vmem>>
    tpu.wait_dma2 semaphore(%arg16 : memref<!tpu.dma_semaphore, #tpu.memory_space<semaphore_mem>>) src(%dma_wait3A_201 : memref<8x8x256xf32, #tpu.memory_space<vmem>>) dst(%dma_wait3A_196 : memref<8x8x256xf32, #tpu.memory_space<hbm>>)
    %add3A_202 = arith.constant 32 : i32
    %add3A_203 = arith.addi %mul3A_2, %add3A_202 : i32
    %dma_start3A_204 = arith.constant 0 : i32
    %dma_start3A_205 = arith.constant 0 : i32
    %dma_start3A_206 = arith.constant 0 : i32
    %dma_start3A_207 = arith.constant 0 : i32
    %dma_start3A_208 = tpu.memref_slice %arg10[%dma_start3A_204, %dma_start3A_205, %dma_start3A_206, %dma_start3A_207] : memref<4x8x8x256xf32, #tpu.memory_space<vmem>> -> memref<1x8x8x256xf32, #tpu.memory_space<vmem>>
    %dma_start3A_209 = tpu.memref_squeeze %dma_start3A_208 : memref<1x8x8x256xf32, #tpu.memory_space<vmem>> -> memref<8x8x256xf32, #tpu.memory_space<vmem>>
    %dma_start3A_210 = tpu.memref_slice %arg9[%add3A_203] : memref<4096xi32, #tpu.memory_space<vmem>> -> memref<8xi32, #tpu.memory_space<vmem>>
    %dma_start3A_211 = arith.constant 0 : i32
    %dma_start3A_212 = arith.constant 0 : i32
    %dma_start3A_213 = arith.constant 0 : i32
    %dma_start3A_214 = tpu.memref_slice %arg3[%dma_start3A_211, %dma_start3A_212, %dma_start3A_213] : memref<16384x8x256xf32, #tpu.memory_space<hbm>> -> memref<16384x8x256xf32, #tpu.memory_space<hbm>>
    tpu.enqueue_indirect_dma source(%dma_start3A_214 : memref<16384x8x256xf32, #tpu.memory_space<hbm>>) target(%dma_start3A_209 : memref<8x8x256xf32, #tpu.memory_space<vmem>>) offsets(%dma_start3A_210 : memref<8xi32, #tpu.memory_space<vmem>>) semaphore(%arg15 : memref<!tpu.dma_semaphore, #tpu.memory_space<semaphore_mem>>)
    %dma_wait3A_215 = arith.constant 3 : i32
    %dma_wait3A_216 = arith.constant 0 : i32
    %dma_wait3A_217 = arith.constant 0 : i32
    %dma_wait3A_218 = arith.constant 0 : i32
    %dma_wait3A_219 = tpu.memref_slice %arg10[%dma_wait3A_215, %dma_wait3A_216, %dma_wait3A_217, %dma_wait3A_218] : memref<4x8x8x256xf32, #tpu.memory_space<vmem>> -> memref<1x8x8x256xf32, #tpu.memory_space<vmem>>
    %dma_wait3A_220 = tpu.memref_squeeze %dma_wait3A_219 : memref<1x8x8x256xf32, #tpu.memory_space<vmem>> -> memref<8x8x256xf32, #tpu.memory_space<vmem>>
    %dma_wait3A_221 = tpu.memref_slice %arg9[%add3A_143] : memref<4096xi32, #tpu.memory_space<vmem>> -> memref<8xi32, #tpu.memory_space<vmem>>
    %dma_wait3A_222 = arith.constant 0 : i32
    %dma_wait3A_223 = arith.constant 0 : i32
    %dma_wait3A_224 = arith.constant 0 : i32
    %dma_wait3A_225 = tpu.memref_slice %arg3[%dma_wait3A_222, %dma_wait3A_223, %dma_wait3A_224] : memref<16384x8x256xf32, #tpu.memory_space<hbm>> -> memref<16384x8x256xf32, #tpu.memory_space<hbm>>
    tpu.wait_indirect_dma semaphore(%arg15 : memref<!tpu.dma_semaphore, #tpu.memory_space<semaphore_mem>>) src(%dma_wait3A_225 : memref<16384x8x256xf32, #tpu.memory_space<hbm>>) dst(%dma_wait3A_220 : memref<8x8x256xf32, #tpu.memory_space<vmem>>)
    %add3A_226 = arith.constant 24 : i32
    %add3A_227 = arith.addi %mul3A_2, %add3A_226 : i32
    %dma_start3A_228 = arith.constant 3 : i32
    %dma_start3A_229 = arith.constant 0 : i32
    %dma_start3A_230 = arith.constant 0 : i32
    %dma_start3A_231 = arith.constant 0 : i32
    %dma_start3A_232 = tpu.memref_slice %arg10[%dma_start3A_228, %dma_start3A_229, %dma_start3A_230, %dma_start3A_231] : memref<4x8x8x256xf32, #tpu.memory_space<vmem>> -> memref<1x8x8x256xf32, #tpu.memory_space<vmem>>
    %dma_start3A_233 = tpu.memref_squeeze %dma_start3A_232 : memref<1x8x8x256xf32, #tpu.memory_space<vmem>> -> memref<8x8x256xf32, #tpu.memory_space<vmem>>
    %dma_start3A_234 = arith.constant 0 : i32
    %dma_start3A_235 = arith.constant 0 : i32
    %dma_start3A_236 = tpu.memref_slice %arg6[%add3A_227, %dma_start3A_234, %dma_start3A_235] : memref<4096x8x256xf32, #tpu.memory_space<hbm>> -> memref<8x8x256xf32, #tpu.memory_space<hbm>>
    %dma_start3A_237 = arith.constant 0 : i32
    %dma_start3A_238 = arith.constant 0 : i32
    %dma_start3A_239 = tpu.memref_slice %arg6[%add3A_227, %dma_start3A_237, %dma_start3A_238] : memref<4096x8x256xf32, #tpu.memory_space<hbm>> -> memref<8x8x256xf32, #tpu.memory_space<hbm>>
    %dma_start3A_240 = arith.constant 0 : i32
    %dma_start3A_241 = arith.constant 0 : i32
    %dma_start3A_242 = arith.constant 0 : i32
    %dma_start3A_243 = tpu.memref_slice %arg10[%dma_start3A_228, %dma_start3A_240, %dma_start3A_241, %dma_start3A_242] : memref<4x8x8x256xf32, #tpu.memory_space<vmem>> -> memref<1x8x8x256xf32, #tpu.memory_space<vmem>>
    %dma_start3A_244 = tpu.memref_squeeze %dma_start3A_243 : memref<1x8x8x256xf32, #tpu.memory_space<vmem>> -> memref<8x8x256xf32, #tpu.memory_space<vmem>>
    tpu.enqueue_dma source(%dma_start3A_244 : memref<8x8x256xf32, #tpu.memory_space<vmem>>) target(%dma_start3A_239 : memref<8x8x256xf32, #tpu.memory_space<hbm>>) target_semaphore(%arg16 : memref<!tpu.dma_semaphore, #tpu.memory_space<semaphore_mem>>)
    %dma_wait3A_245 = arith.constant 1 : i32
    %dma_wait3A_246 = arith.constant 0 : i32
    %dma_wait3A_247 = arith.constant 0 : i32
    %dma_wait3A_248 = arith.constant 0 : i32
    %dma_wait3A_249 = tpu.memref_slice %arg10[%dma_wait3A_245, %dma_wait3A_246, %dma_wait3A_247, %dma_wait3A_248] : memref<4x8x8x256xf32, #tpu.memory_space<vmem>> -> memref<1x8x8x256xf32, #tpu.memory_space<vmem>>
    %dma_wait3A_250 = tpu.memref_squeeze %dma_wait3A_249 : memref<1x8x8x256xf32, #tpu.memory_space<vmem>> -> memref<8x8x256xf32, #tpu.memory_space<vmem>>
    %dma_wait3A_251 = arith.constant 0 : i32
    %dma_wait3A_252 = arith.constant 0 : i32
    %dma_wait3A_253 = tpu.memref_slice %arg6[%add3A_124, %dma_wait3A_251, %dma_wait3A_252] : memref<4096x8x256xf32, #tpu.memory_space<hbm>> -> memref<8x8x256xf32, #tpu.memory_space<hbm>>
    %dma_wait3A_254 = arith.constant 0 : i32
    %dma_wait3A_255 = arith.constant 0 : i32
    %dma_wait3A_256 = tpu.memref_slice %arg6[%add3A_124, %dma_wait3A_254, %dma_wait3A_255] : memref<4096x8x256xf32, #tpu.memory_space<hbm>> -> memref<8x8x256xf32, #tpu.memory_space<hbm>>
    %dma_wait3A_257 = arith.constant 0 : i32
    %dma_wait3A_258 = arith.constant 0 : i32
    %dma_wait3A_259 = arith.constant 0 : i32
    %dma_wait3A_260 = tpu.memref_slice %arg10[%dma_wait3A_245, %dma_wait3A_257, %dma_wait3A_258, %dma_wait3A_259] : memref<4x8x8x256xf32, #tpu.memory_space<vmem>> -> memref<1x8x8x256xf32, #tpu.memory_space<vmem>>
    %dma_wait3A_261 = tpu.memref_squeeze %dma_wait3A_260 : memref<1x8x8x256xf32, #tpu.memory_space<vmem>> -> memref<8x8x256xf32, #tpu.memory_space<vmem>>
    tpu.wait_dma2 semaphore(%arg16 : memref<!tpu.dma_semaphore, #tpu.memory_space<semaphore_mem>>) src(%dma_wait3A_261 : memref<8x8x256xf32, #tpu.memory_space<vmem>>) dst(%dma_wait3A_256 : memref<8x8x256xf32, #tpu.memory_space<hbm>>)
    %add3A_262 = arith.constant 40 : i32
    %add3A_263 = arith.addi %mul3A_2, %add3A_262 : i32
    %dma_start3A_264 = arith.constant 1 : i32
    %dma_start3A_265 = arith.constant 0 : i32
    %dma_start3A_266 = arith.constant 0 : i32
    %dma_start3A_267 = arith.constant 0 : i32
    %dma_start3A_268 = tpu.memref_slice %arg10[%dma_start3A_264, %dma_start3A_265, %dma_start3A_266, %dma_start3A_267] : memref<4x8x8x256xf32, #tpu.memory_space<vmem>> -> memref<1x8x8x256xf32, #tpu.memory_space<vmem>>
    %dma_start3A_269 = tpu.memref_squeeze %dma_start3A_268 : memref<1x8x8x256xf32, #tpu.memory_space<vmem>> -> memref<8x8x256xf32, #tpu.memory_space<vmem>>
    %dma_start3A_270 = tpu.memref_slice %arg9[%add3A_263] : memref<4096xi32, #tpu.memory_space<vmem>> -> memref<8xi32, #tpu.memory_space<vmem>>
    %dma_start3A_271 = arith.constant 0 : i32
    %dma_start3A_272 = arith.constant 0 : i32
    %dma_start3A_273 = arith.constant 0 : i32
    %dma_start3A_274 = tpu.memref_slice %arg3[%dma_start3A_271, %dma_start3A_272, %dma_start3A_273] : memref<16384x8x256xf32, #tpu.memory_space<hbm>> -> memref<16384x8x256xf32, #tpu.memory_space<hbm>>
    tpu.enqueue_indirect_dma source(%dma_start3A_274 : memref<16384x8x256xf32, #tpu.memory_space<hbm>>) target(%dma_start3A_269 : memref<8x8x256xf32, #tpu.memory_space<vmem>>) offsets(%dma_start3A_270 : memref<8xi32, #tpu.memory_space<vmem>>) semaphore(%arg15 : memref<!tpu.dma_semaphore, #tpu.memory_space<semaphore_mem>>)
    %dma_wait3A_275 = arith.constant 0 : i32
    %dma_wait3A_276 = arith.constant 0 : i32
    %dma_wait3A_277 = tpu.memref_slice %arg4[%select_n3A, %select_n3A_32, %dma_wait3A_275, %dma_wait3A_276] : memref<8x4x4x16384xf32, #tpu.memory_space<hbm>> -> memref<1x1x4x8192xf32, #tpu.memory_space<hbm>>
    %dma_wait3A_278 = tpu.memref_squeeze %dma_wait3A_277 : memref<1x1x4x8192xf32, #tpu.memory_space<hbm>> -> memref<4x8192xf32, #tpu.memory_space<hbm>>
    %dma_wait3A_279 = arith.constant 0 : i32
    %dma_wait3A_280 = arith.constant 0 : i32
    %dma_wait3A_281 = tpu.memref_slice %arg4[%select_n3A, %select_n3A_32, %dma_wait3A_279, %dma_wait3A_280] : memref<8x4x4x16384xf32, #tpu.memory_space<hbm>> -> memref<1x1x4x8192xf32, #tpu.memory_space<hbm>>
    %dma_wait3A_282 = tpu.memref_squeeze %dma_wait3A_281 : memref<1x1x4x8192xf32, #tpu.memory_space<hbm>> -> memref<4x8192xf32, #tpu.memory_space<hbm>>
    tpu.wait_dma2 semaphore(%arg17 : memref<!tpu.dma_semaphore, #tpu.memory_space<semaphore_mem>>) src(%dma_wait3A_282 : memref<4x8192xf32, #tpu.memory_space<hbm>>) dst(%arg11 : memref<4x8192xf32, #tpu.memory_space<vmem>>)
    %scan3A = arith.constant 0 : i32
    %scan3A_283 = arith.constant 0 : i32
    %scan3A_284 = arith.constant 11 : i32
    %scan3A_285 = arith.addi %scan3A_283, %scan3A_284 : i32
    %scan3A_286 = arith.constant 1 : i32
    %scan3A_287 = scf.for %scan3A_1494 = %scan3A_283 to %scan3A_285 step %scan3A_286 iter_args(%scan3A_1495 = %scan3A) -> (i32)  : i32 {
      %mul3A_1496 = arith.constant 4 : i32
      %mul3A_1497 = arith.muli %scan3A_1494, %mul3A_1496 : i32
      %add3A_1498 = arith.constant 0 : i32
      %add3A_1499 = arith.addi %add3A_1498, %mul3A_1497 : i32
      %add3A_1500 = arith.constant 0 : i32
      %add3A_1501 = arith.addi %add3A_1499, %add3A_1500 : i32
      %mul3A_1502 = arith.constant 16 : i32
      %mul3A_1503 = arith.muli %add3A_1501, %mul3A_1502 : i32
      %get3A_1504 = arith.index_cast %mul3A_1503 : i32 to index
      %get3A_1505 = tpu.vector_load %arg9[%get3A_1504] {strides = array<i32>} : memref<4096xi32, #tpu.memory_space<vmem>>, vector<16xi32>,
      %sub3A_1506 = arith.constant 0 : i32
      %sub3A_1507 = vector.broadcast %sub3A_1506 : i32 to vector<16xi32>
      %sub3A_1508 = arith.subi %get3A_1505, %sub3A_1507 : vector<16xi32>
      %ge3A_1509 = arith.constant 0 : i32
      %ge3A_1510 = vector.broadcast %ge3A_1509 : i32 to vector<16xi32>
      %ge3A_1511 = arith.cmpi sge, %sub3A_1508, %ge3A_1510 : vector<16xi32>
      %lt3A_1512 = arith.constant 8192 : i32
      %lt3A_1513 = vector.broadcast %lt3A_1512 : i32 to vector<16xi32>
      %lt3A_1514 = arith.cmpi slt, %sub3A_1508, %lt3A_1513 : vector<16xi32>
      %and3A_1515 = arith.andi %ge3A_1511, %lt3A_1514 : vector<16xi1>
      %jit3A_1516 = arith.constant 0 : i32
      %jit3A_1517 = arith.constant 8191 : i32
      %max3A_1518 = vector.broadcast %jit3A_1516 : i32 to vector<16xi32>
      %max3A_1519 = arith.maxsi %max3A_1518, %sub3A_1508 : vector<16xi32>
      %min3A_1520 = vector.broadcast %jit3A_1517 : i32 to vector<16xi32>
      %min3A_1521 = arith.minsi %min3A_1520, %max3A_1519 : vector<16xi32>
      %mul3A_1522 = arith.constant 16 : i32
      %mul3A_1523 = arith.muli %add3A_1501, %mul3A_1522 : i32
      %add3A_1524 = vector.broadcast %mul3A_1523 : i32 to vector<16xi32>
      %add3A_1525 = arith.addi %add3A_1524, %iota3A : vector<16xi32>
      %broadcast_in_dim3A = arith.constant 0 : i32
      %broadcast_in_dim3A_1526 = vector.broadcast %broadcast_in_dim3A : i32 to vector<16xi32>
      %gather3A_1527 = tpu.vector_load_idx %arg11[%broadcast_in_dim3A_1526, %min3A_1521] : memref<4x8192xf32, #tpu.memory_space<vmem>>[vector<16xi32>, vector<16xi32>], vector<16xf32>,
      tpu.vector_store_idx %arg12[%broadcast_in_dim3A_1526, %add3A_1525], %gather3A_1527 masked %and3A_1515 : memref<4x4096xf32, #tpu.memory_space<vmem>>[vector<16xi32>, vector<16xi32>], vector<16xf32>, vector<16xi1>
      %broadcast_in_dim3A_1528 = arith.constant 1 : i32
      %broadcast_in_dim3A_1529 = vector.broadcast %broadcast_in_dim3A_1528 : i32 to vector<16xi32>
      %gather3A_1530 = tpu.vector_load_idx %arg11[%broadcast_in_dim3A_1529, %min3A_1521] : memref<4x8192xf32, #tpu.memory_space<vmem>>[vector<16xi32>, vector<16xi32>], vector<16xf32>,
      tpu.vector_store_idx %arg12[%broadcast_in_dim3A_1529, %add3A_1525], %gather3A_1530 masked %and3A_1515 : memref<4x4096xf32, #tpu.memory_space<vmem>>[vector<16xi32>, vector<16xi32>], vector<16xf32>, vector<16xi1>
      %broadcast_in_dim3A_1531 = arith.constant 2 : i32
      %broadcast_in_dim3A_1532 = vector.broadcast %broadcast_in_dim3A_1531 : i32 to vector<16xi32>
      %gather3A_1533 = tpu.vector_load_idx %arg11[%broadcast_in_dim3A_1532, %min3A_1521] : memref<4x8192xf32, #tpu.memory_space<vmem>>[vector<16xi32>, vector<16xi32>], vector<16xf32>,
      tpu.vector_store_idx %arg12[%broadcast_in_dim3A_1532, %add3A_1525], %gather3A_1533 masked %and3A_1515 : memref<4x4096xf32, #tpu.memory_space<vmem>>[vector<16xi32>, vector<16xi32>], vector<16xf32>, vector<16xi1>
      %broadcast_in_dim3A_1534 = arith.constant 3 : i32
      %broadcast_in_dim3A_1535 = vector.broadcast %broadcast_in_dim3A_1534 : i32 to vector<16xi32>
      %gather3A_1536 = tpu.vector_load_idx %arg11[%broadcast_in_dim3A_1535, %min3A_1521] : memref<4x8192xf32, #tpu.memory_space<vmem>>[vector<16xi32>, vector<16xi32>], vector<16xf32>,
      tpu.vector_store_idx %arg12[%broadcast_in_dim3A_1535, %add3A_1525], %gather3A_1536 masked %and3A_1515 : memref<4x4096xf32, #tpu.memory_space<vmem>>[vector<16xi32>, vector<16xi32>], vector<16xf32>, vector<16xi1>
      %mul3A_1537 = arith.constant 4 : i32
      %mul3A_1538 = arith.muli %scan3A_1494, %mul3A_1537 : i32
      %add3A_1539 = arith.constant 0 : i32
      %add3A_1540 = arith.addi %add3A_1539, %mul3A_1538 : i32
      %add3A_1541 = arith.constant 1 : i32
      %add3A_1542 = arith.addi %add3A_1540, %add3A_1541 : i32
      %mul3A_1543 = arith.constant 16 : i32
      %mul3A_1544 = arith.muli %add3A_1542, %mul3A_1543 : i32
      %get3A_1545 = arith.index_cast %mul3A_1544 : i32 to index
      %get3A_1546 = tpu.vector_load %arg9[%get3A_1545] {strides = array<i32>} : memref<4096xi32, #tpu.memory_space<vmem>>, vector<16xi32>,
      %sub3A_1547 = arith.constant 0 : i32
      %sub3A_1548 = vector.broadcast %sub3A_1547 : i32 to vector<16xi32>
      %sub3A_1549 = arith.subi %get3A_1546, %sub3A_1548 : vector<16xi32>
      %ge3A_1550 = arith.constant 0 : i32
      %ge3A_1551 = vector.broadcast %ge3A_1550 : i32 to vector<16xi32>
      %ge3A_1552 = arith.cmpi sge, %sub3A_1549, %ge3A_1551 : vector<16xi32>
      %lt3A_1553 = arith.constant 8192 : i32
      %lt3A_1554 = vector.broadcast %lt3A_1553 : i32 to vector<16xi32>
      %lt3A_1555 = arith.cmpi slt, %sub3A_1549, %lt3A_1554 : vector<16xi32>
      %and3A_1556 = arith.andi %ge3A_1552, %lt3A_1555 : vector<16xi1>
      %jit3A_1557 = arith.constant 0 : i32
      %jit3A_1558 = arith.constant 8191 : i32
      %max3A_1559 = vector.broadcast %jit3A_1557 : i32 to vector<16xi32>
      %max3A_1560 = arith.maxsi %max3A_1559, %sub3A_1549 : vector<16xi32>
      %min3A_1561 = vector.broadcast %jit3A_1558 : i32 to vector<16xi32>
      %min3A_1562 = arith.minsi %min3A_1561, %max3A_1560 : vector<16xi32>
      %mul3A_1563 = arith.constant 16 : i32
      %mul3A_1564 = arith.muli %add3A_1542, %mul3A_1563 : i32
      %add3A_1565 = vector.broadcast %mul3A_1564 : i32 to vector<16xi32>
      %add3A_1566 = arith.addi %add3A_1565, %iota3A : vector<16xi32>
      %broadcast_in_dim3A_1567 = arith.constant 0 : i32
      %broadcast_in_dim3A_1568 = vector.broadcast %broadcast_in_dim3A_1567 : i32 to vector<16xi32>
      %gather3A_1569 = tpu.vector_load_idx %arg11[%broadcast_in_dim3A_1568, %min3A_1562] : memref<4x8192xf32, #tpu.memory_space<vmem>>[vector<16xi32>, vector<16xi32>], vector<16xf32>,
      tpu.vector_store_idx %arg12[%broadcast_in_dim3A_1568, %add3A_1566], %gather3A_1569 masked %and3A_1556 : memref<4x4096xf32, #tpu.memory_space<vmem>>[vector<16xi32>, vector<16xi32>], vector<16xf32>, vector<16xi1>
      %broadcast_in_dim3A_1570 = arith.constant 1 : i32
      %broadcast_in_dim3A_1571 = vector.broadcast %broadcast_in_dim3A_1570 : i32 to vector<16xi32>
      %gather3A_1572 = tpu.vector_load_idx %arg11[%broadcast_in_dim3A_1571, %min3A_1562] : memref<4x8192xf32, #tpu.memory_space<vmem>>[vector<16xi32>, vector<16xi32>], vector<16xf32>,
      tpu.vector_store_idx %arg12[%broadcast_in_dim3A_1571, %add3A_1566], %gather3A_1572 masked %and3A_1556 : memref<4x4096xf32, #tpu.memory_space<vmem>>[vector<16xi32>, vector<16xi32>], vector<16xf32>, vector<16xi1>
      %broadcast_in_dim3A_1573 = arith.constant 2 : i32
      %broadcast_in_dim3A_1574 = vector.broadcast %broadcast_in_dim3A_1573 : i32 to vector<16xi32>
      %gather3A_1575 = tpu.vector_load_idx %arg11[%broadcast_in_dim3A_1574, %min3A_1562] : memref<4x8192xf32, #tpu.memory_space<vmem>>[vector<16xi32>, vector<16xi32>], vector<16xf32>,
      tpu.vector_store_idx %arg12[%broadcast_in_dim3A_1574, %add3A_1566], %gather3A_1575 masked %and3A_1556 : memref<4x4096xf32, #tpu.memory_space<vmem>>[vector<16xi32>, vector<16xi32>], vector<16xf32>, vector<16xi1>
      %broadcast_in_dim3A_1576 = arith.constant 3 : i32
      %broadcast_in_dim3A_1577 = vector.broadcast %broadcast_in_dim3A_1576 : i32 to vector<16xi32>
      %gather3A_1578 = tpu.vector_load_idx %arg11[%broadcast_in_dim3A_1577, %min3A_1562] : memref<4x8192xf32, #tpu.memory_space<vmem>>[vector<16xi32>, vector<16xi32>], vector<16xf32>,
      tpu.vector_store_idx %arg12[%broadcast_in_dim3A_1577, %add3A_1566], %gather3A_1578 masked %and3A_1556 : memref<4x4096xf32, #tpu.memory_space<vmem>>[vector<16xi32>, vector<16xi32>], vector<16xf32>, vector<16xi1>
      %mul3A_1579 = arith.constant 4 : i32
      %mul3A_1580 = arith.muli %scan3A_1494, %mul3A_1579 : i32
      %add3A_1581 = arith.constant 0 : i32
      %add3A_1582 = arith.addi %add3A_1581, %mul3A_1580 : i32
      %add3A_1583 = arith.constant 2 : i32
      %add3A_1584 = arith.addi %add3A_1582, %add3A_1583 : i32
      %mul3A_1585 = arith.constant 16 : i32
      %mul3A_1586 = arith.muli %add3A_1584, %mul3A_1585 : i32
      %get3A_1587 = arith.index_cast %mul3A_1586 : i32 to index
      %get3A_1588 = tpu.vector_load %arg9[%get3A_1587] {strides = array<i32>} : memref<4096xi32, #tpu.memory_space<vmem>>, vector<16xi32>,
      %sub3A_1589 = arith.constant 0 : i32
      %sub3A_1590 = vector.broadcast %sub3A_1589 : i32 to vector<16xi32>
      %sub3A_1591 = arith.subi %get3A_1588, %sub3A_1590 : vector<16xi32>
      %ge3A_1592 = arith.constant 0 : i32
      %ge3A_1593 = vector.broadcast %ge3A_1592 : i32 to vector<16xi32>
      %ge3A_1594 = arith.cmpi sge, %sub3A_1591, %ge3A_1593 : vector<16xi32>
      %lt3A_1595 = arith.constant 8192 : i32
      %lt3A_1596 = vector.broadcast %lt3A_1595 : i32 to vector<16xi32>
      %lt3A_1597 = arith.cmpi slt, %sub3A_1591, %lt3A_1596 : vector<16xi32>
      %and3A_1598 = arith.andi %ge3A_1594, %lt3A_1597 : vector<16xi1>
      %jit3A_1599 = arith.constant 0 : i32
      %jit3A_1600 = arith.constant 8191 : i32
      %max3A_1601 = vector.broadcast %jit3A_1599 : i32 to vector<16xi32>
      %max3A_1602 = arith.maxsi %max3A_1601, %sub3A_1591 : vector<16xi32>
      %min3A_1603 = vector.broadcast %jit3A_1600 : i32 to vector<16xi32>
      %min3A_1604 = arith.minsi %min3A_1603, %max3A_1602 : vector<16xi32>
      %mul3A_1605 = arith.constant 16 : i32
      %mul3A_1606 = arith.muli %add3A_1584, %mul3A_1605 : i32
      %add3A_1607 = vector.broadcast %mul3A_1606 : i32 to vector<16xi32>
      %add3A_1608 = arith.addi %add3A_1607, %iota3A : vector<16xi32>
      %broadcast_in_dim3A_1609 = arith.constant 0 : i32
      %broadcast_in_dim3A_1610 = vector.broadcast %broadcast_in_dim3A_1609 : i32 to vector<16xi32>
      %gather3A_1611 = tpu.vector_load_idx %arg11[%broadcast_in_dim3A_1610, %min3A_1604] : memref<4x8192xf32, #tpu.memory_space<vmem>>[vector<16xi32>, vector<16xi32>], vector<16xf32>,
      tpu.vector_store_idx %arg12[%broadcast_in_dim3A_1610, %add3A_1608], %gather3A_1611 masked %and3A_1598 : memref<4x4096xf32, #tpu.memory_space<vmem>>[vector<16xi32>, vector<16xi32>], vector<16xf32>, vector<16xi1>
      %broadcast_in_dim3A_1612 = arith.constant 1 : i32
      %broadcast_in_dim3A_1613 = vector.broadcast %broadcast_in_dim3A_1612 : i32 to vector<16xi32>
      %gather3A_1614 = tpu.vector_load_idx %arg11[%broadcast_in_dim3A_1613, %min3A_1604] : memref<4x8192xf32, #tpu.memory_space<vmem>>[vector<16xi32>, vector<16xi32>], vector<16xf32>,
      tpu.vector_store_idx %arg12[%broadcast_in_dim3A_1613, %add3A_1608], %gather3A_1614 masked %and3A_1598 : memref<4x4096xf32, #tpu.memory_space<vmem>>[vector<16xi32>, vector<16xi32>], vector<16xf32>, vector<16xi1>
      %broadcast_in_dim3A_1615 = arith.constant 2 : i32
      %broadcast_in_dim3A_1616 = vector.broadcast %broadcast_in_dim3A_1615 : i32 to vector<16xi32>
      %gather3A_1617 = tpu.vector_load_idx %arg11[%broadcast_in_dim3A_1616, %min3A_1604] : memref<4x8192xf32, #tpu.memory_space<vmem>>[vector<16xi32>, vector<16xi32>], vector<16xf32>,
      tpu.vector_store_idx %arg12[%broadcast_in_dim3A_1616, %add3A_1608], %gather3A_1617 masked %and3A_1598 : memref<4x4096xf32, #tpu.memory_space<vmem>>[vector<16xi32>, vector<16xi32>], vector<16xf32>, vector<16xi1>
      %broadcast_in_dim3A_1618 = arith.constant 3 : i32
      %broadcast_in_dim3A_1619 = vector.broadcast %broadcast_in_dim3A_1618 : i32 to vector<16xi32>
      %gather3A_1620 = tpu.vector_load_idx %arg11[%broadcast_in_dim3A_1619, %min3A_1604] : memref<4x8192xf32, #tpu.memory_space<vmem>>[vector<16xi32>, vector<16xi32>], vector<16xf32>,
      tpu.vector_store_idx %arg12[%broadcast_in_dim3A_1619, %add3A_1608], %gather3A_1620 masked %and3A_1598 : memref<4x4096xf32, #tpu.memory_space<vmem>>[vector<16xi32>, vector<16xi32>], vector<16xf32>, vector<16xi1>
      %mul3A_1621 = arith.constant 4 : i32
      %mul3A_1622 = arith.muli %scan3A_1494, %mul3A_1621 : i32
      %add3A_1623 = arith.constant 0 : i32
      %add3A_1624 = arith.addi %add3A_1623, %mul3A_1622 : i32
      %add3A_1625 = arith.constant 3 : i32
      %add3A_1626 = arith.addi %add3A_1624, %add3A_1625 : i32
      %mul3A_1627 = arith.constant 16 : i32
      %mul3A_1628 = arith.muli %add3A_1626, %mul3A_1627 : i32
      %get3A_1629 = arith.index_cast %mul3A_1628 : i32 to index
      %get3A_1630 = tpu.vector_load %arg9[%get3A_1629] {strides = array<i32>} : memref<4096xi32, #tpu.memory_space<vmem>>, vector<16xi32>,
      %sub3A_1631 = arith.constant 0 : i32
      %sub3A_1632 = vector.broadcast %sub3A_1631 : i32 to vector<16xi32>
      %sub3A_1633 = arith.subi %get3A_1630, %sub3A_1632 : vector<16xi32>
      %ge3A_1634 = arith.constant 0 : i32
      %ge3A_1635 = vector.broadcast %ge3A_1634 : i32 to vector<16xi32>
      %ge3A_1636 = arith.cmpi sge, %sub3A_1633, %ge3A_1635 : vector<16xi32>
      %lt3A_1637 = arith.constant 8192 : i32
      %lt3A_1638 = vector.broadcast %lt3A_1637 : i32 to vector<16xi32>
      %lt3A_1639 = arith.cmpi slt, %sub3A_1633, %lt3A_1638 : vector<16xi32>
      %and3A_1640 = arith.andi %ge3A_1636, %lt3A_1639 : vector<16xi1>
      %jit3A_1641 = arith.constant 0 : i32
      %jit3A_1642 = arith.constant 8191 : i32
      %max3A_1643 = vector.broadcast %jit3A_1641 : i32 to vector<16xi32>
      %max3A_1644 = arith.maxsi %max3A_1643, %sub3A_1633 : vector<16xi32>
      %min3A_1645 = vector.broadcast %jit3A_1642 : i32 to vector<16xi32>
      %min3A_1646 = arith.minsi %min3A_1645, %max3A_1644 : vector<16xi32>
      %mul3A_1647 = arith.constant 16 : i32
      %mul3A_1648 = arith.muli %add3A_1626, %mul3A_1647 : i32
      %add3A_1649 = vector.broadcast %mul3A_1648 : i32 to vector<16xi32>
      %add3A_1650 = arith.addi %add3A_1649, %iota3A : vector<16xi32>
      %broadcast_in_dim3A_1651 = arith.constant 0 : i32
      %broadcast_in_dim3A_1652 = vector.broadcast %broadcast_in_dim3A_1651 : i32 to vector<16xi32>
      %gather3A_1653 = tpu.vector_load_idx %arg11[%broadcast_in_dim3A_1652, %min3A_1646] : memref<4x8192xf32, #tpu.memory_space<vmem>>[vector<16xi32>, vector<16xi32>], vector<16xf32>,
      tpu.vector_store_idx %arg12[%broadcast_in_dim3A_1652, %add3A_1650], %gather3A_1653 masked %and3A_1640 : memref<4x4096xf32, #tpu.memory_space<vmem>>[vector<16xi32>, vector<16xi32>], vector<16xf32>, vector<16xi1>
      %broadcast_in_dim3A_1654 = arith.constant 1 : i32
      %broadcast_in_dim3A_1655 = vector.broadcast %broadcast_in_dim3A_1654 : i32 to vector<16xi32>
      %gather3A_1656 = tpu.vector_load_idx %arg11[%broadcast_in_dim3A_1655, %min3A_1646] : memref<4x8192xf32, #tpu.memory_space<vmem>>[vector<16xi32>, vector<16xi32>], vector<16xf32>,
      tpu.vector_store_idx %arg12[%broadcast_in_dim3A_1655, %add3A_1650], %gather3A_1656 masked %and3A_1640 : memref<4x4096xf32, #tpu.memory_space<vmem>>[vector<16xi32>, vector<16xi32>], vector<16xf32>, vector<16xi1>
      %broadcast_in_dim3A_1657 = arith.constant 2 : i32
      %broadcast_in_dim3A_1658 = vector.broadcast %broadcast_in_dim3A_1657 : i32 to vector<16xi32>
      %gather3A_1659 = tpu.vector_load_idx %arg11[%broadcast_in_dim3A_1658, %min3A_1646] : memref<4x8192xf32, #tpu.memory_space<vmem>>[vector<16xi32>, vector<16xi32>], vector<16xf32>,
      tpu.vector_store_idx %arg12[%broadcast_in_dim3A_1658, %add3A_1650], %gather3A_1659 masked %and3A_1640 : memref<4x4096xf32, #tpu.memory_space<vmem>>[vector<16xi32>, vector<16xi32>], vector<16xf32>, vector<16xi1>
      %broadcast_in_dim3A_1660 = arith.constant 3 : i32
      %broadcast_in_dim3A_1661 = vector.broadcast %broadcast_in_dim3A_1660 : i32 to vector<16xi32>
      %gather3A_1662 = tpu.vector_load_idx %arg11[%broadcast_in_dim3A_1661, %min3A_1646] : memref<4x8192xf32, #tpu.memory_space<vmem>>[vector<16xi32>, vector<16xi32>], vector<16xf32>,
      tpu.vector_store_idx %arg12[%broadcast_in_dim3A_1661, %add3A_1650], %gather3A_1662 masked %and3A_1640 : memref<4x4096xf32, #tpu.memory_space<vmem>>[vector<16xi32>, vector<16xi32>], vector<16xf32>, vector<16xi1>
      %scan3A_1663 = arith.constant 0 : i32
      scf.yield %scan3A_1663 : i32
    }
    %scan3A_288 = arith.constant 11 : i32
    %dma_wait3A_289 = arith.constant 0 : i32
    %dma_wait3A_290 = arith.constant 0 : i32
    %dma_wait3A_291 = arith.constant 0 : i32
    %dma_wait3A_292 = arith.constant 0 : i32
    %dma_wait3A_293 = tpu.memref_slice %arg10[%dma_wait3A_289, %dma_wait3A_290, %dma_wait3A_291, %dma_wait3A_292] : memref<4x8x8x256xf32, #tpu.memory_space<vmem>> -> memref<1x8x8x256xf32, #tpu.memory_space<vmem>>
    %dma_wait3A_294 = tpu.memref_squeeze %dma_wait3A_293 : memref<1x8x8x256xf32, #tpu.memory_space<vmem>> -> memref<8x8x256xf32, #tpu.memory_space<vmem>>
    %dma_wait3A_295 = tpu.memref_slice %arg9[%add3A_203] : memref<4096xi32, #tpu.memory_space<vmem>> -> memref<8xi32, #tpu.memory_space<vmem>>
    %dma_wait3A_296 = arith.constant 0 : i32
    %dma_wait3A_297 = arith.constant 0 : i32
    %dma_wait3A_298 = arith.constant 0 : i32
    %dma_wait3A_299 = tpu.memref_slice %arg3[%dma_wait3A_296, %dma_wait3A_297, %dma_wait3A_298] : memref<16384x8x256xf32, #tpu.memory_space<hbm>> -> memref<16384x8x256xf32, #tpu.memory_space<hbm>>
    tpu.wait_indirect_dma semaphore(%arg15 : memref<!tpu.dma_semaphore, #tpu.memory_space<semaphore_mem>>) src(%dma_wait3A_299 : memref<16384x8x256xf32, #tpu.memory_space<hbm>>) dst(%dma_wait3A_294 : memref<8x8x256xf32, #tpu.memory_space<vmem>>)
    %add3A_300 = arith.constant 32 : i32
    %add3A_301 = arith.addi %mul3A_2, %add3A_300 : i32
    %dma_start3A_302 = arith.constant 0 : i32
    %dma_start3A_303 = arith.constant 0 : i32
    %dma_start3A_304 = arith.constant 0 : i32
    %dma_start3A_305 = arith.constant 0 : i32
    %dma_start3A_306 = tpu.memref_slice %arg10[%dma_start3A_302, %dma_start3A_303, %dma_start3A_304, %dma_start3A_305] : memref<4x8x8x256xf32, #tpu.memory_space<vmem>> -> memref<1x8x8x256xf32, #tpu.memory_space<vmem>>
    %dma_start3A_307 = tpu.memref_squeeze %dma_start3A_306 : memref<1x8x8x256xf32, #tpu.memory_space<vmem>> -> memref<8x8x256xf32, #tpu.memory_space<vmem>>
    %dma_start3A_308 = arith.constant 0 : i32
    %dma_start3A_309 = arith.constant 0 : i32
    %dma_start3A_310 = tpu.memref_slice %arg6[%add3A_301, %dma_start3A_308, %dma_start3A_309] : memref<4096x8x256xf32, #tpu.memory_space<hbm>> -> memref<8x8x256xf32, #tpu.memory_space<hbm>>
    %dma_start3A_311 = arith.constant 0 : i32
    %dma_start3A_312 = arith.constant 0 : i32
    %dma_start3A_313 = tpu.memref_slice %arg6[%add3A_301, %dma_start3A_311, %dma_start3A_312] : memref<4096x8x256xf32, #tpu.memory_space<hbm>> -> memref<8x8x256xf32, #tpu.memory_space<hbm>>
    %dma_start3A_314 = arith.constant 0 : i32
    %dma_start3A_315 = arith.constant 0 : i32
    %dma_start3A_316 = arith.constant 0 : i32
    %dma_start3A_317 = tpu.memref_slice %arg10[%dma_start3A_302, %dma_start3A_314, %dma_start3A_315, %dma_start3A_316] : memref<4x8x8x256xf32, #tpu.memory_space<vmem>> -> memref<1x8x8x256xf32, #tpu.memory_space<vmem>>
    %dma_start3A_318 = tpu.memref_squeeze %dma_start3A_317 : memref<1x8x8x256xf32, #tpu.memory_space<vmem>> -> memref<8x8x256xf32, #tpu.memory_space<vmem>>
    tpu.enqueue_dma source(%dma_start3A_318 : memref<8x8x256xf32, #tpu.memory_space<vmem>>) target(%dma_start3A_313 : memref<8x8x256xf32, #tpu.memory_space<hbm>>) target_semaphore(%arg16 : memref<!tpu.dma_semaphore, #tpu.memory_space<semaphore_mem>>)
    %dma_wait3A_319 = arith.constant 2 : i32
    %dma_wait3A_320 = arith.constant 0 : i32
    %dma_wait3A_321 = arith.constant 0 : i32
    %dma_wait3A_322 = arith.constant 0 : i32
    %dma_wait3A_323 = tpu.memref_slice %arg10[%dma_wait3A_319, %dma_wait3A_320, %dma_wait3A_321, %dma_wait3A_322] : memref<4x8x8x256xf32, #tpu.memory_space<vmem>> -> memref<1x8x8x256xf32, #tpu.memory_space<vmem>>
    %dma_wait3A_324 = tpu.memref_squeeze %dma_wait3A_323 : memref<1x8x8x256xf32, #tpu.memory_space<vmem>> -> memref<8x8x256xf32, #tpu.memory_space<vmem>>
    %dma_wait3A_325 = arith.constant 0 : i32
    %dma_wait3A_326 = arith.constant 0 : i32
    %dma_wait3A_327 = tpu.memref_slice %arg6[%add3A_167, %dma_wait3A_325, %dma_wait3A_326] : memref<4096x8x256xf32, #tpu.memory_space<hbm>> -> memref<8x8x256xf32, #tpu.memory_space<hbm>>
    %dma_wait3A_328 = arith.constant 0 : i32
    %dma_wait3A_329 = arith.constant 0 : i32
    %dma_wait3A_330 = tpu.memref_slice %arg6[%add3A_167, %dma_wait3A_328, %dma_wait3A_329] : memref<4096x8x256xf32, #tpu.memory_space<hbm>> -> memref<8x8x256xf32, #tpu.memory_space<hbm>>
    %dma_wait3A_331 = arith.constant 0 : i32
    %dma_wait3A_332 = arith.constant 0 : i32
    %dma_wait3A_333 = arith.constant 0 : i32
    %dma_wait3A_334 = tpu.memref_slice %arg10[%dma_wait3A_319, %dma_wait3A_331, %dma_wait3A_332, %dma_wait3A_333] : memref<4x8x8x256xf32, #tpu.memory_space<vmem>> -> memref<1x8x8x256xf32, #tpu.memory_space<vmem>>
    %dma_wait3A_335 = tpu.memref_squeeze %dma_wait3A_334 : memref<1x8x8x256xf32, #tpu.memory_space<vmem>> -> memref<8x8x256xf32, #tpu.memory_space<vmem>>
    tpu.wait_dma2 semaphore(%arg16 : memref<!tpu.dma_semaphore, #tpu.memory_space<semaphore_mem>>) src(%dma_wait3A_335 : memref<8x8x256xf32, #tpu.memory_space<vmem>>) dst(%dma_wait3A_330 : memref<8x8x256xf32, #tpu.memory_space<hbm>>)
    %add3A_336 = arith.constant 48 : i32
    %add3A_337 = arith.addi %mul3A_2, %add3A_336 : i32
    %dma_start3A_338 = arith.constant 2 : i32
    %dma_start3A_339 = arith.constant 0 : i32
    %dma_start3A_340 = arith.constant 0 : i32
    %dma_start3A_341 = arith.constant 0 : i32
    %dma_start3A_342 = tpu.memref_slice %arg10[%dma_start3A_338, %dma_start3A_339, %dma_start3A_340, %dma_start3A_341] : memref<4x8x8x256xf32, #tpu.memory_space<vmem>> -> memref<1x8x8x256xf32, #tpu.memory_space<vmem>>
    %dma_start3A_343 = tpu.memref_squeeze %dma_start3A_342 : memref<1x8x8x256xf32, #tpu.memory_space<vmem>> -> memref<8x8x256xf32, #tpu.memory_space<vmem>>
    %dma_start3A_344 = tpu.memref_slice %arg9[%add3A_337] : memref<4096xi32, #tpu.memory_space<vmem>> -> memref<8xi32, #tpu.memory_space<vmem>>
    %dma_start3A_345 = arith.constant 0 : i32
    %dma_start3A_346 = arith.constant 0 : i32
    %dma_start3A_347 = arith.constant 0 : i32
    %dma_start3A_348 = tpu.memref_slice %arg3[%dma_start3A_345, %dma_start3A_346, %dma_start3A_347] : memref<16384x8x256xf32, #tpu.memory_space<hbm>> -> memref<16384x8x256xf32, #tpu.memory_space<hbm>>
    tpu.enqueue_indirect_dma source(%dma_start3A_348 : memref<16384x8x256xf32, #tpu.memory_space<hbm>>) target(%dma_start3A_343 : memref<8x8x256xf32, #tpu.memory_space<vmem>>) offsets(%dma_start3A_344 : memref<8xi32, #tpu.memory_space<vmem>>) semaphore(%arg15 : memref<!tpu.dma_semaphore, #tpu.memory_space<semaphore_mem>>)
    %scan3A_349 = arith.constant 0 : i32
    %scan3A_350 = arith.constant 0 : i32
    %scan3A_351 = arith.constant 11 : i32
    %scan3A_352 = arith.addi %scan3A_350, %scan3A_351 : i32
    %scan3A_353 = arith.constant 1 : i32
    %scan3A_354 = scf.for %scan3A_1494 = %scan3A_350 to %scan3A_352 step %scan3A_353 iter_args(%scan3A_1495 = %scan3A_349) -> (i32)  : i32 {
      %mul3A_1496 = arith.constant 4 : i32
      %mul3A_1497 = arith.muli %scan3A_1494, %mul3A_1496 : i32
      %add3A_1498 = arith.constant 44 : i32
      %add3A_1499 = arith.addi %add3A_1498, %mul3A_1497 : i32
      %add3A_1500 = arith.constant 0 : i32
      %add3A_1501 = arith.addi %add3A_1499, %add3A_1500 : i32
      %mul3A_1502 = arith.constant 16 : i32
      %mul3A_1503 = arith.muli %add3A_1501, %mul3A_1502 : i32
      %get3A_1504 = arith.index_cast %mul3A_1503 : i32 to index
      %get3A_1505 = tpu.vector_load %arg9[%get3A_1504] {strides = array<i32>} : memref<4096xi32, #tpu.memory_space<vmem>>, vector<16xi32>,
      %sub3A_1506 = arith.constant 0 : i32
      %sub3A_1507 = vector.broadcast %sub3A_1506 : i32 to vector<16xi32>
      %sub3A_1508 = arith.subi %get3A_1505, %sub3A_1507 : vector<16xi32>
      %ge3A_1509 = arith.constant 0 : i32
      %ge3A_1510 = vector.broadcast %ge3A_1509 : i32 to vector<16xi32>
      %ge3A_1511 = arith.cmpi sge, %sub3A_1508, %ge3A_1510 : vector<16xi32>
      %lt3A_1512 = arith.constant 8192 : i32
      %lt3A_1513 = vector.broadcast %lt3A_1512 : i32 to vector<16xi32>
      %lt3A_1514 = arith.cmpi slt, %sub3A_1508, %lt3A_1513 : vector<16xi32>
      %and3A_1515 = arith.andi %ge3A_1511, %lt3A_1514 : vector<16xi1>
      %jit3A_1516 = arith.constant 0 : i32
      %jit3A_1517 = arith.constant 8191 : i32
      %max3A_1518 = vector.broadcast %jit3A_1516 : i32 to vector<16xi32>
      %max3A_1519 = arith.maxsi %max3A_1518, %sub3A_1508 : vector<16xi32>
      %min3A_1520 = vector.broadcast %jit3A_1517 : i32 to vector<16xi32>
      %min3A_1521 = arith.minsi %min3A_1520, %max3A_1519 : vector<16xi32>
      %mul3A_1522 = arith.constant 16 : i32
      %mul3A_1523 = arith.muli %add3A_1501, %mul3A_1522 : i32
      %add3A_1524 = vector.broadcast %mul3A_1523 : i32 to vector<16xi32>
      %add3A_1525 = arith.addi %add3A_1524, %iota3A : vector<16xi32>
      %broadcast_in_dim3A = arith.constant 0 : i32
      %broadcast_in_dim3A_1526 = vector.broadcast %broadcast_in_dim3A : i32 to vector<16xi32>
      %gather3A_1527 = tpu.vector_load_idx %arg11[%broadcast_in_dim3A_1526, %min3A_1521] : memref<4x8192xf32, #tpu.memory_space<vmem>>[vector<16xi32>, vector<16xi32>], vector<16xf32>,
      tpu.vector_store_idx %arg12[%broadcast_in_dim3A_1526, %add3A_1525], %gather3A_1527 masked %and3A_1515 : memref<4x4096xf32, #tpu.memory_space<vmem>>[vector<16xi32>, vector<16xi32>], vector<16xf32>, vector<16xi1>
      %broadcast_in_dim3A_1528 = arith.constant 1 : i32
      %broadcast_in_dim3A_1529 = vector.broadcast %broadcast_in_dim3A_1528 : i32 to vector<16xi32>
      %gather3A_1530 = tpu.vector_load_idx %arg11[%broadcast_in_dim3A_1529, %min3A_1521] : memref<4x8192xf32, #tpu.memory_space<vmem>>[vector<16xi32>, vector<16xi32>], vector<16xf32>,
      tpu.vector_store_idx %arg12[%broadcast_in_dim3A_1529, %add3A_1525], %gather3A_1530 masked %and3A_1515 : memref<4x4096xf32, #tpu.memory_space<vmem>>[vector<16xi32>, vector<16xi32>], vector<16xf32>, vector<16xi1>
      %broadcast_in_dim3A_1531 = arith.constant 2 : i32
      %broadcast_in_dim3A_1532 = vector.broadcast %broadcast_in_dim3A_1531 : i32 to vector<16xi32>
      %gather3A_1533 = tpu.vector_load_idx %arg11[%broadcast_in_dim3A_1532, %min3A_1521] : memref<4x8192xf32, #tpu.memory_space<vmem>>[vector<16xi32>, vector<16xi32>], vector<16xf32>,
      tpu.vector_store_idx %arg12[%broadcast_in_dim3A_1532, %add3A_1525], %gather3A_1533 masked %and3A_1515 : memref<4x4096xf32, #tpu.memory_space<vmem>>[vector<16xi32>, vector<16xi32>], vector<16xf32>, vector<16xi1>
      %broadcast_in_dim3A_1534 = arith.constant 3 : i32
      %broadcast_in_dim3A_1535 = vector.broadcast %broadcast_in_dim3A_1534 : i32 to vector<16xi32>
      %gather3A_1536 = tpu.vector_load_idx %arg11[%broadcast_in_dim3A_1535, %min3A_1521] : memref<4x8192xf32, #tpu.memory_space<vmem>>[vector<16xi32>, vector<16xi32>], vector<16xf32>,
      tpu.vector_store_idx %arg12[%broadcast_in_dim3A_1535, %add3A_1525], %gather3A_1536 masked %and3A_1515 : memref<4x4096xf32, #tpu.memory_space<vmem>>[vector<16xi32>, vector<16xi32>], vector<16xf32>, vector<16xi1>
      %mul3A_1537 = arith.constant 4 : i32
      %mul3A_1538 = arith.muli %scan3A_1494, %mul3A_1537 : i32
      %add3A_1539 = arith.constant 44 : i32
      %add3A_1540 = arith.addi %add3A_1539, %mul3A_1538 : i32
      %add3A_1541 = arith.constant 1 : i32
      %add3A_1542 = arith.addi %add3A_1540, %add3A_1541 : i32
      %mul3A_1543 = arith.constant 16 : i32
      %mul3A_1544 = arith.muli %add3A_1542, %mul3A_1543 : i32
      %get3A_1545 = arith.index_cast %mul3A_1544 : i32 to index
      %get3A_1546 = tpu.vector_load %arg9[%get3A_1545] {strides = array<i32>} : memref<4096xi32, #tpu.memory_space<vmem>>, vector<16xi32>,
      %sub3A_1547 = arith.constant 0 : i32
      %sub3A_1548 = vector.broadcast %sub3A_1547 : i32 to vector<16xi32>
      %sub3A_1549 = arith.subi %get3A_1546, %sub3A_1548 : vector<16xi32>
      %ge3A_1550 = arith.constant 0 : i32
      %ge3A_1551 = vector.broadcast %ge3A_1550 : i32 to vector<16xi32>
      %ge3A_1552 = arith.cmpi sge, %sub3A_1549, %ge3A_1551 : vector<16xi32>
      %lt3A_1553 = arith.constant 8192 : i32
      %lt3A_1554 = vector.broadcast %lt3A_1553 : i32 to vector<16xi32>
      %lt3A_1555 = arith.cmpi slt, %sub3A_1549, %lt3A_1554 : vector<16xi32>
      %and3A_1556 = arith.andi %ge3A_1552, %lt3A_1555 : vector<16xi1>
      %jit3A_1557 = arith.constant 0 : i32
      %jit3A_1558 = arith.constant 8191 : i32
      %max3A_1559 = vector.broadcast %jit3A_1557 : i32 to vector<16xi32>
      %max3A_1560 = arith.maxsi %max3A_1559, %sub3A_1549 : vector<16xi32>
      %min3A_1561 = vector.broadcast %jit3A_1558 : i32 to vector<16xi32>
      %min3A_1562 = arith.minsi %min3A_1561, %max3A_1560 : vector<16xi32>
      %mul3A_1563 = arith.constant 16 : i32
      %mul3A_1564 = arith.muli %add3A_1542, %mul3A_1563 : i32
      %add3A_1565 = vector.broadcast %mul3A_1564 : i32 to vector<16xi32>
      %add3A_1566 = arith.addi %add3A_1565, %iota3A : vector<16xi32>
      %broadcast_in_dim3A_1567 = arith.constant 0 : i32
      %broadcast_in_dim3A_1568 = vector.broadcast %broadcast_in_dim3A_1567 : i32 to vector<16xi32>
      %gather3A_1569 = tpu.vector_load_idx %arg11[%broadcast_in_dim3A_1568, %min3A_1562] : memref<4x8192xf32, #tpu.memory_space<vmem>>[vector<16xi32>, vector<16xi32>], vector<16xf32>,
      tpu.vector_store_idx %arg12[%broadcast_in_dim3A_1568, %add3A_1566], %gather3A_1569 masked %and3A_1556 : memref<4x4096xf32, #tpu.memory_space<vmem>>[vector<16xi32>, vector<16xi32>], vector<16xf32>, vector<16xi1>
      %broadcast_in_dim3A_1570 = arith.constant 1 : i32
      %broadcast_in_dim3A_1571 = vector.broadcast %broadcast_in_dim3A_1570 : i32 to vector<16xi32>
      %gather3A_1572 = tpu.vector_load_idx %arg11[%broadcast_in_dim3A_1571, %min3A_1562] : memref<4x8192xf32, #tpu.memory_space<vmem>>[vector<16xi32>, vector<16xi32>], vector<16xf32>,
      tpu.vector_store_idx %arg12[%broadcast_in_dim3A_1571, %add3A_1566], %gather3A_1572 masked %and3A_1556 : memref<4x4096xf32, #tpu.memory_space<vmem>>[vector<16xi32>, vector<16xi32>], vector<16xf32>, vector<16xi1>
      %broadcast_in_dim3A_1573 = arith.constant 2 : i32
      %broadcast_in_dim3A_1574 = vector.broadcast %broadcast_in_dim3A_1573 : i32 to vector<16xi32>
      %gather3A_1575 = tpu.vector_load_idx %arg11[%broadcast_in_dim3A_1574, %min3A_1562] : memref<4x8192xf32, #tpu.memory_space<vmem>>[vector<16xi32>, vector<16xi32>], vector<16xf32>,
      tpu.vector_store_idx %arg12[%broadcast_in_dim3A_1574, %add3A_1566], %gather3A_1575 masked %and3A_1556 : memref<4x4096xf32, #tpu.memory_space<vmem>>[vector<16xi32>, vector<16xi32>], vector<16xf32>, vector<16xi1>
      %broadcast_in_dim3A_1576 = arith.constant 3 : i32
      %broadcast_in_dim3A_1577 = vector.broadcast %broadcast_in_dim3A_1576 : i32 to vector<16xi32>
      %gather3A_1578 = tpu.vector_load_idx %arg11[%broadcast_in_dim3A_1577, %min3A_1562] : memref<4x8192xf32, #tpu.memory_space<vmem>>[vector<16xi32>, vector<16xi32>], vector<16xf32>,
      tpu.vector_store_idx %arg12[%broadcast_in_dim3A_1577, %add3A_1566], %gather3A_1578 masked %and3A_1556 : memref<4x4096xf32, #tpu.memory_space<vmem>>[vector<16xi32>, vector<16xi32>], vector<16xf32>, vector<16xi1>
      %mul3A_1579 = arith.constant 4 : i32
      %mul3A_1580 = arith.muli %scan3A_1494, %mul3A_1579 : i32
      %add3A_1581 = arith.constant 44 : i32
      %add3A_1582 = arith.addi %add3A_1581, %mul3A_1580 : i32
      %add3A_1583 = arith.constant 2 : i32
      %add3A_1584 = arith.addi %add3A_1582, %add3A_1583 : i32
      %mul3A_1585 = arith.constant 16 : i32
      %mul3A_1586 = arith.muli %add3A_1584, %mul3A_1585 : i32
      %get3A_1587 = arith.index_cast %mul3A_1586 : i32 to index
      %get3A_1588 = tpu.vector_load %arg9[%get3A_1587] {strides = array<i32>} : memref<4096xi32, #tpu.memory_space<vmem>>, vector<16xi32>,
      %sub3A_1589 = arith.constant 0 : i32
      %sub3A_1590 = vector.broadcast %sub3A_1589 : i32 to vector<16xi32>
      %sub3A_1591 = arith.subi %get3A_1588, %sub3A_1590 : vector<16xi32>
      %ge3A_1592 = arith.constant 0 : i32
      %ge3A_1593 = vector.broadcast %ge3A_1592 : i32 to vector<16xi32>
      %ge3A_1594 = arith.cmpi sge, %sub3A_1591, %ge3A_1593 : vector<16xi32>
      %lt3A_1595 = arith.constant 8192 : i32
      %lt3A_1596 = vector.broadcast %lt3A_1595 : i32 to vector<16xi32>
      %lt3A_1597 = arith.cmpi slt, %sub3A_1591, %lt3A_1596 : vector<16xi32>
      %and3A_1598 = arith.andi %ge3A_1594, %lt3A_1597 : vector<16xi1>
      %jit3A_1599 = arith.constant 0 : i32
      %jit3A_1600 = arith.constant 8191 : i32
      %max3A_1601 = vector.broadcast %jit3A_1599 : i32 to vector<16xi32>
      %max3A_1602 = arith.maxsi %max3A_1601, %sub3A_1591 : vector<16xi32>
      %min3A_1603 = vector.broadcast %jit3A_1600 : i32 to vector<16xi32>
      %min3A_1604 = arith.minsi %min3A_1603, %max3A_1602 : vector<16xi32>
      %mul3A_1605 = arith.constant 16 : i32
      %mul3A_1606 = arith.muli %add3A_1584, %mul3A_1605 : i32
      %add3A_1607 = vector.broadcast %mul3A_1606 : i32 to vector<16xi32>
      %add3A_1608 = arith.addi %add3A_1607, %iota3A : vector<16xi32>
      %broadcast_in_dim3A_1609 = arith.constant 0 : i32
      %broadcast_in_dim3A_1610 = vector.broadcast %broadcast_in_dim3A_1609 : i32 to vector<16xi32>
      %gather3A_1611 = tpu.vector_load_idx %arg11[%broadcast_in_dim3A_1610, %min3A_1604] : memref<4x8192xf32, #tpu.memory_space<vmem>>[vector<16xi32>, vector<16xi32>], vector<16xf32>,
      tpu.vector_store_idx %arg12[%broadcast_in_dim3A_1610, %add3A_1608], %gather3A_1611 masked %and3A_1598 : memref<4x4096xf32, #tpu.memory_space<vmem>>[vector<16xi32>, vector<16xi32>], vector<16xf32>, vector<16xi1>
      %broadcast_in_dim3A_1612 = arith.constant 1 : i32
      %broadcast_in_dim3A_1613 = vector.broadcast %broadcast_in_dim3A_1612 : i32 to vector<16xi32>
      %gather3A_1614 = tpu.vector_load_idx %arg11[%broadcast_in_dim3A_1613, %min3A_1604] : memref<4x8192xf32, #tpu.memory_space<vmem>>[vector<16xi32>, vector<16xi32>], vector<16xf32>,
      tpu.vector_store_idx %arg12[%broadcast_in_dim3A_1613, %add3A_1608], %gather3A_1614 masked %and3A_1598 : memref<4x4096xf32, #tpu.memory_space<vmem>>[vector<16xi32>, vector<16xi32>], vector<16xf32>, vector<16xi1>
      %broadcast_in_dim3A_1615 = arith.constant 2 : i32
      %broadcast_in_dim3A_1616 = vector.broadcast %broadcast_in_dim3A_1615 : i32 to vector<16xi32>
      %gather3A_1617 = tpu.vector_load_idx %arg11[%broadcast_in_dim3A_1616, %min3A_1604] : memref<4x8192xf32, #tpu.memory_space<vmem>>[vector<16xi32>, vector<16xi32>], vector<16xf32>,
      tpu.vector_store_idx %arg12[%broadcast_in_dim3A_1616, %add3A_1608], %gather3A_1617 masked %and3A_1598 : memref<4x4096xf32, #tpu.memory_space<vmem>>[vector<16xi32>, vector<16xi32>], vector<16xf32>, vector<16xi1>
      %broadcast_in_dim3A_1618 = arith.constant 3 : i32
      %broadcast_in_dim3A_1619 = vector.broadcast %broadcast_in_dim3A_1618 : i32 to vector<16xi32>
      %gather3A_1620 = tpu.vector_load_idx %arg11[%broadcast_in_dim3A_1619, %min3A_1604] : memref<4x8192xf32, #tpu.memory_space<vmem>>[vector<16xi32>, vector<16xi32>], vector<16xf32>,
      tpu.vector_store_idx %arg12[%broadcast_in_dim3A_1619, %add3A_1608], %gather3A_1620 masked %and3A_1598 : memref<4x4096xf32, #tpu.memory_space<vmem>>[vector<16xi32>, vector<16xi32>], vector<16xf32>, vector<16xi1>
      %mul3A_1621 = arith.constant 4 : i32
      %mul3A_1622 = arith.muli %scan3A_1494, %mul3A_1621 : i32
      %add3A_1623 = arith.constant 44 : i32
      %add3A_1624 = arith.addi %add3A_1623, %mul3A_1622 : i32
      %add3A_1625 = arith.constant 3 : i32
      %add3A_1626 = arith.addi %add3A_1624, %add3A_1625 : i32
      %mul3A_1627 = arith.constant 16 : i32
      %mul3A_1628 = arith.muli %add3A_1626, %mul3A_1627 : i32
      %get3A_1629 = arith.index_cast %mul3A_1628 : i32 to index
      %get3A_1630 = tpu.vector_load %arg9[%get3A_1629] {strides = array<i32>} : memref<4096xi32, #tpu.memory_space<vmem>>, vector<16xi32>,
      %sub3A_1631 = arith.constant 0 : i32
      %sub3A_1632 = vector.broadcast %sub3A_1631 : i32 to vector<16xi32>
      %sub3A_1633 = arith.subi %get3A_1630, %sub3A_1632 : vector<16xi32>
      %ge3A_1634 = arith.constant 0 : i32
      %ge3A_1635 = vector.broadcast %ge3A_1634 : i32 to vector<16xi32>
      %ge3A_1636 = arith.cmpi sge, %sub3A_1633, %ge3A_1635 : vector<16xi32>
      %lt3A_1637 = arith.constant 8192 : i32
      %lt3A_1638 = vector.broadcast %lt3A_1637 : i32 to vector<16xi32>
      %lt3A_1639 = arith.cmpi slt, %sub3A_1633, %lt3A_1638 : vector<16xi32>
      %and3A_1640 = arith.andi %ge3A_1636, %lt3A_1639 : vector<16xi1>
      %jit3A_1641 = arith.constant 0 : i32
      %jit3A_1642 = arith.constant 8191 : i32
      %max3A_1643 = vector.broadcast %jit3A_1641 : i32 to vector<16xi32>
      %max3A_1644 = arith.maxsi %max3A_1643, %sub3A_1633 : vector<16xi32>
      %min3A_1645 = vector.broadcast %jit3A_1642 : i32 to vector<16xi32>
      %min3A_1646 = arith.minsi %min3A_1645, %max3A_1644 : vector<16xi32>
      %mul3A_1647 = arith.constant 16 : i32
      %mul3A_1648 = arith.muli %add3A_1626, %mul3A_1647 : i32
      %add3A_1649 = vector.broadcast %mul3A_1648 : i32 to vector<16xi32>
      %add3A_1650 = arith.addi %add3A_1649, %iota3A : vector<16xi32>
      %broadcast_in_dim3A_1651 = arith.constant 0 : i32
      %broadcast_in_dim3A_1652 = vector.broadcast %broadcast_in_dim3A_1651 : i32 to vector<16xi32>
      %gather3A_1653 = tpu.vector_load_idx %arg11[%broadcast_in_dim3A_1652, %min3A_1646] : memref<4x8192xf32, #tpu.memory_space<vmem>>[vector<16xi32>, vector<16xi32>], vector<16xf32>,
      tpu.vector_store_idx %arg12[%broadcast_in_dim3A_1652, %add3A_1650], %gather3A_1653 masked %and3A_1640 : memref<4x4096xf32, #tpu.memory_space<vmem>>[vector<16xi32>, vector<16xi32>], vector<16xf32>, vector<16xi1>
      %broadcast_in_dim3A_1654 = arith.constant 1 : i32
      %broadcast_in_dim3A_1655 = vector.broadcast %broadcast_in_dim3A_1654 : i32 to vector<16xi32>
      %gather3A_1656 = tpu.vector_load_idx %arg11[%broadcast_in_dim3A_1655, %min3A_1646] : memref<4x8192xf32, #tpu.memory_space<vmem>>[vector<16xi32>, vector<16xi32>], vector<16xf32>,
      tpu.vector_store_idx %arg12[%broadcast_in_dim3A_1655, %add3A_1650], %gather3A_1656 masked %and3A_1640 : memref<4x4096xf32, #tpu.memory_space<vmem>>[vector<16xi32>, vector<16xi32>], vector<16xf32>, vector<16xi1>
      %broadcast_in_dim3A_1657 = arith.constant 2 : i32
      %broadcast_in_dim3A_1658 = vector.broadcast %broadcast_in_dim3A_1657 : i32 to vector<16xi32>
      %gather3A_1659 = tpu.vector_load_idx %arg11[%broadcast_in_dim3A_1658, %min3A_1646] : memref<4x8192xf32, #tpu.memory_space<vmem>>[vector<16xi32>, vector<16xi32>], vector<16xf32>,
      tpu.vector_store_idx %arg12[%broadcast_in_dim3A_1658, %add3A_1650], %gather3A_1659 masked %and3A_1640 : memref<4x4096xf32, #tpu.memory_space<vmem>>[vector<16xi32>, vector<16xi32>], vector<16xf32>, vector<16xi1>
      %broadcast_in_dim3A_1660 = arith.constant 3 : i32
      %broadcast_in_dim3A_1661 = vector.broadcast %broadcast_in_dim3A_1660 : i32 to vector<16xi32>
      %gather3A_1662 = tpu.vector_load_idx %arg11[%broadcast_in_dim3A_1661, %min3A_1646] : memref<4x8192xf32, #tpu.memory_space<vmem>>[vector<16xi32>, vector<16xi32>], vector<16xf32>,
      tpu.vector_store_idx %arg12[%broadcast_in_dim3A_1661, %add3A_1650], %gather3A_1662 masked %and3A_1640 : memref<4x4096xf32, #tpu.memory_space<vmem>>[vector<16xi32>, vector<16xi32>], vector<16xf32>, vector<16xi1>
      %scan3A_1663 = arith.constant 0 : i32
      scf.yield %scan3A_1663 : i32
    }
    %scan3A_355 = arith.constant 11 : i32
    %dma_wait3A_356 = arith.constant 1 : i32
    %dma_wait3A_357 = arith.constant 0 : i32
    %dma_wait3A_358 = arith.constant 0 : i32
    %dma_wait3A_359 = arith.constant 0 : i32
    %dma_wait3A_360 = tpu.memref_slice %arg10[%dma_wait3A_356, %dma_wait3A_357, %dma_wait3A_358, %dma_wait3A_359] : memref<4x8x8x256xf32, #tpu.memory_space<vmem>> -> memref<1x8x8x256xf32, #tpu.memory_space<vmem>>
    %dma_wait3A_361 = tpu.memref_squeeze %dma_wait3A_360 : memref<1x8x8x256xf32, #tpu.memory_space<vmem>> -> memref<8x8x256xf32, #tpu.memory_space<vmem>>
    %dma_wait3A_362 = tpu.memref_slice %arg9[%add3A_263] : memref<4096xi32, #tpu.memory_space<vmem>> -> memref<8xi32, #tpu.memory_space<vmem>>
    %dma_wait3A_363 = arith.constant 0 : i32
    %dma_wait3A_364 = arith.constant 0 : i32
    %dma_wait3A_365 = arith.constant 0 : i32
    %dma_wait3A_366 = tpu.memref_slice %arg3[%dma_wait3A_363, %dma_wait3A_364, %dma_wait3A_365] : memref<16384x8x256xf32, #tpu.memory_space<hbm>> -> memref<16384x8x256xf32, #tpu.memory_space<hbm>>
    tpu.wait_indirect_dma semaphore(%arg15 : memref<!tpu.dma_semaphore, #tpu.memory_space<semaphore_mem>>) src(%dma_wait3A_366 : memref<16384x8x256xf32, #tpu.memory_space<hbm>>) dst(%dma_wait3A_361 : memref<8x8x256xf32, #tpu.memory_space<vmem>>)
    %add3A_367 = arith.constant 40 : i32
    %add3A_368 = arith.addi %mul3A_2, %add3A_367 : i32
    %dma_start3A_369 = arith.constant 1 : i32
    %dma_start3A_370 = arith.constant 0 : i32
    %dma_start3A_371 = arith.constant 0 : i32
    %dma_start3A_372 = arith.constant 0 : i32
    %dma_start3A_373 = tpu.memref_slice %arg10[%dma_start3A_369, %dma_start3A_370, %dma_start3A_371, %dma_start3A_372] : memref<4x8x8x256xf32, #tpu.memory_space<vmem>> -> memref<1x8x8x256xf32, #tpu.memory_space<vmem>>
    %dma_start3A_374 = tpu.memref_squeeze %dma_start3A_373 : memref<1x8x8x256xf32, #tpu.memory_space<vmem>> -> memref<8x8x256xf32, #tpu.memory_space<vmem>>
    %dma_start3A_375 = arith.constant 0 : i32
    %dma_start3A_376 = arith.constant 0 : i32
    %dma_start3A_377 = tpu.memref_slice %arg6[%add3A_368, %dma_start3A_375, %dma_start3A_376] : memref<4096x8x256xf32, #tpu.memory_space<hbm>> -> memref<8x8x256xf32, #tpu.memory_space<hbm>>
    %dma_start3A_378 = arith.constant 0 : i32
    %dma_start3A_379 = arith.constant 0 : i32
    %dma_start3A_380 = tpu.memref_slice %arg6[%add3A_368, %dma_start3A_378, %dma_start3A_379] : memref<4096x8x256xf32, #tpu.memory_space<hbm>> -> memref<8x8x256xf32, #tpu.memory_space<hbm>>
    %dma_start3A_381 = arith.constant 0 : i32
    %dma_start3A_382 = arith.constant 0 : i32
    %dma_start3A_383 = arith.constant 0 : i32
    %dma_start3A_384 = tpu.memref_slice %arg10[%dma_start3A_369, %dma_start3A_381, %dma_start3A_382, %dma_start3A_383] : memref<4x8x8x256xf32, #tpu.memory_space<vmem>> -> memref<1x8x8x256xf32, #tpu.memory_space<vmem>>
    %dma_start3A_385 = tpu.memref_squeeze %dma_start3A_384 : memref<1x8x8x256xf32, #tpu.memory_space<vmem>> -> memref<8x8x256xf32, #tpu.memory_space<vmem>>
    tpu.enqueue_dma source(%dma_start3A_385 : memref<8x8x256xf32, #tpu.memory_space<vmem>>) target(%dma_start3A_380 : memref<8x8x256xf32, #tpu.memory_space<hbm>>) target_semaphore(%arg16 : memref<!tpu.dma_semaphore, #tpu.memory_space<semaphore_mem>>)
    %dma_wait3A_386 = arith.constant 3 : i32
    %dma_wait3A_387 = arith.constant 0 : i32
    %dma_wait3A_388 = arith.constant 0 : i32
    %dma_wait3A_389 = arith.constant 0 : i32
    %dma_wait3A_390 = tpu.memref_slice %arg10[%dma_wait3A_386, %dma_wait3A_387, %dma_wait3A_388, %dma_wait3A_389] : memref<4x8x8x256xf32, #tpu.memory_space<vmem>> -> memref<1x8x8x256xf32, #tpu.memory_space<vmem>>
    %dma_wait3A_391 = tpu.memref_squeeze %dma_wait3A_390 : memref<1x8x8x256xf32, #tpu.memory_space<vmem>> -> memref<8x8x256xf32, #tpu.memory_space<vmem>>
    %dma_wait3A_392 = arith.constant 0 : i32
    %dma_wait3A_393 = arith.constant 0 : i32
    %dma_wait3A_394 = tpu.memref_slice %arg6[%add3A_227, %dma_wait3A_392, %dma_wait3A_393] : memref<4096x8x256xf32, #tpu.memory_space<hbm>> -> memref<8x8x256xf32, #tpu.memory_space<hbm>>
    %dma_wait3A_395 = arith.constant 0 : i32
    %dma_wait3A_396 = arith.constant 0 : i32
    %dma_wait3A_397 = tpu.memref_slice %arg6[%add3A_227, %dma_wait3A_395, %dma_wait3A_396] : memref<4096x8x256xf32, #tpu.memory_space<hbm>> -> memref<8x8x256xf32, #tpu.memory_space<hbm>>
    %dma_wait3A_398 = arith.constant 0 : i32
    %dma_wait3A_399 = arith.constant 0 : i32
    %dma_wait3A_400 = arith.constant 0 : i32
    %dma_wait3A_401 = tpu.memref_slice %arg10[%dma_wait3A_386, %dma_wait3A_398, %dma_wait3A_399, %dma_wait3A_400] : memref<4x8x8x256xf32, #tpu.memory_space<vmem>> -> memref<1x8x8x256xf32, #tpu.memory_space<vmem>>
    %dma_wait3A_402 = tpu.memref_squeeze %dma_wait3A_401 : memref<1x8x8x256xf32, #tpu.memory_space<vmem>> -> memref<8x8x256xf32, #tpu.memory_space<vmem>>
    tpu.wait_dma2 semaphore(%arg16 : memref<!tpu.dma_semaphore, #tpu.memory_space<semaphore_mem>>) src(%dma_wait3A_402 : memref<8x8x256xf32, #tpu.memory_space<vmem>>) dst(%dma_wait3A_397 : memref<8x8x256xf32, #tpu.memory_space<hbm>>)
    %add3A_403 = arith.constant 56 : i32
    %add3A_404 = arith.addi %mul3A_2, %add3A_403 : i32
    %dma_start3A_405 = arith.constant 3 : i32
    %dma_start3A_406 = arith.constant 0 : i32
    %dma_start3A_407 = arith.constant 0 : i32
    %dma_start3A_408 = arith.constant 0 : i32
    %dma_start3A_409 = tpu.memref_slice %arg10[%dma_start3A_405, %dma_start3A_406, %dma_start3A_407, %dma_start3A_408] : memref<4x8x8x256xf32, #tpu.memory_space<vmem>> -> memref<1x8x8x256xf32, #tpu.memory_space<vmem>>
    %dma_start3A_410 = tpu.memref_squeeze %dma_start3A_409 : memref<1x8x8x256xf32, #tpu.memory_space<vmem>> -> memref<8x8x256xf32, #tpu.memory_space<vmem>>
    %dma_start3A_411 = tpu.memref_slice %arg9[%add3A_404] : memref<4096xi32, #tpu.memory_space<vmem>> -> memref<8xi32, #tpu.memory_space<vmem>>
    %dma_start3A_412 = arith.constant 0 : i32
    %dma_start3A_413 = arith.constant 0 : i32
    %dma_start3A_414 = arith.constant 0 : i32
    %dma_start3A_415 = tpu.memref_slice %arg3[%dma_start3A_412, %dma_start3A_413, %dma_start3A_414] : memref<16384x8x256xf32, #tpu.memory_space<hbm>> -> memref<16384x8x256xf32, #tpu.memory_space<hbm>>
    tpu.enqueue_indirect_dma source(%dma_start3A_415 : memref<16384x8x256xf32, #tpu.memory_space<hbm>>) target(%dma_start3A_410 : memref<8x8x256xf32, #tpu.memory_space<vmem>>) offsets(%dma_start3A_411 : memref<8xi32, #tpu.memory_space<vmem>>) semaphore(%arg15 : memref<!tpu.dma_semaphore, #tpu.memory_space<semaphore_mem>>)
    %scan3A_416 = arith.constant 0 : i32
    %scan3A_417 = arith.constant 0 : i32
    %scan3A_418 = arith.constant 11 : i32
    %scan3A_419 = arith.addi %scan3A_417, %scan3A_418 : i32
    %scan3A_420 = arith.constant 1 : i32
    %scan3A_421 = scf.for %scan3A_1494 = %scan3A_417 to %scan3A_419 step %scan3A_420 iter_args(%scan3A_1495 = %scan3A_416) -> (i32)  : i32 {
      %mul3A_1496 = arith.constant 4 : i32
      %mul3A_1497 = arith.muli %scan3A_1494, %mul3A_1496 : i32
      %add3A_1498 = arith.constant 88 : i32
      %add3A_1499 = arith.addi %add3A_1498, %mul3A_1497 : i32
      %add3A_1500 = arith.constant 0 : i32
      %add3A_1501 = arith.addi %add3A_1499, %add3A_1500 : i32
      %mul3A_1502 = arith.constant 16 : i32
      %mul3A_1503 = arith.muli %add3A_1501, %mul3A_1502 : i32
      %get3A_1504 = arith.index_cast %mul3A_1503 : i32 to index
      %get3A_1505 = tpu.vector_load %arg9[%get3A_1504] {strides = array<i32>} : memref<4096xi32, #tpu.memory_space<vmem>>, vector<16xi32>,
      %sub3A_1506 = arith.constant 0 : i32
      %sub3A_1507 = vector.broadcast %sub3A_1506 : i32 to vector<16xi32>
      %sub3A_1508 = arith.subi %get3A_1505, %sub3A_1507 : vector<16xi32>
      %ge3A_1509 = arith.constant 0 : i32
      %ge3A_1510 = vector.broadcast %ge3A_1509 : i32 to vector<16xi32>
      %ge3A_1511 = arith.cmpi sge, %sub3A_1508, %ge3A_1510 : vector<16xi32>
      %lt3A_1512 = arith.constant 8192 : i32
      %lt3A_1513 = vector.broadcast %lt3A_1512 : i32 to vector<16xi32>
      %lt3A_1514 = arith.cmpi slt, %sub3A_1508, %lt3A_1513 : vector<16xi32>
      %and3A_1515 = arith.andi %ge3A_1511, %lt3A_1514 : vector<16xi1>
      %jit3A_1516 = arith.constant 0 : i32
      %jit3A_1517 = arith.constant 8191 : i32
      %max3A_1518 = vector.broadcast %jit3A_1516 : i32 to vector<16xi32>
      %max3A_1519 = arith.maxsi %max3A_1518, %sub3A_1508 : vector<16xi32>
      %min3A_1520 = vector.broadcast %jit3A_1517 : i32 to vector<16xi32>
      %min3A_1521 = arith.minsi %min3A_1520, %max3A_1519 : vector<16xi32>
      %mul3A_1522 = arith.constant 16 : i32
      %mul3A_1523 = arith.muli %add3A_1501, %mul3A_1522 : i32
      %add3A_1524 = vector.broadcast %mul3A_1523 : i32 to vector<16xi32>
      %add3A_1525 = arith.addi %add3A_1524, %iota3A : vector<16xi32>
      %broadcast_in_dim3A = arith.constant 0 : i32
      %broadcast_in_dim3A_1526 = vector.broadcast %broadcast_in_dim3A : i32 to vector<16xi32>
      %gather3A_1527 = tpu.vector_load_idx %arg11[%broadcast_in_dim3A_1526, %min3A_1521] : memref<4x8192xf32, #tpu.memory_space<vmem>>[vector<16xi32>, vector<16xi32>], vector<16xf32>,
      tpu.vector_store_idx %arg12[%broadcast_in_dim3A_1526, %add3A_1525], %gather3A_1527 masked %and3A_1515 : memref<4x4096xf32, #tpu.memory_space<vmem>>[vector<16xi32>, vector<16xi32>], vector<16xf32>, vector<16xi1>
      %broadcast_in_dim3A_1528 = arith.constant 1 : i32
      %broadcast_in_dim3A_1529 = vector.broadcast %broadcast_in_dim3A_1528 : i32 to vector<16xi32>
      %gather3A_1530 = tpu.vector_load_idx %arg11[%broadcast_in_dim3A_1529, %min3A_1521] : memref<4x8192xf32, #tpu.memory_space<vmem>>[vector<16xi32>, vector<16xi32>], vector<16xf32>,
      tpu.vector_store_idx %arg12[%broadcast_in_dim3A_1529, %add3A_1525], %gather3A_1530 masked %and3A_1515 : memref<4x4096xf32, #tpu.memory_space<vmem>>[vector<16xi32>, vector<16xi32>], vector<16xf32>, vector<16xi1>
      %broadcast_in_dim3A_1531 = arith.constant 2 : i32
      %broadcast_in_dim3A_1532 = vector.broadcast %broadcast_in_dim3A_1531 : i32 to vector<16xi32>
      %gather3A_1533 = tpu.vector_load_idx %arg11[%broadcast_in_dim3A_1532, %min3A_1521] : memref<4x8192xf32, #tpu.memory_space<vmem>>[vector<16xi32>, vector<16xi32>], vector<16xf32>,
      tpu.vector_store_idx %arg12[%broadcast_in_dim3A_1532, %add3A_1525], %gather3A_1533 masked %and3A_1515 : memref<4x4096xf32, #tpu.memory_space<vmem>>[vector<16xi32>, vector<16xi32>], vector<16xf32>, vector<16xi1>
      %broadcast_in_dim3A_1534 = arith.constant 3 : i32
      %broadcast_in_dim3A_1535 = vector.broadcast %broadcast_in_dim3A_1534 : i32 to vector<16xi32>
      %gather3A_1536 = tpu.vector_load_idx %arg11[%broadcast_in_dim3A_1535, %min3A_1521] : memref<4x8192xf32, #tpu.memory_space<vmem>>[vector<16xi32>, vector<16xi32>], vector<16xf32>,
      tpu.vector_store_idx %arg12[%broadcast_in_dim3A_1535, %add3A_1525], %gather3A_1536 masked %and3A_1515 : memref<4x4096xf32, #tpu.memory_space<vmem>>[vector<16xi32>, vector<16xi32>], vector<16xf32>, vector<16xi1>
      %mul3A_1537 = arith.constant 4 : i32
      %mul3A_1538 = arith.muli %scan3A_1494, %mul3A_1537 : i32
      %add3A_1539 = arith.constant 88 : i32
      %add3A_1540 = arith.addi %add3A_1539, %mul3A_1538 : i32
      %add3A_1541 = arith.constant 1 : i32
      %add3A_1542 = arith.addi %add3A_1540, %add3A_1541 : i32
      %mul3A_1543 = arith.constant 16 : i32
      %mul3A_1544 = arith.muli %add3A_1542, %mul3A_1543 : i32
      %get3A_1545 = arith.index_cast %mul3A_1544 : i32 to index
      %get3A_1546 = tpu.vector_load %arg9[%get3A_1545] {strides = array<i32>} : memref<4096xi32, #tpu.memory_space<vmem>>, vector<16xi32>,
      %sub3A_1547 = arith.constant 0 : i32
      %sub3A_1548 = vector.broadcast %sub3A_1547 : i32 to vector<16xi32>
      %sub3A_1549 = arith.subi %get3A_1546, %sub3A_1548 : vector<16xi32>
      %ge3A_1550 = arith.constant 0 : i32
      %ge3A_1551 = vector.broadcast %ge3A_1550 : i32 to vector<16xi32>
      %ge3A_1552 = arith.cmpi sge, %sub3A_1549, %ge3A_1551 : vector<16xi32>
      %lt3A_1553 = arith.constant 8192 : i32
      %lt3A_1554 = vector.broadcast %lt3A_1553 : i32 to vector<16xi32>
      %lt3A_1555 = arith.cmpi slt, %sub3A_1549, %lt3A_1554 : vector<16xi32>
      %and3A_1556 = arith.andi %ge3A_1552, %lt3A_1555 : vector<16xi1>
      %jit3A_1557 = arith.constant 0 : i32
      %jit3A_1558 = arith.constant 8191 : i32
      %max3A_1559 = vector.broadcast %jit3A_1557 : i32 to vector<16xi32>
      %max3A_1560 = arith.maxsi %max3A_1559, %sub3A_1549 : vector<16xi32>
      %min3A_1561 = vector.broadcast %jit3A_1558 : i32 to vector<16xi32>
      %min3A_1562 = arith.minsi %min3A_1561, %max3A_1560 : vector<16xi32>
      %mul3A_1563 = arith.constant 16 : i32
      %mul3A_1564 = arith.muli %add3A_1542, %mul3A_1563 : i32
      %add3A_1565 = vector.broadcast %mul3A_1564 : i32 to vector<16xi32>
      %add3A_1566 = arith.addi %add3A_1565, %iota3A : vector<16xi32>
      %broadcast_in_dim3A_1567 = arith.constant 0 : i32
      %broadcast_in_dim3A_1568 = vector.broadcast %broadcast_in_dim3A_1567 : i32 to vector<16xi32>
      %gather3A_1569 = tpu.vector_load_idx %arg11[%broadcast_in_dim3A_1568, %min3A_1562] : memref<4x8192xf32, #tpu.memory_space<vmem>>[vector<16xi32>, vector<16xi32>], vector<16xf32>,
      tpu.vector_store_idx %arg12[%broadcast_in_dim3A_1568, %add3A_1566], %gather3A_1569 masked %and3A_1556 : memref<4x4096xf32, #tpu.memory_space<vmem>>[vector<16xi32>, vector<16xi32>], vector<16xf32>, vector<16xi1>
      %broadcast_in_dim3A_1570 = arith.constant 1 : i32
      %broadcast_in_dim3A_1571 = vector.broadcast %broadcast_in_dim3A_1570 : i32 to vector<16xi32>
      %gather3A_1572 = tpu.vector_load_idx %arg11[%broadcast_in_dim3A_1571, %min3A_1562] : memref<4x8192xf32, #tpu.memory_space<vmem>>[vector<16xi32>, vector<16xi32>], vector<16xf32>,
      tpu.vector_store_idx %arg12[%broadcast_in_dim3A_1571, %add3A_1566], %gather3A_1572 masked %and3A_1556 : memref<4x4096xf32, #tpu.memory_space<vmem>>[vector<16xi32>, vector<16xi32>], vector<16xf32>, vector<16xi1>
      %broadcast_in_dim3A_1573 = arith.constant 2 : i32
      %broadcast_in_dim3A_1574 = vector.broadcast %broadcast_in_dim3A_1573 : i32 to vector<16xi32>
      %gather3A_1575 = tpu.vector_load_idx %arg11[%broadcast_in_dim3A_1574, %min3A_1562] : memref<4x8192xf32, #tpu.memory_space<vmem>>[vector<16xi32>, vector<16xi32>], vector<16xf32>,
      tpu.vector_store_idx %arg12[%broadcast_in_dim3A_1574, %add3A_1566], %gather3A_1575 masked %and3A_1556 : memref<4x4096xf32, #tpu.memory_space<vmem>>[vector<16xi32>, vector<16xi32>], vector<16xf32>, vector<16xi1>
      %broadcast_in_dim3A_1576 = arith.constant 3 : i32
      %broadcast_in_dim3A_1577 = vector.broadcast %broadcast_in_dim3A_1576 : i32 to vector<16xi32>
      %gather3A_1578 = tpu.vector_load_idx %arg11[%broadcast_in_dim3A_1577, %min3A_1562] : memref<4x8192xf32, #tpu.memory_space<vmem>>[vector<16xi32>, vector<16xi32>], vector<16xf32>,
      tpu.vector_store_idx %arg12[%broadcast_in_dim3A_1577, %add3A_1566], %gather3A_1578 masked %and3A_1556 : memref<4x4096xf32, #tpu.memory_space<vmem>>[vector<16xi32>, vector<16xi32>], vector<16xf32>, vector<16xi1>
      %mul3A_1579 = arith.constant 4 : i32
      %mul3A_1580 = arith.muli %scan3A_1494, %mul3A_1579 : i32
      %add3A_1581 = arith.constant 88 : i32
      %add3A_1582 = arith.addi %add3A_1581, %mul3A_1580 : i32
      %add3A_1583 = arith.constant 2 : i32
      %add3A_1584 = arith.addi %add3A_1582, %add3A_1583 : i32
      %mul3A_1585 = arith.constant 16 : i32
      %mul3A_1586 = arith.muli %add3A_1584, %mul3A_1585 : i32
      %get3A_1587 = arith.index_cast %mul3A_1586 : i32 to index
      %get3A_1588 = tpu.vector_load %arg9[%get3A_1587] {strides = array<i32>} : memref<4096xi32, #tpu.memory_space<vmem>>, vector<16xi32>,
      %sub3A_1589 = arith.constant 0 : i32
      %sub3A_1590 = vector.broadcast %sub3A_1589 : i32 to vector<16xi32>
      %sub3A_1591 = arith.subi %get3A_1588, %sub3A_1590 : vector<16xi32>
      %ge3A_1592 = arith.constant 0 : i32
      %ge3A_1593 = vector.broadcast %ge3A_1592 : i32 to vector<16xi32>
      %ge3A_1594 = arith.cmpi sge, %sub3A_1591, %ge3A_1593 : vector<16xi32>
      %lt3A_1595 = arith.constant 8192 : i32
      %lt3A_1596 = vector.broadcast %lt3A_1595 : i32 to vector<16xi32>
      %lt3A_1597 = arith.cmpi slt, %sub3A_1591, %lt3A_1596 : vector<16xi32>
      %and3A_1598 = arith.andi %ge3A_1594, %lt3A_1597 : vector<16xi1>
      %jit3A_1599 = arith.constant 0 : i32
      %jit3A_1600 = arith.constant 8191 : i32
      %max3A_1601 = vector.broadcast %jit3A_1599 : i32 to vector<16xi32>
      %max3A_1602 = arith.maxsi %max3A_1601, %sub3A_1591 : vector<16xi32>
      %min3A_1603 = vector.broadcast %jit3A_1600 : i32 to vector<16xi32>
      %min3A_1604 = arith.minsi %min3A_1603, %max3A_1602 : vector<16xi32>
      %mul3A_1605 = arith.constant 16 : i32
      %mul3A_1606 = arith.muli %add3A_1584, %mul3A_1605 : i32
      %add3A_1607 = vector.broadcast %mul3A_1606 : i32 to vector<16xi32>
      %add3A_1608 = arith.addi %add3A_1607, %iota3A : vector<16xi32>
      %broadcast_in_dim3A_1609 = arith.constant 0 : i32
      %broadcast_in_dim3A_1610 = vector.broadcast %broadcast_in_dim3A_1609 : i32 to vector<16xi32>
      %gather3A_1611 = tpu.vector_load_idx %arg11[%broadcast_in_dim3A_1610, %min3A_1604] : memref<4x8192xf32, #tpu.memory_space<vmem>>[vector<16xi32>, vector<16xi32>], vector<16xf32>,
      tpu.vector_store_idx %arg12[%broadcast_in_dim3A_1610, %add3A_1608], %gather3A_1611 masked %and3A_1598 : memref<4x4096xf32, #tpu.memory_space<vmem>>[vector<16xi32>, vector<16xi32>], vector<16xf32>, vector<16xi1>
      %broadcast_in_dim3A_1612 = arith.constant 1 : i32
      %broadcast_in_dim3A_1613 = vector.broadcast %broadcast_in_dim3A_1612 : i32 to vector<16xi32>
      %gather3A_1614 = tpu.vector_load_idx %arg11[%broadcast_in_dim3A_1613, %min3A_1604] : memref<4x8192xf32, #tpu.memory_space<vmem>>[vector<16xi32>, vector<16xi32>], vector<16xf32>,
      tpu.vector_store_idx %arg12[%broadcast_in_dim3A_1613, %add3A_1608], %gather3A_1614 masked %and3A_1598 : memref<4x4096xf32, #tpu.memory_space<vmem>>[vector<16xi32>, vector<16xi32>], vector<16xf32>, vector<16xi1>
      %broadcast_in_dim3A_1615 = arith.constant 2 : i32
      %broadcast_in_dim3A_1616 = vector.broadcast %broadcast_in_dim3A_1615 : i32 to vector<16xi32>
      %gather3A_1617 = tpu.vector_load_idx %arg11[%broadcast_in_dim3A_1616, %min3A_1604] : memref<4x8192xf32, #tpu.memory_space<vmem>>[vector<16xi32>, vector<16xi32>], vector<16xf32>,
      tpu.vector_store_idx %arg12[%broadcast_in_dim3A_1616, %add3A_1608], %gather3A_1617 masked %and3A_1598 : memref<4x4096xf32, #tpu.memory_space<vmem>>[vector<16xi32>, vector<16xi32>], vector<16xf32>, vector<16xi1>
      %broadcast_in_dim3A_1618 = arith.constant 3 : i32
      %broadcast_in_dim3A_1619 = vector.broadcast %broadcast_in_dim3A_1618 : i32 to vector<16xi32>
      %gather3A_1620 = tpu.vector_load_idx %arg11[%broadcast_in_dim3A_1619, %min3A_1604] : memref<4x8192xf32, #tpu.memory_space<vmem>>[vector<16xi32>, vector<16xi32>], vector<16xf32>,
      tpu.vector_store_idx %arg12[%broadcast_in_dim3A_1619, %add3A_1608], %gather3A_1620 masked %and3A_1598 : memref<4x4096xf32, #tpu.memory_space<vmem>>[vector<16xi32>, vector<16xi32>], vector<16xf32>, vector<16xi1>
      %mul3A_1621 = arith.constant 4 : i32
      %mul3A_1622 = arith.muli %scan3A_1494, %mul3A_1621 : i32
      %add3A_1623 = arith.constant 88 : i32
      %add3A_1624 = arith.addi %add3A_1623, %mul3A_1622 : i32
      %add3A_1625 = arith.constant 3 : i32
      %add3A_1626 = arith.addi %add3A_1624, %add3A_1625 : i32
      %mul3A_1627 = arith.constant 16 : i32
      %mul3A_1628 = arith.muli %add3A_1626, %mul3A_1627 : i32
      %get3A_1629 = arith.index_cast %mul3A_1628 : i32 to index
      %get3A_1630 = tpu.vector_load %arg9[%get3A_1629] {strides = array<i32>} : memref<4096xi32, #tpu.memory_space<vmem>>, vector<16xi32>,
      %sub3A_1631 = arith.constant 0 : i32
      %sub3A_1632 = vector.broadcast %sub3A_1631 : i32 to vector<16xi32>
      %sub3A_1633 = arith.subi %get3A_1630, %sub3A_1632 : vector<16xi32>
      %ge3A_1634 = arith.constant 0 : i32
      %ge3A_1635 = vector.broadcast %ge3A_1634 : i32 to vector<16xi32>
      %ge3A_1636 = arith.cmpi sge, %sub3A_1633, %ge3A_1635 : vector<16xi32>
      %lt3A_1637 = arith.constant 8192 : i32
      %lt3A_1638 = vector.broadcast %lt3A_1637 : i32 to vector<16xi32>
      %lt3A_1639 = arith.cmpi slt, %sub3A_1633, %lt3A_1638 : vector<16xi32>
      %and3A_1640 = arith.andi %ge3A_1636, %lt3A_1639 : vector<16xi1>
      %jit3A_1641 = arith.constant 0 : i32
      %jit3A_1642 = arith.constant 8191 : i32
      %max3A_1643 = vector.broadcast %jit3A_1641 : i32 to vector<16xi32>
      %max3A_1644 = arith.maxsi %max3A_1643, %sub3A_1633 : vector<16xi32>
      %min3A_1645 = vector.broadcast %jit3A_1642 : i32 to vector<16xi32>
      %min3A_1646 = arith.minsi %min3A_1645, %max3A_1644 : vector<16xi32>
      %mul3A_1647 = arith.constant 16 : i32
      %mul3A_1648 = arith.muli %add3A_1626, %mul3A_1647 : i32
      %add3A_1649 = vector.broadcast %mul3A_1648 : i32 to vector<16xi32>
      %add3A_1650 = arith.addi %add3A_1649, %iota3A : vector<16xi32>
      %broadcast_in_dim3A_1651 = arith.constant 0 : i32
      %broadcast_in_dim3A_1652 = vector.broadcast %broadcast_in_dim3A_1651 : i32 to vector<16xi32>
      %gather3A_1653 = tpu.vector_load_idx %arg11[%broadcast_in_dim3A_1652, %min3A_1646] : memref<4x8192xf32, #tpu.memory_space<vmem>>[vector<16xi32>, vector<16xi32>], vector<16xf32>,
      tpu.vector_store_idx %arg12[%broadcast_in_dim3A_1652, %add3A_1650], %gather3A_1653 masked %and3A_1640 : memref<4x4096xf32, #tpu.memory_space<vmem>>[vector<16xi32>, vector<16xi32>], vector<16xf32>, vector<16xi1>
      %broadcast_in_dim3A_1654 = arith.constant 1 : i32
      %broadcast_in_dim3A_1655 = vector.broadcast %broadcast_in_dim3A_1654 : i32 to vector<16xi32>
      %gather3A_1656 = tpu.vector_load_idx %arg11[%broadcast_in_dim3A_1655, %min3A_1646] : memref<4x8192xf32, #tpu.memory_space<vmem>>[vector<16xi32>, vector<16xi32>], vector<16xf32>,
      tpu.vector_store_idx %arg12[%broadcast_in_dim3A_1655, %add3A_1650], %gather3A_1656 masked %and3A_1640 : memref<4x4096xf32, #tpu.memory_space<vmem>>[vector<16xi32>, vector<16xi32>], vector<16xf32>, vector<16xi1>
      %broadcast_in_dim3A_1657 = arith.constant 2 : i32
      %broadcast_in_dim3A_1658 = vector.broadcast %broadcast_in_dim3A_1657 : i32 to vector<16xi32>
      %gather3A_1659 = tpu.vector_load_idx %arg11[%broadcast_in_dim3A_1658, %min3A_1646] : memref<4x8192xf32, #tpu.memory_space<vmem>>[vector<16xi32>, vector<16xi32>], vector<16xf32>,
      tpu.vector_store_idx %arg12[%broadcast_in_dim3A_1658, %add3A_1650], %gather3A_1659 masked %and3A_1640 : memref<4x4096xf32, #tpu.memory_space<vmem>>[vector<16xi32>, vector<16xi32>], vector<16xf32>, vector<16xi1>
      %broadcast_in_dim3A_1660 = arith.constant 3 : i32
      %broadcast_in_dim3A_1661 = vector.broadcast %broadcast_in_dim3A_1660 : i32 to vector<16xi32>
      %gather3A_1662 = tpu.vector_load_idx %arg11[%broadcast_in_dim3A_1661, %min3A_1646] : memref<4x8192xf32, #tpu.memory_space<vmem>>[vector<16xi32>, vector<16xi32>], vector<16xf32>,
      tpu.vector_store_idx %arg12[%broadcast_in_dim3A_1661, %add3A_1650], %gather3A_1662 masked %and3A_1640 : memref<4x4096xf32, #tpu.memory_space<vmem>>[vector<16xi32>, vector<16xi32>], vector<16xf32>, vector<16xi1>
      %scan3A_1663 = arith.constant 0 : i32
      scf.yield %scan3A_1663 : i32
    }
    %scan3A_422 = arith.constant 11 : i32
    %dma_wait3A_423 = arith.constant 2 : i32
    %dma_wait3A_424 = arith.constant 0 : i32
    %dma_wait3A_425 = arith.constant 0 : i32
    %dma_wait3A_426 = arith.constant 0 : i32
    %dma_wait3A_427 = tpu.memref_slice %arg10[%dma_wait3A_423, %dma_wait3A_424, %dma_wait3A_425, %dma_wait3A_426] : memref<4x8x8x256xf32, #tpu.memory_space<vmem>> -> memref<1x8x8x256xf32, #tpu.memory_space<vmem>>
    %dma_wait3A_428 = tpu.memref_squeeze %dma_wait3A_427 : memref<1x8x8x256xf32, #tpu.memory_space<vmem>> -> memref<8x8x256xf32, #tpu.memory_space<vmem>>
    %dma_wait3A_429 = tpu.memref_slice %arg9[%add3A_337] : memref<4096xi32, #tpu.memory_space<vmem>> -> memref<8xi32, #tpu.memory_space<vmem>>
    %dma_wait3A_430 = arith.constant 0 : i32
    %dma_wait3A_431 = arith.constant 0 : i32
    %dma_wait3A_432 = arith.constant 0 : i32
    %dma_wait3A_433 = tpu.memref_slice %arg3[%dma_wait3A_430, %dma_wait3A_431, %dma_wait3A_432] : memref<16384x8x256xf32, #tpu.memory_space<hbm>> -> memref<16384x8x256xf32, #tpu.memory_space<hbm>>
    tpu.wait_indirect_dma semaphore(%arg15 : memref<!tpu.dma_semaphore, #tpu.memory_space<semaphore_mem>>) src(%dma_wait3A_433 : memref<16384x8x256xf32, #tpu.memory_space<hbm>>) dst(%dma_wait3A_428 : memref<8x8x256xf32, #tpu.memory_space<vmem>>)
    %add3A_434 = arith.constant 48 : i32
    %add3A_435 = arith.addi %mul3A_2, %add3A_434 : i32
    %dma_start3A_436 = arith.constant 2 : i32
    %dma_start3A_437 = arith.constant 0 : i32
    %dma_start3A_438 = arith.constant 0 : i32
    %dma_start3A_439 = arith.constant 0 : i32
    %dma_start3A_440 = tpu.memref_slice %arg10[%dma_start3A_436, %dma_start3A_437, %dma_start3A_438, %dma_start3A_439] : memref<4x8x8x256xf32, #tpu.memory_space<vmem>> -> memref<1x8x8x256xf32, #tpu.memory_space<vmem>>
    %dma_start3A_441 = tpu.memref_squeeze %dma_start3A_440 : memref<1x8x8x256xf32, #tpu.memory_space<vmem>> -> memref<8x8x256xf32, #tpu.memory_space<vmem>>
    %dma_start3A_442 = arith.constant 0 : i32
    %dma_start3A_443 = arith.constant 0 : i32
    %dma_start3A_444 = tpu.memref_slice %arg6[%add3A_435, %dma_start3A_442, %dma_start3A_443] : memref<4096x8x256xf32, #tpu.memory_space<hbm>> -> memref<8x8x256xf32, #tpu.memory_space<hbm>>
    %dma_start3A_445 = arith.constant 0 : i32
    %dma_start3A_446 = arith.constant 0 : i32
    %dma_start3A_447 = tpu.memref_slice %arg6[%add3A_435, %dma_start3A_445, %dma_start3A_446] : memref<4096x8x256xf32, #tpu.memory_space<hbm>> -> memref<8x8x256xf32, #tpu.memory_space<hbm>>
    %dma_start3A_448 = arith.constant 0 : i32
    %dma_start3A_449 = arith.constant 0 : i32
    %dma_start3A_450 = arith.constant 0 : i32
    %dma_start3A_451 = tpu.memref_slice %arg10[%dma_start3A_436, %dma_start3A_448, %dma_start3A_449, %dma_start3A_450] : memref<4x8x8x256xf32, #tpu.memory_space<vmem>> -> memref<1x8x8x256xf32, #tpu.memory_space<vmem>>
    %dma_start3A_452 = tpu.memref_squeeze %dma_start3A_451 : memref<1x8x8x256xf32, #tpu.memory_space<vmem>> -> memref<8x8x256xf32, #tpu.memory_space<vmem>>
    tpu.enqueue_dma source(%dma_start3A_452 : memref<8x8x256xf32, #tpu.memory_space<vmem>>) target(%dma_start3A_447 : memref<8x8x256xf32, #tpu.memory_space<hbm>>) target_semaphore(%arg16 : memref<!tpu.dma_semaphore, #tpu.memory_space<semaphore_mem>>)
    %dma_wait3A_453 = arith.constant 0 : i32
    %dma_wait3A_454 = arith.constant 0 : i32
    %dma_wait3A_455 = arith.constant 0 : i32
    %dma_wait3A_456 = arith.constant 0 : i32
    %dma_wait3A_457 = tpu.memref_slice %arg10[%dma_wait3A_453, %dma_wait3A_454, %dma_wait3A_455, %dma_wait3A_456] : memref<4x8x8x256xf32, #tpu.memory_space<vmem>> -> memref<1x8x8x256xf32, #tpu.memory_space<vmem>>
    %dma_wait3A_458 = tpu.memref_squeeze %dma_wait3A_457 : memref<1x8x8x256xf32, #tpu.memory_space<vmem>> -> memref<8x8x256xf32, #tpu.memory_space<vmem>>
    %dma_wait3A_459 = arith.constant 0 : i32
    %dma_wait3A_460 = arith.constant 0 : i32
    %dma_wait3A_461 = tpu.memref_slice %arg6[%add3A_301, %dma_wait3A_459, %dma_wait3A_460] : memref<4096x8x256xf32, #tpu.memory_space<hbm>> -> memref<8x8x256xf32, #tpu.memory_space<hbm>>
    %dma_wait3A_462 = arith.constant 0 : i32
    %dma_wait3A_463 = arith.constant 0 : i32
    %dma_wait3A_464 = tpu.memref_slice %arg6[%add3A_301, %dma_wait3A_462, %dma_wait3A_463] : memref<4096x8x256xf32, #tpu.memory_space<hbm>> -> memref<8x8x256xf32, #tpu.memory_space<hbm>>
    %dma_wait3A_465 = arith.constant 0 : i32
    %dma_wait3A_466 = arith.constant 0 : i32
    %dma_wait3A_467 = arith.constant 0 : i32
    %dma_wait3A_468 = tpu.memref_slice %arg10[%dma_wait3A_453, %dma_wait3A_465, %dma_wait3A_466, %dma_wait3A_467] : memref<4x8x8x256xf32, #tpu.memory_space<vmem>> -> memref<1x8x8x256xf32, #tpu.memory_space<vmem>>
    %dma_wait3A_469 = tpu.memref_squeeze %dma_wait3A_468 : memref<1x8x8x256xf32, #tpu.memory_space<vmem>> -> memref<8x8x256xf32, #tpu.memory_space<vmem>>
    tpu.wait_dma2 semaphore(%arg16 : memref<!tpu.dma_semaphore, #tpu.memory_space<semaphore_mem>>) src(%dma_wait3A_469 : memref<8x8x256xf32, #tpu.memory_space<vmem>>) dst(%dma_wait3A_464 : memref<8x8x256xf32, #tpu.memory_space<hbm>>)
    %add3A_470 = arith.constant 64 : i32
    %add3A_471 = arith.addi %mul3A_2, %add3A_470 : i32
    %dma_start3A_472 = arith.constant 0 : i32
    %dma_start3A_473 = arith.constant 0 : i32
    %dma_start3A_474 = arith.constant 0 : i32
    %dma_start3A_475 = arith.constant 0 : i32
    %dma_start3A_476 = tpu.memref_slice %arg10[%dma_start3A_472, %dma_start3A_473, %dma_start3A_474, %dma_start3A_475] : memref<4x8x8x256xf32, #tpu.memory_space<vmem>> -> memref<1x8x8x256xf32, #tpu.memory_space<vmem>>
    %dma_start3A_477 = tpu.memref_squeeze %dma_start3A_476 : memref<1x8x8x256xf32, #tpu.memory_space<vmem>> -> memref<8x8x256xf32, #tpu.memory_space<vmem>>
    %dma_start3A_478 = tpu.memref_slice %arg9[%add3A_471] : memref<4096xi32, #tpu.memory_space<vmem>> -> memref<8xi32, #tpu.memory_space<vmem>>
    %dma_start3A_479 = arith.constant 0 : i32
    %dma_start3A_480 = arith.constant 0 : i32
    %dma_start3A_481 = arith.constant 0 : i32
    %dma_start3A_482 = tpu.memref_slice %arg3[%dma_start3A_479, %dma_start3A_480, %dma_start3A_481] : memref<16384x8x256xf32, #tpu.memory_space<hbm>> -> memref<16384x8x256xf32, #tpu.memory_space<hbm>>
    tpu.enqueue_indirect_dma source(%dma_start3A_482 : memref<16384x8x256xf32, #tpu.memory_space<hbm>>) target(%dma_start3A_477 : memref<8x8x256xf32, #tpu.memory_space<vmem>>) offsets(%dma_start3A_478 : memref<8xi32, #tpu.memory_space<vmem>>) semaphore(%arg15 : memref<!tpu.dma_semaphore, #tpu.memory_space<semaphore_mem>>)
    %scan3A_483 = arith.constant 0 : i32
    %scan3A_484 = arith.constant 0 : i32
    %scan3A_485 = arith.constant 11 : i32
    %scan3A_486 = arith.addi %scan3A_484, %scan3A_485 : i32
    %scan3A_487 = arith.constant 1 : i32
    %scan3A_488 = scf.for %scan3A_1494 = %scan3A_484 to %scan3A_486 step %scan3A_487 iter_args(%scan3A_1495 = %scan3A_483) -> (i32)  : i32 {
      %mul3A_1496 = arith.constant 4 : i32
      %mul3A_1497 = arith.muli %scan3A_1494, %mul3A_1496 : i32
      %add3A_1498 = arith.constant 132 : i32
      %add3A_1499 = arith.addi %add3A_1498, %mul3A_1497 : i32
      %add3A_1500 = arith.constant 0 : i32
      %add3A_1501 = arith.addi %add3A_1499, %add3A_1500 : i32
      %mul3A_1502 = arith.constant 16 : i32
      %mul3A_1503 = arith.muli %add3A_1501, %mul3A_1502 : i32
      %get3A_1504 = arith.index_cast %mul3A_1503 : i32 to index
      %get3A_1505 = tpu.vector_load %arg9[%get3A_1504] {strides = array<i32>} : memref<4096xi32, #tpu.memory_space<vmem>>, vector<16xi32>,
      %sub3A_1506 = arith.constant 0 : i32
      %sub3A_1507 = vector.broadcast %sub3A_1506 : i32 to vector<16xi32>
      %sub3A_1508 = arith.subi %get3A_1505, %sub3A_1507 : vector<16xi32>
      %ge3A_1509 = arith.constant 0 : i32
      %ge3A_1510 = vector.broadcast %ge3A_1509 : i32 to vector<16xi32>
      %ge3A_1511 = arith.cmpi sge, %sub3A_1508, %ge3A_1510 : vector<16xi32>
      %lt3A_1512 = arith.constant 8192 : i32
      %lt3A_1513 = vector.broadcast %lt3A_1512 : i32 to vector<16xi32>
      %lt3A_1514 = arith.cmpi slt, %sub3A_1508, %lt3A_1513 : vector<16xi32>
      %and3A_1515 = arith.andi %ge3A_1511, %lt3A_1514 : vector<16xi1>
      %jit3A_1516 = arith.constant 0 : i32
      %jit3A_1517 = arith.constant 8191 : i32
      %max3A_1518 = vector.broadcast %jit3A_1516 : i32 to vector<16xi32>
      %max3A_1519 = arith.maxsi %max3A_1518, %sub3A_1508 : vector<16xi32>
      %min3A_1520 = vector.broadcast %jit3A_1517 : i32 to vector<16xi32>
      %min3A_1521 = arith.minsi %min3A_1520, %max3A_1519 : vector<16xi32>
      %mul3A_1522 = arith.constant 16 : i32
      %mul3A_1523 = arith.muli %add3A_1501, %mul3A_1522 : i32
      %add3A_1524 = vector.broadcast %mul3A_1523 : i32 to vector<16xi32>
      %add3A_1525 = arith.addi %add3A_1524, %iota3A : vector<16xi32>
      %broadcast_in_dim3A = arith.constant 0 : i32
      %broadcast_in_dim3A_1526 = vector.broadcast %broadcast_in_dim3A : i32 to vector<16xi32>
      %gather3A_1527 = tpu.vector_load_idx %arg11[%broadcast_in_dim3A_1526, %min3A_1521] : memref<4x8192xf32, #tpu.memory_space<vmem>>[vector<16xi32>, vector<16xi32>], vector<16xf32>,
      tpu.vector_store_idx %arg12[%broadcast_in_dim3A_1526, %add3A_1525], %gather3A_1527 masked %and3A_1515 : memref<4x4096xf32, #tpu.memory_space<vmem>>[vector<16xi32>, vector<16xi32>], vector<16xf32>, vector<16xi1>
      %broadcast_in_dim3A_1528 = arith.constant 1 : i32
      %broadcast_in_dim3A_1529 = vector.broadcast %broadcast_in_dim3A_1528 : i32 to vector<16xi32>
      %gather3A_1530 = tpu.vector_load_idx %arg11[%broadcast_in_dim3A_1529, %min3A_1521] : memref<4x8192xf32, #tpu.memory_space<vmem>>[vector<16xi32>, vector<16xi32>], vector<16xf32>,
      tpu.vector_store_idx %arg12[%broadcast_in_dim3A_1529, %add3A_1525], %gather3A_1530 masked %and3A_1515 : memref<4x4096xf32, #tpu.memory_space<vmem>>[vector<16xi32>, vector<16xi32>], vector<16xf32>, vector<16xi1>
      %broadcast_in_dim3A_1531 = arith.constant 2 : i32
      %broadcast_in_dim3A_1532 = vector.broadcast %broadcast_in_dim3A_1531 : i32 to vector<16xi32>
      %gather3A_1533 = tpu.vector_load_idx %arg11[%broadcast_in_dim3A_1532, %min3A_1521] : memref<4x8192xf32, #tpu.memory_space<vmem>>[vector<16xi32>, vector<16xi32>], vector<16xf32>,
      tpu.vector_store_idx %arg12[%broadcast_in_dim3A_1532, %add3A_1525], %gather3A_1533 masked %and3A_1515 : memref<4x4096xf32, #tpu.memory_space<vmem>>[vector<16xi32>, vector<16xi32>], vector<16xf32>, vector<16xi1>
      %broadcast_in_dim3A_1534 = arith.constant 3 : i32
      %broadcast_in_dim3A_1535 = vector.broadcast %broadcast_in_dim3A_1534 : i32 to vector<16xi32>
      %gather3A_1536 = tpu.vector_load_idx %arg11[%broadcast_in_dim3A_1535, %min3A_1521] : memref<4x8192xf32, #tpu.memory_space<vmem>>[vector<16xi32>, vector<16xi32>], vector<16xf32>,
      tpu.vector_store_idx %arg12[%broadcast_in_dim3A_1535, %add3A_1525], %gather3A_1536 masked %and3A_1515 : memref<4x4096xf32, #tpu.memory_space<vmem>>[vector<16xi32>, vector<16xi32>], vector<16xf32>, vector<16xi1>
      %mul3A_1537 = arith.constant 4 : i32
      %mul3A_1538 = arith.muli %scan3A_1494, %mul3A_1537 : i32
      %add3A_1539 = arith.constant 132 : i32
      %add3A_1540 = arith.addi %add3A_1539, %mul3A_1538 : i32
      %add3A_1541 = arith.constant 1 : i32
      %add3A_1542 = arith.addi %add3A_1540, %add3A_1541 : i32
      %mul3A_1543 = arith.constant 16 : i32
      %mul3A_1544 = arith.muli %add3A_1542, %mul3A_1543 : i32
      %get3A_1545 = arith.index_cast %mul3A_1544 : i32 to index
      %get3A_1546 = tpu.vector_load %arg9[%get3A_1545] {strides = array<i32>} : memref<4096xi32, #tpu.memory_space<vmem>>, vector<16xi32>,
      %sub3A_1547 = arith.constant 0 : i32
      %sub3A_1548 = vector.broadcast %sub3A_1547 : i32 to vector<16xi32>
      %sub3A_1549 = arith.subi %get3A_1546, %sub3A_1548 : vector<16xi32>
      %ge3A_1550 = arith.constant 0 : i32
      %ge3A_1551 = vector.broadcast %ge3A_1550 : i32 to vector<16xi32>
      %ge3A_1552 = arith.cmpi sge, %sub3A_1549, %ge3A_1551 : vector<16xi32>
      %lt3A_1553 = arith.constant 8192 : i32
      %lt3A_1554 = vector.broadcast %lt3A_1553 : i32 to vector<16xi32>
      %lt3A_1555 = arith.cmpi slt, %sub3A_1549, %lt3A_1554 : vector<16xi32>
      %and3A_1556 = arith.andi %ge3A_1552, %lt3A_1555 : vector<16xi1>
      %jit3A_1557 = arith.constant 0 : i32
      %jit3A_1558 = arith.constant 8191 : i32
      %max3A_1559 = vector.broadcast %jit3A_1557 : i32 to vector<16xi32>
      %max3A_1560 = arith.maxsi %max3A_1559, %sub3A_1549 : vector<16xi32>
      %min3A_1561 = vector.broadcast %jit3A_1558 : i32 to vector<16xi32>
      %min3A_1562 = arith.minsi %min3A_1561, %max3A_1560 : vector<16xi32>
      %mul3A_1563 = arith.constant 16 : i32
      %mul3A_1564 = arith.muli %add3A_1542, %mul3A_1563 : i32
      %add3A_1565 = vector.broadcast %mul3A_1564 : i32 to vector<16xi32>
      %add3A_1566 = arith.addi %add3A_1565, %iota3A : vector<16xi32>
      %broadcast_in_dim3A_1567 = arith.constant 0 : i32
      %broadcast_in_dim3A_1568 = vector.broadcast %broadcast_in_dim3A_1567 : i32 to vector<16xi32>
      %gather3A_1569 = tpu.vector_load_idx %arg11[%broadcast_in_dim3A_1568, %min3A_1562] : memref<4x8192xf32, #tpu.memory_space<vmem>>[vector<16xi32>, vector<16xi32>], vector<16xf32>,
      tpu.vector_store_idx %arg12[%broadcast_in_dim3A_1568, %add3A_1566], %gather3A_1569 masked %and3A_1556 : memref<4x4096xf32, #tpu.memory_space<vmem>>[vector<16xi32>, vector<16xi32>], vector<16xf32>, vector<16xi1>
      %broadcast_in_dim3A_1570 = arith.constant 1 : i32
      %broadcast_in_dim3A_1571 = vector.broadcast %broadcast_in_dim3A_1570 : i32 to vector<16xi32>
      %gather3A_1572 = tpu.vector_load_idx %arg11[%broadcast_in_dim3A_1571, %min3A_1562] : memref<4x8192xf32, #tpu.memory_space<vmem>>[vector<16xi32>, vector<16xi32>], vector<16xf32>,
      tpu.vector_store_idx %arg12[%broadcast_in_dim3A_1571, %add3A_1566], %gather3A_1572 masked %and3A_1556 : memref<4x4096xf32, #tpu.memory_space<vmem>>[vector<16xi32>, vector<16xi32>], vector<16xf32>, vector<16xi1>
      %broadcast_in_dim3A_1573 = arith.constant 2 : i32
      %broadcast_in_dim3A_1574 = vector.broadcast %broadcast_in_dim3A_1573 : i32 to vector<16xi32>
      %gather3A_1575 = tpu.vector_load_idx %arg11[%broadcast_in_dim3A_1574, %min3A_1562] : memref<4x8192xf32, #tpu.memory_space<vmem>>[vector<16xi32>, vector<16xi32>], vector<16xf32>,
      tpu.vector_store_idx %arg12[%broadcast_in_dim3A_1574, %add3A_1566], %gather3A_1575 masked %and3A_1556 : memref<4x4096xf32, #tpu.memory_space<vmem>>[vector<16xi32>, vector<16xi32>], vector<16xf32>, vector<16xi1>
      %broadcast_in_dim3A_1576 = arith.constant 3 : i32
      %broadcast_in_dim3A_1577 = vector.broadcast %broadcast_in_dim3A_1576 : i32 to vector<16xi32>
      %gather3A_1578 = tpu.vector_load_idx %arg11[%broadcast_in_dim3A_1577, %min3A_1562] : memref<4x8192xf32, #tpu.memory_space<vmem>>[vector<16xi32>, vector<16xi32>], vector<16xf32>,
      tpu.vector_store_idx %arg12[%broadcast_in_dim3A_1577, %add3A_1566], %gather3A_1578 masked %and3A_1556 : memref<4x4096xf32, #tpu.memory_space<vmem>>[vector<16xi32>, vector<16xi32>], vector<16xf32>, vector<16xi1>
      %mul3A_1579 = arith.constant 4 : i32
      %mul3A_1580 = arith.muli %scan3A_1494, %mul3A_1579 : i32
      %add3A_1581 = arith.constant 132 : i32
      %add3A_1582 = arith.addi %add3A_1581, %mul3A_1580 : i32
      %add3A_1583 = arith.constant 2 : i32
      %add3A_1584 = arith.addi %add3A_1582, %add3A_1583 : i32
      %mul3A_1585 = arith.constant 16 : i32
      %mul3A_1586 = arith.muli %add3A_1584, %mul3A_1585 : i32
      %get3A_1587 = arith.index_cast %mul3A_1586 : i32 to index
      %get3A_1588 = tpu.vector_load %arg9[%get3A_1587] {strides = array<i32>} : memref<4096xi32, #tpu.memory_space<vmem>>, vector<16xi32>,
      %sub3A_1589 = arith.constant 0 : i32
      %sub3A_1590 = vector.broadcast %sub3A_1589 : i32 to vector<16xi32>
      %sub3A_1591 = arith.subi %get3A_1588, %sub3A_1590 : vector<16xi32>
      %ge3A_1592 = arith.constant 0 : i32
      %ge3A_1593 = vector.broadcast %ge3A_1592 : i32 to vector<16xi32>
      %ge3A_1594 = arith.cmpi sge, %sub3A_1591, %ge3A_1593 : vector<16xi32>
      %lt3A_1595 = arith.constant 8192 : i32
      %lt3A_1596 = vector.broadcast %lt3A_1595 : i32 to vector<16xi32>
      %lt3A_1597 = arith.cmpi slt, %sub3A_1591, %lt3A_1596 : vector<16xi32>
      %and3A_1598 = arith.andi %ge3A_1594, %lt3A_1597 : vector<16xi1>
      %jit3A_1599 = arith.constant 0 : i32
      %jit3A_1600 = arith.constant 8191 : i32
      %max3A_1601 = vector.broadcast %jit3A_1599 : i32 to vector<16xi32>
      %max3A_1602 = arith.maxsi %max3A_1601, %sub3A_1591 : vector<16xi32>
      %min3A_1603 = vector.broadcast %jit3A_1600 : i32 to vector<16xi32>
      %min3A_1604 = arith.minsi %min3A_1603, %max3A_1602 : vector<16xi32>
      %mul3A_1605 = arith.constant 16 : i32
      %mul3A_1606 = arith.muli %add3A_1584, %mul3A_1605 : i32
      %add3A_1607 = vector.broadcast %mul3A_1606 : i32 to vector<16xi32>
      %add3A_1608 = arith.addi %add3A_1607, %iota3A : vector<16xi32>
      %broadcast_in_dim3A_1609 = arith.constant 0 : i32
      %broadcast_in_dim3A_1610 = vector.broadcast %broadcast_in_dim3A_1609 : i32 to vector<16xi32>
      %gather3A_1611 = tpu.vector_load_idx %arg11[%broadcast_in_dim3A_1610, %min3A_1604] : memref<4x8192xf32, #tpu.memory_space<vmem>>[vector<16xi32>, vector<16xi32>], vector<16xf32>,
      tpu.vector_store_idx %arg12[%broadcast_in_dim3A_1610, %add3A_1608], %gather3A_1611 masked %and3A_1598 : memref<4x4096xf32, #tpu.memory_space<vmem>>[vector<16xi32>, vector<16xi32>], vector<16xf32>, vector<16xi1>
      %broadcast_in_dim3A_1612 = arith.constant 1 : i32
      %broadcast_in_dim3A_1613 = vector.broadcast %broadcast_in_dim3A_1612 : i32 to vector<16xi32>
      %gather3A_1614 = tpu.vector_load_idx %arg11[%broadcast_in_dim3A_1613, %min3A_1604] : memref<4x8192xf32, #tpu.memory_space<vmem>>[vector<16xi32>, vector<16xi32>], vector<16xf32>,
      tpu.vector_store_idx %arg12[%broadcast_in_dim3A_1613, %add3A_1608], %gather3A_1614 masked %and3A_1598 : memref<4x4096xf32, #tpu.memory_space<vmem>>[vector<16xi32>, vector<16xi32>], vector<16xf32>, vector<16xi1>
      %broadcast_in_dim3A_1615 = arith.constant 2 : i32
      %broadcast_in_dim3A_1616 = vector.broadcast %broadcast_in_dim3A_1615 : i32 to vector<16xi32>
      %gather3A_1617 = tpu.vector_load_idx %arg11[%broadcast_in_dim3A_1616, %min3A_1604] : memref<4x8192xf32, #tpu.memory_space<vmem>>[vector<16xi32>, vector<16xi32>], vector<16xf32>,
      tpu.vector_store_idx %arg12[%broadcast_in_dim3A_1616, %add3A_1608], %gather3A_1617 masked %and3A_1598 : memref<4x4096xf32, #tpu.memory_space<vmem>>[vector<16xi32>, vector<16xi32>], vector<16xf32>, vector<16xi1>
      %broadcast_in_dim3A_1618 = arith.constant 3 : i32
      %broadcast_in_dim3A_1619 = vector.broadcast %broadcast_in_dim3A_1618 : i32 to vector<16xi32>
      %gather3A_1620 = tpu.vector_load_idx %arg11[%broadcast_in_dim3A_1619, %min3A_1604] : memref<4x8192xf32, #tpu.memory_space<vmem>>[vector<16xi32>, vector<16xi32>], vector<16xf32>,
      tpu.vector_store_idx %arg12[%broadcast_in_dim3A_1619, %add3A_1608], %gather3A_1620 masked %and3A_1598 : memref<4x4096xf32, #tpu.memory_space<vmem>>[vector<16xi32>, vector<16xi32>], vector<16xf32>, vector<16xi1>
      %mul3A_1621 = arith.constant 4 : i32
      %mul3A_1622 = arith.muli %scan3A_1494, %mul3A_1621 : i32
      %add3A_1623 = arith.constant 132 : i32
      %add3A_1624 = arith.addi %add3A_1623, %mul3A_1622 : i32
      %add3A_1625 = arith.constant 3 : i32
      %add3A_1626 = arith.addi %add3A_1624, %add3A_1625 : i32
      %mul3A_1627 = arith.constant 16 : i32
      %mul3A_1628 = arith.muli %add3A_1626, %mul3A_1627 : i32
      %get3A_1629 = arith.index_cast %mul3A_1628 : i32 to index
      %get3A_1630 = tpu.vector_load %arg9[%get3A_1629] {strides = array<i32>} : memref<4096xi32, #tpu.memory_space<vmem>>, vector<16xi32>,
      %sub3A_1631 = arith.constant 0 : i32
      %sub3A_1632 = vector.broadcast %sub3A_1631 : i32 to vector<16xi32>
      %sub3A_1633 = arith.subi %get3A_1630, %sub3A_1632 : vector<16xi32>
      %ge3A_1634 = arith.constant 0 : i32
      %ge3A_1635 = vector.broadcast %ge3A_1634 : i32 to vector<16xi32>
      %ge3A_1636 = arith.cmpi sge, %sub3A_1633, %ge3A_1635 : vector<16xi32>
      %lt3A_1637 = arith.constant 8192 : i32
      %lt3A_1638 = vector.broadcast %lt3A_1637 : i32 to vector<16xi32>
      %lt3A_1639 = arith.cmpi slt, %sub3A_1633, %lt3A_1638 : vector<16xi32>
      %and3A_1640 = arith.andi %ge3A_1636, %lt3A_1639 : vector<16xi1>
      %jit3A_1641 = arith.constant 0 : i32
      %jit3A_1642 = arith.constant 8191 : i32
      %max3A_1643 = vector.broadcast %jit3A_1641 : i32 to vector<16xi32>
      %max3A_1644 = arith.maxsi %max3A_1643, %sub3A_1633 : vector<16xi32>
      %min3A_1645 = vector.broadcast %jit3A_1642 : i32 to vector<16xi32>
      %min3A_1646 = arith.minsi %min3A_1645, %max3A_1644 : vector<16xi32>
      %mul3A_1647 = arith.constant 16 : i32
      %mul3A_1648 = arith.muli %add3A_1626, %mul3A_1647 : i32
      %add3A_1649 = vector.broadcast %mul3A_1648 : i32 to vector<16xi32>
      %add3A_1650 = arith.addi %add3A_1649, %iota3A : vector<16xi32>
      %broadcast_in_dim3A_1651 = arith.constant 0 : i32
      %broadcast_in_dim3A_1652 = vector.broadcast %broadcast_in_dim3A_1651 : i32 to vector<16xi32>
      %gather3A_1653 = tpu.vector_load_idx %arg11[%broadcast_in_dim3A_1652, %min3A_1646] : memref<4x8192xf32, #tpu.memory_space<vmem>>[vector<16xi32>, vector<16xi32>], vector<16xf32>,
      tpu.vector_store_idx %arg12[%broadcast_in_dim3A_1652, %add3A_1650], %gather3A_1653 masked %and3A_1640 : memref<4x4096xf32, #tpu.memory_space<vmem>>[vector<16xi32>, vector<16xi32>], vector<16xf32>, vector<16xi1>
      %broadcast_in_dim3A_1654 = arith.constant 1 : i32
      %broadcast_in_dim3A_1655 = vector.broadcast %broadcast_in_dim3A_1654 : i32 to vector<16xi32>
      %gather3A_1656 = tpu.vector_load_idx %arg11[%broadcast_in_dim3A_1655, %min3A_1646] : memref<4x8192xf32, #tpu.memory_space<vmem>>[vector<16xi32>, vector<16xi32>], vector<16xf32>,
      tpu.vector_store_idx %arg12[%broadcast_in_dim3A_1655, %add3A_1650], %gather3A_1656 masked %and3A_1640 : memref<4x4096xf32, #tpu.memory_space<vmem>>[vector<16xi32>, vector<16xi32>], vector<16xf32>, vector<16xi1>
      %broadcast_in_dim3A_1657 = arith.constant 2 : i32
      %broadcast_in_dim3A_1658 = vector.broadcast %broadcast_in_dim3A_1657 : i32 to vector<16xi32>
      %gather3A_1659 = tpu.vector_load_idx %arg11[%broadcast_in_dim3A_1658, %min3A_1646] : memref<4x8192xf32, #tpu.memory_space<vmem>>[vector<16xi32>, vector<16xi32>], vector<16xf32>,
      tpu.vector_store_idx %arg12[%broadcast_in_dim3A_1658, %add3A_1650], %gather3A_1659 masked %and3A_1640 : memref<4x4096xf32, #tpu.memory_space<vmem>>[vector<16xi32>, vector<16xi32>], vector<16xf32>, vector<16xi1>
      %broadcast_in_dim3A_1660 = arith.constant 3 : i32
      %broadcast_in_dim3A_1661 = vector.broadcast %broadcast_in_dim3A_1660 : i32 to vector<16xi32>
      %gather3A_1662 = tpu.vector_load_idx %arg11[%broadcast_in_dim3A_1661, %min3A_1646] : memref<4x8192xf32, #tpu.memory_space<vmem>>[vector<16xi32>, vector<16xi32>], vector<16xf32>,
      tpu.vector_store_idx %arg12[%broadcast_in_dim3A_1661, %add3A_1650], %gather3A_1662 masked %and3A_1640 : memref<4x4096xf32, #tpu.memory_space<vmem>>[vector<16xi32>, vector<16xi32>], vector<16xf32>, vector<16xi1>
      %scan3A_1663 = arith.constant 0 : i32
      scf.yield %scan3A_1663 : i32
    }
    %scan3A_489 = arith.constant 11 : i32
    %dma_wait3A_490 = arith.constant 3 : i32
    %dma_wait3A_491 = arith.constant 0 : i32
    %dma_wait3A_492 = arith.constant 0 : i32
    %dma_wait3A_493 = arith.constant 0 : i32
    %dma_wait3A_494 = tpu.memref_slice %arg10[%dma_wait3A_490, %dma_wait3A_491, %dma_wait3A_492, %dma_wait3A_493] : memref<4x8x8x256xf32, #tpu.memory_space<vmem>> -> memref<1x8x8x256xf32, #tpu.memory_space<vmem>>
    %dma_wait3A_495 = tpu.memref_squeeze %dma_wait3A_494 : memref<1x8x8x256xf32, #tpu.memory_space<vmem>> -> memref<8x8x256xf32, #tpu.memory_space<vmem>>
    %dma_wait3A_496 = tpu.memref_slice %arg9[%add3A_404] : memref<4096xi32, #tpu.memory_space<vmem>> -> memref<8xi32, #tpu.memory_space<vmem>>
    %dma_wait3A_497 = arith.constant 0 : i32
    %dma_wait3A_498 = arith.constant 0 : i32
    %dma_wait3A_499 = arith.constant 0 : i32
    %dma_wait3A_500 = tpu.memref_slice %arg3[%dma_wait3A_497, %dma_wait3A_498, %dma_wait3A_499] : memref<16384x8x256xf32, #tpu.memory_space<hbm>> -> memref<16384x8x256xf32, #tpu.memory_space<hbm>>
    tpu.wait_indirect_dma semaphore(%arg15 : memref<!tpu.dma_semaphore, #tpu.memory_space<semaphore_mem>>) src(%dma_wait3A_500 : memref<16384x8x256xf32, #tpu.memory_space<hbm>>) dst(%dma_wait3A_495 : memref<8x8x256xf32, #tpu.memory_space<vmem>>)
    %add3A_501 = arith.constant 56 : i32
    %add3A_502 = arith.addi %mul3A_2, %add3A_501 : i32
    %dma_start3A_503 = arith.constant 3 : i32
    %dma_start3A_504 = arith.constant 0 : i32
    %dma_start3A_505 = arith.constant 0 : i32
    %dma_start3A_506 = arith.constant 0 : i32
    %dma_start3A_507 = tpu.memref_slice %arg10[%dma_start3A_503, %dma_start3A_504, %dma_start3A_505, %dma_start3A_506] : memref<4x8x8x256xf32, #tpu.memory_space<vmem>> -> memref<1x8x8x256xf32, #tpu.memory_space<vmem>>
    %dma_start3A_508 = tpu.memref_squeeze %dma_start3A_507 : memref<1x8x8x256xf32, #tpu.memory_space<vmem>> -> memref<8x8x256xf32, #tpu.memory_space<vmem>>
    %dma_start3A_509 = arith.constant 0 : i32
    %dma_start3A_510 = arith.constant 0 : i32
    %dma_start3A_511 = tpu.memref_slice %arg6[%add3A_502, %dma_start3A_509, %dma_start3A_510] : memref<4096x8x256xf32, #tpu.memory_space<hbm>> -> memref<8x8x256xf32, #tpu.memory_space<hbm>>
    %dma_start3A_512 = arith.constant 0 : i32
    %dma_start3A_513 = arith.constant 0 : i32
    %dma_start3A_514 = tpu.memref_slice %arg6[%add3A_502, %dma_start3A_512, %dma_start3A_513] : memref<4096x8x256xf32, #tpu.memory_space<hbm>> -> memref<8x8x256xf32, #tpu.memory_space<hbm>>
    %dma_start3A_515 = arith.constant 0 : i32
    %dma_start3A_516 = arith.constant 0 : i32
    %dma_start3A_517 = arith.constant 0 : i32
    %dma_start3A_518 = tpu.memref_slice %arg10[%dma_start3A_503, %dma_start3A_515, %dma_start3A_516, %dma_start3A_517] : memref<4x8x8x256xf32, #tpu.memory_space<vmem>> -> memref<1x8x8x256xf32, #tpu.memory_space<vmem>>
    %dma_start3A_519 = tpu.memref_squeeze %dma_start3A_518 : memref<1x8x8x256xf32, #tpu.memory_space<vmem>> -> memref<8x8x256xf32, #tpu.memory_space<vmem>>
    tpu.enqueue_dma source(%dma_start3A_519 : memref<8x8x256xf32, #tpu.memory_space<vmem>>) target(%dma_start3A_514 : memref<8x8x256xf32, #tpu.memory_space<hbm>>) target_semaphore(%arg16 : memref<!tpu.dma_semaphore, #tpu.memory_space<semaphore_mem>>)
    %dma_wait3A_520 = arith.constant 1 : i32
    %dma_wait3A_521 = arith.constant 0 : i32
    %dma_wait3A_522 = arith.constant 0 : i32
    %dma_wait3A_523 = arith.constant 0 : i32
    %dma_wait3A_524 = tpu.memref_slice %arg10[%dma_wait3A_520, %dma_wait3A_521, %dma_wait3A_522, %dma_wait3A_523] : memref<4x8x8x256xf32, #tpu.memory_space<vmem>> -> memref<1x8x8x256xf32, #tpu.memory_space<vmem>>
    %dma_wait3A_525 = tpu.memref_squeeze %dma_wait3A_524 : memref<1x8x8x256xf32, #tpu.memory_space<vmem>> -> memref<8x8x256xf32, #tpu.memory_space<vmem>>
    %dma_wait3A_526 = arith.constant 0 : i32
    %dma_wait3A_527 = arith.constant 0 : i32
    %dma_wait3A_528 = tpu.memref_slice %arg6[%add3A_368, %dma_wait3A_526, %dma_wait3A_527] : memref<4096x8x256xf32, #tpu.memory_space<hbm>> -> memref<8x8x256xf32, #tpu.memory_space<hbm>>
    %dma_wait3A_529 = arith.constant 0 : i32
    %dma_wait3A_530 = arith.constant 0 : i32
    %dma_wait3A_531 = tpu.memref_slice %arg6[%add3A_368, %dma_wait3A_529, %dma_wait3A_530] : memref<4096x8x256xf32, #tpu.memory_space<hbm>> -> memref<8x8x256xf32, #tpu.memory_space<hbm>>
    %dma_wait3A_532 = arith.constant 0 : i32
    %dma_wait3A_533 = arith.constant 0 : i32
    %dma_wait3A_534 = arith.constant 0 : i32
    %dma_wait3A_535 = tpu.memref_slice %arg10[%dma_wait3A_520, %dma_wait3A_532, %dma_wait3A_533, %dma_wait3A_534] : memref<4x8x8x256xf32, #tpu.memory_space<vmem>> -> memref<1x8x8x256xf32, #tpu.memory_space<vmem>>
    %dma_wait3A_536 = tpu.memref_squeeze %dma_wait3A_535 : memref<1x8x8x256xf32, #tpu.memory_space<vmem>> -> memref<8x8x256xf32, #tpu.memory_space<vmem>>
    tpu.wait_dma2 semaphore(%arg16 : memref<!tpu.dma_semaphore, #tpu.memory_space<semaphore_mem>>) src(%dma_wait3A_536 : memref<8x8x256xf32, #tpu.memory_space<vmem>>) dst(%dma_wait3A_531 : memref<8x8x256xf32, #tpu.memory_space<hbm>>)
    %add3A_537 = arith.constant 72 : i32
    %add3A_538 = arith.addi %mul3A_2, %add3A_537 : i32
    %dma_start3A_539 = arith.constant 1 : i32
    %dma_start3A_540 = arith.constant 0 : i32
    %dma_start3A_541 = arith.constant 0 : i32
    %dma_start3A_542 = arith.constant 0 : i32
    %dma_start3A_543 = tpu.memref_slice %arg10[%dma_start3A_539, %dma_start3A_540, %dma_start3A_541, %dma_start3A_542] : memref<4x8x8x256xf32, #tpu.memory_space<vmem>> -> memref<1x8x8x256xf32, #tpu.memory_space<vmem>>
    %dma_start3A_544 = tpu.memref_squeeze %dma_start3A_543 : memref<1x8x8x256xf32, #tpu.memory_space<vmem>> -> memref<8x8x256xf32, #tpu.memory_space<vmem>>
    %dma_start3A_545 = tpu.memref_slice %arg9[%add3A_538] : memref<4096xi32, #tpu.memory_space<vmem>> -> memref<8xi32, #tpu.memory_space<vmem>>
    %dma_start3A_546 = arith.constant 0 : i32
    %dma_start3A_547 = arith.constant 0 : i32
    %dma_start3A_548 = arith.constant 0 : i32
    %dma_start3A_549 = tpu.memref_slice %arg3[%dma_start3A_546, %dma_start3A_547, %dma_start3A_548] : memref<16384x8x256xf32, #tpu.memory_space<hbm>> -> memref<16384x8x256xf32, #tpu.memory_space<hbm>>
    tpu.enqueue_indirect_dma source(%dma_start3A_549 : memref<16384x8x256xf32, #tpu.memory_space<hbm>>) target(%dma_start3A_544 : memref<8x8x256xf32, #tpu.memory_space<vmem>>) offsets(%dma_start3A_545 : memref<8xi32, #tpu.memory_space<vmem>>) semaphore(%arg15 : memref<!tpu.dma_semaphore, #tpu.memory_space<semaphore_mem>>)
    %scan3A_550 = arith.constant 0 : i32
    %scan3A_551 = arith.constant 0 : i32
    %scan3A_552 = arith.constant 10 : i32
    %scan3A_553 = arith.addi %scan3A_551, %scan3A_552 : i32
    %scan3A_554 = arith.constant 1 : i32
    %scan3A_555 = scf.for %scan3A_1494 = %scan3A_551 to %scan3A_553 step %scan3A_554 iter_args(%scan3A_1495 = %scan3A_550) -> (i32)  : i32 {
      %mul3A_1496 = arith.constant 4 : i32
      %mul3A_1497 = arith.muli %scan3A_1494, %mul3A_1496 : i32
      %add3A_1498 = arith.constant 176 : i32
      %add3A_1499 = arith.addi %add3A_1498, %mul3A_1497 : i32
      %add3A_1500 = arith.constant 0 : i32
      %add3A_1501 = arith.addi %add3A_1499, %add3A_1500 : i32
      %mul3A_1502 = arith.constant 16 : i32
      %mul3A_1503 = arith.muli %add3A_1501, %mul3A_1502 : i32
      %get3A_1504 = arith.index_cast %mul3A_1503 : i32 to index
      %get3A_1505 = tpu.vector_load %arg9[%get3A_1504] {strides = array<i32>} : memref<4096xi32, #tpu.memory_space<vmem>>, vector<16xi32>,
      %sub3A_1506 = arith.constant 0 : i32
      %sub3A_1507 = vector.broadcast %sub3A_1506 : i32 to vector<16xi32>
      %sub3A_1508 = arith.subi %get3A_1505, %sub3A_1507 : vector<16xi32>
      %ge3A_1509 = arith.constant 0 : i32
      %ge3A_1510 = vector.broadcast %ge3A_1509 : i32 to vector<16xi32>
      %ge3A_1511 = arith.cmpi sge, %sub3A_1508, %ge3A_1510 : vector<16xi32>
      %lt3A_1512 = arith.constant 8192 : i32
      %lt3A_1513 = vector.broadcast %lt3A_1512 : i32 to vector<16xi32>
      %lt3A_1514 = arith.cmpi slt, %sub3A_1508, %lt3A_1513 : vector<16xi32>
      %and3A_1515 = arith.andi %ge3A_1511, %lt3A_1514 : vector<16xi1>
      %jit3A_1516 = arith.constant 0 : i32
      %jit3A_1517 = arith.constant 8191 : i32
      %max3A_1518 = vector.broadcast %jit3A_1516 : i32 to vector<16xi32>
      %max3A_1519 = arith.maxsi %max3A_1518, %sub3A_1508 : vector<16xi32>
      %min3A_1520 = vector.broadcast %jit3A_1517 : i32 to vector<16xi32>
      %min3A_1521 = arith.minsi %min3A_1520, %max3A_1519 : vector<16xi32>
      %mul3A_1522 = arith.constant 16 : i32
      %mul3A_1523 = arith.muli %add3A_1501, %mul3A_1522 : i32
      %add3A_1524 = vector.broadcast %mul3A_1523 : i32 to vector<16xi32>
      %add3A_1525 = arith.addi %add3A_1524, %iota3A : vector<16xi32>
      %broadcast_in_dim3A = arith.constant 0 : i32
      %broadcast_in_dim3A_1526 = vector.broadcast %broadcast_in_dim3A : i32 to vector<16xi32>
      %gather3A_1527 = tpu.vector_load_idx %arg11[%broadcast_in_dim3A_1526, %min3A_1521] : memref<4x8192xf32, #tpu.memory_space<vmem>>[vector<16xi32>, vector<16xi32>], vector<16xf32>,
      tpu.vector_store_idx %arg12[%broadcast_in_dim3A_1526, %add3A_1525], %gather3A_1527 masked %and3A_1515 : memref<4x4096xf32, #tpu.memory_space<vmem>>[vector<16xi32>, vector<16xi32>], vector<16xf32>, vector<16xi1>
      %broadcast_in_dim3A_1528 = arith.constant 1 : i32
      %broadcast_in_dim3A_1529 = vector.broadcast %broadcast_in_dim3A_1528 : i32 to vector<16xi32>
      %gather3A_1530 = tpu.vector_load_idx %arg11[%broadcast_in_dim3A_1529, %min3A_1521] : memref<4x8192xf32, #tpu.memory_space<vmem>>[vector<16xi32>, vector<16xi32>], vector<16xf32>,
      tpu.vector_store_idx %arg12[%broadcast_in_dim3A_1529, %add3A_1525], %gather3A_1530 masked %and3A_1515 : memref<4x4096xf32, #tpu.memory_space<vmem>>[vector<16xi32>, vector<16xi32>], vector<16xf32>, vector<16xi1>
      %broadcast_in_dim3A_1531 = arith.constant 2 : i32
      %broadcast_in_dim3A_1532 = vector.broadcast %broadcast_in_dim3A_1531 : i32 to vector<16xi32>
      %gather3A_1533 = tpu.vector_load_idx %arg11[%broadcast_in_dim3A_1532, %min3A_1521] : memref<4x8192xf32, #tpu.memory_space<vmem>>[vector<16xi32>, vector<16xi32>], vector<16xf32>,
      tpu.vector_store_idx %arg12[%broadcast_in_dim3A_1532, %add3A_1525], %gather3A_1533 masked %and3A_1515 : memref<4x4096xf32, #tpu.memory_space<vmem>>[vector<16xi32>, vector<16xi32>], vector<16xf32>, vector<16xi1>
      %broadcast_in_dim3A_1534 = arith.constant 3 : i32
      %broadcast_in_dim3A_1535 = vector.broadcast %broadcast_in_dim3A_1534 : i32 to vector<16xi32>
      %gather3A_1536 = tpu.vector_load_idx %arg11[%broadcast_in_dim3A_1535, %min3A_1521] : memref<4x8192xf32, #tpu.memory_space<vmem>>[vector<16xi32>, vector<16xi32>], vector<16xf32>,
      tpu.vector_store_idx %arg12[%broadcast_in_dim3A_1535, %add3A_1525], %gather3A_1536 masked %and3A_1515 : memref<4x4096xf32, #tpu.memory_space<vmem>>[vector<16xi32>, vector<16xi32>], vector<16xf32>, vector<16xi1>
      %mul3A_1537 = arith.constant 4 : i32
      %mul3A_1538 = arith.muli %scan3A_1494, %mul3A_1537 : i32
      %add3A_1539 = arith.constant 176 : i32
      %add3A_1540 = arith.addi %add3A_1539, %mul3A_1538 : i32
      %add3A_1541 = arith.constant 1 : i32
      %add3A_1542 = arith.addi %add3A_1540, %add3A_1541 : i32
      %mul3A_1543 = arith.constant 16 : i32
      %mul3A_1544 = arith.muli %add3A_1542, %mul3A_1543 : i32
      %get3A_1545 = arith.index_cast %mul3A_1544 : i32 to index
      %get3A_1546 = tpu.vector_load %arg9[%get3A_1545] {strides = array<i32>} : memref<4096xi32, #tpu.memory_space<vmem>>, vector<16xi32>,
      %sub3A_1547 = arith.constant 0 : i32
      %sub3A_1548 = vector.broadcast %sub3A_1547 : i32 to vector<16xi32>
      %sub3A_1549 = arith.subi %get3A_1546, %sub3A_1548 : vector<16xi32>
      %ge3A_1550 = arith.constant 0 : i32
      %ge3A_1551 = vector.broadcast %ge3A_1550 : i32 to vector<16xi32>
      %ge3A_1552 = arith.cmpi sge, %sub3A_1549, %ge3A_1551 : vector<16xi32>
      %lt3A_1553 = arith.constant 8192 : i32
      %lt3A_1554 = vector.broadcast %lt3A_1553 : i32 to vector<16xi32>
      %lt3A_1555 = arith.cmpi slt, %sub3A_1549, %lt3A_1554 : vector<16xi32>
      %and3A_1556 = arith.andi %ge3A_1552, %lt3A_1555 : vector<16xi1>
      %jit3A_1557 = arith.constant 0 : i32
      %jit3A_1558 = arith.constant 8191 : i32
      %max3A_1559 = vector.broadcast %jit3A_1557 : i32 to vector<16xi32>
      %max3A_1560 = arith.maxsi %max3A_1559, %sub3A_1549 : vector<16xi32>
      %min3A_1561 = vector.broadcast %jit3A_1558 : i32 to vector<16xi32>
      %min3A_1562 = arith.minsi %min3A_1561, %max3A_1560 : vector<16xi32>
      %mul3A_1563 = arith.constant 16 : i32
      %mul3A_1564 = arith.muli %add3A_1542, %mul3A_1563 : i32
      %add3A_1565 = vector.broadcast %mul3A_1564 : i32 to vector<16xi32>
      %add3A_1566 = arith.addi %add3A_1565, %iota3A : vector<16xi32>
      %broadcast_in_dim3A_1567 = arith.constant 0 : i32
      %broadcast_in_dim3A_1568 = vector.broadcast %broadcast_in_dim3A_1567 : i32 to vector<16xi32>
      %gather3A_1569 = tpu.vector_load_idx %arg11[%broadcast_in_dim3A_1568, %min3A_1562] : memref<4x8192xf32, #tpu.memory_space<vmem>>[vector<16xi32>, vector<16xi32>], vector<16xf32>,
      tpu.vector_store_idx %arg12[%broadcast_in_dim3A_1568, %add3A_1566], %gather3A_1569 masked %and3A_1556 : memref<4x4096xf32, #tpu.memory_space<vmem>>[vector<16xi32>, vector<16xi32>], vector<16xf32>, vector<16xi1>
      %broadcast_in_dim3A_1570 = arith.constant 1 : i32
      %broadcast_in_dim3A_1571 = vector.broadcast %broadcast_in_dim3A_1570 : i32 to vector<16xi32>
      %gather3A_1572 = tpu.vector_load_idx %arg11[%broadcast_in_dim3A_1571, %min3A_1562] : memref<4x8192xf32, #tpu.memory_space<vmem>>[vector<16xi32>, vector<16xi32>], vector<16xf32>,
      tpu.vector_store_idx %arg12[%broadcast_in_dim3A_1571, %add3A_1566], %gather3A_1572 masked %and3A_1556 : memref<4x4096xf32, #tpu.memory_space<vmem>>[vector<16xi32>, vector<16xi32>], vector<16xf32>, vector<16xi1>
      %broadcast_in_dim3A_1573 = arith.constant 2 : i32
      %broadcast_in_dim3A_1574 = vector.broadcast %broadcast_in_dim3A_1573 : i32 to vector<16xi32>
      %gather3A_1575 = tpu.vector_load_idx %arg11[%broadcast_in_dim3A_1574, %min3A_1562] : memref<4x8192xf32, #tpu.memory_space<vmem>>[vector<16xi32>, vector<16xi32>], vector<16xf32>,
      tpu.vector_store_idx %arg12[%broadcast_in_dim3A_1574, %add3A_1566], %gather3A_1575 masked %and3A_1556 : memref<4x4096xf32, #tpu.memory_space<vmem>>[vector<16xi32>, vector<16xi32>], vector<16xf32>, vector<16xi1>
      %broadcast_in_dim3A_1576 = arith.constant 3 : i32
      %broadcast_in_dim3A_1577 = vector.broadcast %broadcast_in_dim3A_1576 : i32 to vector<16xi32>
      %gather3A_1578 = tpu.vector_load_idx %arg11[%broadcast_in_dim3A_1577, %min3A_1562] : memref<4x8192xf32, #tpu.memory_space<vmem>>[vector<16xi32>, vector<16xi32>], vector<16xf32>,
      tpu.vector_store_idx %arg12[%broadcast_in_dim3A_1577, %add3A_1566], %gather3A_1578 masked %and3A_1556 : memref<4x4096xf32, #tpu.memory_space<vmem>>[vector<16xi32>, vector<16xi32>], vector<16xf32>, vector<16xi1>
      %mul3A_1579 = arith.constant 4 : i32
      %mul3A_1580 = arith.muli %scan3A_1494, %mul3A_1579 : i32
      %add3A_1581 = arith.constant 176 : i32
      %add3A_1582 = arith.addi %add3A_1581, %mul3A_1580 : i32
      %add3A_1583 = arith.constant 2 : i32
      %add3A_1584 = arith.addi %add3A_1582, %add3A_1583 : i32
      %mul3A_1585 = arith.constant 16 : i32
      %mul3A_1586 = arith.muli %add3A_1584, %mul3A_1585 : i32
      %get3A_1587 = arith.index_cast %mul3A_1586 : i32 to index
      %get3A_1588 = tpu.vector_load %arg9[%get3A_1587] {strides = array<i32>} : memref<4096xi32, #tpu.memory_space<vmem>>, vector<16xi32>,
      %sub3A_1589 = arith.constant 0 : i32
      %sub3A_1590 = vector.broadcast %sub3A_1589 : i32 to vector<16xi32>
      %sub3A_1591 = arith.subi %get3A_1588, %sub3A_1590 : vector<16xi32>
      %ge3A_1592 = arith.constant 0 : i32
      %ge3A_1593 = vector.broadcast %ge3A_1592 : i32 to vector<16xi32>
      %ge3A_1594 = arith.cmpi sge, %sub3A_1591, %ge3A_1593 : vector<16xi32>
      %lt3A_1595 = arith.constant 8192 : i32
      %lt3A_1596 = vector.broadcast %lt3A_1595 : i32 to vector<16xi32>
      %lt3A_1597 = arith.cmpi slt, %sub3A_1591, %lt3A_1596 : vector<16xi32>
      %and3A_1598 = arith.andi %ge3A_1594, %lt3A_1597 : vector<16xi1>
      %jit3A_1599 = arith.constant 0 : i32
      %jit3A_1600 = arith.constant 8191 : i32
      %max3A_1601 = vector.broadcast %jit3A_1599 : i32 to vector<16xi32>
      %max3A_1602 = arith.maxsi %max3A_1601, %sub3A_1591 : vector<16xi32>
      %min3A_1603 = vector.broadcast %jit3A_1600 : i32 to vector<16xi32>
      %min3A_1604 = arith.minsi %min3A_1603, %max3A_1602 : vector<16xi32>
      %mul3A_1605 = arith.constant 16 : i32
      %mul3A_1606 = arith.muli %add3A_1584, %mul3A_1605 : i32
      %add3A_1607 = vector.broadcast %mul3A_1606 : i32 to vector<16xi32>
      %add3A_1608 = arith.addi %add3A_1607, %iota3A : vector<16xi32>
      %broadcast_in_dim3A_1609 = arith.constant 0 : i32
      %broadcast_in_dim3A_1610 = vector.broadcast %broadcast_in_dim3A_1609 : i32 to vector<16xi32>
      %gather3A_1611 = tpu.vector_load_idx %arg11[%broadcast_in_dim3A_1610, %min3A_1604] : memref<4x8192xf32, #tpu.memory_space<vmem>>[vector<16xi32>, vector<16xi32>], vector<16xf32>,
      tpu.vector_store_idx %arg12[%broadcast_in_dim3A_1610, %add3A_1608], %gather3A_1611 masked %and3A_1598 : memref<4x4096xf32, #tpu.memory_space<vmem>>[vector<16xi32>, vector<16xi32>], vector<16xf32>, vector<16xi1>
      %broadcast_in_dim3A_1612 = arith.constant 1 : i32
      %broadcast_in_dim3A_1613 = vector.broadcast %broadcast_in_dim3A_1612 : i32 to vector<16xi32>
      %gather3A_1614 = tpu.vector_load_idx %arg11[%broadcast_in_dim3A_1613, %min3A_1604] : memref<4x8192xf32, #tpu.memory_space<vmem>>[vector<16xi32>, vector<16xi32>], vector<16xf32>,
      tpu.vector_store_idx %arg12[%broadcast_in_dim3A_1613, %add3A_1608], %gather3A_1614 masked %and3A_1598 : memref<4x4096xf32, #tpu.memory_space<vmem>>[vector<16xi32>, vector<16xi32>], vector<16xf32>, vector<16xi1>
      %broadcast_in_dim3A_1615 = arith.constant 2 : i32
      %broadcast_in_dim3A_1616 = vector.broadcast %broadcast_in_dim3A_1615 : i32 to vector<16xi32>
      %gather3A_1617 = tpu.vector_load_idx %arg11[%broadcast_in_dim3A_1616, %min3A_1604] : memref<4x8192xf32, #tpu.memory_space<vmem>>[vector<16xi32>, vector<16xi32>], vector<16xf32>,
      tpu.vector_store_idx %arg12[%broadcast_in_dim3A_1616, %add3A_1608], %gather3A_1617 masked %and3A_1598 : memref<4x4096xf32, #tpu.memory_space<vmem>>[vector<16xi32>, vector<16xi32>], vector<16xf32>, vector<16xi1>
      %broadcast_in_dim3A_1618 = arith.constant 3 : i32
      %broadcast_in_dim3A_1619 = vector.broadcast %broadcast_in_dim3A_1618 : i32 to vector<16xi32>
      %gather3A_1620 = tpu.vector_load_idx %arg11[%broadcast_in_dim3A_1619, %min3A_1604] : memref<4x8192xf32, #tpu.memory_space<vmem>>[vector<16xi32>, vector<16xi32>], vector<16xf32>,
      tpu.vector_store_idx %arg12[%broadcast_in_dim3A_1619, %add3A_1608], %gather3A_1620 masked %and3A_1598 : memref<4x4096xf32, #tpu.memory_space<vmem>>[vector<16xi32>, vector<16xi32>], vector<16xf32>, vector<16xi1>
      %mul3A_1621 = arith.constant 4 : i32
      %mul3A_1622 = arith.muli %scan3A_1494, %mul3A_1621 : i32
      %add3A_1623 = arith.constant 176 : i32
      %add3A_1624 = arith.addi %add3A_1623, %mul3A_1622 : i32
      %add3A_1625 = arith.constant 3 : i32
      %add3A_1626 = arith.addi %add3A_1624, %add3A_1625 : i32
      %mul3A_1627 = arith.constant 16 : i32
      %mul3A_1628 = arith.muli %add3A_1626, %mul3A_1627 : i32
      %get3A_1629 = arith.index_cast %mul3A_1628 : i32 to index
      %get3A_1630 = tpu.vector_load %arg9[%get3A_1629] {strides = array<i32>} : memref<4096xi32, #tpu.memory_space<vmem>>, vector<16xi32>,
      %sub3A_1631 = arith.constant 0 : i32
      %sub3A_1632 = vector.broadcast %sub3A_1631 : i32 to vector<16xi32>
      %sub3A_1633 = arith.subi %get3A_1630, %sub3A_1632 : vector<16xi32>
      %ge3A_1634 = arith.constant 0 : i32
      %ge3A_1635 = vector.broadcast %ge3A_1634 : i32 to vector<16xi32>
      %ge3A_1636 = arith.cmpi sge, %sub3A_1633, %ge3A_1635 : vector<16xi32>
      %lt3A_1637 = arith.constant 8192 : i32
      %lt3A_1638 = vector.broadcast %lt3A_1637 : i32 to vector<16xi32>
      %lt3A_1639 = arith.cmpi slt, %sub3A_1633, %lt3A_1638 : vector<16xi32>
      %and3A_1640 = arith.andi %ge3A_1636, %lt3A_1639 : vector<16xi1>
      %jit3A_1641 = arith.constant 0 : i32
      %jit3A_1642 = arith.constant 8191 : i32
      %max3A_1643 = vector.broadcast %jit3A_1641 : i32 to vector<16xi32>
      %max3A_1644 = arith.maxsi %max3A_1643, %sub3A_1633 : vector<16xi32>
      %min3A_1645 = vector.broadcast %jit3A_1642 : i32 to vector<16xi32>
      %min3A_1646 = arith.minsi %min3A_1645, %max3A_1644 : vector<16xi32>
      %mul3A_1647 = arith.constant 16 : i32
      %mul3A_1648 = arith.muli %add3A_1626, %mul3A_1647 : i32
      %add3A_1649 = vector.broadcast %mul3A_1648 : i32 to vector<16xi32>
      %add3A_1650 = arith.addi %add3A_1649, %iota3A : vector<16xi32>
      %broadcast_in_dim3A_1651 = arith.constant 0 : i32
      %broadcast_in_dim3A_1652 = vector.broadcast %broadcast_in_dim3A_1651 : i32 to vector<16xi32>
      %gather3A_1653 = tpu.vector_load_idx %arg11[%broadcast_in_dim3A_1652, %min3A_1646] : memref<4x8192xf32, #tpu.memory_space<vmem>>[vector<16xi32>, vector<16xi32>], vector<16xf32>,
      tpu.vector_store_idx %arg12[%broadcast_in_dim3A_1652, %add3A_1650], %gather3A_1653 masked %and3A_1640 : memref<4x4096xf32, #tpu.memory_space<vmem>>[vector<16xi32>, vector<16xi32>], vector<16xf32>, vector<16xi1>
      %broadcast_in_dim3A_1654 = arith.constant 1 : i32
      %broadcast_in_dim3A_1655 = vector.broadcast %broadcast_in_dim3A_1654 : i32 to vector<16xi32>
      %gather3A_1656 = tpu.vector_load_idx %arg11[%broadcast_in_dim3A_1655, %min3A_1646] : memref<4x8192xf32, #tpu.memory_space<vmem>>[vector<16xi32>, vector<16xi32>], vector<16xf32>,
      tpu.vector_store_idx %arg12[%broadcast_in_dim3A_1655, %add3A_1650], %gather3A_1656 masked %and3A_1640 : memref<4x4096xf32, #tpu.memory_space<vmem>>[vector<16xi32>, vector<16xi32>], vector<16xf32>, vector<16xi1>
      %broadcast_in_dim3A_1657 = arith.constant 2 : i32
      %broadcast_in_dim3A_1658 = vector.broadcast %broadcast_in_dim3A_1657 : i32 to vector<16xi32>
      %gather3A_1659 = tpu.vector_load_idx %arg11[%broadcast_in_dim3A_1658, %min3A_1646] : memref<4x8192xf32, #tpu.memory_space<vmem>>[vector<16xi32>, vector<16xi32>], vector<16xf32>,
      tpu.vector_store_idx %arg12[%broadcast_in_dim3A_1658, %add3A_1650], %gather3A_1659 masked %and3A_1640 : memref<4x4096xf32, #tpu.memory_space<vmem>>[vector<16xi32>, vector<16xi32>], vector<16xf32>, vector<16xi1>
      %broadcast_in_dim3A_1660 = arith.constant 3 : i32
      %broadcast_in_dim3A_1661 = vector.broadcast %broadcast_in_dim3A_1660 : i32 to vector<16xi32>
      %gather3A_1662 = tpu.vector_load_idx %arg11[%broadcast_in_dim3A_1661, %min3A_1646] : memref<4x8192xf32, #tpu.memory_space<vmem>>[vector<16xi32>, vector<16xi32>], vector<16xf32>,
      tpu.vector_store_idx %arg12[%broadcast_in_dim3A_1661, %add3A_1650], %gather3A_1662 masked %and3A_1640 : memref<4x4096xf32, #tpu.memory_space<vmem>>[vector<16xi32>, vector<16xi32>], vector<16xf32>, vector<16xi1>
      %scan3A_1663 = arith.constant 0 : i32
      scf.yield %scan3A_1663 : i32
    }
    %scan3A_556 = arith.constant 10 : i32
    %dma_wait3A_557 = arith.constant 0 : i32
    %dma_wait3A_558 = arith.constant 0 : i32
    %dma_wait3A_559 = arith.constant 0 : i32
    %dma_wait3A_560 = arith.constant 0 : i32
    %dma_wait3A_561 = tpu.memref_slice %arg10[%dma_wait3A_557, %dma_wait3A_558, %dma_wait3A_559, %dma_wait3A_560] : memref<4x8x8x256xf32, #tpu.memory_space<vmem>> -> memref<1x8x8x256xf32, #tpu.memory_space<vmem>>
    %dma_wait3A_562 = tpu.memref_squeeze %dma_wait3A_561 : memref<1x8x8x256xf32, #tpu.memory_space<vmem>> -> memref<8x8x256xf32, #tpu.memory_space<vmem>>
    %dma_wait3A_563 = tpu.memref_slice %arg9[%add3A_471] : memref<4096xi32, #tpu.memory_space<vmem>> -> memref<8xi32, #tpu.memory_space<vmem>>
    %dma_wait3A_564 = arith.constant 0 : i32
    %dma_wait3A_565 = arith.constant 0 : i32
    %dma_wait3A_566 = arith.constant 0 : i32
    %dma_wait3A_567 = tpu.memref_slice %arg3[%dma_wait3A_564, %dma_wait3A_565, %dma_wait3A_566] : memref<16384x8x256xf32, #tpu.memory_space<hbm>> -> memref<16384x8x256xf32, #tpu.memory_space<hbm>>
    tpu.wait_indirect_dma semaphore(%arg15 : memref<!tpu.dma_semaphore, #tpu.memory_space<semaphore_mem>>) src(%dma_wait3A_567 : memref<16384x8x256xf32, #tpu.memory_space<hbm>>) dst(%dma_wait3A_562 : memref<8x8x256xf32, #tpu.memory_space<vmem>>)
    %add3A_568 = arith.constant 64 : i32
    %add3A_569 = arith.addi %mul3A_2, %add3A_568 : i32
    %dma_start3A_570 = arith.constant 0 : i32
    %dma_start3A_571 = arith.constant 0 : i32
    %dma_start3A_572 = arith.constant 0 : i32
    %dma_start3A_573 = arith.constant 0 : i32
    %dma_start3A_574 = tpu.memref_slice %arg10[%dma_start3A_570, %dma_start3A_571, %dma_start3A_572, %dma_start3A_573] : memref<4x8x8x256xf32, #tpu.memory_space<vmem>> -> memref<1x8x8x256xf32, #tpu.memory_space<vmem>>
    %dma_start3A_575 = tpu.memref_squeeze %dma_start3A_574 : memref<1x8x8x256xf32, #tpu.memory_space<vmem>> -> memref<8x8x256xf32, #tpu.memory_space<vmem>>
    %dma_start3A_576 = arith.constant 0 : i32
    %dma_start3A_577 = arith.constant 0 : i32
    %dma_start3A_578 = tpu.memref_slice %arg6[%add3A_569, %dma_start3A_576, %dma_start3A_577] : memref<4096x8x256xf32, #tpu.memory_space<hbm>> -> memref<8x8x256xf32, #tpu.memory_space<hbm>>
    %dma_start3A_579 = arith.constant 0 : i32
    %dma_start3A_580 = arith.constant 0 : i32
    %dma_start3A_581 = tpu.memref_slice %arg6[%add3A_569, %dma_start3A_579, %dma_start3A_580] : memref<4096x8x256xf32, #tpu.memory_space<hbm>> -> memref<8x8x256xf32, #tpu.memory_space<hbm>>
    %dma_start3A_582 = arith.constant 0 : i32
    %dma_start3A_583 = arith.constant 0 : i32
    %dma_start3A_584 = arith.constant 0 : i32
    %dma_start3A_585 = tpu.memref_slice %arg10[%dma_start3A_570, %dma_start3A_582, %dma_start3A_583, %dma_start3A_584] : memref<4x8x8x256xf32, #tpu.memory_space<vmem>> -> memref<1x8x8x256xf32, #tpu.memory_space<vmem>>
    %dma_start3A_586 = tpu.memref_squeeze %dma_start3A_585 : memref<1x8x8x256xf32, #tpu.memory_space<vmem>> -> memref<8x8x256xf32, #tpu.memory_space<vmem>>
    tpu.enqueue_dma source(%dma_start3A_586 : memref<8x8x256xf32, #tpu.memory_space<vmem>>) target(%dma_start3A_581 : memref<8x8x256xf32, #tpu.memory_space<hbm>>) target_semaphore(%arg16 : memref<!tpu.dma_semaphore, #tpu.memory_space<semaphore_mem>>)
    %dma_wait3A_587 = arith.constant 2 : i32
    %dma_wait3A_588 = arith.constant 0 : i32
    %dma_wait3A_589 = arith.constant 0 : i32
    %dma_wait3A_590 = arith.constant 0 : i32
    %dma_wait3A_591 = tpu.memref_slice %arg10[%dma_wait3A_587, %dma_wait3A_588, %dma_wait3A_589, %dma_wait3A_590] : memref<4x8x8x256xf32, #tpu.memory_space<vmem>> -> memref<1x8x8x256xf32, #tpu.memory_space<vmem>>
    %dma_wait3A_592 = tpu.memref_squeeze %dma_wait3A_591 : memref<1x8x8x256xf32, #tpu.memory_space<vmem>> -> memref<8x8x256xf32, #tpu.memory_space<vmem>>
    %dma_wait3A_593 = arith.constant 0 : i32
    %dma_wait3A_594 = arith.constant 0 : i32
    %dma_wait3A_595 = tpu.memref_slice %arg6[%add3A_435, %dma_wait3A_593, %dma_wait3A_594] : memref<4096x8x256xf32, #tpu.memory_space<hbm>> -> memref<8x8x256xf32, #tpu.memory_space<hbm>>
    %dma_wait3A_596 = arith.constant 0 : i32
    %dma_wait3A_597 = arith.constant 0 : i32
    %dma_wait3A_598 = tpu.memref_slice %arg6[%add3A_435, %dma_wait3A_596, %dma_wait3A_597] : memref<4096x8x256xf32, #tpu.memory_space<hbm>> -> memref<8x8x256xf32, #tpu.memory_space<hbm>>
    %dma_wait3A_599 = arith.constant 0 : i32
    %dma_wait3A_600 = arith.constant 0 : i32
    %dma_wait3A_601 = arith.constant 0 : i32
    %dma_wait3A_602 = tpu.memref_slice %arg10[%dma_wait3A_587, %dma_wait3A_599, %dma_wait3A_600, %dma_wait3A_601] : memref<4x8x8x256xf32, #tpu.memory_space<vmem>> -> memref<1x8x8x256xf32, #tpu.memory_space<vmem>>
    %dma_wait3A_603 = tpu.memref_squeeze %dma_wait3A_602 : memref<1x8x8x256xf32, #tpu.memory_space<vmem>> -> memref<8x8x256xf32, #tpu.memory_space<vmem>>
    tpu.wait_dma2 semaphore(%arg16 : memref<!tpu.dma_semaphore, #tpu.memory_space<semaphore_mem>>) src(%dma_wait3A_603 : memref<8x8x256xf32, #tpu.memory_space<vmem>>) dst(%dma_wait3A_598 : memref<8x8x256xf32, #tpu.memory_space<hbm>>)
    %add3A_604 = arith.constant 80 : i32
    %add3A_605 = arith.addi %mul3A_2, %add3A_604 : i32
    %dma_start3A_606 = arith.constant 2 : i32
    %dma_start3A_607 = arith.constant 0 : i32
    %dma_start3A_608 = arith.constant 0 : i32
    %dma_start3A_609 = arith.constant 0 : i32
    %dma_start3A_610 = tpu.memref_slice %arg10[%dma_start3A_606, %dma_start3A_607, %dma_start3A_608, %dma_start3A_609] : memref<4x8x8x256xf32, #tpu.memory_space<vmem>> -> memref<1x8x8x256xf32, #tpu.memory_space<vmem>>
    %dma_start3A_611 = tpu.memref_squeeze %dma_start3A_610 : memref<1x8x8x256xf32, #tpu.memory_space<vmem>> -> memref<8x8x256xf32, #tpu.memory_space<vmem>>
    %dma_start3A_612 = tpu.memref_slice %arg9[%add3A_605] : memref<4096xi32, #tpu.memory_space<vmem>> -> memref<8xi32, #tpu.memory_space<vmem>>
    %dma_start3A_613 = arith.constant 0 : i32
    %dma_start3A_614 = arith.constant 0 : i32
    %dma_start3A_615 = arith.constant 0 : i32
    %dma_start3A_616 = tpu.memref_slice %arg3[%dma_start3A_613, %dma_start3A_614, %dma_start3A_615] : memref<16384x8x256xf32, #tpu.memory_space<hbm>> -> memref<16384x8x256xf32, #tpu.memory_space<hbm>>
    tpu.enqueue_indirect_dma source(%dma_start3A_616 : memref<16384x8x256xf32, #tpu.memory_space<hbm>>) target(%dma_start3A_611 : memref<8x8x256xf32, #tpu.memory_space<vmem>>) offsets(%dma_start3A_612 : memref<8xi32, #tpu.memory_space<vmem>>) semaphore(%arg15 : memref<!tpu.dma_semaphore, #tpu.memory_space<semaphore_mem>>)
    %scan3A_617 = arith.constant 0 : i32
    %scan3A_618 = arith.constant 0 : i32
    %scan3A_619 = arith.constant 10 : i32
    %scan3A_620 = arith.addi %scan3A_618, %scan3A_619 : i32
    %scan3A_621 = arith.constant 1 : i32
    %scan3A_622 = scf.for %scan3A_1494 = %scan3A_618 to %scan3A_620 step %scan3A_621 iter_args(%scan3A_1495 = %scan3A_617) -> (i32)  : i32 {
      %mul3A_1496 = arith.constant 4 : i32
      %mul3A_1497 = arith.muli %scan3A_1494, %mul3A_1496 : i32
      %add3A_1498 = arith.constant 216 : i32
      %add3A_1499 = arith.addi %add3A_1498, %mul3A_1497 : i32
      %add3A_1500 = arith.constant 0 : i32
      %add3A_1501 = arith.addi %add3A_1499, %add3A_1500 : i32
      %mul3A_1502 = arith.constant 16 : i32
      %mul3A_1503 = arith.muli %add3A_1501, %mul3A_1502 : i32
      %get3A_1504 = arith.index_cast %mul3A_1503 : i32 to index
      %get3A_1505 = tpu.vector_load %arg9[%get3A_1504] {strides = array<i32>} : memref<4096xi32, #tpu.memory_space<vmem>>, vector<16xi32>,
      %sub3A_1506 = arith.constant 0 : i32
      %sub3A_1507 = vector.broadcast %sub3A_1506 : i32 to vector<16xi32>
      %sub3A_1508 = arith.subi %get3A_1505, %sub3A_1507 : vector<16xi32>
      %ge3A_1509 = arith.constant 0 : i32
      %ge3A_1510 = vector.broadcast %ge3A_1509 : i32 to vector<16xi32>
      %ge3A_1511 = arith.cmpi sge, %sub3A_1508, %ge3A_1510 : vector<16xi32>
      %lt3A_1512 = arith.constant 8192 : i32
      %lt3A_1513 = vector.broadcast %lt3A_1512 : i32 to vector<16xi32>
      %lt3A_1514 = arith.cmpi slt, %sub3A_1508, %lt3A_1513 : vector<16xi32>
      %and3A_1515 = arith.andi %ge3A_1511, %lt3A_1514 : vector<16xi1>
      %jit3A_1516 = arith.constant 0 : i32
      %jit3A_1517 = arith.constant 8191 : i32
      %max3A_1518 = vector.broadcast %jit3A_1516 : i32 to vector<16xi32>
      %max3A_1519 = arith.maxsi %max3A_1518, %sub3A_1508 : vector<16xi32>
      %min3A_1520 = vector.broadcast %jit3A_1517 : i32 to vector<16xi32>
      %min3A_1521 = arith.minsi %min3A_1520, %max3A_1519 : vector<16xi32>
      %mul3A_1522 = arith.constant 16 : i32
      %mul3A_1523 = arith.muli %add3A_1501, %mul3A_1522 : i32
      %add3A_1524 = vector.broadcast %mul3A_1523 : i32 to vector<16xi32>
      %add3A_1525 = arith.addi %add3A_1524, %iota3A : vector<16xi32>
      %broadcast_in_dim3A = arith.constant 0 : i32
      %broadcast_in_dim3A_1526 = vector.broadcast %broadcast_in_dim3A : i32 to vector<16xi32>
      %gather3A_1527 = tpu.vector_load_idx %arg11[%broadcast_in_dim3A_1526, %min3A_1521] : memref<4x8192xf32, #tpu.memory_space<vmem>>[vector<16xi32>, vector<16xi32>], vector<16xf32>,
      tpu.vector_store_idx %arg12[%broadcast_in_dim3A_1526, %add3A_1525], %gather3A_1527 masked %and3A_1515 : memref<4x4096xf32, #tpu.memory_space<vmem>>[vector<16xi32>, vector<16xi32>], vector<16xf32>, vector<16xi1>
      %broadcast_in_dim3A_1528 = arith.constant 1 : i32
      %broadcast_in_dim3A_1529 = vector.broadcast %broadcast_in_dim3A_1528 : i32 to vector<16xi32>
      %gather3A_1530 = tpu.vector_load_idx %arg11[%broadcast_in_dim3A_1529, %min3A_1521] : memref<4x8192xf32, #tpu.memory_space<vmem>>[vector<16xi32>, vector<16xi32>], vector<16xf32>,
      tpu.vector_store_idx %arg12[%broadcast_in_dim3A_1529, %add3A_1525], %gather3A_1530 masked %and3A_1515 : memref<4x4096xf32, #tpu.memory_space<vmem>>[vector<16xi32>, vector<16xi32>], vector<16xf32>, vector<16xi1>
      %broadcast_in_dim3A_1531 = arith.constant 2 : i32
      %broadcast_in_dim3A_1532 = vector.broadcast %broadcast_in_dim3A_1531 : i32 to vector<16xi32>
      %gather3A_1533 = tpu.vector_load_idx %arg11[%broadcast_in_dim3A_1532, %min3A_1521] : memref<4x8192xf32, #tpu.memory_space<vmem>>[vector<16xi32>, vector<16xi32>], vector<16xf32>,
      tpu.vector_store_idx %arg12[%broadcast_in_dim3A_1532, %add3A_1525], %gather3A_1533 masked %and3A_1515 : memref<4x4096xf32, #tpu.memory_space<vmem>>[vector<16xi32>, vector<16xi32>], vector<16xf32>, vector<16xi1>
      %broadcast_in_dim3A_1534 = arith.constant 3 : i32
      %broadcast_in_dim3A_1535 = vector.broadcast %broadcast_in_dim3A_1534 : i32 to vector<16xi32>
      %gather3A_1536 = tpu.vector_load_idx %arg11[%broadcast_in_dim3A_1535, %min3A_1521] : memref<4x8192xf32, #tpu.memory_space<vmem>>[vector<16xi32>, vector<16xi32>], vector<16xf32>,
      tpu.vector_store_idx %arg12[%broadcast_in_dim3A_1535, %add3A_1525], %gather3A_1536 masked %and3A_1515 : memref<4x4096xf32, #tpu.memory_space<vmem>>[vector<16xi32>, vector<16xi32>], vector<16xf32>, vector<16xi1>
      %mul3A_1537 = arith.constant 4 : i32
      %mul3A_1538 = arith.muli %scan3A_1494, %mul3A_1537 : i32
      %add3A_1539 = arith.constant 216 : i32
      %add3A_1540 = arith.addi %add3A_1539, %mul3A_1538 : i32
      %add3A_1541 = arith.constant 1 : i32
      %add3A_1542 = arith.addi %add3A_1540, %add3A_1541 : i32
      %mul3A_1543 = arith.constant 16 : i32
      %mul3A_1544 = arith.muli %add3A_1542, %mul3A_1543 : i32
      %get3A_1545 = arith.index_cast %mul3A_1544 : i32 to index
      %get3A_1546 = tpu.vector_load %arg9[%get3A_1545] {strides = array<i32>} : memref<4096xi32, #tpu.memory_space<vmem>>, vector<16xi32>,
      %sub3A_1547 = arith.constant 0 : i32
      %sub3A_1548 = vector.broadcast %sub3A_1547 : i32 to vector<16xi32>
      %sub3A_1549 = arith.subi %get3A_1546, %sub3A_1548 : vector<16xi32>
      %ge3A_1550 = arith.constant 0 : i32
      %ge3A_1551 = vector.broadcast %ge3A_1550 : i32 to vector<16xi32>
      %ge3A_1552 = arith.cmpi sge, %sub3A_1549, %ge3A_1551 : vector<16xi32>
      %lt3A_1553 = arith.constant 8192 : i32
      %lt3A_1554 = vector.broadcast %lt3A_1553 : i32 to vector<16xi32>
      %lt3A_1555 = arith.cmpi slt, %sub3A_1549, %lt3A_1554 : vector<16xi32>
      %and3A_1556 = arith.andi %ge3A_1552, %lt3A_1555 : vector<16xi1>
      %jit3A_1557 = arith.constant 0 : i32
      %jit3A_1558 = arith.constant 8191 : i32
      %max3A_1559 = vector.broadcast %jit3A_1557 : i32 to vector<16xi32>
      %max3A_1560 = arith.maxsi %max3A_1559, %sub3A_1549 : vector<16xi32>
      %min3A_1561 = vector.broadcast %jit3A_1558 : i32 to vector<16xi32>
      %min3A_1562 = arith.minsi %min3A_1561, %max3A_1560 : vector<16xi32>
      %mul3A_1563 = arith.constant 16 : i32
      %mul3A_1564 = arith.muli %add3A_1542, %mul3A_1563 : i32
      %add3A_1565 = vector.broadcast %mul3A_1564 : i32 to vector<16xi32>
      %add3A_1566 = arith.addi %add3A_1565, %iota3A : vector<16xi32>
      %broadcast_in_dim3A_1567 = arith.constant 0 : i32
      %broadcast_in_dim3A_1568 = vector.broadcast %broadcast_in_dim3A_1567 : i32 to vector<16xi32>
      %gather3A_1569 = tpu.vector_load_idx %arg11[%broadcast_in_dim3A_1568, %min3A_1562] : memref<4x8192xf32, #tpu.memory_space<vmem>>[vector<16xi32>, vector<16xi32>], vector<16xf32>,
      tpu.vector_store_idx %arg12[%broadcast_in_dim3A_1568, %add3A_1566], %gather3A_1569 masked %and3A_1556 : memref<4x4096xf32, #tpu.memory_space<vmem>>[vector<16xi32>, vector<16xi32>], vector<16xf32>, vector<16xi1>
      %broadcast_in_dim3A_1570 = arith.constant 1 : i32
      %broadcast_in_dim3A_1571 = vector.broadcast %broadcast_in_dim3A_1570 : i32 to vector<16xi32>
      %gather3A_1572 = tpu.vector_load_idx %arg11[%broadcast_in_dim3A_1571, %min3A_1562] : memref<4x8192xf32, #tpu.memory_space<vmem>>[vector<16xi32>, vector<16xi32>], vector<16xf32>,
      tpu.vector_store_idx %arg12[%broadcast_in_dim3A_1571, %add3A_1566], %gather3A_1572 masked %and3A_1556 : memref<4x4096xf32, #tpu.memory_space<vmem>>[vector<16xi32>, vector<16xi32>], vector<16xf32>, vector<16xi1>
      %broadcast_in_dim3A_1573 = arith.constant 2 : i32
      %broadcast_in_dim3A_1574 = vector.broadcast %broadcast_in_dim3A_1573 : i32 to vector<16xi32>
      %gather3A_1575 = tpu.vector_load_idx %arg11[%broadcast_in_dim3A_1574, %min3A_1562] : memref<4x8192xf32, #tpu.memory_space<vmem>>[vector<16xi32>, vector<16xi32>], vector<16xf32>,
      tpu.vector_store_idx %arg12[%broadcast_in_dim3A_1574, %add3A_1566], %gather3A_1575 masked %and3A_1556 : memref<4x4096xf32, #tpu.memory_space<vmem>>[vector<16xi32>, vector<16xi32>], vector<16xf32>, vector<16xi1>
      %broadcast_in_dim3A_1576 = arith.constant 3 : i32
      %broadcast_in_dim3A_1577 = vector.broadcast %broadcast_in_dim3A_1576 : i32 to vector<16xi32>
      %gather3A_1578 = tpu.vector_load_idx %arg11[%broadcast_in_dim3A_1577, %min3A_1562] : memref<4x8192xf32, #tpu.memory_space<vmem>>[vector<16xi32>, vector<16xi32>], vector<16xf32>,
      tpu.vector_store_idx %arg12[%broadcast_in_dim3A_1577, %add3A_1566], %gather3A_1578 masked %and3A_1556 : memref<4x4096xf32, #tpu.memory_space<vmem>>[vector<16xi32>, vector<16xi32>], vector<16xf32>, vector<16xi1>
      %mul3A_1579 = arith.constant 4 : i32
      %mul3A_1580 = arith.muli %scan3A_1494, %mul3A_1579 : i32
      %add3A_1581 = arith.constant 216 : i32
      %add3A_1582 = arith.addi %add3A_1581, %mul3A_1580 : i32
      %add3A_1583 = arith.constant 2 : i32
      %add3A_1584 = arith.addi %add3A_1582, %add3A_1583 : i32
      %mul3A_1585 = arith.constant 16 : i32
      %mul3A_1586 = arith.muli %add3A_1584, %mul3A_1585 : i32
      %get3A_1587 = arith.index_cast %mul3A_1586 : i32 to index
      %get3A_1588 = tpu.vector_load %arg9[%get3A_1587] {strides = array<i32>} : memref<4096xi32, #tpu.memory_space<vmem>>, vector<16xi32>,
      %sub3A_1589 = arith.constant 0 : i32
      %sub3A_1590 = vector.broadcast %sub3A_1589 : i32 to vector<16xi32>
      %sub3A_1591 = arith.subi %get3A_1588, %sub3A_1590 : vector<16xi32>
      %ge3A_1592 = arith.constant 0 : i32
      %ge3A_1593 = vector.broadcast %ge3A_1592 : i32 to vector<16xi32>
      %ge3A_1594 = arith.cmpi sge, %sub3A_1591, %ge3A_1593 : vector<16xi32>
      %lt3A_1595 = arith.constant 8192 : i32
      %lt3A_1596 = vector.broadcast %lt3A_1595 : i32 to vector<16xi32>
      %lt3A_1597 = arith.cmpi slt, %sub3A_1591, %lt3A_1596 : vector<16xi32>
      %and3A_1598 = arith.andi %ge3A_1594, %lt3A_1597 : vector<16xi1>
      %jit3A_1599 = arith.constant 0 : i32
      %jit3A_1600 = arith.constant 8191 : i32
      %max3A_1601 = vector.broadcast %jit3A_1599 : i32 to vector<16xi32>
      %max3A_1602 = arith.maxsi %max3A_1601, %sub3A_1591 : vector<16xi32>
      %min3A_1603 = vector.broadcast %jit3A_1600 : i32 to vector<16xi32>
      %min3A_1604 = arith.minsi %min3A_1603, %max3A_1602 : vector<16xi32>
      %mul3A_1605 = arith.constant 16 : i32
      %mul3A_1606 = arith.muli %add3A_1584, %mul3A_1605 : i32
      %add3A_1607 = vector.broadcast %mul3A_1606 : i32 to vector<16xi32>
      %add3A_1608 = arith.addi %add3A_1607, %iota3A : vector<16xi32>
      %broadcast_in_dim3A_1609 = arith.constant 0 : i32
      %broadcast_in_dim3A_1610 = vector.broadcast %broadcast_in_dim3A_1609 : i32 to vector<16xi32>
      %gather3A_1611 = tpu.vector_load_idx %arg11[%broadcast_in_dim3A_1610, %min3A_1604] : memref<4x8192xf32, #tpu.memory_space<vmem>>[vector<16xi32>, vector<16xi32>], vector<16xf32>,
      tpu.vector_store_idx %arg12[%broadcast_in_dim3A_1610, %add3A_1608], %gather3A_1611 masked %and3A_1598 : memref<4x4096xf32, #tpu.memory_space<vmem>>[vector<16xi32>, vector<16xi32>], vector<16xf32>, vector<16xi1>
      %broadcast_in_dim3A_1612 = arith.constant 1 : i32
      %broadcast_in_dim3A_1613 = vector.broadcast %broadcast_in_dim3A_1612 : i32 to vector<16xi32>
      %gather3A_1614 = tpu.vector_load_idx %arg11[%broadcast_in_dim3A_1613, %min3A_1604] : memref<4x8192xf32, #tpu.memory_space<vmem>>[vector<16xi32>, vector<16xi32>], vector<16xf32>,
      tpu.vector_store_idx %arg12[%broadcast_in_dim3A_1613, %add3A_1608], %gather3A_1614 masked %and3A_1598 : memref<4x4096xf32, #tpu.memory_space<vmem>>[vector<16xi32>, vector<16xi32>], vector<16xf32>, vector<16xi1>
      %broadcast_in_dim3A_1615 = arith.constant 2 : i32
      %broadcast_in_dim3A_1616 = vector.broadcast %broadcast_in_dim3A_1615 : i32 to vector<16xi32>
      %gather3A_1617 = tpu.vector_load_idx %arg11[%broadcast_in_dim3A_1616, %min3A_1604] : memref<4x8192xf32, #tpu.memory_space<vmem>>[vector<16xi32>, vector<16xi32>], vector<16xf32>,
      tpu.vector_store_idx %arg12[%broadcast_in_dim3A_1616, %add3A_1608], %gather3A_1617 masked %and3A_1598 : memref<4x4096xf32, #tpu.memory_space<vmem>>[vector<16xi32>, vector<16xi32>], vector<16xf32>, vector<16xi1>
      %broadcast_in_dim3A_1618 = arith.constant 3 : i32
      %broadcast_in_dim3A_1619 = vector.broadcast %broadcast_in_dim3A_1618 : i32 to vector<16xi32>
      %gather3A_1620 = tpu.vector_load_idx %arg11[%broadcast_in_dim3A_1619, %min3A_1604] : memref<4x8192xf32, #tpu.memory_space<vmem>>[vector<16xi32>, vector<16xi32>], vector<16xf32>,
      tpu.vector_store_idx %arg12[%broadcast_in_dim3A_1619, %add3A_1608], %gather3A_1620 masked %and3A_1598 : memref<4x4096xf32, #tpu.memory_space<vmem>>[vector<16xi32>, vector<16xi32>], vector<16xf32>, vector<16xi1>
      %mul3A_1621 = arith.constant 4 : i32
      %mul3A_1622 = arith.muli %scan3A_1494, %mul3A_1621 : i32
      %add3A_1623 = arith.constant 216 : i32
      %add3A_1624 = arith.addi %add3A_1623, %mul3A_1622 : i32
      %add3A_1625 = arith.constant 3 : i32
      %add3A_1626 = arith.addi %add3A_1624, %add3A_1625 : i32
      %mul3A_1627 = arith.constant 16 : i32
      %mul3A_1628 = arith.muli %add3A_1626, %mul3A_1627 : i32
      %get3A_1629 = arith.index_cast %mul3A_1628 : i32 to index
      %get3A_1630 = tpu.vector_load %arg9[%get3A_1629] {strides = array<i32>} : memref<4096xi32, #tpu.memory_space<vmem>>, vector<16xi32>,
      %sub3A_1631 = arith.constant 0 : i32
      %sub3A_1632 = vector.broadcast %sub3A_1631 : i32 to vector<16xi32>
      %sub3A_1633 = arith.subi %get3A_1630, %sub3A_1632 : vector<16xi32>
      %ge3A_1634 = arith.constant 0 : i32
      %ge3A_1635 = vector.broadcast %ge3A_1634 : i32 to vector<16xi32>
      %ge3A_1636 = arith.cmpi sge, %sub3A_1633, %ge3A_1635 : vector<16xi32>
      %lt3A_1637 = arith.constant 8192 : i32
      %lt3A_1638 = vector.broadcast %lt3A_1637 : i32 to vector<16xi32>
      %lt3A_1639 = arith.cmpi slt, %sub3A_1633, %lt3A_1638 : vector<16xi32>
      %and3A_1640 = arith.andi %ge3A_1636, %lt3A_1639 : vector<16xi1>
      %jit3A_1641 = arith.constant 0 : i32
      %jit3A_1642 = arith.constant 8191 : i32
      %max3A_1643 = vector.broadcast %jit3A_1641 : i32 to vector<16xi32>
      %max3A_1644 = arith.maxsi %max3A_1643, %sub3A_1633 : vector<16xi32>
      %min3A_1645 = vector.broadcast %jit3A_1642 : i32 to vector<16xi32>
      %min3A_1646 = arith.minsi %min3A_1645, %max3A_1644 : vector<16xi32>
      %mul3A_1647 = arith.constant 16 : i32
      %mul3A_1648 = arith.muli %add3A_1626, %mul3A_1647 : i32
      %add3A_1649 = vector.broadcast %mul3A_1648 : i32 to vector<16xi32>
      %add3A_1650 = arith.addi %add3A_1649, %iota3A : vector<16xi32>
      %broadcast_in_dim3A_1651 = arith.constant 0 : i32
      %broadcast_in_dim3A_1652 = vector.broadcast %broadcast_in_dim3A_1651 : i32 to vector<16xi32>
      %gather3A_1653 = tpu.vector_load_idx %arg11[%broadcast_in_dim3A_1652, %min3A_1646] : memref<4x8192xf32, #tpu.memory_space<vmem>>[vector<16xi32>, vector<16xi32>], vector<16xf32>,
      tpu.vector_store_idx %arg12[%broadcast_in_dim3A_1652, %add3A_1650], %gather3A_1653 masked %and3A_1640 : memref<4x4096xf32, #tpu.memory_space<vmem>>[vector<16xi32>, vector<16xi32>], vector<16xf32>, vector<16xi1>
      %broadcast_in_dim3A_1654 = arith.constant 1 : i32
      %broadcast_in_dim3A_1655 = vector.broadcast %broadcast_in_dim3A_1654 : i32 to vector<16xi32>
      %gather3A_1656 = tpu.vector_load_idx %arg11[%broadcast_in_dim3A_1655, %min3A_1646] : memref<4x8192xf32, #tpu.memory_space<vmem>>[vector<16xi32>, vector<16xi32>], vector<16xf32>,
      tpu.vector_store_idx %arg12[%broadcast_in_dim3A_1655, %add3A_1650], %gather3A_1656 masked %and3A_1640 : memref<4x4096xf32, #tpu.memory_space<vmem>>[vector<16xi32>, vector<16xi32>], vector<16xf32>, vector<16xi1>
      %broadcast_in_dim3A_1657 = arith.constant 2 : i32
      %broadcast_in_dim3A_1658 = vector.broadcast %broadcast_in_dim3A_1657 : i32 to vector<16xi32>
      %gather3A_1659 = tpu.vector_load_idx %arg11[%broadcast_in_dim3A_1658, %min3A_1646] : memref<4x8192xf32, #tpu.memory_space<vmem>>[vector<16xi32>, vector<16xi32>], vector<16xf32>,
      tpu.vector_store_idx %arg12[%broadcast_in_dim3A_1658, %add3A_1650], %gather3A_1659 masked %and3A_1640 : memref<4x4096xf32, #tpu.memory_space<vmem>>[vector<16xi32>, vector<16xi32>], vector<16xf32>, vector<16xi1>
      %broadcast_in_dim3A_1660 = arith.constant 3 : i32
      %broadcast_in_dim3A_1661 = vector.broadcast %broadcast_in_dim3A_1660 : i32 to vector<16xi32>
      %gather3A_1662 = tpu.vector_load_idx %arg11[%broadcast_in_dim3A_1661, %min3A_1646] : memref<4x8192xf32, #tpu.memory_space<vmem>>[vector<16xi32>, vector<16xi32>], vector<16xf32>,
      tpu.vector_store_idx %arg12[%broadcast_in_dim3A_1661, %add3A_1650], %gather3A_1662 masked %and3A_1640 : memref<4x4096xf32, #tpu.memory_space<vmem>>[vector<16xi32>, vector<16xi32>], vector<16xf32>, vector<16xi1>
      %scan3A_1663 = arith.constant 0 : i32
      scf.yield %scan3A_1663 : i32
    }
    %scan3A_623 = arith.constant 10 : i32
    %dma_start3A_624 = arith.constant 0 : i32
    %dma_start3A_625 = arith.constant 8192 : i32
    %dma_start3A_626 = tpu.memref_slice %arg4[%select_n3A, %select_n3A_32, %dma_start3A_624, %dma_start3A_625] : memref<8x4x4x16384xf32, #tpu.memory_space<hbm>> -> memref<1x1x4x8192xf32, #tpu.memory_space<hbm>>
    %dma_start3A_627 = tpu.memref_squeeze %dma_start3A_626 : memref<1x1x4x8192xf32, #tpu.memory_space<hbm>> -> memref<4x8192xf32, #tpu.memory_space<hbm>>
    %dma_start3A_628 = arith.constant 0 : i32
    %dma_start3A_629 = arith.constant 8192 : i32
    %dma_start3A_630 = tpu.memref_slice %arg4[%select_n3A, %select_n3A_32, %dma_start3A_628, %dma_start3A_629] : memref<8x4x4x16384xf32, #tpu.memory_space<hbm>> -> memref<1x1x4x8192xf32, #tpu.memory_space<hbm>>
    %dma_start3A_631 = tpu.memref_squeeze %dma_start3A_630 : memref<1x1x4x8192xf32, #tpu.memory_space<hbm>> -> memref<4x8192xf32, #tpu.memory_space<hbm>>
    tpu.enqueue_dma source(%dma_start3A_631 : memref<4x8192xf32, #tpu.memory_space<hbm>>) target(%arg11 : memref<4x8192xf32, #tpu.memory_space<vmem>>) target_semaphore(%arg17 : memref<!tpu.dma_semaphore, #tpu.memory_space<semaphore_mem>>)
    %dma_wait3A_632 = arith.constant 1 : i32
    %dma_wait3A_633 = arith.constant 0 : i32
    %dma_wait3A_634 = arith.constant 0 : i32
    %dma_wait3A_635 = arith.constant 0 : i32
    %dma_wait3A_636 = tpu.memref_slice %arg10[%dma_wait3A_632, %dma_wait3A_633, %dma_wait3A_634, %dma_wait3A_635] : memref<4x8x8x256xf32, #tpu.memory_space<vmem>> -> memref<1x8x8x256xf32, #tpu.memory_space<vmem>>
    %dma_wait3A_637 = tpu.memref_squeeze %dma_wait3A_636 : memref<1x8x8x256xf32, #tpu.memory_space<vmem>> -> memref<8x8x256xf32, #tpu.memory_space<vmem>>
    %dma_wait3A_638 = tpu.memref_slice %arg9[%add3A_538] : memref<4096xi32, #tpu.memory_space<vmem>> -> memref<8xi32, #tpu.memory_space<vmem>>
    %dma_wait3A_639 = arith.constant 0 : i32
    %dma_wait3A_640 = arith.constant 0 : i32
    %dma_wait3A_641 = arith.constant 0 : i32
    %dma_wait3A_642 = tpu.memref_slice %arg3[%dma_wait3A_639, %dma_wait3A_640, %dma_wait3A_641] : memref<16384x8x256xf32, #tpu.memory_space<hbm>> -> memref<16384x8x256xf32, #tpu.memory_space<hbm>>
    tpu.wait_indirect_dma semaphore(%arg15 : memref<!tpu.dma_semaphore, #tpu.memory_space<semaphore_mem>>) src(%dma_wait3A_642 : memref<16384x8x256xf32, #tpu.memory_space<hbm>>) dst(%dma_wait3A_637 : memref<8x8x256xf32, #tpu.memory_space<vmem>>)
    %add3A_643 = arith.constant 72 : i32
    %add3A_644 = arith.addi %mul3A_2, %add3A_643 : i32
    %dma_start3A_645 = arith.constant 1 : i32
    %dma_start3A_646 = arith.constant 0 : i32
    %dma_start3A_647 = arith.constant 0 : i32
    %dma_start3A_648 = arith.constant 0 : i32
    %dma_start3A_649 = tpu.memref_slice %arg10[%dma_start3A_645, %dma_start3A_646, %dma_start3A_647, %dma_start3A_648] : memref<4x8x8x256xf32, #tpu.memory_space<vmem>> -> memref<1x8x8x256xf32, #tpu.memory_space<vmem>>
    %dma_start3A_650 = tpu.memref_squeeze %dma_start3A_649 : memref<1x8x8x256xf32, #tpu.memory_space<vmem>> -> memref<8x8x256xf32, #tpu.memory_space<vmem>>
    %dma_start3A_651 = arith.constant 0 : i32
    %dma_start3A_652 = arith.constant 0 : i32
    %dma_start3A_653 = tpu.memref_slice %arg6[%add3A_644, %dma_start3A_651, %dma_start3A_652] : memref<4096x8x256xf32, #tpu.memory_space<hbm>> -> memref<8x8x256xf32, #tpu.memory_space<hbm>>
    %dma_start3A_654 = arith.constant 0 : i32
    %dma_start3A_655 = arith.constant 0 : i32
    %dma_start3A_656 = tpu.memref_slice %arg6[%add3A_644, %dma_start3A_654, %dma_start3A_655] : memref<4096x8x256xf32, #tpu.memory_space<hbm>> -> memref<8x8x256xf32, #tpu.memory_space<hbm>>
    %dma_start3A_657 = arith.constant 0 : i32
    %dma_start3A_658 = arith.constant 0 : i32
    %dma_start3A_659 = arith.constant 0 : i32
    %dma_start3A_660 = tpu.memref_slice %arg10[%dma_start3A_645, %dma_start3A_657, %dma_start3A_658, %dma_start3A_659] : memref<4x8x8x256xf32, #tpu.memory_space<vmem>> -> memref<1x8x8x256xf32, #tpu.memory_space<vmem>>
    %dma_start3A_661 = tpu.memref_squeeze %dma_start3A_660 : memref<1x8x8x256xf32, #tpu.memory_space<vmem>> -> memref<8x8x256xf32, #tpu.memory_space<vmem>>
    tpu.enqueue_dma source(%dma_start3A_661 : memref<8x8x256xf32, #tpu.memory_space<vmem>>) target(%dma_start3A_656 : memref<8x8x256xf32, #tpu.memory_space<hbm>>) target_semaphore(%arg16 : memref<!tpu.dma_semaphore, #tpu.memory_space<semaphore_mem>>)
    %dma_wait3A_662 = arith.constant 3 : i32
    %dma_wait3A_663 = arith.constant 0 : i32
    %dma_wait3A_664 = arith.constant 0 : i32
    %dma_wait3A_665 = arith.constant 0 : i32
    %dma_wait3A_666 = tpu.memref_slice %arg10[%dma_wait3A_662, %dma_wait3A_663, %dma_wait3A_664, %dma_wait3A_665] : memref<4x8x8x256xf32, #tpu.memory_space<vmem>> -> memref<1x8x8x256xf32, #tpu.memory_space<vmem>>
    %dma_wait3A_667 = tpu.memref_squeeze %dma_wait3A_666 : memref<1x8x8x256xf32, #tpu.memory_space<vmem>> -> memref<8x8x256xf32, #tpu.memory_space<vmem>>
    %dma_wait3A_668 = arith.constant 0 : i32
    %dma_wait3A_669 = arith.constant 0 : i32
    %dma_wait3A_670 = tpu.memref_slice %arg6[%add3A_502, %dma_wait3A_668, %dma_wait3A_669] : memref<4096x8x256xf32, #tpu.memory_space<hbm>> -> memref<8x8x256xf32, #tpu.memory_space<hbm>>
    %dma_wait3A_671 = arith.constant 0 : i32
    %dma_wait3A_672 = arith.constant 0 : i32
    %dma_wait3A_673 = tpu.memref_slice %arg6[%add3A_502, %dma_wait3A_671, %dma_wait3A_672] : memref<4096x8x256xf32, #tpu.memory_space<hbm>> -> memref<8x8x256xf32, #tpu.memory_space<hbm>>
    %dma_wait3A_674 = arith.constant 0 : i32
    %dma_wait3A_675 = arith.constant 0 : i32
    %dma_wait3A_676 = arith.constant 0 : i32
    %dma_wait3A_677 = tpu.memref_slice %arg10[%dma_wait3A_662, %dma_wait3A_674, %dma_wait3A_675, %dma_wait3A_676] : memref<4x8x8x256xf32, #tpu.memory_space<vmem>> -> memref<1x8x8x256xf32, #tpu.memory_space<vmem>>
    %dma_wait3A_678 = tpu.memref_squeeze %dma_wait3A_677 : memref<1x8x8x256xf32, #tpu.memory_space<vmem>> -> memref<8x8x256xf32, #tpu.memory_space<vmem>>
    tpu.wait_dma2 semaphore(%arg16 : memref<!tpu.dma_semaphore, #tpu.memory_space<semaphore_mem>>) src(%dma_wait3A_678 : memref<8x8x256xf32, #tpu.memory_space<vmem>>) dst(%dma_wait3A_673 : memref<8x8x256xf32, #tpu.memory_space<hbm>>)
    %add3A_679 = arith.constant 88 : i32
    %add3A_680 = arith.addi %mul3A_2, %add3A_679 : i32
    %dma_start3A_681 = arith.constant 3 : i32
    %dma_start3A_682 = arith.constant 0 : i32
    %dma_start3A_683 = arith.constant 0 : i32
    %dma_start3A_684 = arith.constant 0 : i32
    %dma_start3A_685 = tpu.memref_slice %arg10[%dma_start3A_681, %dma_start3A_682, %dma_start3A_683, %dma_start3A_684] : memref<4x8x8x256xf32, #tpu.memory_space<vmem>> -> memref<1x8x8x256xf32, #tpu.memory_space<vmem>>
    %dma_start3A_686 = tpu.memref_squeeze %dma_start3A_685 : memref<1x8x8x256xf32, #tpu.memory_space<vmem>> -> memref<8x8x256xf32, #tpu.memory_space<vmem>>
    %dma_start3A_687 = tpu.memref_slice %arg9[%add3A_680] : memref<4096xi32, #tpu.memory_space<vmem>> -> memref<8xi32, #tpu.memory_space<vmem>>
    %dma_start3A_688 = arith.constant 0 : i32
    %dma_start3A_689 = arith.constant 0 : i32
    %dma_start3A_690 = arith.constant 0 : i32
    %dma_start3A_691 = tpu.memref_slice %arg3[%dma_start3A_688, %dma_start3A_689, %dma_start3A_690] : memref<16384x8x256xf32, #tpu.memory_space<hbm>> -> memref<16384x8x256xf32, #tpu.memory_space<hbm>>
    tpu.enqueue_indirect_dma source(%dma_start3A_691 : memref<16384x8x256xf32, #tpu.memory_space<hbm>>) target(%dma_start3A_686 : memref<8x8x256xf32, #tpu.memory_space<vmem>>) offsets(%dma_start3A_687 : memref<8xi32, #tpu.memory_space<vmem>>) semaphore(%arg15 : memref<!tpu.dma_semaphore, #tpu.memory_space<semaphore_mem>>)
    %dma_wait3A_692 = arith.constant 2 : i32
    %dma_wait3A_693 = arith.constant 0 : i32
    %dma_wait3A_694 = arith.constant 0 : i32
    %dma_wait3A_695 = arith.constant 0 : i32
    %dma_wait3A_696 = tpu.memref_slice %arg10[%dma_wait3A_692, %dma_wait3A_693, %dma_wait3A_694, %dma_wait3A_695] : memref<4x8x8x256xf32, #tpu.memory_space<vmem>> -> memref<1x8x8x256xf32, #tpu.memory_space<vmem>>
    %dma_wait3A_697 = tpu.memref_squeeze %dma_wait3A_696 : memref<1x8x8x256xf32, #tpu.memory_space<vmem>> -> memref<8x8x256xf32, #tpu.memory_space<vmem>>
    %dma_wait3A_698 = tpu.memref_slice %arg9[%add3A_605] : memref<4096xi32, #tpu.memory_space<vmem>> -> memref<8xi32, #tpu.memory_space<vmem>>
    %dma_wait3A_699 = arith.constant 0 : i32
    %dma_wait3A_700 = arith.constant 0 : i32
    %dma_wait3A_701 = arith.constant 0 : i32
    %dma_wait3A_702 = tpu.memref_slice %arg3[%dma_wait3A_699, %dma_wait3A_700, %dma_wait3A_701] : memref<16384x8x256xf32, #tpu.memory_space<hbm>> -> memref<16384x8x256xf32, #tpu.memory_space<hbm>>
    tpu.wait_indirect_dma semaphore(%arg15 : memref<!tpu.dma_semaphore, #tpu.memory_space<semaphore_mem>>) src(%dma_wait3A_702 : memref<16384x8x256xf32, #tpu.memory_space<hbm>>) dst(%dma_wait3A_697 : memref<8x8x256xf32, #tpu.memory_space<vmem>>)
    %add3A_703 = arith.constant 80 : i32
    %add3A_704 = arith.addi %mul3A_2, %add3A_703 : i32
    %dma_start3A_705 = arith.constant 2 : i32
    %dma_start3A_706 = arith.constant 0 : i32
    %dma_start3A_707 = arith.constant 0 : i32
    %dma_start3A_708 = arith.constant 0 : i32
    %dma_start3A_709 = tpu.memref_slice %arg10[%dma_start3A_705, %dma_start3A_706, %dma_start3A_707, %dma_start3A_708] : memref<4x8x8x256xf32, #tpu.memory_space<vmem>> -> memref<1x8x8x256xf32, #tpu.memory_space<vmem>>
    %dma_start3A_710 = tpu.memref_squeeze %dma_start3A_709 : memref<1x8x8x256xf32, #tpu.memory_space<vmem>> -> memref<8x8x256xf32, #tpu.memory_space<vmem>>
    %dma_start3A_711 = arith.constant 0 : i32
    %dma_start3A_712 = arith.constant 0 : i32
    %dma_start3A_713 = tpu.memref_slice %arg6[%add3A_704, %dma_start3A_711, %dma_start3A_712] : memref<4096x8x256xf32, #tpu.memory_space<hbm>> -> memref<8x8x256xf32, #tpu.memory_space<hbm>>
    %dma_start3A_714 = arith.constant 0 : i32
    %dma_start3A_715 = arith.constant 0 : i32
    %dma_start3A_716 = tpu.memref_slice %arg6[%add3A_704, %dma_start3A_714, %dma_start3A_715] : memref<4096x8x256xf32, #tpu.memory_space<hbm>> -> memref<8x8x256xf32, #tpu.memory_space<hbm>>
    %dma_start3A_717 = arith.constant 0 : i32
    %dma_start3A_718 = arith.constant 0 : i32
    %dma_start3A_719 = arith.constant 0 : i32
    %dma_start3A_720 = tpu.memref_slice %arg10[%dma_start3A_705, %dma_start3A_717, %dma_start3A_718, %dma_start3A_719] : memref<4x8x8x256xf32, #tpu.memory_space<vmem>> -> memref<1x8x8x256xf32, #tpu.memory_space<vmem>>
    %dma_start3A_721 = tpu.memref_squeeze %dma_start3A_720 : memref<1x8x8x256xf32, #tpu.memory_space<vmem>> -> memref<8x8x256xf32, #tpu.memory_space<vmem>>
    tpu.enqueue_dma source(%dma_start3A_721 : memref<8x8x256xf32, #tpu.memory_space<vmem>>) target(%dma_start3A_716 : memref<8x8x256xf32, #tpu.memory_space<hbm>>) target_semaphore(%arg16 : memref<!tpu.dma_semaphore, #tpu.memory_space<semaphore_mem>>)
    %dma_wait3A_722 = arith.constant 0 : i32
    %dma_wait3A_723 = arith.constant 0 : i32
    %dma_wait3A_724 = arith.constant 0 : i32
    %dma_wait3A_725 = arith.constant 0 : i32
    %dma_wait3A_726 = tpu.memref_slice %arg10[%dma_wait3A_722, %dma_wait3A_723, %dma_wait3A_724, %dma_wait3A_725] : memref<4x8x8x256xf32, #tpu.memory_space<vmem>> -> memref<1x8x8x256xf32, #tpu.memory_space<vmem>>
    %dma_wait3A_727 = tpu.memref_squeeze %dma_wait3A_726 : memref<1x8x8x256xf32, #tpu.memory_space<vmem>> -> memref<8x8x256xf32, #tpu.memory_space<vmem>>
    %dma_wait3A_728 = arith.constant 0 : i32
    %dma_wait3A_729 = arith.constant 0 : i32
    %dma_wait3A_730 = tpu.memref_slice %arg6[%add3A_569, %dma_wait3A_728, %dma_wait3A_729] : memref<4096x8x256xf32, #tpu.memory_space<hbm>> -> memref<8x8x256xf32, #tpu.memory_space<hbm>>
    %dma_wait3A_731 = arith.constant 0 : i32
    %dma_wait3A_732 = arith.constant 0 : i32
    %dma_wait3A_733 = tpu.memref_slice %arg6[%add3A_569, %dma_wait3A_731, %dma_wait3A_732] : memref<4096x8x256xf32, #tpu.memory_space<hbm>> -> memref<8x8x256xf32, #tpu.memory_space<hbm>>
    %dma_wait3A_734 = arith.constant 0 : i32
    %dma_wait3A_735 = arith.constant 0 : i32
    %dma_wait3A_736 = arith.constant 0 : i32
    %dma_wait3A_737 = tpu.memref_slice %arg10[%dma_wait3A_722, %dma_wait3A_734, %dma_wait3A_735, %dma_wait3A_736] : memref<4x8x8x256xf32, #tpu.memory_space<vmem>> -> memref<1x8x8x256xf32, #tpu.memory_space<vmem>>
    %dma_wait3A_738 = tpu.memref_squeeze %dma_wait3A_737 : memref<1x8x8x256xf32, #tpu.memory_space<vmem>> -> memref<8x8x256xf32, #tpu.memory_space<vmem>>
    tpu.wait_dma2 semaphore(%arg16 : memref<!tpu.dma_semaphore, #tpu.memory_space<semaphore_mem>>) src(%dma_wait3A_738 : memref<8x8x256xf32, #tpu.memory_space<vmem>>) dst(%dma_wait3A_733 : memref<8x8x256xf32, #tpu.memory_space<hbm>>)
    %add3A_739 = arith.constant 96 : i32
    %add3A_740 = arith.addi %mul3A_2, %add3A_739 : i32
    %dma_start3A_741 = arith.constant 0 : i32
    %dma_start3A_742 = arith.constant 0 : i32
    %dma_start3A_743 = arith.constant 0 : i32
    %dma_start3A_744 = arith.constant 0 : i32
    %dma_start3A_745 = tpu.memref_slice %arg10[%dma_start3A_741, %dma_start3A_742, %dma_start3A_743, %dma_start3A_744] : memref<4x8x8x256xf32, #tpu.memory_space<vmem>> -> memref<1x8x8x256xf32, #tpu.memory_space<vmem>>
    %dma_start3A_746 = tpu.memref_squeeze %dma_start3A_745 : memref<1x8x8x256xf32, #tpu.memory_space<vmem>> -> memref<8x8x256xf32, #tpu.memory_space<vmem>>
    %dma_start3A_747 = tpu.memref_slice %arg9[%add3A_740] : memref<4096xi32, #tpu.memory_space<vmem>> -> memref<8xi32, #tpu.memory_space<vmem>>
    %dma_start3A_748 = arith.constant 0 : i32
    %dma_start3A_749 = arith.constant 0 : i32
    %dma_start3A_750 = arith.constant 0 : i32
    %dma_start3A_751 = tpu.memref_slice %arg3[%dma_start3A_748, %dma_start3A_749, %dma_start3A_750] : memref<16384x8x256xf32, #tpu.memory_space<hbm>> -> memref<16384x8x256xf32, #tpu.memory_space<hbm>>
    tpu.enqueue_indirect_dma source(%dma_start3A_751 : memref<16384x8x256xf32, #tpu.memory_space<hbm>>) target(%dma_start3A_746 : memref<8x8x256xf32, #tpu.memory_space<vmem>>) offsets(%dma_start3A_747 : memref<8xi32, #tpu.memory_space<vmem>>) semaphore(%arg15 : memref<!tpu.dma_semaphore, #tpu.memory_space<semaphore_mem>>)
    %dma_wait3A_752 = arith.constant 3 : i32
    %dma_wait3A_753 = arith.constant 0 : i32
    %dma_wait3A_754 = arith.constant 0 : i32
    %dma_wait3A_755 = arith.constant 0 : i32
    %dma_wait3A_756 = tpu.memref_slice %arg10[%dma_wait3A_752, %dma_wait3A_753, %dma_wait3A_754, %dma_wait3A_755] : memref<4x8x8x256xf32, #tpu.memory_space<vmem>> -> memref<1x8x8x256xf32, #tpu.memory_space<vmem>>
    %dma_wait3A_757 = tpu.memref_squeeze %dma_wait3A_756 : memref<1x8x8x256xf32, #tpu.memory_space<vmem>> -> memref<8x8x256xf32, #tpu.memory_space<vmem>>
    %dma_wait3A_758 = tpu.memref_slice %arg9[%add3A_680] : memref<4096xi32, #tpu.memory_space<vmem>> -> memref<8xi32, #tpu.memory_space<vmem>>
    %dma_wait3A_759 = arith.constant 0 : i32
    %dma_wait3A_760 = arith.constant 0 : i32
    %dma_wait3A_761 = arith.constant 0 : i32
    %dma_wait3A_762 = tpu.memref_slice %arg3[%dma_wait3A_759, %dma_wait3A_760, %dma_wait3A_761] : memref<16384x8x256xf32, #tpu.memory_space<hbm>> -> memref<16384x8x256xf32, #tpu.memory_space<hbm>>
    tpu.wait_indirect_dma semaphore(%arg15 : memref<!tpu.dma_semaphore, #tpu.memory_space<semaphore_mem>>) src(%dma_wait3A_762 : memref<16384x8x256xf32, #tpu.memory_space<hbm>>) dst(%dma_wait3A_757 : memref<8x8x256xf32, #tpu.memory_space<vmem>>)
    %add3A_763 = arith.constant 88 : i32
    %add3A_764 = arith.addi %mul3A_2, %add3A_763 : i32
    %dma_start3A_765 = arith.constant 3 : i32
    %dma_start3A_766 = arith.constant 0 : i32
    %dma_start3A_767 = arith.constant 0 : i32
    %dma_start3A_768 = arith.constant 0 : i32
    %dma_start3A_769 = tpu.memref_slice %arg10[%dma_start3A_765, %dma_start3A_766, %dma_start3A_767, %dma_start3A_768] : memref<4x8x8x256xf32, #tpu.memory_space<vmem>> -> memref<1x8x8x256xf32, #tpu.memory_space<vmem>>
    %dma_start3A_770 = tpu.memref_squeeze %dma_start3A_769 : memref<1x8x8x256xf32, #tpu.memory_space<vmem>> -> memref<8x8x256xf32, #tpu.memory_space<vmem>>
    %dma_start3A_771 = arith.constant 0 : i32
    %dma_start3A_772 = arith.constant 0 : i32
    %dma_start3A_773 = tpu.memref_slice %arg6[%add3A_764, %dma_start3A_771, %dma_start3A_772] : memref<4096x8x256xf32, #tpu.memory_space<hbm>> -> memref<8x8x256xf32, #tpu.memory_space<hbm>>
    %dma_start3A_774 = arith.constant 0 : i32
    %dma_start3A_775 = arith.constant 0 : i32
    %dma_start3A_776 = tpu.memref_slice %arg6[%add3A_764, %dma_start3A_774, %dma_start3A_775] : memref<4096x8x256xf32, #tpu.memory_space<hbm>> -> memref<8x8x256xf32, #tpu.memory_space<hbm>>
    %dma_start3A_777 = arith.constant 0 : i32
    %dma_start3A_778 = arith.constant 0 : i32
    %dma_start3A_779 = arith.constant 0 : i32
    %dma_start3A_780 = tpu.memref_slice %arg10[%dma_start3A_765, %dma_start3A_777, %dma_start3A_778, %dma_start3A_779] : memref<4x8x8x256xf32, #tpu.memory_space<vmem>> -> memref<1x8x8x256xf32, #tpu.memory_space<vmem>>
    %dma_start3A_781 = tpu.memref_squeeze %dma_start3A_780 : memref<1x8x8x256xf32, #tpu.memory_space<vmem>> -> memref<8x8x256xf32, #tpu.memory_space<vmem>>
    tpu.enqueue_dma source(%dma_start3A_781 : memref<8x8x256xf32, #tpu.memory_space<vmem>>) target(%dma_start3A_776 : memref<8x8x256xf32, #tpu.memory_space<hbm>>) target_semaphore(%arg16 : memref<!tpu.dma_semaphore, #tpu.memory_space<semaphore_mem>>)
    %dma_wait3A_782 = arith.constant 1 : i32
    %dma_wait3A_783 = arith.constant 0 : i32
    %dma_wait3A_784 = arith.constant 0 : i32
    %dma_wait3A_785 = arith.constant 0 : i32
    %dma_wait3A_786 = tpu.memref_slice %arg10[%dma_wait3A_782, %dma_wait3A_783, %dma_wait3A_784, %dma_wait3A_785] : memref<4x8x8x256xf32, #tpu.memory_space<vmem>> -> memref<1x8x8x256xf32, #tpu.memory_space<vmem>>
    %dma_wait3A_787 = tpu.memref_squeeze %dma_wait3A_786 : memref<1x8x8x256xf32, #tpu.memory_space<vmem>> -> memref<8x8x256xf32, #tpu.memory_space<vmem>>
    %dma_wait3A_788 = arith.constant 0 : i32
    %dma_wait3A_789 = arith.constant 0 : i32
    %dma_wait3A_790 = tpu.memref_slice %arg6[%add3A_644, %dma_wait3A_788, %dma_wait3A_789] : memref<4096x8x256xf32, #tpu.memory_space<hbm>> -> memref<8x8x256xf32, #tpu.memory_space<hbm>>
    %dma_wait3A_791 = arith.constant 0 : i32
    %dma_wait3A_792 = arith.constant 0 : i32
    %dma_wait3A_793 = tpu.memref_slice %arg6[%add3A_644, %dma_wait3A_791, %dma_wait3A_792] : memref<4096x8x256xf32, #tpu.memory_space<hbm>> -> memref<8x8x256xf32, #tpu.memory_space<hbm>>
    %dma_wait3A_794 = arith.constant 0 : i32
    %dma_wait3A_795 = arith.constant 0 : i32
    %dma_wait3A_796 = arith.constant 0 : i32
    %dma_wait3A_797 = tpu.memref_slice %arg10[%dma_wait3A_782, %dma_wait3A_794, %dma_wait3A_795, %dma_wait3A_796] : memref<4x8x8x256xf32, #tpu.memory_space<vmem>> -> memref<1x8x8x256xf32, #tpu.memory_space<vmem>>
    %dma_wait3A_798 = tpu.memref_squeeze %dma_wait3A_797 : memref<1x8x8x256xf32, #tpu.memory_space<vmem>> -> memref<8x8x256xf32, #tpu.memory_space<vmem>>
    tpu.wait_dma2 semaphore(%arg16 : memref<!tpu.dma_semaphore, #tpu.memory_space<semaphore_mem>>) src(%dma_wait3A_798 : memref<8x8x256xf32, #tpu.memory_space<vmem>>) dst(%dma_wait3A_793 : memref<8x8x256xf32, #tpu.memory_space<hbm>>)
    %add3A_799 = arith.constant 104 : i32
    %add3A_800 = arith.addi %mul3A_2, %add3A_799 : i32
    %dma_start3A_801 = arith.constant 1 : i32
    %dma_start3A_802 = arith.constant 0 : i32
    %dma_start3A_803 = arith.constant 0 : i32
    %dma_start3A_804 = arith.constant 0 : i32
    %dma_start3A_805 = tpu.memref_slice %arg10[%dma_start3A_801, %dma_start3A_802, %dma_start3A_803, %dma_start3A_804] : memref<4x8x8x256xf32, #tpu.memory_space<vmem>> -> memref<1x8x8x256xf32, #tpu.memory_space<vmem>>
    %dma_start3A_806 = tpu.memref_squeeze %dma_start3A_805 : memref<1x8x8x256xf32, #tpu.memory_space<vmem>> -> memref<8x8x256xf32, #tpu.memory_space<vmem>>
    %dma_start3A_807 = tpu.memref_slice %arg9[%add3A_800] : memref<4096xi32, #tpu.memory_space<vmem>> -> memref<8xi32, #tpu.memory_space<vmem>>
    %dma_start3A_808 = arith.constant 0 : i32
    %dma_start3A_809 = arith.constant 0 : i32
    %dma_start3A_810 = arith.constant 0 : i32
    %dma_start3A_811 = tpu.memref_slice %arg3[%dma_start3A_808, %dma_start3A_809, %dma_start3A_810] : memref<16384x8x256xf32, #tpu.memory_space<hbm>> -> memref<16384x8x256xf32, #tpu.memory_space<hbm>>
    tpu.enqueue_indirect_dma source(%dma_start3A_811 : memref<16384x8x256xf32, #tpu.memory_space<hbm>>) target(%dma_start3A_806 : memref<8x8x256xf32, #tpu.memory_space<vmem>>) offsets(%dma_start3A_807 : memref<8xi32, #tpu.memory_space<vmem>>) semaphore(%arg15 : memref<!tpu.dma_semaphore, #tpu.memory_space<semaphore_mem>>)
    %dma_wait3A_812 = arith.constant 0 : i32
    %dma_wait3A_813 = arith.constant 8192 : i32
    %dma_wait3A_814 = tpu.memref_slice %arg4[%select_n3A, %select_n3A_32, %dma_wait3A_812, %dma_wait3A_813] : memref<8x4x4x16384xf32, #tpu.memory_space<hbm>> -> memref<1x1x4x8192xf32, #tpu.memory_space<hbm>>
    %dma_wait3A_815 = tpu.memref_squeeze %dma_wait3A_814 : memref<1x1x4x8192xf32, #tpu.memory_space<hbm>> -> memref<4x8192xf32, #tpu.memory_space<hbm>>
    %dma_wait3A_816 = arith.constant 0 : i32
    %dma_wait3A_817 = arith.constant 8192 : i32
    %dma_wait3A_818 = tpu.memref_slice %arg4[%select_n3A, %select_n3A_32, %dma_wait3A_816, %dma_wait3A_817] : memref<8x4x4x16384xf32, #tpu.memory_space<hbm>> -> memref<1x1x4x8192xf32, #tpu.memory_space<hbm>>
    %dma_wait3A_819 = tpu.memref_squeeze %dma_wait3A_818 : memref<1x1x4x8192xf32, #tpu.memory_space<hbm>> -> memref<4x8192xf32, #tpu.memory_space<hbm>>
    tpu.wait_dma2 semaphore(%arg17 : memref<!tpu.dma_semaphore, #tpu.memory_space<semaphore_mem>>) src(%dma_wait3A_819 : memref<4x8192xf32, #tpu.memory_space<hbm>>) dst(%arg11 : memref<4x8192xf32, #tpu.memory_space<vmem>>)
    %scan3A_820 = arith.constant 0 : i32
    %scan3A_821 = arith.constant 0 : i32
    %scan3A_822 = arith.constant 13 : i32
    %scan3A_823 = arith.addi %scan3A_821, %scan3A_822 : i32
    %scan3A_824 = arith.constant 1 : i32
    %scan3A_825 = scf.for %scan3A_1494 = %scan3A_821 to %scan3A_823 step %scan3A_824 iter_args(%scan3A_1495 = %scan3A_820) -> (i32)  : i32 {
      %mul3A_1496 = arith.constant 4 : i32
      %mul3A_1497 = arith.muli %scan3A_1494, %mul3A_1496 : i32
      %add3A_1498 = arith.constant 0 : i32
      %add3A_1499 = arith.addi %add3A_1498, %mul3A_1497 : i32
      %add3A_1500 = arith.constant 0 : i32
      %add3A_1501 = arith.addi %add3A_1499, %add3A_1500 : i32
      %mul3A_1502 = arith.constant 16 : i32
      %mul3A_1503 = arith.muli %add3A_1501, %mul3A_1502 : i32
      %get3A_1504 = arith.index_cast %mul3A_1503 : i32 to index
      %get3A_1505 = tpu.vector_load %arg9[%get3A_1504] {strides = array<i32>} : memref<4096xi32, #tpu.memory_space<vmem>>, vector<16xi32>,
      %sub3A_1506 = arith.constant 8192 : i32
      %sub3A_1507 = vector.broadcast %sub3A_1506 : i32 to vector<16xi32>
      %sub3A_1508 = arith.subi %get3A_1505, %sub3A_1507 : vector<16xi32>
      %ge3A_1509 = arith.constant 0 : i32
      %ge3A_1510 = vector.broadcast %ge3A_1509 : i32 to vector<16xi32>
      %ge3A_1511 = arith.cmpi sge, %sub3A_1508, %ge3A_1510 : vector<16xi32>
      %lt3A_1512 = arith.constant 8192 : i32
      %lt3A_1513 = vector.broadcast %lt3A_1512 : i32 to vector<16xi32>
      %lt3A_1514 = arith.cmpi slt, %sub3A_1508, %lt3A_1513 : vector<16xi32>
      %and3A_1515 = arith.andi %ge3A_1511, %lt3A_1514 : vector<16xi1>
      %jit3A_1516 = arith.constant 0 : i32
      %jit3A_1517 = arith.constant 8191 : i32
      %max3A_1518 = vector.broadcast %jit3A_1516 : i32 to vector<16xi32>
      %max3A_1519 = arith.maxsi %max3A_1518, %sub3A_1508 : vector<16xi32>
      %min3A_1520 = vector.broadcast %jit3A_1517 : i32 to vector<16xi32>
      %min3A_1521 = arith.minsi %min3A_1520, %max3A_1519 : vector<16xi32>
      %mul3A_1522 = arith.constant 16 : i32
      %mul3A_1523 = arith.muli %add3A_1501, %mul3A_1522 : i32
      %add3A_1524 = vector.broadcast %mul3A_1523 : i32 to vector<16xi32>
      %add3A_1525 = arith.addi %add3A_1524, %iota3A : vector<16xi32>
      %broadcast_in_dim3A = arith.constant 0 : i32
      %broadcast_in_dim3A_1526 = vector.broadcast %broadcast_in_dim3A : i32 to vector<16xi32>
      %gather3A_1527 = tpu.vector_load_idx %arg11[%broadcast_in_dim3A_1526, %min3A_1521] : memref<4x8192xf32, #tpu.memory_space<vmem>>[vector<16xi32>, vector<16xi32>], vector<16xf32>,
      tpu.vector_store_idx %arg12[%broadcast_in_dim3A_1526, %add3A_1525], %gather3A_1527 masked %and3A_1515 : memref<4x4096xf32, #tpu.memory_space<vmem>>[vector<16xi32>, vector<16xi32>], vector<16xf32>, vector<16xi1>
      %broadcast_in_dim3A_1528 = arith.constant 1 : i32
      %broadcast_in_dim3A_1529 = vector.broadcast %broadcast_in_dim3A_1528 : i32 to vector<16xi32>
      %gather3A_1530 = tpu.vector_load_idx %arg11[%broadcast_in_dim3A_1529, %min3A_1521] : memref<4x8192xf32, #tpu.memory_space<vmem>>[vector<16xi32>, vector<16xi32>], vector<16xf32>,
      tpu.vector_store_idx %arg12[%broadcast_in_dim3A_1529, %add3A_1525], %gather3A_1530 masked %and3A_1515 : memref<4x4096xf32, #tpu.memory_space<vmem>>[vector<16xi32>, vector<16xi32>], vector<16xf32>, vector<16xi1>
      %broadcast_in_dim3A_1531 = arith.constant 2 : i32
      %broadcast_in_dim3A_1532 = vector.broadcast %broadcast_in_dim3A_1531 : i32 to vector<16xi32>
      %gather3A_1533 = tpu.vector_load_idx %arg11[%broadcast_in_dim3A_1532, %min3A_1521] : memref<4x8192xf32, #tpu.memory_space<vmem>>[vector<16xi32>, vector<16xi32>], vector<16xf32>,
      tpu.vector_store_idx %arg12[%broadcast_in_dim3A_1532, %add3A_1525], %gather3A_1533 masked %and3A_1515 : memref<4x4096xf32, #tpu.memory_space<vmem>>[vector<16xi32>, vector<16xi32>], vector<16xf32>, vector<16xi1>
      %broadcast_in_dim3A_1534 = arith.constant 3 : i32
      %broadcast_in_dim3A_1535 = vector.broadcast %broadcast_in_dim3A_1534 : i32 to vector<16xi32>
      %gather3A_1536 = tpu.vector_load_idx %arg11[%broadcast_in_dim3A_1535, %min3A_1521] : memref<4x8192xf32, #tpu.memory_space<vmem>>[vector<16xi32>, vector<16xi32>], vector<16xf32>,
      tpu.vector_store_idx %arg12[%broadcast_in_dim3A_1535, %add3A_1525], %gather3A_1536 masked %and3A_1515 : memref<4x4096xf32, #tpu.memory_space<vmem>>[vector<16xi32>, vector<16xi32>], vector<16xf32>, vector<16xi1>
      %mul3A_1537 = arith.constant 4 : i32
      %mul3A_1538 = arith.muli %scan3A_1494, %mul3A_1537 : i32
      %add3A_1539 = arith.constant 0 : i32
      %add3A_1540 = arith.addi %add3A_1539, %mul3A_1538 : i32
      %add3A_1541 = arith.constant 1 : i32
      %add3A_1542 = arith.addi %add3A_1540, %add3A_1541 : i32
      %mul3A_1543 = arith.constant 16 : i32
      %mul3A_1544 = arith.muli %add3A_1542, %mul3A_1543 : i32
      %get3A_1545 = arith.index_cast %mul3A_1544 : i32 to index
      %get3A_1546 = tpu.vector_load %arg9[%get3A_1545] {strides = array<i32>} : memref<4096xi32, #tpu.memory_space<vmem>>, vector<16xi32>,
      %sub3A_1547 = arith.constant 8192 : i32
      %sub3A_1548 = vector.broadcast %sub3A_1547 : i32 to vector<16xi32>
      %sub3A_1549 = arith.subi %get3A_1546, %sub3A_1548 : vector<16xi32>
      %ge3A_1550 = arith.constant 0 : i32
      %ge3A_1551 = vector.broadcast %ge3A_1550 : i32 to vector<16xi32>
      %ge3A_1552 = arith.cmpi sge, %sub3A_1549, %ge3A_1551 : vector<16xi32>
      %lt3A_1553 = arith.constant 8192 : i32
      %lt3A_1554 = vector.broadcast %lt3A_1553 : i32 to vector<16xi32>
      %lt3A_1555 = arith.cmpi slt, %sub3A_1549, %lt3A_1554 : vector<16xi32>
      %and3A_1556 = arith.andi %ge3A_1552, %lt3A_1555 : vector<16xi1>
      %jit3A_1557 = arith.constant 0 : i32
      %jit3A_1558 = arith.constant 8191 : i32
      %max3A_1559 = vector.broadcast %jit3A_1557 : i32 to vector<16xi32>
      %max3A_1560 = arith.maxsi %max3A_1559, %sub3A_1549 : vector<16xi32>
      %min3A_1561 = vector.broadcast %jit3A_1558 : i32 to vector<16xi32>
      %min3A_1562 = arith.minsi %min3A_1561, %max3A_1560 : vector<16xi32>
      %mul3A_1563 = arith.constant 16 : i32
      %mul3A_1564 = arith.muli %add3A_1542, %mul3A_1563 : i32
      %add3A_1565 = vector.broadcast %mul3A_1564 : i32 to vector<16xi32>
      %add3A_1566 = arith.addi %add3A_1565, %iota3A : vector<16xi32>
      %broadcast_in_dim3A_1567 = arith.constant 0 : i32
      %broadcast_in_dim3A_1568 = vector.broadcast %broadcast_in_dim3A_1567 : i32 to vector<16xi32>
      %gather3A_1569 = tpu.vector_load_idx %arg11[%broadcast_in_dim3A_1568, %min3A_1562] : memref<4x8192xf32, #tpu.memory_space<vmem>>[vector<16xi32>, vector<16xi32>], vector<16xf32>,
      tpu.vector_store_idx %arg12[%broadcast_in_dim3A_1568, %add3A_1566], %gather3A_1569 masked %and3A_1556 : memref<4x4096xf32, #tpu.memory_space<vmem>>[vector<16xi32>, vector<16xi32>], vector<16xf32>, vector<16xi1>
      %broadcast_in_dim3A_1570 = arith.constant 1 : i32
      %broadcast_in_dim3A_1571 = vector.broadcast %broadcast_in_dim3A_1570 : i32 to vector<16xi32>
      %gather3A_1572 = tpu.vector_load_idx %arg11[%broadcast_in_dim3A_1571, %min3A_1562] : memref<4x8192xf32, #tpu.memory_space<vmem>>[vector<16xi32>, vector<16xi32>], vector<16xf32>,
      tpu.vector_store_idx %arg12[%broadcast_in_dim3A_1571, %add3A_1566], %gather3A_1572 masked %and3A_1556 : memref<4x4096xf32, #tpu.memory_space<vmem>>[vector<16xi32>, vector<16xi32>], vector<16xf32>, vector<16xi1>
      %broadcast_in_dim3A_1573 = arith.constant 2 : i32
      %broadcast_in_dim3A_1574 = vector.broadcast %broadcast_in_dim3A_1573 : i32 to vector<16xi32>
      %gather3A_1575 = tpu.vector_load_idx %arg11[%broadcast_in_dim3A_1574, %min3A_1562] : memref<4x8192xf32, #tpu.memory_space<vmem>>[vector<16xi32>, vector<16xi32>], vector<16xf32>,
      tpu.vector_store_idx %arg12[%broadcast_in_dim3A_1574, %add3A_1566], %gather3A_1575 masked %and3A_1556 : memref<4x4096xf32, #tpu.memory_space<vmem>>[vector<16xi32>, vector<16xi32>], vector<16xf32>, vector<16xi1>
      %broadcast_in_dim3A_1576 = arith.constant 3 : i32
      %broadcast_in_dim3A_1577 = vector.broadcast %broadcast_in_dim3A_1576 : i32 to vector<16xi32>
      %gather3A_1578 = tpu.vector_load_idx %arg11[%broadcast_in_dim3A_1577, %min3A_1562] : memref<4x8192xf32, #tpu.memory_space<vmem>>[vector<16xi32>, vector<16xi32>], vector<16xf32>,
      tpu.vector_store_idx %arg12[%broadcast_in_dim3A_1577, %add3A_1566], %gather3A_1578 masked %and3A_1556 : memref<4x4096xf32, #tpu.memory_space<vmem>>[vector<16xi32>, vector<16xi32>], vector<16xf32>, vector<16xi1>
      %mul3A_1579 = arith.constant 4 : i32
      %mul3A_1580 = arith.muli %scan3A_1494, %mul3A_1579 : i32
      %add3A_1581 = arith.constant 0 : i32
      %add3A_1582 = arith.addi %add3A_1581, %mul3A_1580 : i32
      %add3A_1583 = arith.constant 2 : i32
      %add3A_1584 = arith.addi %add3A_1582, %add3A_1583 : i32
      %mul3A_1585 = arith.constant 16 : i32
      %mul3A_1586 = arith.muli %add3A_1584, %mul3A_1585 : i32
      %get3A_1587 = arith.index_cast %mul3A_1586 : i32 to index
      %get3A_1588 = tpu.vector_load %arg9[%get3A_1587] {strides = array<i32>} : memref<4096xi32, #tpu.memory_space<vmem>>, vector<16xi32>,
      %sub3A_1589 = arith.constant 8192 : i32
      %sub3A_1590 = vector.broadcast %sub3A_1589 : i32 to vector<16xi32>
      %sub3A_1591 = arith.subi %get3A_1588, %sub3A_1590 : vector<16xi32>
      %ge3A_1592 = arith.constant 0 : i32
      %ge3A_1593 = vector.broadcast %ge3A_1592 : i32 to vector<16xi32>
      %ge3A_1594 = arith.cmpi sge, %sub3A_1591, %ge3A_1593 : vector<16xi32>
      %lt3A_1595 = arith.constant 8192 : i32
      %lt3A_1596 = vector.broadcast %lt3A_1595 : i32 to vector<16xi32>
      %lt3A_1597 = arith.cmpi slt, %sub3A_1591, %lt3A_1596 : vector<16xi32>
      %and3A_1598 = arith.andi %ge3A_1594, %lt3A_1597 : vector<16xi1>
      %jit3A_1599 = arith.constant 0 : i32
      %jit3A_1600 = arith.constant 8191 : i32
      %max3A_1601 = vector.broadcast %jit3A_1599 : i32 to vector<16xi32>
      %max3A_1602 = arith.maxsi %max3A_1601, %sub3A_1591 : vector<16xi32>
      %min3A_1603 = vector.broadcast %jit3A_1600 : i32 to vector<16xi32>
      %min3A_1604 = arith.minsi %min3A_1603, %max3A_1602 : vector<16xi32>
      %mul3A_1605 = arith.constant 16 : i32
      %mul3A_1606 = arith.muli %add3A_1584, %mul3A_1605 : i32
      %add3A_1607 = vector.broadcast %mul3A_1606 : i32 to vector<16xi32>
      %add3A_1608 = arith.addi %add3A_1607, %iota3A : vector<16xi32>
      %broadcast_in_dim3A_1609 = arith.constant 0 : i32
      %broadcast_in_dim3A_1610 = vector.broadcast %broadcast_in_dim3A_1609 : i32 to vector<16xi32>
      %gather3A_1611 = tpu.vector_load_idx %arg11[%broadcast_in_dim3A_1610, %min3A_1604] : memref<4x8192xf32, #tpu.memory_space<vmem>>[vector<16xi32>, vector<16xi32>], vector<16xf32>,
      tpu.vector_store_idx %arg12[%broadcast_in_dim3A_1610, %add3A_1608], %gather3A_1611 masked %and3A_1598 : memref<4x4096xf32, #tpu.memory_space<vmem>>[vector<16xi32>, vector<16xi32>], vector<16xf32>, vector<16xi1>
      %broadcast_in_dim3A_1612 = arith.constant 1 : i32
      %broadcast_in_dim3A_1613 = vector.broadcast %broadcast_in_dim3A_1612 : i32 to vector<16xi32>
      %gather3A_1614 = tpu.vector_load_idx %arg11[%broadcast_in_dim3A_1613, %min3A_1604] : memref<4x8192xf32, #tpu.memory_space<vmem>>[vector<16xi32>, vector<16xi32>], vector<16xf32>,
      tpu.vector_store_idx %arg12[%broadcast_in_dim3A_1613, %add3A_1608], %gather3A_1614 masked %and3A_1598 : memref<4x4096xf32, #tpu.memory_space<vmem>>[vector<16xi32>, vector<16xi32>], vector<16xf32>, vector<16xi1>
      %broadcast_in_dim3A_1615 = arith.constant 2 : i32
      %broadcast_in_dim3A_1616 = vector.broadcast %broadcast_in_dim3A_1615 : i32 to vector<16xi32>
      %gather3A_1617 = tpu.vector_load_idx %arg11[%broadcast_in_dim3A_1616, %min3A_1604] : memref<4x8192xf32, #tpu.memory_space<vmem>>[vector<16xi32>, vector<16xi32>], vector<16xf32>,
      tpu.vector_store_idx %arg12[%broadcast_in_dim3A_1616, %add3A_1608], %gather3A_1617 masked %and3A_1598 : memref<4x4096xf32, #tpu.memory_space<vmem>>[vector<16xi32>, vector<16xi32>], vector<16xf32>, vector<16xi1>
      %broadcast_in_dim3A_1618 = arith.constant 3 : i32
      %broadcast_in_dim3A_1619 = vector.broadcast %broadcast_in_dim3A_1618 : i32 to vector<16xi32>
      %gather3A_1620 = tpu.vector_load_idx %arg11[%broadcast_in_dim3A_1619, %min3A_1604] : memref<4x8192xf32, #tpu.memory_space<vmem>>[vector<16xi32>, vector<16xi32>], vector<16xf32>,
      tpu.vector_store_idx %arg12[%broadcast_in_dim3A_1619, %add3A_1608], %gather3A_1620 masked %and3A_1598 : memref<4x4096xf32, #tpu.memory_space<vmem>>[vector<16xi32>, vector<16xi32>], vector<16xf32>, vector<16xi1>
      %mul3A_1621 = arith.constant 4 : i32
      %mul3A_1622 = arith.muli %scan3A_1494, %mul3A_1621 : i32
      %add3A_1623 = arith.constant 0 : i32
      %add3A_1624 = arith.addi %add3A_1623, %mul3A_1622 : i32
      %add3A_1625 = arith.constant 3 : i32
      %add3A_1626 = arith.addi %add3A_1624, %add3A_1625 : i32
      %mul3A_1627 = arith.constant 16 : i32
      %mul3A_1628 = arith.muli %add3A_1626, %mul3A_1627 : i32
      %get3A_1629 = arith.index_cast %mul3A_1628 : i32 to index
      %get3A_1630 = tpu.vector_load %arg9[%get3A_1629] {strides = array<i32>} : memref<4096xi32, #tpu.memory_space<vmem>>, vector<16xi32>,
      %sub3A_1631 = arith.constant 8192 : i32
      %sub3A_1632 = vector.broadcast %sub3A_1631 : i32 to vector<16xi32>
      %sub3A_1633 = arith.subi %get3A_1630, %sub3A_1632 : vector<16xi32>
      %ge3A_1634 = arith.constant 0 : i32
      %ge3A_1635 = vector.broadcast %ge3A_1634 : i32 to vector<16xi32>
      %ge3A_1636 = arith.cmpi sge, %sub3A_1633, %ge3A_1635 : vector<16xi32>
      %lt3A_1637 = arith.constant 8192 : i32
      %lt3A_1638 = vector.broadcast %lt3A_1637 : i32 to vector<16xi32>
      %lt3A_1639 = arith.cmpi slt, %sub3A_1633, %lt3A_1638 : vector<16xi32>
      %and3A_1640 = arith.andi %ge3A_1636, %lt3A_1639 : vector<16xi1>
      %jit3A_1641 = arith.constant 0 : i32
      %jit3A_1642 = arith.constant 8191 : i32
      %max3A_1643 = vector.broadcast %jit3A_1641 : i32 to vector<16xi32>
      %max3A_1644 = arith.maxsi %max3A_1643, %sub3A_1633 : vector<16xi32>
      %min3A_1645 = vector.broadcast %jit3A_1642 : i32 to vector<16xi32>
      %min3A_1646 = arith.minsi %min3A_1645, %max3A_1644 : vector<16xi32>
      %mul3A_1647 = arith.constant 16 : i32
      %mul3A_1648 = arith.muli %add3A_1626, %mul3A_1647 : i32
      %add3A_1649 = vector.broadcast %mul3A_1648 : i32 to vector<16xi32>
      %add3A_1650 = arith.addi %add3A_1649, %iota3A : vector<16xi32>
      %broadcast_in_dim3A_1651 = arith.constant 0 : i32
      %broadcast_in_dim3A_1652 = vector.broadcast %broadcast_in_dim3A_1651 : i32 to vector<16xi32>
      %gather3A_1653 = tpu.vector_load_idx %arg11[%broadcast_in_dim3A_1652, %min3A_1646] : memref<4x8192xf32, #tpu.memory_space<vmem>>[vector<16xi32>, vector<16xi32>], vector<16xf32>,
      tpu.vector_store_idx %arg12[%broadcast_in_dim3A_1652, %add3A_1650], %gather3A_1653 masked %and3A_1640 : memref<4x4096xf32, #tpu.memory_space<vmem>>[vector<16xi32>, vector<16xi32>], vector<16xf32>, vector<16xi1>
      %broadcast_in_dim3A_1654 = arith.constant 1 : i32
      %broadcast_in_dim3A_1655 = vector.broadcast %broadcast_in_dim3A_1654 : i32 to vector<16xi32>
      %gather3A_1656 = tpu.vector_load_idx %arg11[%broadcast_in_dim3A_1655, %min3A_1646] : memref<4x8192xf32, #tpu.memory_space<vmem>>[vector<16xi32>, vector<16xi32>], vector<16xf32>,
      tpu.vector_store_idx %arg12[%broadcast_in_dim3A_1655, %add3A_1650], %gather3A_1656 masked %and3A_1640 : memref<4x4096xf32, #tpu.memory_space<vmem>>[vector<16xi32>, vector<16xi32>], vector<16xf32>, vector<16xi1>
      %broadcast_in_dim3A_1657 = arith.constant 2 : i32
      %broadcast_in_dim3A_1658 = vector.broadcast %broadcast_in_dim3A_1657 : i32 to vector<16xi32>
      %gather3A_1659 = tpu.vector_load_idx %arg11[%broadcast_in_dim3A_1658, %min3A_1646] : memref<4x8192xf32, #tpu.memory_space<vmem>>[vector<16xi32>, vector<16xi32>], vector<16xf32>,
      tpu.vector_store_idx %arg12[%broadcast_in_dim3A_1658, %add3A_1650], %gather3A_1659 masked %and3A_1640 : memref<4x4096xf32, #tpu.memory_space<vmem>>[vector<16xi32>, vector<16xi32>], vector<16xf32>, vector<16xi1>
      %broadcast_in_dim3A_1660 = arith.constant 3 : i32
      %broadcast_in_dim3A_1661 = vector.broadcast %broadcast_in_dim3A_1660 : i32 to vector<16xi32>
      %gather3A_1662 = tpu.vector_load_idx %arg11[%broadcast_in_dim3A_1661, %min3A_1646] : memref<4x8192xf32, #tpu.memory_space<vmem>>[vector<16xi32>, vector<16xi32>], vector<16xf32>,
      tpu.vector_store_idx %arg12[%broadcast_in_dim3A_1661, %add3A_1650], %gather3A_1662 masked %and3A_1640 : memref<4x4096xf32, #tpu.memory_space<vmem>>[vector<16xi32>, vector<16xi32>], vector<16xf32>, vector<16xi1>
      %scan3A_1663 = arith.constant 0 : i32
      scf.yield %scan3A_1663 : i32
    }
    %scan3A_826 = arith.constant 13 : i32
    %dma_wait3A_827 = arith.constant 0 : i32
    %dma_wait3A_828 = arith.constant 0 : i32
    %dma_wait3A_829 = arith.constant 0 : i32
    %dma_wait3A_830 = arith.constant 0 : i32
    %dma_wait3A_831 = tpu.memref_slice %arg10[%dma_wait3A_827, %dma_wait3A_828, %dma_wait3A_829, %dma_wait3A_830] : memref<4x8x8x256xf32, #tpu.memory_space<vmem>> -> memref<1x8x8x256xf32, #tpu.memory_space<vmem>>
    %dma_wait3A_832 = tpu.memref_squeeze %dma_wait3A_831 : memref<1x8x8x256xf32, #tpu.memory_space<vmem>> -> memref<8x8x256xf32, #tpu.memory_space<vmem>>
    %dma_wait3A_833 = tpu.memref_slice %arg9[%add3A_740] : memref<4096xi32, #tpu.memory_space<vmem>> -> memref<8xi32, #tpu.memory_space<vmem>>
    %dma_wait3A_834 = arith.constant 0 : i32
    %dma_wait3A_835 = arith.constant 0 : i32
    %dma_wait3A_836 = arith.constant 0 : i32
    %dma_wait3A_837 = tpu.memref_slice %arg3[%dma_wait3A_834, %dma_wait3A_835, %dma_wait3A_836] : memref<16384x8x256xf32, #tpu.memory_space<hbm>> -> memref<16384x8x256xf32, #tpu.memory_space<hbm>>
    tpu.wait_indirect_dma semaphore(%arg15 : memref<!tpu.dma_semaphore, #tpu.memory_space<semaphore_mem>>) src(%dma_wait3A_837 : memref<16384x8x256xf32, #tpu.memory_space<hbm>>) dst(%dma_wait3A_832 : memref<8x8x256xf32, #tpu.memory_space<vmem>>)
    %add3A_838 = arith.constant 96 : i32
    %add3A_839 = arith.addi %mul3A_2, %add3A_838 : i32
    %dma_start3A_840 = arith.constant 0 : i32
    %dma_start3A_841 = arith.constant 0 : i32
    %dma_start3A_842 = arith.constant 0 : i32
    %dma_start3A_843 = arith.constant 0 : i32
    %dma_start3A_844 = tpu.memref_slice %arg10[%dma_start3A_840, %dma_start3A_841, %dma_start3A_842, %dma_start3A_843] : memref<4x8x8x256xf32, #tpu.memory_space<vmem>> -> memref<1x8x8x256xf32, #tpu.memory_space<vmem>>
    %dma_start3A_845 = tpu.memref_squeeze %dma_start3A_844 : memref<1x8x8x256xf32, #tpu.memory_space<vmem>> -> memref<8x8x256xf32, #tpu.memory_space<vmem>>
    %dma_start3A_846 = arith.constant 0 : i32
    %dma_start3A_847 = arith.constant 0 : i32
    %dma_start3A_848 = tpu.memref_slice %arg6[%add3A_839, %dma_start3A_846, %dma_start3A_847] : memref<4096x8x256xf32, #tpu.memory_space<hbm>> -> memref<8x8x256xf32, #tpu.memory_space<hbm>>
    %dma_start3A_849 = arith.constant 0 : i32
    %dma_start3A_850 = arith.constant 0 : i32
    %dma_start3A_851 = tpu.memref_slice %arg6[%add3A_839, %dma_start3A_849, %dma_start3A_850] : memref<4096x8x256xf32, #tpu.memory_space<hbm>> -> memref<8x8x256xf32, #tpu.memory_space<hbm>>
    %dma_start3A_852 = arith.constant 0 : i32
    %dma_start3A_853 = arith.constant 0 : i32
    %dma_start3A_854 = arith.constant 0 : i32
    %dma_start3A_855 = tpu.memref_slice %arg10[%dma_start3A_840, %dma_start3A_852, %dma_start3A_853, %dma_start3A_854] : memref<4x8x8x256xf32, #tpu.memory_space<vmem>> -> memref<1x8x8x256xf32, #tpu.memory_space<vmem>>
    %dma_start3A_856 = tpu.memref_squeeze %dma_start3A_855 : memref<1x8x8x256xf32, #tpu.memory_space<vmem>> -> memref<8x8x256xf32, #tpu.memory_space<vmem>>
    tpu.enqueue_dma source(%dma_start3A_856 : memref<8x8x256xf32, #tpu.memory_space<vmem>>) target(%dma_start3A_851 : memref<8x8x256xf32, #tpu.memory_space<hbm>>) target_semaphore(%arg16 : memref<!tpu.dma_semaphore, #tpu.memory_space<semaphore_mem>>)
    %dma_wait3A_857 = arith.constant 2 : i32
    %dma_wait3A_858 = arith.constant 0 : i32
    %dma_wait3A_859 = arith.constant 0 : i32
    %dma_wait3A_860 = arith.constant 0 : i32
    %dma_wait3A_861 = tpu.memref_slice %arg10[%dma_wait3A_857, %dma_wait3A_858, %dma_wait3A_859, %dma_wait3A_860] : memref<4x8x8x256xf32, #tpu.memory_space<vmem>> -> memref<1x8x8x256xf32, #tpu.memory_space<vmem>>
    %dma_wait3A_862 = tpu.memref_squeeze %dma_wait3A_861 : memref<1x8x8x256xf32, #tpu.memory_space<vmem>> -> memref<8x8x256xf32, #tpu.memory_space<vmem>>
    %dma_wait3A_863 = arith.constant 0 : i32
    %dma_wait3A_864 = arith.constant 0 : i32
    %dma_wait3A_865 = tpu.memref_slice %arg6[%add3A_704, %dma_wait3A_863, %dma_wait3A_864] : memref<4096x8x256xf32, #tpu.memory_space<hbm>> -> memref<8x8x256xf32, #tpu.memory_space<hbm>>
    %dma_wait3A_866 = arith.constant 0 : i32
    %dma_wait3A_867 = arith.constant 0 : i32
    %dma_wait3A_868 = tpu.memref_slice %arg6[%add3A_704, %dma_wait3A_866, %dma_wait3A_867] : memref<4096x8x256xf32, #tpu.memory_space<hbm>> -> memref<8x8x256xf32, #tpu.memory_space<hbm>>
    %dma_wait3A_869 = arith.constant 0 : i32
    %dma_wait3A_870 = arith.constant 0 : i32
    %dma_wait3A_871 = arith.constant 0 : i32
    %dma_wait3A_872 = tpu.memref_slice %arg10[%dma_wait3A_857, %dma_wait3A_869, %dma_wait3A_870, %dma_wait3A_871] : memref<4x8x8x256xf32, #tpu.memory_space<vmem>> -> memref<1x8x8x256xf32, #tpu.memory_space<vmem>>
    %dma_wait3A_873 = tpu.memref_squeeze %dma_wait3A_872 : memref<1x8x8x256xf32, #tpu.memory_space<vmem>> -> memref<8x8x256xf32, #tpu.memory_space<vmem>>
    tpu.wait_dma2 semaphore(%arg16 : memref<!tpu.dma_semaphore, #tpu.memory_space<semaphore_mem>>) src(%dma_wait3A_873 : memref<8x8x256xf32, #tpu.memory_space<vmem>>) dst(%dma_wait3A_868 : memref<8x8x256xf32, #tpu.memory_space<hbm>>)
    %add3A_874 = arith.constant 112 : i32
    %add3A_875 = arith.addi %mul3A_2, %add3A_874 : i32
    %dma_start3A_876 = arith.constant 2 : i32
    %dma_start3A_877 = arith.constant 0 : i32
    %dma_start3A_878 = arith.constant 0 : i32
    %dma_start3A_879 = arith.constant 0 : i32
    %dma_start3A_880 = tpu.memref_slice %arg10[%dma_start3A_876, %dma_start3A_877, %dma_start3A_878, %dma_start3A_879] : memref<4x8x8x256xf32, #tpu.memory_space<vmem>> -> memref<1x8x8x256xf32, #tpu.memory_space<vmem>>
    %dma_start3A_881 = tpu.memref_squeeze %dma_start3A_880 : memref<1x8x8x256xf32, #tpu.memory_space<vmem>> -> memref<8x8x256xf32, #tpu.memory_space<vmem>>
    %dma_start3A_882 = tpu.memref_slice %arg9[%add3A_875] : memref<4096xi32, #tpu.memory_space<vmem>> -> memref<8xi32, #tpu.memory_space<vmem>>
    %dma_start3A_883 = arith.constant 0 : i32
    %dma_start3A_884 = arith.constant 0 : i32
    %dma_start3A_885 = arith.constant 0 : i32
    %dma_start3A_886 = tpu.memref_slice %arg3[%dma_start3A_883, %dma_start3A_884, %dma_start3A_885] : memref<16384x8x256xf32, #tpu.memory_space<hbm>> -> memref<16384x8x256xf32, #tpu.memory_space<hbm>>
    tpu.enqueue_indirect_dma source(%dma_start3A_886 : memref<16384x8x256xf32, #tpu.memory_space<hbm>>) target(%dma_start3A_881 : memref<8x8x256xf32, #tpu.memory_space<vmem>>) offsets(%dma_start3A_882 : memref<8xi32, #tpu.memory_space<vmem>>) semaphore(%arg15 : memref<!tpu.dma_semaphore, #tpu.memory_space<semaphore_mem>>)
    %scan3A_887 = arith.constant 0 : i32
    %scan3A_888 = arith.constant 0 : i32
    %scan3A_889 = arith.constant 13 : i32
    %scan3A_890 = arith.addi %scan3A_888, %scan3A_889 : i32
    %scan3A_891 = arith.constant 1 : i32
    %scan3A_892 = scf.for %scan3A_1494 = %scan3A_888 to %scan3A_890 step %scan3A_891 iter_args(%scan3A_1495 = %scan3A_887) -> (i32)  : i32 {
      %mul3A_1496 = arith.constant 4 : i32
      %mul3A_1497 = arith.muli %scan3A_1494, %mul3A_1496 : i32
      %add3A_1498 = arith.constant 52 : i32
      %add3A_1499 = arith.addi %add3A_1498, %mul3A_1497 : i32
      %add3A_1500 = arith.constant 0 : i32
      %add3A_1501 = arith.addi %add3A_1499, %add3A_1500 : i32
      %mul3A_1502 = arith.constant 16 : i32
      %mul3A_1503 = arith.muli %add3A_1501, %mul3A_1502 : i32
      %get3A_1504 = arith.index_cast %mul3A_1503 : i32 to index
      %get3A_1505 = tpu.vector_load %arg9[%get3A_1504] {strides = array<i32>} : memref<4096xi32, #tpu.memory_space<vmem>>, vector<16xi32>,
      %sub3A_1506 = arith.constant 8192 : i32
      %sub3A_1507 = vector.broadcast %sub3A_1506 : i32 to vector<16xi32>
      %sub3A_1508 = arith.subi %get3A_1505, %sub3A_1507 : vector<16xi32>
      %ge3A_1509 = arith.constant 0 : i32
      %ge3A_1510 = vector.broadcast %ge3A_1509 : i32 to vector<16xi32>
      %ge3A_1511 = arith.cmpi sge, %sub3A_1508, %ge3A_1510 : vector<16xi32>
      %lt3A_1512 = arith.constant 8192 : i32
      %lt3A_1513 = vector.broadcast %lt3A_1512 : i32 to vector<16xi32>
      %lt3A_1514 = arith.cmpi slt, %sub3A_1508, %lt3A_1513 : vector<16xi32>
      %and3A_1515 = arith.andi %ge3A_1511, %lt3A_1514 : vector<16xi1>
      %jit3A_1516 = arith.constant 0 : i32
      %jit3A_1517 = arith.constant 8191 : i32
      %max3A_1518 = vector.broadcast %jit3A_1516 : i32 to vector<16xi32>
      %max3A_1519 = arith.maxsi %max3A_1518, %sub3A_1508 : vector<16xi32>
      %min3A_1520 = vector.broadcast %jit3A_1517 : i32 to vector<16xi32>
      %min3A_1521 = arith.minsi %min3A_1520, %max3A_1519 : vector<16xi32>
      %mul3A_1522 = arith.constant 16 : i32
      %mul3A_1523 = arith.muli %add3A_1501, %mul3A_1522 : i32
      %add3A_1524 = vector.broadcast %mul3A_1523 : i32 to vector<16xi32>
      %add3A_1525 = arith.addi %add3A_1524, %iota3A : vector<16xi32>
      %broadcast_in_dim3A = arith.constant 0 : i32
      %broadcast_in_dim3A_1526 = vector.broadcast %broadcast_in_dim3A : i32 to vector<16xi32>
      %gather3A_1527 = tpu.vector_load_idx %arg11[%broadcast_in_dim3A_1526, %min3A_1521] : memref<4x8192xf32, #tpu.memory_space<vmem>>[vector<16xi32>, vector<16xi32>], vector<16xf32>,
      tpu.vector_store_idx %arg12[%broadcast_in_dim3A_1526, %add3A_1525], %gather3A_1527 masked %and3A_1515 : memref<4x4096xf32, #tpu.memory_space<vmem>>[vector<16xi32>, vector<16xi32>], vector<16xf32>, vector<16xi1>
      %broadcast_in_dim3A_1528 = arith.constant 1 : i32
      %broadcast_in_dim3A_1529 = vector.broadcast %broadcast_in_dim3A_1528 : i32 to vector<16xi32>
      %gather3A_1530 = tpu.vector_load_idx %arg11[%broadcast_in_dim3A_1529, %min3A_1521] : memref<4x8192xf32, #tpu.memory_space<vmem>>[vector<16xi32>, vector<16xi32>], vector<16xf32>,
      tpu.vector_store_idx %arg12[%broadcast_in_dim3A_1529, %add3A_1525], %gather3A_1530 masked %and3A_1515 : memref<4x4096xf32, #tpu.memory_space<vmem>>[vector<16xi32>, vector<16xi32>], vector<16xf32>, vector<16xi1>
      %broadcast_in_dim3A_1531 = arith.constant 2 : i32
      %broadcast_in_dim3A_1532 = vector.broadcast %broadcast_in_dim3A_1531 : i32 to vector<16xi32>
      %gather3A_1533 = tpu.vector_load_idx %arg11[%broadcast_in_dim3A_1532, %min3A_1521] : memref<4x8192xf32, #tpu.memory_space<vmem>>[vector<16xi32>, vector<16xi32>], vector<16xf32>,
      tpu.vector_store_idx %arg12[%broadcast_in_dim3A_1532, %add3A_1525], %gather3A_1533 masked %and3A_1515 : memref<4x4096xf32, #tpu.memory_space<vmem>>[vector<16xi32>, vector<16xi32>], vector<16xf32>, vector<16xi1>
      %broadcast_in_dim3A_1534 = arith.constant 3 : i32
      %broadcast_in_dim3A_1535 = vector.broadcast %broadcast_in_dim3A_1534 : i32 to vector<16xi32>
      %gather3A_1536 = tpu.vector_load_idx %arg11[%broadcast_in_dim3A_1535, %min3A_1521] : memref<4x8192xf32, #tpu.memory_space<vmem>>[vector<16xi32>, vector<16xi32>], vector<16xf32>,
      tpu.vector_store_idx %arg12[%broadcast_in_dim3A_1535, %add3A_1525], %gather3A_1536 masked %and3A_1515 : memref<4x4096xf32, #tpu.memory_space<vmem>>[vector<16xi32>, vector<16xi32>], vector<16xf32>, vector<16xi1>
      %mul3A_1537 = arith.constant 4 : i32
      %mul3A_1538 = arith.muli %scan3A_1494, %mul3A_1537 : i32
      %add3A_1539 = arith.constant 52 : i32
      %add3A_1540 = arith.addi %add3A_1539, %mul3A_1538 : i32
      %add3A_1541 = arith.constant 1 : i32
      %add3A_1542 = arith.addi %add3A_1540, %add3A_1541 : i32
      %mul3A_1543 = arith.constant 16 : i32
      %mul3A_1544 = arith.muli %add3A_1542, %mul3A_1543 : i32
      %get3A_1545 = arith.index_cast %mul3A_1544 : i32 to index
      %get3A_1546 = tpu.vector_load %arg9[%get3A_1545] {strides = array<i32>} : memref<4096xi32, #tpu.memory_space<vmem>>, vector<16xi32>,
      %sub3A_1547 = arith.constant 8192 : i32
      %sub3A_1548 = vector.broadcast %sub3A_1547 : i32 to vector<16xi32>
      %sub3A_1549 = arith.subi %get3A_1546, %sub3A_1548 : vector<16xi32>
      %ge3A_1550 = arith.constant 0 : i32
      %ge3A_1551 = vector.broadcast %ge3A_1550 : i32 to vector<16xi32>
      %ge3A_1552 = arith.cmpi sge, %sub3A_1549, %ge3A_1551 : vector<16xi32>
      %lt3A_1553 = arith.constant 8192 : i32
      %lt3A_1554 = vector.broadcast %lt3A_1553 : i32 to vector<16xi32>
      %lt3A_1555 = arith.cmpi slt, %sub3A_1549, %lt3A_1554 : vector<16xi32>
      %and3A_1556 = arith.andi %ge3A_1552, %lt3A_1555 : vector<16xi1>
      %jit3A_1557 = arith.constant 0 : i32
      %jit3A_1558 = arith.constant 8191 : i32
      %max3A_1559 = vector.broadcast %jit3A_1557 : i32 to vector<16xi32>
      %max3A_1560 = arith.maxsi %max3A_1559, %sub3A_1549 : vector<16xi32>
      %min3A_1561 = vector.broadcast %jit3A_1558 : i32 to vector<16xi32>
      %min3A_1562 = arith.minsi %min3A_1561, %max3A_1560 : vector<16xi32>
      %mul3A_1563 = arith.constant 16 : i32
      %mul3A_1564 = arith.muli %add3A_1542, %mul3A_1563 : i32
      %add3A_1565 = vector.broadcast %mul3A_1564 : i32 to vector<16xi32>
      %add3A_1566 = arith.addi %add3A_1565, %iota3A : vector<16xi32>
      %broadcast_in_dim3A_1567 = arith.constant 0 : i32
      %broadcast_in_dim3A_1568 = vector.broadcast %broadcast_in_dim3A_1567 : i32 to vector<16xi32>
      %gather3A_1569 = tpu.vector_load_idx %arg11[%broadcast_in_dim3A_1568, %min3A_1562] : memref<4x8192xf32, #tpu.memory_space<vmem>>[vector<16xi32>, vector<16xi32>], vector<16xf32>,
      tpu.vector_store_idx %arg12[%broadcast_in_dim3A_1568, %add3A_1566], %gather3A_1569 masked %and3A_1556 : memref<4x4096xf32, #tpu.memory_space<vmem>>[vector<16xi32>, vector<16xi32>], vector<16xf32>, vector<16xi1>
      %broadcast_in_dim3A_1570 = arith.constant 1 : i32
      %broadcast_in_dim3A_1571 = vector.broadcast %broadcast_in_dim3A_1570 : i32 to vector<16xi32>
      %gather3A_1572 = tpu.vector_load_idx %arg11[%broadcast_in_dim3A_1571, %min3A_1562] : memref<4x8192xf32, #tpu.memory_space<vmem>>[vector<16xi32>, vector<16xi32>], vector<16xf32>,
      tpu.vector_store_idx %arg12[%broadcast_in_dim3A_1571, %add3A_1566], %gather3A_1572 masked %and3A_1556 : memref<4x4096xf32, #tpu.memory_space<vmem>>[vector<16xi32>, vector<16xi32>], vector<16xf32>, vector<16xi1>
      %broadcast_in_dim3A_1573 = arith.constant 2 : i32
      %broadcast_in_dim3A_1574 = vector.broadcast %broadcast_in_dim3A_1573 : i32 to vector<16xi32>
      %gather3A_1575 = tpu.vector_load_idx %arg11[%broadcast_in_dim3A_1574, %min3A_1562] : memref<4x8192xf32, #tpu.memory_space<vmem>>[vector<16xi32>, vector<16xi32>], vector<16xf32>,
      tpu.vector_store_idx %arg12[%broadcast_in_dim3A_1574, %add3A_1566], %gather3A_1575 masked %and3A_1556 : memref<4x4096xf32, #tpu.memory_space<vmem>>[vector<16xi32>, vector<16xi32>], vector<16xf32>, vector<16xi1>
      %broadcast_in_dim3A_1576 = arith.constant 3 : i32
      %broadcast_in_dim3A_1577 = vector.broadcast %broadcast_in_dim3A_1576 : i32 to vector<16xi32>
      %gather3A_1578 = tpu.vector_load_idx %arg11[%broadcast_in_dim3A_1577, %min3A_1562] : memref<4x8192xf32, #tpu.memory_space<vmem>>[vector<16xi32>, vector<16xi32>], vector<16xf32>,
      tpu.vector_store_idx %arg12[%broadcast_in_dim3A_1577, %add3A_1566], %gather3A_1578 masked %and3A_1556 : memref<4x4096xf32, #tpu.memory_space<vmem>>[vector<16xi32>, vector<16xi32>], vector<16xf32>, vector<16xi1>
      %mul3A_1579 = arith.constant 4 : i32
      %mul3A_1580 = arith.muli %scan3A_1494, %mul3A_1579 : i32
      %add3A_1581 = arith.constant 52 : i32
      %add3A_1582 = arith.addi %add3A_1581, %mul3A_1580 : i32
      %add3A_1583 = arith.constant 2 : i32
      %add3A_1584 = arith.addi %add3A_1582, %add3A_1583 : i32
      %mul3A_1585 = arith.constant 16 : i32
      %mul3A_1586 = arith.muli %add3A_1584, %mul3A_1585 : i32
      %get3A_1587 = arith.index_cast %mul3A_1586 : i32 to index
      %get3A_1588 = tpu.vector_load %arg9[%get3A_1587] {strides = array<i32>} : memref<4096xi32, #tpu.memory_space<vmem>>, vector<16xi32>,
      %sub3A_1589 = arith.constant 8192 : i32
      %sub3A_1590 = vector.broadcast %sub3A_1589 : i32 to vector<16xi32>
      %sub3A_1591 = arith.subi %get3A_1588, %sub3A_1590 : vector<16xi32>
      %ge3A_1592 = arith.constant 0 : i32
      %ge3A_1593 = vector.broadcast %ge3A_1592 : i32 to vector<16xi32>
      %ge3A_1594 = arith.cmpi sge, %sub3A_1591, %ge3A_1593 : vector<16xi32>
      %lt3A_1595 = arith.constant 8192 : i32
      %lt3A_1596 = vector.broadcast %lt3A_1595 : i32 to vector<16xi32>
      %lt3A_1597 = arith.cmpi slt, %sub3A_1591, %lt3A_1596 : vector<16xi32>
      %and3A_1598 = arith.andi %ge3A_1594, %lt3A_1597 : vector<16xi1>
      %jit3A_1599 = arith.constant 0 : i32
      %jit3A_1600 = arith.constant 8191 : i32
      %max3A_1601 = vector.broadcast %jit3A_1599 : i32 to vector<16xi32>
      %max3A_1602 = arith.maxsi %max3A_1601, %sub3A_1591 : vector<16xi32>
      %min3A_1603 = vector.broadcast %jit3A_1600 : i32 to vector<16xi32>
      %min3A_1604 = arith.minsi %min3A_1603, %max3A_1602 : vector<16xi32>
      %mul3A_1605 = arith.constant 16 : i32
      %mul3A_1606 = arith.muli %add3A_1584, %mul3A_1605 : i32
      %add3A_1607 = vector.broadcast %mul3A_1606 : i32 to vector<16xi32>
      %add3A_1608 = arith.addi %add3A_1607, %iota3A : vector<16xi32>
      %broadcast_in_dim3A_1609 = arith.constant 0 : i32
      %broadcast_in_dim3A_1610 = vector.broadcast %broadcast_in_dim3A_1609 : i32 to vector<16xi32>
      %gather3A_1611 = tpu.vector_load_idx %arg11[%broadcast_in_dim3A_1610, %min3A_1604] : memref<4x8192xf32, #tpu.memory_space<vmem>>[vector<16xi32>, vector<16xi32>], vector<16xf32>,
      tpu.vector_store_idx %arg12[%broadcast_in_dim3A_1610, %add3A_1608], %gather3A_1611 masked %and3A_1598 : memref<4x4096xf32, #tpu.memory_space<vmem>>[vector<16xi32>, vector<16xi32>], vector<16xf32>, vector<16xi1>
      %broadcast_in_dim3A_1612 = arith.constant 1 : i32
      %broadcast_in_dim3A_1613 = vector.broadcast %broadcast_in_dim3A_1612 : i32 to vector<16xi32>
      %gather3A_1614 = tpu.vector_load_idx %arg11[%broadcast_in_dim3A_1613, %min3A_1604] : memref<4x8192xf32, #tpu.memory_space<vmem>>[vector<16xi32>, vector<16xi32>], vector<16xf32>,
      tpu.vector_store_idx %arg12[%broadcast_in_dim3A_1613, %add3A_1608], %gather3A_1614 masked %and3A_1598 : memref<4x4096xf32, #tpu.memory_space<vmem>>[vector<16xi32>, vector<16xi32>], vector<16xf32>, vector<16xi1>
      %broadcast_in_dim3A_1615 = arith.constant 2 : i32
      %broadcast_in_dim3A_1616 = vector.broadcast %broadcast_in_dim3A_1615 : i32 to vector<16xi32>
      %gather3A_1617 = tpu.vector_load_idx %arg11[%broadcast_in_dim3A_1616, %min3A_1604] : memref<4x8192xf32, #tpu.memory_space<vmem>>[vector<16xi32>, vector<16xi32>], vector<16xf32>,
      tpu.vector_store_idx %arg12[%broadcast_in_dim3A_1616, %add3A_1608], %gather3A_1617 masked %and3A_1598 : memref<4x4096xf32, #tpu.memory_space<vmem>>[vector<16xi32>, vector<16xi32>], vector<16xf32>, vector<16xi1>
      %broadcast_in_dim3A_1618 = arith.constant 3 : i32
      %broadcast_in_dim3A_1619 = vector.broadcast %broadcast_in_dim3A_1618 : i32 to vector<16xi32>
      %gather3A_1620 = tpu.vector_load_idx %arg11[%broadcast_in_dim3A_1619, %min3A_1604] : memref<4x8192xf32, #tpu.memory_space<vmem>>[vector<16xi32>, vector<16xi32>], vector<16xf32>,
      tpu.vector_store_idx %arg12[%broadcast_in_dim3A_1619, %add3A_1608], %gather3A_1620 masked %and3A_1598 : memref<4x4096xf32, #tpu.memory_space<vmem>>[vector<16xi32>, vector<16xi32>], vector<16xf32>, vector<16xi1>
      %mul3A_1621 = arith.constant 4 : i32
      %mul3A_1622 = arith.muli %scan3A_1494, %mul3A_1621 : i32
      %add3A_1623 = arith.constant 52 : i32
      %add3A_1624 = arith.addi %add3A_1623, %mul3A_1622 : i32
      %add3A_1625 = arith.constant 3 : i32
      %add3A_1626 = arith.addi %add3A_1624, %add3A_1625 : i32
      %mul3A_1627 = arith.constant 16 : i32
      %mul3A_1628 = arith.muli %add3A_1626, %mul3A_1627 : i32
      %get3A_1629 = arith.index_cast %mul3A_1628 : i32 to index
      %get3A_1630 = tpu.vector_load %arg9[%get3A_1629] {strides = array<i32>} : memref<4096xi32, #tpu.memory_space<vmem>>, vector<16xi32>,
      %sub3A_1631 = arith.constant 8192 : i32
      %sub3A_1632 = vector.broadcast %sub3A_1631 : i32 to vector<16xi32>
      %sub3A_1633 = arith.subi %get3A_1630, %sub3A_1632 : vector<16xi32>
      %ge3A_1634 = arith.constant 0 : i32
      %ge3A_1635 = vector.broadcast %ge3A_1634 : i32 to vector<16xi32>
      %ge3A_1636 = arith.cmpi sge, %sub3A_1633, %ge3A_1635 : vector<16xi32>
      %lt3A_1637 = arith.constant 8192 : i32
      %lt3A_1638 = vector.broadcast %lt3A_1637 : i32 to vector<16xi32>
      %lt3A_1639 = arith.cmpi slt, %sub3A_1633, %lt3A_1638 : vector<16xi32>
      %and3A_1640 = arith.andi %ge3A_1636, %lt3A_1639 : vector<16xi1>
      %jit3A_1641 = arith.constant 0 : i32
      %jit3A_1642 = arith.constant 8191 : i32
      %max3A_1643 = vector.broadcast %jit3A_1641 : i32 to vector<16xi32>
      %max3A_1644 = arith.maxsi %max3A_1643, %sub3A_1633 : vector<16xi32>
      %min3A_1645 = vector.broadcast %jit3A_1642 : i32 to vector<16xi32>
      %min3A_1646 = arith.minsi %min3A_1645, %max3A_1644 : vector<16xi32>
      %mul3A_1647 = arith.constant 16 : i32
      %mul3A_1648 = arith.muli %add3A_1626, %mul3A_1647 : i32
      %add3A_1649 = vector.broadcast %mul3A_1648 : i32 to vector<16xi32>
      %add3A_1650 = arith.addi %add3A_1649, %iota3A : vector<16xi32>
      %broadcast_in_dim3A_1651 = arith.constant 0 : i32
      %broadcast_in_dim3A_1652 = vector.broadcast %broadcast_in_dim3A_1651 : i32 to vector<16xi32>
      %gather3A_1653 = tpu.vector_load_idx %arg11[%broadcast_in_dim3A_1652, %min3A_1646] : memref<4x8192xf32, #tpu.memory_space<vmem>>[vector<16xi32>, vector<16xi32>], vector<16xf32>,
      tpu.vector_store_idx %arg12[%broadcast_in_dim3A_1652, %add3A_1650], %gather3A_1653 masked %and3A_1640 : memref<4x4096xf32, #tpu.memory_space<vmem>>[vector<16xi32>, vector<16xi32>], vector<16xf32>, vector<16xi1>
      %broadcast_in_dim3A_1654 = arith.constant 1 : i32
      %broadcast_in_dim3A_1655 = vector.broadcast %broadcast_in_dim3A_1654 : i32 to vector<16xi32>
      %gather3A_1656 = tpu.vector_load_idx %arg11[%broadcast_in_dim3A_1655, %min3A_1646] : memref<4x8192xf32, #tpu.memory_space<vmem>>[vector<16xi32>, vector<16xi32>], vector<16xf32>,
      tpu.vector_store_idx %arg12[%broadcast_in_dim3A_1655, %add3A_1650], %gather3A_1656 masked %and3A_1640 : memref<4x4096xf32, #tpu.memory_space<vmem>>[vector<16xi32>, vector<16xi32>], vector<16xf32>, vector<16xi1>
      %broadcast_in_dim3A_1657 = arith.constant 2 : i32
      %broadcast_in_dim3A_1658 = vector.broadcast %broadcast_in_dim3A_1657 : i32 to vector<16xi32>
      %gather3A_1659 = tpu.vector_load_idx %arg11[%broadcast_in_dim3A_1658, %min3A_1646] : memref<4x8192xf32, #tpu.memory_space<vmem>>[vector<16xi32>, vector<16xi32>], vector<16xf32>,
      tpu.vector_store_idx %arg12[%broadcast_in_dim3A_1658, %add3A_1650], %gather3A_1659 masked %and3A_1640 : memref<4x4096xf32, #tpu.memory_space<vmem>>[vector<16xi32>, vector<16xi32>], vector<16xf32>, vector<16xi1>
      %broadcast_in_dim3A_1660 = arith.constant 3 : i32
      %broadcast_in_dim3A_1661 = vector.broadcast %broadcast_in_dim3A_1660 : i32 to vector<16xi32>
      %gather3A_1662 = tpu.vector_load_idx %arg11[%broadcast_in_dim3A_1661, %min3A_1646] : memref<4x8192xf32, #tpu.memory_space<vmem>>[vector<16xi32>, vector<16xi32>], vector<16xf32>,
      tpu.vector_store_idx %arg12[%broadcast_in_dim3A_1661, %add3A_1650], %gather3A_1662 masked %and3A_1640 : memref<4x4096xf32, #tpu.memory_space<vmem>>[vector<16xi32>, vector<16xi32>], vector<16xf32>, vector<16xi1>
      %scan3A_1663 = arith.constant 0 : i32
      scf.yield %scan3A_1663 : i32
    }
    %scan3A_893 = arith.constant 13 : i32
    %dma_wait3A_894 = arith.constant 1 : i32
    %dma_wait3A_895 = arith.constant 0 : i32
    %dma_wait3A_896 = arith.constant 0 : i32
    %dma_wait3A_897 = arith.constant 0 : i32
    %dma_wait3A_898 = tpu.memref_slice %arg10[%dma_wait3A_894, %dma_wait3A_895, %dma_wait3A_896, %dma_wait3A_897] : memref<4x8x8x256xf32, #tpu.memory_space<vmem>> -> memref<1x8x8x256xf32, #tpu.memory_space<vmem>>
    %dma_wait3A_899 = tpu.memref_squeeze %dma_wait3A_898 : memref<1x8x8x256xf32, #tpu.memory_space<vmem>> -> memref<8x8x256xf32, #tpu.memory_space<vmem>>
    %dma_wait3A_900 = tpu.memref_slice %arg9[%add3A_800] : memref<4096xi32, #tpu.memory_space<vmem>> -> memref<8xi32, #tpu.memory_space<vmem>>
    %dma_wait3A_901 = arith.constant 0 : i32
    %dma_wait3A_902 = arith.constant 0 : i32
    %dma_wait3A_903 = arith.constant 0 : i32
    %dma_wait3A_904 = tpu.memref_slice %arg3[%dma_wait3A_901, %dma_wait3A_902, %dma_wait3A_903] : memref<16384x8x256xf32, #tpu.memory_space<hbm>> -> memref<16384x8x256xf32, #tpu.memory_space<hbm>>
    tpu.wait_indirect_dma semaphore(%arg15 : memref<!tpu.dma_semaphore, #tpu.memory_space<semaphore_mem>>) src(%dma_wait3A_904 : memref<16384x8x256xf32, #tpu.memory_space<hbm>>) dst(%dma_wait3A_899 : memref<8x8x256xf32, #tpu.memory_space<vmem>>)
    %add3A_905 = arith.constant 104 : i32
    %add3A_906 = arith.addi %mul3A_2, %add3A_905 : i32
    %dma_start3A_907 = arith.constant 1 : i32
    %dma_start3A_908 = arith.constant 0 : i32
    %dma_start3A_909 = arith.constant 0 : i32
    %dma_start3A_910 = arith.constant 0 : i32
    %dma_start3A_911 = tpu.memref_slice %arg10[%dma_start3A_907, %dma_start3A_908, %dma_start3A_909, %dma_start3A_910] : memref<4x8x8x256xf32, #tpu.memory_space<vmem>> -> memref<1x8x8x256xf32, #tpu.memory_space<vmem>>
    %dma_start3A_912 = tpu.memref_squeeze %dma_start3A_911 : memref<1x8x8x256xf32, #tpu.memory_space<vmem>> -> memref<8x8x256xf32, #tpu.memory_space<vmem>>
    %dma_start3A_913 = arith.constant 0 : i32
    %dma_start3A_914 = arith.constant 0 : i32
    %dma_start3A_915 = tpu.memref_slice %arg6[%add3A_906, %dma_start3A_913, %dma_start3A_914] : memref<4096x8x256xf32, #tpu.memory_space<hbm>> -> memref<8x8x256xf32, #tpu.memory_space<hbm>>
    %dma_start3A_916 = arith.constant 0 : i32
    %dma_start3A_917 = arith.constant 0 : i32
    %dma_start3A_918 = tpu.memref_slice %arg6[%add3A_906, %dma_start3A_916, %dma_start3A_917] : memref<4096x8x256xf32, #tpu.memory_space<hbm>> -> memref<8x8x256xf32, #tpu.memory_space<hbm>>
    %dma_start3A_919 = arith.constant 0 : i32
    %dma_start3A_920 = arith.constant 0 : i32
    %dma_start3A_921 = arith.constant 0 : i32
    %dma_start3A_922 = tpu.memref_slice %arg10[%dma_start3A_907, %dma_start3A_919, %dma_start3A_920, %dma_start3A_921] : memref<4x8x8x256xf32, #tpu.memory_space<vmem>> -> memref<1x8x8x256xf32, #tpu.memory_space<vmem>>
    %dma_start3A_923 = tpu.memref_squeeze %dma_start3A_922 : memref<1x8x8x256xf32, #tpu.memory_space<vmem>> -> memref<8x8x256xf32, #tpu.memory_space<vmem>>
    tpu.enqueue_dma source(%dma_start3A_923 : memref<8x8x256xf32, #tpu.memory_space<vmem>>) target(%dma_start3A_918 : memref<8x8x256xf32, #tpu.memory_space<hbm>>) target_semaphore(%arg16 : memref<!tpu.dma_semaphore, #tpu.memory_space<semaphore_mem>>)
    %dma_wait3A_924 = arith.constant 3 : i32
    %dma_wait3A_925 = arith.constant 0 : i32
    %dma_wait3A_926 = arith.constant 0 : i32
    %dma_wait3A_927 = arith.constant 0 : i32
    %dma_wait3A_928 = tpu.memref_slice %arg10[%dma_wait3A_924, %dma_wait3A_925, %dma_wait3A_926, %dma_wait3A_927] : memref<4x8x8x256xf32, #tpu.memory_space<vmem>> -> memref<1x8x8x256xf32, #tpu.memory_space<vmem>>
    %dma_wait3A_929 = tpu.memref_squeeze %dma_wait3A_928 : memref<1x8x8x256xf32, #tpu.memory_space<vmem>> -> memref<8x8x256xf32, #tpu.memory_space<vmem>>
    %dma_wait3A_930 = arith.constant 0 : i32
    %dma_wait3A_931 = arith.constant 0 : i32
    %dma_wait3A_932 = tpu.memref_slice %arg6[%add3A_764, %dma_wait3A_930, %dma_wait3A_931] : memref<4096x8x256xf32, #tpu.memory_space<hbm>> -> memref<8x8x256xf32, #tpu.memory_space<hbm>>
    %dma_wait3A_933 = arith.constant 0 : i32
    %dma_wait3A_934 = arith.constant 0 : i32
    %dma_wait3A_935 = tpu.memref_slice %arg6[%add3A_764, %dma_wait3A_933, %dma_wait3A_934] : memref<4096x8x256xf32, #tpu.memory_space<hbm>> -> memref<8x8x256xf32, #tpu.memory_space<hbm>>
    %dma_wait3A_936 = arith.constant 0 : i32
    %dma_wait3A_937 = arith.constant 0 : i32
    %dma_wait3A_938 = arith.constant 0 : i32
    %dma_wait3A_939 = tpu.memref_slice %arg10[%dma_wait3A_924, %dma_wait3A_936, %dma_wait3A_937, %dma_wait3A_938] : memref<4x8x8x256xf32, #tpu.memory_space<vmem>> -> memref<1x8x8x256xf32, #tpu.memory_space<vmem>>
    %dma_wait3A_940 = tpu.memref_squeeze %dma_wait3A_939 : memref<1x8x8x256xf32, #tpu.memory_space<vmem>> -> memref<8x8x256xf32, #tpu.memory_space<vmem>>
    tpu.wait_dma2 semaphore(%arg16 : memref<!tpu.dma_semaphore, #tpu.memory_space<semaphore_mem>>) src(%dma_wait3A_940 : memref<8x8x256xf32, #tpu.memory_space<vmem>>) dst(%dma_wait3A_935 : memref<8x8x256xf32, #tpu.memory_space<hbm>>)
    %add3A_941 = arith.constant 120 : i32
    %add3A_942 = arith.addi %mul3A_2, %add3A_941 : i32
    %dma_start3A_943 = arith.constant 3 : i32
    %dma_start3A_944 = arith.constant 0 : i32
    %dma_start3A_945 = arith.constant 0 : i32
    %dma_start3A_946 = arith.constant 0 : i32
    %dma_start3A_947 = tpu.memref_slice %arg10[%dma_start3A_943, %dma_start3A_944, %dma_start3A_945, %dma_start3A_946] : memref<4x8x8x256xf32, #tpu.memory_space<vmem>> -> memref<1x8x8x256xf32, #tpu.memory_space<vmem>>
    %dma_start3A_948 = tpu.memref_squeeze %dma_start3A_947 : memref<1x8x8x256xf32, #tpu.memory_space<vmem>> -> memref<8x8x256xf32, #tpu.memory_space<vmem>>
    %dma_start3A_949 = tpu.memref_slice %arg9[%add3A_942] : memref<4096xi32, #tpu.memory_space<vmem>> -> memref<8xi32, #tpu.memory_space<vmem>>
    %dma_start3A_950 = arith.constant 0 : i32
    %dma_start3A_951 = arith.constant 0 : i32
    %dma_start3A_952 = arith.constant 0 : i32
    %dma_start3A_953 = tpu.memref_slice %arg3[%dma_start3A_950, %dma_start3A_951, %dma_start3A_952] : memref<16384x8x256xf32, #tpu.memory_space<hbm>> -> memref<16384x8x256xf32, #tpu.memory_space<hbm>>
    tpu.enqueue_indirect_dma source(%dma_start3A_953 : memref<16384x8x256xf32, #tpu.memory_space<hbm>>) target(%dma_start3A_948 : memref<8x8x256xf32, #tpu.memory_space<vmem>>) offsets(%dma_start3A_949 : memref<8xi32, #tpu.memory_space<vmem>>) semaphore(%arg15 : memref<!tpu.dma_semaphore, #tpu.memory_space<semaphore_mem>>)
    %scan3A_954 = arith.constant 0 : i32
    %scan3A_955 = arith.constant 0 : i32
    %scan3A_956 = arith.constant 13 : i32
    %scan3A_957 = arith.addi %scan3A_955, %scan3A_956 : i32
    %scan3A_958 = arith.constant 1 : i32
    %scan3A_959 = scf.for %scan3A_1494 = %scan3A_955 to %scan3A_957 step %scan3A_958 iter_args(%scan3A_1495 = %scan3A_954) -> (i32)  : i32 {
      %mul3A_1496 = arith.constant 4 : i32
      %mul3A_1497 = arith.muli %scan3A_1494, %mul3A_1496 : i32
      %add3A_1498 = arith.constant 104 : i32
      %add3A_1499 = arith.addi %add3A_1498, %mul3A_1497 : i32
      %add3A_1500 = arith.constant 0 : i32
      %add3A_1501 = arith.addi %add3A_1499, %add3A_1500 : i32
      %mul3A_1502 = arith.constant 16 : i32
      %mul3A_1503 = arith.muli %add3A_1501, %mul3A_1502 : i32
      %get3A_1504 = arith.index_cast %mul3A_1503 : i32 to index
      %get3A_1505 = tpu.vector_load %arg9[%get3A_1504] {strides = array<i32>} : memref<4096xi32, #tpu.memory_space<vmem>>, vector<16xi32>,
      %sub3A_1506 = arith.constant 8192 : i32
      %sub3A_1507 = vector.broadcast %sub3A_1506 : i32 to vector<16xi32>
      %sub3A_1508 = arith.subi %get3A_1505, %sub3A_1507 : vector<16xi32>
      %ge3A_1509 = arith.constant 0 : i32
      %ge3A_1510 = vector.broadcast %ge3A_1509 : i32 to vector<16xi32>
      %ge3A_1511 = arith.cmpi sge, %sub3A_1508, %ge3A_1510 : vector<16xi32>
      %lt3A_1512 = arith.constant 8192 : i32
      %lt3A_1513 = vector.broadcast %lt3A_1512 : i32 to vector<16xi32>
      %lt3A_1514 = arith.cmpi slt, %sub3A_1508, %lt3A_1513 : vector<16xi32>
      %and3A_1515 = arith.andi %ge3A_1511, %lt3A_1514 : vector<16xi1>
      %jit3A_1516 = arith.constant 0 : i32
      %jit3A_1517 = arith.constant 8191 : i32
      %max3A_1518 = vector.broadcast %jit3A_1516 : i32 to vector<16xi32>
      %max3A_1519 = arith.maxsi %max3A_1518, %sub3A_1508 : vector<16xi32>
      %min3A_1520 = vector.broadcast %jit3A_1517 : i32 to vector<16xi32>
      %min3A_1521 = arith.minsi %min3A_1520, %max3A_1519 : vector<16xi32>
      %mul3A_1522 = arith.constant 16 : i32
      %mul3A_1523 = arith.muli %add3A_1501, %mul3A_1522 : i32
      %add3A_1524 = vector.broadcast %mul3A_1523 : i32 to vector<16xi32>
      %add3A_1525 = arith.addi %add3A_1524, %iota3A : vector<16xi32>
      %broadcast_in_dim3A = arith.constant 0 : i32
      %broadcast_in_dim3A_1526 = vector.broadcast %broadcast_in_dim3A : i32 to vector<16xi32>
      %gather3A_1527 = tpu.vector_load_idx %arg11[%broadcast_in_dim3A_1526, %min3A_1521] : memref<4x8192xf32, #tpu.memory_space<vmem>>[vector<16xi32>, vector<16xi32>], vector<16xf32>,
      tpu.vector_store_idx %arg12[%broadcast_in_dim3A_1526, %add3A_1525], %gather3A_1527 masked %and3A_1515 : memref<4x4096xf32, #tpu.memory_space<vmem>>[vector<16xi32>, vector<16xi32>], vector<16xf32>, vector<16xi1>
      %broadcast_in_dim3A_1528 = arith.constant 1 : i32
      %broadcast_in_dim3A_1529 = vector.broadcast %broadcast_in_dim3A_1528 : i32 to vector<16xi32>
      %gather3A_1530 = tpu.vector_load_idx %arg11[%broadcast_in_dim3A_1529, %min3A_1521] : memref<4x8192xf32, #tpu.memory_space<vmem>>[vector<16xi32>, vector<16xi32>], vector<16xf32>,
      tpu.vector_store_idx %arg12[%broadcast_in_dim3A_1529, %add3A_1525], %gather3A_1530 masked %and3A_1515 : memref<4x4096xf32, #tpu.memory_space<vmem>>[vector<16xi32>, vector<16xi32>], vector<16xf32>, vector<16xi1>
      %broadcast_in_dim3A_1531 = arith.constant 2 : i32
      %broadcast_in_dim3A_1532 = vector.broadcast %broadcast_in_dim3A_1531 : i32 to vector<16xi32>
      %gather3A_1533 = tpu.vector_load_idx %arg11[%broadcast_in_dim3A_1532, %min3A_1521] : memref<4x8192xf32, #tpu.memory_space<vmem>>[vector<16xi32>, vector<16xi32>], vector<16xf32>,
      tpu.vector_store_idx %arg12[%broadcast_in_dim3A_1532, %add3A_1525], %gather3A_1533 masked %and3A_1515 : memref<4x4096xf32, #tpu.memory_space<vmem>>[vector<16xi32>, vector<16xi32>], vector<16xf32>, vector<16xi1>
      %broadcast_in_dim3A_1534 = arith.constant 3 : i32
      %broadcast_in_dim3A_1535 = vector.broadcast %broadcast_in_dim3A_1534 : i32 to vector<16xi32>
      %gather3A_1536 = tpu.vector_load_idx %arg11[%broadcast_in_dim3A_1535, %min3A_1521] : memref<4x8192xf32, #tpu.memory_space<vmem>>[vector<16xi32>, vector<16xi32>], vector<16xf32>,
      tpu.vector_store_idx %arg12[%broadcast_in_dim3A_1535, %add3A_1525], %gather3A_1536 masked %and3A_1515 : memref<4x4096xf32, #tpu.memory_space<vmem>>[vector<16xi32>, vector<16xi32>], vector<16xf32>, vector<16xi1>
      %mul3A_1537 = arith.constant 4 : i32
      %mul3A_1538 = arith.muli %scan3A_1494, %mul3A_1537 : i32
      %add3A_1539 = arith.constant 104 : i32
      %add3A_1540 = arith.addi %add3A_1539, %mul3A_1538 : i32
      %add3A_1541 = arith.constant 1 : i32
      %add3A_1542 = arith.addi %add3A_1540, %add3A_1541 : i32
      %mul3A_1543 = arith.constant 16 : i32
      %mul3A_1544 = arith.muli %add3A_1542, %mul3A_1543 : i32
      %get3A_1545 = arith.index_cast %mul3A_1544 : i32 to index
      %get3A_1546 = tpu.vector_load %arg9[%get3A_1545] {strides = array<i32>} : memref<4096xi32, #tpu.memory_space<vmem>>, vector<16xi32>,
      %sub3A_1547 = arith.constant 8192 : i32
      %sub3A_1548 = vector.broadcast %sub3A_1547 : i32 to vector<16xi32>
      %sub3A_1549 = arith.subi %get3A_1546, %sub3A_1548 : vector<16xi32>
      %ge3A_1550 = arith.constant 0 : i32
      %ge3A_1551 = vector.broadcast %ge3A_1550 : i32 to vector<16xi32>
      %ge3A_1552 = arith.cmpi sge, %sub3A_1549, %ge3A_1551 : vector<16xi32>
      %lt3A_1553 = arith.constant 8192 : i32
      %lt3A_1554 = vector.broadcast %lt3A_1553 : i32 to vector<16xi32>
      %lt3A_1555 = arith.cmpi slt, %sub3A_1549, %lt3A_1554 : vector<16xi32>
      %and3A_1556 = arith.andi %ge3A_1552, %lt3A_1555 : vector<16xi1>
      %jit3A_1557 = arith.constant 0 : i32
      %jit3A_1558 = arith.constant 8191 : i32
      %max3A_1559 = vector.broadcast %jit3A_1557 : i32 to vector<16xi32>
      %max3A_1560 = arith.maxsi %max3A_1559, %sub3A_1549 : vector<16xi32>
      %min3A_1561 = vector.broadcast %jit3A_1558 : i32 to vector<16xi32>
      %min3A_1562 = arith.minsi %min3A_1561, %max3A_1560 : vector<16xi32>
      %mul3A_1563 = arith.constant 16 : i32
      %mul3A_1564 = arith.muli %add3A_1542, %mul3A_1563 : i32
      %add3A_1565 = vector.broadcast %mul3A_1564 : i32 to vector<16xi32>
      %add3A_1566 = arith.addi %add3A_1565, %iota3A : vector<16xi32>
      %broadcast_in_dim3A_1567 = arith.constant 0 : i32
      %broadcast_in_dim3A_1568 = vector.broadcast %broadcast_in_dim3A_1567 : i32 to vector<16xi32>
      %gather3A_1569 = tpu.vector_load_idx %arg11[%broadcast_in_dim3A_1568, %min3A_1562] : memref<4x8192xf32, #tpu.memory_space<vmem>>[vector<16xi32>, vector<16xi32>], vector<16xf32>,
      tpu.vector_store_idx %arg12[%broadcast_in_dim3A_1568, %add3A_1566], %gather3A_1569 masked %and3A_1556 : memref<4x4096xf32, #tpu.memory_space<vmem>>[vector<16xi32>, vector<16xi32>], vector<16xf32>, vector<16xi1>
      %broadcast_in_dim3A_1570 = arith.constant 1 : i32
      %broadcast_in_dim3A_1571 = vector.broadcast %broadcast_in_dim3A_1570 : i32 to vector<16xi32>
      %gather3A_1572 = tpu.vector_load_idx %arg11[%broadcast_in_dim3A_1571, %min3A_1562] : memref<4x8192xf32, #tpu.memory_space<vmem>>[vector<16xi32>, vector<16xi32>], vector<16xf32>,
      tpu.vector_store_idx %arg12[%broadcast_in_dim3A_1571, %add3A_1566], %gather3A_1572 masked %and3A_1556 : memref<4x4096xf32, #tpu.memory_space<vmem>>[vector<16xi32>, vector<16xi32>], vector<16xf32>, vector<16xi1>
      %broadcast_in_dim3A_1573 = arith.constant 2 : i32
      %broadcast_in_dim3A_1574 = vector.broadcast %broadcast_in_dim3A_1573 : i32 to vector<16xi32>
      %gather3A_1575 = tpu.vector_load_idx %arg11[%broadcast_in_dim3A_1574, %min3A_1562] : memref<4x8192xf32, #tpu.memory_space<vmem>>[vector<16xi32>, vector<16xi32>], vector<16xf32>,
      tpu.vector_store_idx %arg12[%broadcast_in_dim3A_1574, %add3A_1566], %gather3A_1575 masked %and3A_1556 : memref<4x4096xf32, #tpu.memory_space<vmem>>[vector<16xi32>, vector<16xi32>], vector<16xf32>, vector<16xi1>
      %broadcast_in_dim3A_1576 = arith.constant 3 : i32
      %broadcast_in_dim3A_1577 = vector.broadcast %broadcast_in_dim3A_1576 : i32 to vector<16xi32>
      %gather3A_1578 = tpu.vector_load_idx %arg11[%broadcast_in_dim3A_1577, %min3A_1562] : memref<4x8192xf32, #tpu.memory_space<vmem>>[vector<16xi32>, vector<16xi32>], vector<16xf32>,
      tpu.vector_store_idx %arg12[%broadcast_in_dim3A_1577, %add3A_1566], %gather3A_1578 masked %and3A_1556 : memref<4x4096xf32, #tpu.memory_space<vmem>>[vector<16xi32>, vector<16xi32>], vector<16xf32>, vector<16xi1>
      %mul3A_1579 = arith.constant 4 : i32
      %mul3A_1580 = arith.muli %scan3A_1494, %mul3A_1579 : i32
      %add3A_1581 = arith.constant 104 : i32
      %add3A_1582 = arith.addi %add3A_1581, %mul3A_1580 : i32
      %add3A_1583 = arith.constant 2 : i32
      %add3A_1584 = arith.addi %add3A_1582, %add3A_1583 : i32
      %mul3A_1585 = arith.constant 16 : i32
      %mul3A_1586 = arith.muli %add3A_1584, %mul3A_1585 : i32
      %get3A_1587 = arith.index_cast %mul3A_1586 : i32 to index
      %get3A_1588 = tpu.vector_load %arg9[%get3A_1587] {strides = array<i32>} : memref<4096xi32, #tpu.memory_space<vmem>>, vector<16xi32>,
      %sub3A_1589 = arith.constant 8192 : i32
      %sub3A_1590 = vector.broadcast %sub3A_1589 : i32 to vector<16xi32>
      %sub3A_1591 = arith.subi %get3A_1588, %sub3A_1590 : vector<16xi32>
      %ge3A_1592 = arith.constant 0 : i32
      %ge3A_1593 = vector.broadcast %ge3A_1592 : i32 to vector<16xi32>
      %ge3A_1594 = arith.cmpi sge, %sub3A_1591, %ge3A_1593 : vector<16xi32>
      %lt3A_1595 = arith.constant 8192 : i32
      %lt3A_1596 = vector.broadcast %lt3A_1595 : i32 to vector<16xi32>
      %lt3A_1597 = arith.cmpi slt, %sub3A_1591, %lt3A_1596 : vector<16xi32>
      %and3A_1598 = arith.andi %ge3A_1594, %lt3A_1597 : vector<16xi1>
      %jit3A_1599 = arith.constant 0 : i32
      %jit3A_1600 = arith.constant 8191 : i32
      %max3A_1601 = vector.broadcast %jit3A_1599 : i32 to vector<16xi32>
      %max3A_1602 = arith.maxsi %max3A_1601, %sub3A_1591 : vector<16xi32>
      %min3A_1603 = vector.broadcast %jit3A_1600 : i32 to vector<16xi32>
      %min3A_1604 = arith.minsi %min3A_1603, %max3A_1602 : vector<16xi32>
      %mul3A_1605 = arith.constant 16 : i32
      %mul3A_1606 = arith.muli %add3A_1584, %mul3A_1605 : i32
      %add3A_1607 = vector.broadcast %mul3A_1606 : i32 to vector<16xi32>
      %add3A_1608 = arith.addi %add3A_1607, %iota3A : vector<16xi32>
      %broadcast_in_dim3A_1609 = arith.constant 0 : i32
      %broadcast_in_dim3A_1610 = vector.broadcast %broadcast_in_dim3A_1609 : i32 to vector<16xi32>
      %gather3A_1611 = tpu.vector_load_idx %arg11[%broadcast_in_dim3A_1610, %min3A_1604] : memref<4x8192xf32, #tpu.memory_space<vmem>>[vector<16xi32>, vector<16xi32>], vector<16xf32>,
      tpu.vector_store_idx %arg12[%broadcast_in_dim3A_1610, %add3A_1608], %gather3A_1611 masked %and3A_1598 : memref<4x4096xf32, #tpu.memory_space<vmem>>[vector<16xi32>, vector<16xi32>], vector<16xf32>, vector<16xi1>
      %broadcast_in_dim3A_1612 = arith.constant 1 : i32
      %broadcast_in_dim3A_1613 = vector.broadcast %broadcast_in_dim3A_1612 : i32 to vector<16xi32>
      %gather3A_1614 = tpu.vector_load_idx %arg11[%broadcast_in_dim3A_1613, %min3A_1604] : memref<4x8192xf32, #tpu.memory_space<vmem>>[vector<16xi32>, vector<16xi32>], vector<16xf32>,
      tpu.vector_store_idx %arg12[%broadcast_in_dim3A_1613, %add3A_1608], %gather3A_1614 masked %and3A_1598 : memref<4x4096xf32, #tpu.memory_space<vmem>>[vector<16xi32>, vector<16xi32>], vector<16xf32>, vector<16xi1>
      %broadcast_in_dim3A_1615 = arith.constant 2 : i32
      %broadcast_in_dim3A_1616 = vector.broadcast %broadcast_in_dim3A_1615 : i32 to vector<16xi32>
      %gather3A_1617 = tpu.vector_load_idx %arg11[%broadcast_in_dim3A_1616, %min3A_1604] : memref<4x8192xf32, #tpu.memory_space<vmem>>[vector<16xi32>, vector<16xi32>], vector<16xf32>,
      tpu.vector_store_idx %arg12[%broadcast_in_dim3A_1616, %add3A_1608], %gather3A_1617 masked %and3A_1598 : memref<4x4096xf32, #tpu.memory_space<vmem>>[vector<16xi32>, vector<16xi32>], vector<16xf32>, vector<16xi1>
      %broadcast_in_dim3A_1618 = arith.constant 3 : i32
      %broadcast_in_dim3A_1619 = vector.broadcast %broadcast_in_dim3A_1618 : i32 to vector<16xi32>
      %gather3A_1620 = tpu.vector_load_idx %arg11[%broadcast_in_dim3A_1619, %min3A_1604] : memref<4x8192xf32, #tpu.memory_space<vmem>>[vector<16xi32>, vector<16xi32>], vector<16xf32>,
      tpu.vector_store_idx %arg12[%broadcast_in_dim3A_1619, %add3A_1608], %gather3A_1620 masked %and3A_1598 : memref<4x4096xf32, #tpu.memory_space<vmem>>[vector<16xi32>, vector<16xi32>], vector<16xf32>, vector<16xi1>
      %mul3A_1621 = arith.constant 4 : i32
      %mul3A_1622 = arith.muli %scan3A_1494, %mul3A_1621 : i32
      %add3A_1623 = arith.constant 104 : i32
      %add3A_1624 = arith.addi %add3A_1623, %mul3A_1622 : i32
      %add3A_1625 = arith.constant 3 : i32
      %add3A_1626 = arith.addi %add3A_1624, %add3A_1625 : i32
      %mul3A_1627 = arith.constant 16 : i32
      %mul3A_1628 = arith.muli %add3A_1626, %mul3A_1627 : i32
      %get3A_1629 = arith.index_cast %mul3A_1628 : i32 to index
      %get3A_1630 = tpu.vector_load %arg9[%get3A_1629] {strides = array<i32>} : memref<4096xi32, #tpu.memory_space<vmem>>, vector<16xi32>,
      %sub3A_1631 = arith.constant 8192 : i32
      %sub3A_1632 = vector.broadcast %sub3A_1631 : i32 to vector<16xi32>
      %sub3A_1633 = arith.subi %get3A_1630, %sub3A_1632 : vector<16xi32>
      %ge3A_1634 = arith.constant 0 : i32
      %ge3A_1635 = vector.broadcast %ge3A_1634 : i32 to vector<16xi32>
      %ge3A_1636 = arith.cmpi sge, %sub3A_1633, %ge3A_1635 : vector<16xi32>
      %lt3A_1637 = arith.constant 8192 : i32
      %lt3A_1638 = vector.broadcast %lt3A_1637 : i32 to vector<16xi32>
      %lt3A_1639 = arith.cmpi slt, %sub3A_1633, %lt3A_1638 : vector<16xi32>
      %and3A_1640 = arith.andi %ge3A_1636, %lt3A_1639 : vector<16xi1>
      %jit3A_1641 = arith.constant 0 : i32
      %jit3A_1642 = arith.constant 8191 : i32
      %max3A_1643 = vector.broadcast %jit3A_1641 : i32 to vector<16xi32>
      %max3A_1644 = arith.maxsi %max3A_1643, %sub3A_1633 : vector<16xi32>
      %min3A_1645 = vector.broadcast %jit3A_1642 : i32 to vector<16xi32>
      %min3A_1646 = arith.minsi %min3A_1645, %max3A_1644 : vector<16xi32>
      %mul3A_1647 = arith.constant 16 : i32
      %mul3A_1648 = arith.muli %add3A_1626, %mul3A_1647 : i32
      %add3A_1649 = vector.broadcast %mul3A_1648 : i32 to vector<16xi32>
      %add3A_1650 = arith.addi %add3A_1649, %iota3A : vector<16xi32>
      %broadcast_in_dim3A_1651 = arith.constant 0 : i32
      %broadcast_in_dim3A_1652 = vector.broadcast %broadcast_in_dim3A_1651 : i32 to vector<16xi32>
      %gather3A_1653 = tpu.vector_load_idx %arg11[%broadcast_in_dim3A_1652, %min3A_1646] : memref<4x8192xf32, #tpu.memory_space<vmem>>[vector<16xi32>, vector<16xi32>], vector<16xf32>,
      tpu.vector_store_idx %arg12[%broadcast_in_dim3A_1652, %add3A_1650], %gather3A_1653 masked %and3A_1640 : memref<4x4096xf32, #tpu.memory_space<vmem>>[vector<16xi32>, vector<16xi32>], vector<16xf32>, vector<16xi1>
      %broadcast_in_dim3A_1654 = arith.constant 1 : i32
      %broadcast_in_dim3A_1655 = vector.broadcast %broadcast_in_dim3A_1654 : i32 to vector<16xi32>
      %gather3A_1656 = tpu.vector_load_idx %arg11[%broadcast_in_dim3A_1655, %min3A_1646] : memref<4x8192xf32, #tpu.memory_space<vmem>>[vector<16xi32>, vector<16xi32>], vector<16xf32>,
      tpu.vector_store_idx %arg12[%broadcast_in_dim3A_1655, %add3A_1650], %gather3A_1656 masked %and3A_1640 : memref<4x4096xf32, #tpu.memory_space<vmem>>[vector<16xi32>, vector<16xi32>], vector<16xf32>, vector<16xi1>
      %broadcast_in_dim3A_1657 = arith.constant 2 : i32
      %broadcast_in_dim3A_1658 = vector.broadcast %broadcast_in_dim3A_1657 : i32 to vector<16xi32>
      %gather3A_1659 = tpu.vector_load_idx %arg11[%broadcast_in_dim3A_1658, %min3A_1646] : memref<4x8192xf32, #tpu.memory_space<vmem>>[vector<16xi32>, vector<16xi32>], vector<16xf32>,
      tpu.vector_store_idx %arg12[%broadcast_in_dim3A_1658, %add3A_1650], %gather3A_1659 masked %and3A_1640 : memref<4x4096xf32, #tpu.memory_space<vmem>>[vector<16xi32>, vector<16xi32>], vector<16xf32>, vector<16xi1>
      %broadcast_in_dim3A_1660 = arith.constant 3 : i32
      %broadcast_in_dim3A_1661 = vector.broadcast %broadcast_in_dim3A_1660 : i32 to vector<16xi32>
      %gather3A_1662 = tpu.vector_load_idx %arg11[%broadcast_in_dim3A_1661, %min3A_1646] : memref<4x8192xf32, #tpu.memory_space<vmem>>[vector<16xi32>, vector<16xi32>], vector<16xf32>,
      tpu.vector_store_idx %arg12[%broadcast_in_dim3A_1661, %add3A_1650], %gather3A_1662 masked %and3A_1640 : memref<4x4096xf32, #tpu.memory_space<vmem>>[vector<16xi32>, vector<16xi32>], vector<16xf32>, vector<16xi1>
      %scan3A_1663 = arith.constant 0 : i32
      scf.yield %scan3A_1663 : i32
    }
    %scan3A_960 = arith.constant 13 : i32
    %dma_wait3A_961 = arith.constant 2 : i32
    %dma_wait3A_962 = arith.constant 0 : i32
    %dma_wait3A_963 = arith.constant 0 : i32
    %dma_wait3A_964 = arith.constant 0 : i32
    %dma_wait3A_965 = tpu.memref_slice %arg10[%dma_wait3A_961, %dma_wait3A_962, %dma_wait3A_963, %dma_wait3A_964] : memref<4x8x8x256xf32, #tpu.memory_space<vmem>> -> memref<1x8x8x256xf32, #tpu.memory_space<vmem>>
    %dma_wait3A_966 = tpu.memref_squeeze %dma_wait3A_965 : memref<1x8x8x256xf32, #tpu.memory_space<vmem>> -> memref<8x8x256xf32, #tpu.memory_space<vmem>>
    %dma_wait3A_967 = tpu.memref_slice %arg9[%add3A_875] : memref<4096xi32, #tpu.memory_space<vmem>> -> memref<8xi32, #tpu.memory_space<vmem>>
    %dma_wait3A_968 = arith.constant 0 : i32
    %dma_wait3A_969 = arith.constant 0 : i32
    %dma_wait3A_970 = arith.constant 0 : i32
    %dma_wait3A_971 = tpu.memref_slice %arg3[%dma_wait3A_968, %dma_wait3A_969, %dma_wait3A_970] : memref<16384x8x256xf32, #tpu.memory_space<hbm>> -> memref<16384x8x256xf32, #tpu.memory_space<hbm>>
    tpu.wait_indirect_dma semaphore(%arg15 : memref<!tpu.dma_semaphore, #tpu.memory_space<semaphore_mem>>) src(%dma_wait3A_971 : memref<16384x8x256xf32, #tpu.memory_space<hbm>>) dst(%dma_wait3A_966 : memref<8x8x256xf32, #tpu.memory_space<vmem>>)
    %add3A_972 = arith.constant 112 : i32
    %add3A_973 = arith.addi %mul3A_2, %add3A_972 : i32
    %dma_start3A_974 = arith.constant 2 : i32
    %dma_start3A_975 = arith.constant 0 : i32
    %dma_start3A_976 = arith.constant 0 : i32
    %dma_start3A_977 = arith.constant 0 : i32
    %dma_start3A_978 = tpu.memref_slice %arg10[%dma_start3A_974, %dma_start3A_975, %dma_start3A_976, %dma_start3A_977] : memref<4x8x8x256xf32, #tpu.memory_space<vmem>> -> memref<1x8x8x256xf32, #tpu.memory_space<vmem>>
    %dma_start3A_979 = tpu.memref_squeeze %dma_start3A_978 : memref<1x8x8x256xf32, #tpu.memory_space<vmem>> -> memref<8x8x256xf32, #tpu.memory_space<vmem>>
    %dma_start3A_980 = arith.constant 0 : i32
    %dma_start3A_981 = arith.constant 0 : i32
    %dma_start3A_982 = tpu.memref_slice %arg6[%add3A_973, %dma_start3A_980, %dma_start3A_981] : memref<4096x8x256xf32, #tpu.memory_space<hbm>> -> memref<8x8x256xf32, #tpu.memory_space<hbm>>
    %dma_start3A_983 = arith.constant 0 : i32
    %dma_start3A_984 = arith.constant 0 : i32
    %dma_start3A_985 = tpu.memref_slice %arg6[%add3A_973, %dma_start3A_983, %dma_start3A_984] : memref<4096x8x256xf32, #tpu.memory_space<hbm>> -> memref<8x8x256xf32, #tpu.memory_space<hbm>>
    %dma_start3A_986 = arith.constant 0 : i32
    %dma_start3A_987 = arith.constant 0 : i32
    %dma_start3A_988 = arith.constant 0 : i32
    %dma_start3A_989 = tpu.memref_slice %arg10[%dma_start3A_974, %dma_start3A_986, %dma_start3A_987, %dma_start3A_988] : memref<4x8x8x256xf32, #tpu.memory_space<vmem>> -> memref<1x8x8x256xf32, #tpu.memory_space<vmem>>
    %dma_start3A_990 = tpu.memref_squeeze %dma_start3A_989 : memref<1x8x8x256xf32, #tpu.memory_space<vmem>> -> memref<8x8x256xf32, #tpu.memory_space<vmem>>
    tpu.enqueue_dma source(%dma_start3A_990 : memref<8x8x256xf32, #tpu.memory_space<vmem>>) target(%dma_start3A_985 : memref<8x8x256xf32, #tpu.memory_space<hbm>>) target_semaphore(%arg16 : memref<!tpu.dma_semaphore, #tpu.memory_space<semaphore_mem>>)
    %scan3A_991 = arith.constant 0 : i32
    %scan3A_992 = arith.constant 0 : i32
    %scan3A_993 = arith.constant 13 : i32
    %scan3A_994 = arith.addi %scan3A_992, %scan3A_993 : i32
    %scan3A_995 = arith.constant 1 : i32
    %scan3A_996 = scf.for %scan3A_1494 = %scan3A_992 to %scan3A_994 step %scan3A_995 iter_args(%scan3A_1495 = %scan3A_991) -> (i32)  : i32 {
      %mul3A_1496 = arith.constant 4 : i32
      %mul3A_1497 = arith.muli %scan3A_1494, %mul3A_1496 : i32
      %add3A_1498 = arith.constant 156 : i32
      %add3A_1499 = arith.addi %add3A_1498, %mul3A_1497 : i32
      %add3A_1500 = arith.constant 0 : i32
      %add3A_1501 = arith.addi %add3A_1499, %add3A_1500 : i32
      %mul3A_1502 = arith.constant 16 : i32
      %mul3A_1503 = arith.muli %add3A_1501, %mul3A_1502 : i32
      %get3A_1504 = arith.index_cast %mul3A_1503 : i32 to index
      %get3A_1505 = tpu.vector_load %arg9[%get3A_1504] {strides = array<i32>} : memref<4096xi32, #tpu.memory_space<vmem>>, vector<16xi32>,
      %sub3A_1506 = arith.constant 8192 : i32
      %sub3A_1507 = vector.broadcast %sub3A_1506 : i32 to vector<16xi32>
      %sub3A_1508 = arith.subi %get3A_1505, %sub3A_1507 : vector<16xi32>
      %ge3A_1509 = arith.constant 0 : i32
      %ge3A_1510 = vector.broadcast %ge3A_1509 : i32 to vector<16xi32>
      %ge3A_1511 = arith.cmpi sge, %sub3A_1508, %ge3A_1510 : vector<16xi32>
      %lt3A_1512 = arith.constant 8192 : i32
      %lt3A_1513 = vector.broadcast %lt3A_1512 : i32 to vector<16xi32>
      %lt3A_1514 = arith.cmpi slt, %sub3A_1508, %lt3A_1513 : vector<16xi32>
      %and3A_1515 = arith.andi %ge3A_1511, %lt3A_1514 : vector<16xi1>
      %jit3A_1516 = arith.constant 0 : i32
      %jit3A_1517 = arith.constant 8191 : i32
      %max3A_1518 = vector.broadcast %jit3A_1516 : i32 to vector<16xi32>
      %max3A_1519 = arith.maxsi %max3A_1518, %sub3A_1508 : vector<16xi32>
      %min3A_1520 = vector.broadcast %jit3A_1517 : i32 to vector<16xi32>
      %min3A_1521 = arith.minsi %min3A_1520, %max3A_1519 : vector<16xi32>
      %mul3A_1522 = arith.constant 16 : i32
      %mul3A_1523 = arith.muli %add3A_1501, %mul3A_1522 : i32
      %add3A_1524 = vector.broadcast %mul3A_1523 : i32 to vector<16xi32>
      %add3A_1525 = arith.addi %add3A_1524, %iota3A : vector<16xi32>
      %broadcast_in_dim3A = arith.constant 0 : i32
      %broadcast_in_dim3A_1526 = vector.broadcast %broadcast_in_dim3A : i32 to vector<16xi32>
      %gather3A_1527 = tpu.vector_load_idx %arg11[%broadcast_in_dim3A_1526, %min3A_1521] : memref<4x8192xf32, #tpu.memory_space<vmem>>[vector<16xi32>, vector<16xi32>], vector<16xf32>,
      tpu.vector_store_idx %arg12[%broadcast_in_dim3A_1526, %add3A_1525], %gather3A_1527 masked %and3A_1515 : memref<4x4096xf32, #tpu.memory_space<vmem>>[vector<16xi32>, vector<16xi32>], vector<16xf32>, vector<16xi1>
      %broadcast_in_dim3A_1528 = arith.constant 1 : i32
      %broadcast_in_dim3A_1529 = vector.broadcast %broadcast_in_dim3A_1528 : i32 to vector<16xi32>
      %gather3A_1530 = tpu.vector_load_idx %arg11[%broadcast_in_dim3A_1529, %min3A_1521] : memref<4x8192xf32, #tpu.memory_space<vmem>>[vector<16xi32>, vector<16xi32>], vector<16xf32>,
      tpu.vector_store_idx %arg12[%broadcast_in_dim3A_1529, %add3A_1525], %gather3A_1530 masked %and3A_1515 : memref<4x4096xf32, #tpu.memory_space<vmem>>[vector<16xi32>, vector<16xi32>], vector<16xf32>, vector<16xi1>
      %broadcast_in_dim3A_1531 = arith.constant 2 : i32
      %broadcast_in_dim3A_1532 = vector.broadcast %broadcast_in_dim3A_1531 : i32 to vector<16xi32>
      %gather3A_1533 = tpu.vector_load_idx %arg11[%broadcast_in_dim3A_1532, %min3A_1521] : memref<4x8192xf32, #tpu.memory_space<vmem>>[vector<16xi32>, vector<16xi32>], vector<16xf32>,
      tpu.vector_store_idx %arg12[%broadcast_in_dim3A_1532, %add3A_1525], %gather3A_1533 masked %and3A_1515 : memref<4x4096xf32, #tpu.memory_space<vmem>>[vector<16xi32>, vector<16xi32>], vector<16xf32>, vector<16xi1>
      %broadcast_in_dim3A_1534 = arith.constant 3 : i32
      %broadcast_in_dim3A_1535 = vector.broadcast %broadcast_in_dim3A_1534 : i32 to vector<16xi32>
      %gather3A_1536 = tpu.vector_load_idx %arg11[%broadcast_in_dim3A_1535, %min3A_1521] : memref<4x8192xf32, #tpu.memory_space<vmem>>[vector<16xi32>, vector<16xi32>], vector<16xf32>,
      tpu.vector_store_idx %arg12[%broadcast_in_dim3A_1535, %add3A_1525], %gather3A_1536 masked %and3A_1515 : memref<4x4096xf32, #tpu.memory_space<vmem>>[vector<16xi32>, vector<16xi32>], vector<16xf32>, vector<16xi1>
      %mul3A_1537 = arith.constant 4 : i32
      %mul3A_1538 = arith.muli %scan3A_1494, %mul3A_1537 : i32
      %add3A_1539 = arith.constant 156 : i32
      %add3A_1540 = arith.addi %add3A_1539, %mul3A_1538 : i32
      %add3A_1541 = arith.constant 1 : i32
      %add3A_1542 = arith.addi %add3A_1540, %add3A_1541 : i32
      %mul3A_1543 = arith.constant 16 : i32
      %mul3A_1544 = arith.muli %add3A_1542, %mul3A_1543 : i32
      %get3A_1545 = arith.index_cast %mul3A_1544 : i32 to index
      %get3A_1546 = tpu.vector_load %arg9[%get3A_1545] {strides = array<i32>} : memref<4096xi32, #tpu.memory_space<vmem>>, vector<16xi32>,
      %sub3A_1547 = arith.constant 8192 : i32
      %sub3A_1548 = vector.broadcast %sub3A_1547 : i32 to vector<16xi32>
      %sub3A_1549 = arith.subi %get3A_1546, %sub3A_1548 : vector<16xi32>
      %ge3A_1550 = arith.constant 0 : i32
      %ge3A_1551 = vector.broadcast %ge3A_1550 : i32 to vector<16xi32>
      %ge3A_1552 = arith.cmpi sge, %sub3A_1549, %ge3A_1551 : vector<16xi32>
      %lt3A_1553 = arith.constant 8192 : i32
      %lt3A_1554 = vector.broadcast %lt3A_1553 : i32 to vector<16xi32>
      %lt3A_1555 = arith.cmpi slt, %sub3A_1549, %lt3A_1554 : vector<16xi32>
      %and3A_1556 = arith.andi %ge3A_1552, %lt3A_1555 : vector<16xi1>
      %jit3A_1557 = arith.constant 0 : i32
      %jit3A_1558 = arith.constant 8191 : i32
      %max3A_1559 = vector.broadcast %jit3A_1557 : i32 to vector<16xi32>
      %max3A_1560 = arith.maxsi %max3A_1559, %sub3A_1549 : vector<16xi32>
      %min3A_1561 = vector.broadcast %jit3A_1558 : i32 to vector<16xi32>
      %min3A_1562 = arith.minsi %min3A_1561, %max3A_1560 : vector<16xi32>
      %mul3A_1563 = arith.constant 16 : i32
      %mul3A_1564 = arith.muli %add3A_1542, %mul3A_1563 : i32
      %add3A_1565 = vector.broadcast %mul3A_1564 : i32 to vector<16xi32>
      %add3A_1566 = arith.addi %add3A_1565, %iota3A : vector<16xi32>
      %broadcast_in_dim3A_1567 = arith.constant 0 : i32
      %broadcast_in_dim3A_1568 = vector.broadcast %broadcast_in_dim3A_1567 : i32 to vector<16xi32>
      %gather3A_1569 = tpu.vector_load_idx %arg11[%broadcast_in_dim3A_1568, %min3A_1562] : memref<4x8192xf32, #tpu.memory_space<vmem>>[vector<16xi32>, vector<16xi32>], vector<16xf32>,
      tpu.vector_store_idx %arg12[%broadcast_in_dim3A_1568, %add3A_1566], %gather3A_1569 masked %and3A_1556 : memref<4x4096xf32, #tpu.memory_space<vmem>>[vector<16xi32>, vector<16xi32>], vector<16xf32>, vector<16xi1>
      %broadcast_in_dim3A_1570 = arith.constant 1 : i32
      %broadcast_in_dim3A_1571 = vector.broadcast %broadcast_in_dim3A_1570 : i32 to vector<16xi32>
      %gather3A_1572 = tpu.vector_load_idx %arg11[%broadcast_in_dim3A_1571, %min3A_1562] : memref<4x8192xf32, #tpu.memory_space<vmem>>[vector<16xi32>, vector<16xi32>], vector<16xf32>,
      tpu.vector_store_idx %arg12[%broadcast_in_dim3A_1571, %add3A_1566], %gather3A_1572 masked %and3A_1556 : memref<4x4096xf32, #tpu.memory_space<vmem>>[vector<16xi32>, vector<16xi32>], vector<16xf32>, vector<16xi1>
      %broadcast_in_dim3A_1573 = arith.constant 2 : i32
      %broadcast_in_dim3A_1574 = vector.broadcast %broadcast_in_dim3A_1573 : i32 to vector<16xi32>
      %gather3A_1575 = tpu.vector_load_idx %arg11[%broadcast_in_dim3A_1574, %min3A_1562] : memref<4x8192xf32, #tpu.memory_space<vmem>>[vector<16xi32>, vector<16xi32>], vector<16xf32>,
      tpu.vector_store_idx %arg12[%broadcast_in_dim3A_1574, %add3A_1566], %gather3A_1575 masked %and3A_1556 : memref<4x4096xf32, #tpu.memory_space<vmem>>[vector<16xi32>, vector<16xi32>], vector<16xf32>, vector<16xi1>
      %broadcast_in_dim3A_1576 = arith.constant 3 : i32
      %broadcast_in_dim3A_1577 = vector.broadcast %broadcast_in_dim3A_1576 : i32 to vector<16xi32>
      %gather3A_1578 = tpu.vector_load_idx %arg11[%broadcast_in_dim3A_1577, %min3A_1562] : memref<4x8192xf32, #tpu.memory_space<vmem>>[vector<16xi32>, vector<16xi32>], vector<16xf32>,
      tpu.vector_store_idx %arg12[%broadcast_in_dim3A_1577, %add3A_1566], %gather3A_1578 masked %and3A_1556 : memref<4x4096xf32, #tpu.memory_space<vmem>>[vector<16xi32>, vector<16xi32>], vector<16xf32>, vector<16xi1>
      %mul3A_1579 = arith.constant 4 : i32
      %mul3A_1580 = arith.muli %scan3A_1494, %mul3A_1579 : i32
      %add3A_1581 = arith.constant 156 : i32
      %add3A_1582 = arith.addi %add3A_1581, %mul3A_1580 : i32
      %add3A_1583 = arith.constant 2 : i32
      %add3A_1584 = arith.addi %add3A_1582, %add3A_1583 : i32
      %mul3A_1585 = arith.constant 16 : i32
      %mul3A_1586 = arith.muli %add3A_1584, %mul3A_1585 : i32
      %get3A_1587 = arith.index_cast %mul3A_1586 : i32 to index
      %get3A_1588 = tpu.vector_load %arg9[%get3A_1587] {strides = array<i32>} : memref<4096xi32, #tpu.memory_space<vmem>>, vector<16xi32>,
      %sub3A_1589 = arith.constant 8192 : i32
      %sub3A_1590 = vector.broadcast %sub3A_1589 : i32 to vector<16xi32>
      %sub3A_1591 = arith.subi %get3A_1588, %sub3A_1590 : vector<16xi32>
      %ge3A_1592 = arith.constant 0 : i32
      %ge3A_1593 = vector.broadcast %ge3A_1592 : i32 to vector<16xi32>
      %ge3A_1594 = arith.cmpi sge, %sub3A_1591, %ge3A_1593 : vector<16xi32>
      %lt3A_1595 = arith.constant 8192 : i32
      %lt3A_1596 = vector.broadcast %lt3A_1595 : i32 to vector<16xi32>
      %lt3A_1597 = arith.cmpi slt, %sub3A_1591, %lt3A_1596 : vector<16xi32>
      %and3A_1598 = arith.andi %ge3A_1594, %lt3A_1597 : vector<16xi1>
      %jit3A_1599 = arith.constant 0 : i32
      %jit3A_1600 = arith.constant 8191 : i32
      %max3A_1601 = vector.broadcast %jit3A_1599 : i32 to vector<16xi32>
      %max3A_1602 = arith.maxsi %max3A_1601, %sub3A_1591 : vector<16xi32>
      %min3A_1603 = vector.broadcast %jit3A_1600 : i32 to vector<16xi32>
      %min3A_1604 = arith.minsi %min3A_1603, %max3A_1602 : vector<16xi32>
      %mul3A_1605 = arith.constant 16 : i32
      %mul3A_1606 = arith.muli %add3A_1584, %mul3A_1605 : i32
      %add3A_1607 = vector.broadcast %mul3A_1606 : i32 to vector<16xi32>
      %add3A_1608 = arith.addi %add3A_1607, %iota3A : vector<16xi32>
      %broadcast_in_dim3A_1609 = arith.constant 0 : i32
      %broadcast_in_dim3A_1610 = vector.broadcast %broadcast_in_dim3A_1609 : i32 to vector<16xi32>
      %gather3A_1611 = tpu.vector_load_idx %arg11[%broadcast_in_dim3A_1610, %min3A_1604] : memref<4x8192xf32, #tpu.memory_space<vmem>>[vector<16xi32>, vector<16xi32>], vector<16xf32>,
      tpu.vector_store_idx %arg12[%broadcast_in_dim3A_1610, %add3A_1608], %gather3A_1611 masked %and3A_1598 : memref<4x4096xf32, #tpu.memory_space<vmem>>[vector<16xi32>, vector<16xi32>], vector<16xf32>, vector<16xi1>
      %broadcast_in_dim3A_1612 = arith.constant 1 : i32
      %broadcast_in_dim3A_1613 = vector.broadcast %broadcast_in_dim3A_1612 : i32 to vector<16xi32>
      %gather3A_1614 = tpu.vector_load_idx %arg11[%broadcast_in_dim3A_1613, %min3A_1604] : memref<4x8192xf32, #tpu.memory_space<vmem>>[vector<16xi32>, vector<16xi32>], vector<16xf32>,
      tpu.vector_store_idx %arg12[%broadcast_in_dim3A_1613, %add3A_1608], %gather3A_1614 masked %and3A_1598 : memref<4x4096xf32, #tpu.memory_space<vmem>>[vector<16xi32>, vector<16xi32>], vector<16xf32>, vector<16xi1>
      %broadcast_in_dim3A_1615 = arith.constant 2 : i32
      %broadcast_in_dim3A_1616 = vector.broadcast %broadcast_in_dim3A_1615 : i32 to vector<16xi32>
      %gather3A_1617 = tpu.vector_load_idx %arg11[%broadcast_in_dim3A_1616, %min3A_1604] : memref<4x8192xf32, #tpu.memory_space<vmem>>[vector<16xi32>, vector<16xi32>], vector<16xf32>,
      tpu.vector_store_idx %arg12[%broadcast_in_dim3A_1616, %add3A_1608], %gather3A_1617 masked %and3A_1598 : memref<4x4096xf32, #tpu.memory_space<vmem>>[vector<16xi32>, vector<16xi32>], vector<16xf32>, vector<16xi1>
      %broadcast_in_dim3A_1618 = arith.constant 3 : i32
      %broadcast_in_dim3A_1619 = vector.broadcast %broadcast_in_dim3A_1618 : i32 to vector<16xi32>
      %gather3A_1620 = tpu.vector_load_idx %arg11[%broadcast_in_dim3A_1619, %min3A_1604] : memref<4x8192xf32, #tpu.memory_space<vmem>>[vector<16xi32>, vector<16xi32>], vector<16xf32>,
      tpu.vector_store_idx %arg12[%broadcast_in_dim3A_1619, %add3A_1608], %gather3A_1620 masked %and3A_1598 : memref<4x4096xf32, #tpu.memory_space<vmem>>[vector<16xi32>, vector<16xi32>], vector<16xf32>, vector<16xi1>
      %mul3A_1621 = arith.constant 4 : i32
      %mul3A_1622 = arith.muli %scan3A_1494, %mul3A_1621 : i32
      %add3A_1623 = arith.constant 156 : i32
      %add3A_1624 = arith.addi %add3A_1623, %mul3A_1622 : i32
      %add3A_1625 = arith.constant 3 : i32
      %add3A_1626 = arith.addi %add3A_1624, %add3A_1625 : i32
      %mul3A_1627 = arith.constant 16 : i32
      %mul3A_1628 = arith.muli %add3A_1626, %mul3A_1627 : i32
      %get3A_1629 = arith.index_cast %mul3A_1628 : i32 to index
      %get3A_1630 = tpu.vector_load %arg9[%get3A_1629] {strides = array<i32>} : memref<4096xi32, #tpu.memory_space<vmem>>, vector<16xi32>,
      %sub3A_1631 = arith.constant 8192 : i32
      %sub3A_1632 = vector.broadcast %sub3A_1631 : i32 to vector<16xi32>
      %sub3A_1633 = arith.subi %get3A_1630, %sub3A_1632 : vector<16xi32>
      %ge3A_1634 = arith.constant 0 : i32
      %ge3A_1635 = vector.broadcast %ge3A_1634 : i32 to vector<16xi32>
      %ge3A_1636 = arith.cmpi sge, %sub3A_1633, %ge3A_1635 : vector<16xi32>
      %lt3A_1637 = arith.constant 8192 : i32
      %lt3A_1638 = vector.broadcast %lt3A_1637 : i32 to vector<16xi32>
      %lt3A_1639 = arith.cmpi slt, %sub3A_1633, %lt3A_1638 : vector<16xi32>
      %and3A_1640 = arith.andi %ge3A_1636, %lt3A_1639 : vector<16xi1>
      %jit3A_1641 = arith.constant 0 : i32
      %jit3A_1642 = arith.constant 8191 : i32
      %max3A_1643 = vector.broadcast %jit3A_1641 : i32 to vector<16xi32>
      %max3A_1644 = arith.maxsi %max3A_1643, %sub3A_1633 : vector<16xi32>
      %min3A_1645 = vector.broadcast %jit3A_1642 : i32 to vector<16xi32>
      %min3A_1646 = arith.minsi %min3A_1645, %max3A_1644 : vector<16xi32>
      %mul3A_1647 = arith.constant 16 : i32
      %mul3A_1648 = arith.muli %add3A_1626, %mul3A_1647 : i32
      %add3A_1649 = vector.broadcast %mul3A_1648 : i32 to vector<16xi32>
      %add3A_1650 = arith.addi %add3A_1649, %iota3A : vector<16xi32>
      %broadcast_in_dim3A_1651 = arith.constant 0 : i32
      %broadcast_in_dim3A_1652 = vector.broadcast %broadcast_in_dim3A_1651 : i32 to vector<16xi32>
      %gather3A_1653 = tpu.vector_load_idx %arg11[%broadcast_in_dim3A_1652, %min3A_1646] : memref<4x8192xf32, #tpu.memory_space<vmem>>[vector<16xi32>, vector<16xi32>], vector<16xf32>,
      tpu.vector_store_idx %arg12[%broadcast_in_dim3A_1652, %add3A_1650], %gather3A_1653 masked %and3A_1640 : memref<4x4096xf32, #tpu.memory_space<vmem>>[vector<16xi32>, vector<16xi32>], vector<16xf32>, vector<16xi1>
      %broadcast_in_dim3A_1654 = arith.constant 1 : i32
      %broadcast_in_dim3A_1655 = vector.broadcast %broadcast_in_dim3A_1654 : i32 to vector<16xi32>
      %gather3A_1656 = tpu.vector_load_idx %arg11[%broadcast_in_dim3A_1655, %min3A_1646] : memref<4x8192xf32, #tpu.memory_space<vmem>>[vector<16xi32>, vector<16xi32>], vector<16xf32>,
      tpu.vector_store_idx %arg12[%broadcast_in_dim3A_1655, %add3A_1650], %gather3A_1656 masked %and3A_1640 : memref<4x4096xf32, #tpu.memory_space<vmem>>[vector<16xi32>, vector<16xi32>], vector<16xf32>, vector<16xi1>
      %broadcast_in_dim3A_1657 = arith.constant 2 : i32
      %broadcast_in_dim3A_1658 = vector.broadcast %broadcast_in_dim3A_1657 : i32 to vector<16xi32>
      %gather3A_1659 = tpu.vector_load_idx %arg11[%broadcast_in_dim3A_1658, %min3A_1646] : memref<4x8192xf32, #tpu.memory_space<vmem>>[vector<16xi32>, vector<16xi32>], vector<16xf32>,
      tpu.vector_store_idx %arg12[%broadcast_in_dim3A_1658, %add3A_1650], %gather3A_1659 masked %and3A_1640 : memref<4x4096xf32, #tpu.memory_space<vmem>>[vector<16xi32>, vector<16xi32>], vector<16xf32>, vector<16xi1>
      %broadcast_in_dim3A_1660 = arith.constant 3 : i32
      %broadcast_in_dim3A_1661 = vector.broadcast %broadcast_in_dim3A_1660 : i32 to vector<16xi32>
      %gather3A_1662 = tpu.vector_load_idx %arg11[%broadcast_in_dim3A_1661, %min3A_1646] : memref<4x8192xf32, #tpu.memory_space<vmem>>[vector<16xi32>, vector<16xi32>], vector<16xf32>,
      tpu.vector_store_idx %arg12[%broadcast_in_dim3A_1661, %add3A_1650], %gather3A_1662 masked %and3A_1640 : memref<4x4096xf32, #tpu.memory_space<vmem>>[vector<16xi32>, vector<16xi32>], vector<16xf32>, vector<16xi1>
      %scan3A_1663 = arith.constant 0 : i32
      scf.yield %scan3A_1663 : i32
    }
    %scan3A_997 = arith.constant 13 : i32
    %dma_wait3A_998 = arith.constant 3 : i32
    %dma_wait3A_999 = arith.constant 0 : i32
    %dma_wait3A_1000 = arith.constant 0 : i32
    %dma_wait3A_1001 = arith.constant 0 : i32
    %dma_wait3A_1002 = tpu.memref_slice %arg10[%dma_wait3A_998, %dma_wait3A_999, %dma_wait3A_1000, %dma_wait3A_1001] : memref<4x8x8x256xf32, #tpu.memory_space<vmem>> -> memref<1x8x8x256xf32, #tpu.memory_space<vmem>>
    %dma_wait3A_1003 = tpu.memref_squeeze %dma_wait3A_1002 : memref<1x8x8x256xf32, #tpu.memory_space<vmem>> -> memref<8x8x256xf32, #tpu.memory_space<vmem>>
    %dma_wait3A_1004 = tpu.memref_slice %arg9[%add3A_942] : memref<4096xi32, #tpu.memory_space<vmem>> -> memref<8xi32, #tpu.memory_space<vmem>>
    %dma_wait3A_1005 = arith.constant 0 : i32
    %dma_wait3A_1006 = arith.constant 0 : i32
    %dma_wait3A_1007 = arith.constant 0 : i32
    %dma_wait3A_1008 = tpu.memref_slice %arg3[%dma_wait3A_1005, %dma_wait3A_1006, %dma_wait3A_1007] : memref<16384x8x256xf32, #tpu.memory_space<hbm>> -> memref<16384x8x256xf32, #tpu.memory_space<hbm>>
    tpu.wait_indirect_dma semaphore(%arg15 : memref<!tpu.dma_semaphore, #tpu.memory_space<semaphore_mem>>) src(%dma_wait3A_1008 : memref<16384x8x256xf32, #tpu.memory_space<hbm>>) dst(%dma_wait3A_1003 : memref<8x8x256xf32, #tpu.memory_space<vmem>>)
    %add3A_1009 = arith.constant 120 : i32
    %add3A_1010 = arith.addi %mul3A_2, %add3A_1009 : i32
    %dma_start3A_1011 = arith.constant 3 : i32
    %dma_start3A_1012 = arith.constant 0 : i32
    %dma_start3A_1013 = arith.constant 0 : i32
    %dma_start3A_1014 = arith.constant 0 : i32
    %dma_start3A_1015 = tpu.memref_slice %arg10[%dma_start3A_1011, %dma_start3A_1012, %dma_start3A_1013, %dma_start3A_1014] : memref<4x8x8x256xf32, #tpu.memory_space<vmem>> -> memref<1x8x8x256xf32, #tpu.memory_space<vmem>>
    %dma_start3A_1016 = tpu.memref_squeeze %dma_start3A_1015 : memref<1x8x8x256xf32, #tpu.memory_space<vmem>> -> memref<8x8x256xf32, #tpu.memory_space<vmem>>
    %dma_start3A_1017 = arith.constant 0 : i32
    %dma_start3A_1018 = arith.constant 0 : i32
    %dma_start3A_1019 = tpu.memref_slice %arg6[%add3A_1010, %dma_start3A_1017, %dma_start3A_1018] : memref<4096x8x256xf32, #tpu.memory_space<hbm>> -> memref<8x8x256xf32, #tpu.memory_space<hbm>>
    %dma_start3A_1020 = arith.constant 0 : i32
    %dma_start3A_1021 = arith.constant 0 : i32
    %dma_start3A_1022 = tpu.memref_slice %arg6[%add3A_1010, %dma_start3A_1020, %dma_start3A_1021] : memref<4096x8x256xf32, #tpu.memory_space<hbm>> -> memref<8x8x256xf32, #tpu.memory_space<hbm>>
    %dma_start3A_1023 = arith.constant 0 : i32
    %dma_start3A_1024 = arith.constant 0 : i32
    %dma_start3A_1025 = arith.constant 0 : i32
    %dma_start3A_1026 = tpu.memref_slice %arg10[%dma_start3A_1011, %dma_start3A_1023, %dma_start3A_1024, %dma_start3A_1025] : memref<4x8x8x256xf32, #tpu.memory_space<vmem>> -> memref<1x8x8x256xf32, #tpu.memory_space<vmem>>
    %dma_start3A_1027 = tpu.memref_squeeze %dma_start3A_1026 : memref<1x8x8x256xf32, #tpu.memory_space<vmem>> -> memref<8x8x256xf32, #tpu.memory_space<vmem>>
    tpu.enqueue_dma source(%dma_start3A_1027 : memref<8x8x256xf32, #tpu.memory_space<vmem>>) target(%dma_start3A_1022 : memref<8x8x256xf32, #tpu.memory_space<hbm>>) target_semaphore(%arg16 : memref<!tpu.dma_semaphore, #tpu.memory_space<semaphore_mem>>)
    %scan3A_1028 = arith.constant 0 : i32
    %scan3A_1029 = arith.constant 0 : i32
    %scan3A_1030 = arith.constant 12 : i32
    %scan3A_1031 = arith.addi %scan3A_1029, %scan3A_1030 : i32
    %scan3A_1032 = arith.constant 1 : i32
    %scan3A_1033 = scf.for %scan3A_1494 = %scan3A_1029 to %scan3A_1031 step %scan3A_1032 iter_args(%scan3A_1495 = %scan3A_1028) -> (i32)  : i32 {
      %mul3A_1496 = arith.constant 4 : i32
      %mul3A_1497 = arith.muli %scan3A_1494, %mul3A_1496 : i32
      %add3A_1498 = arith.constant 208 : i32
      %add3A_1499 = arith.addi %add3A_1498, %mul3A_1497 : i32
      %add3A_1500 = arith.constant 0 : i32
      %add3A_1501 = arith.addi %add3A_1499, %add3A_1500 : i32
      %mul3A_1502 = arith.constant 16 : i32
      %mul3A_1503 = arith.muli %add3A_1501, %mul3A_1502 : i32
      %get3A_1504 = arith.index_cast %mul3A_1503 : i32 to index
      %get3A_1505 = tpu.vector_load %arg9[%get3A_1504] {strides = array<i32>} : memref<4096xi32, #tpu.memory_space<vmem>>, vector<16xi32>,
      %sub3A_1506 = arith.constant 8192 : i32
      %sub3A_1507 = vector.broadcast %sub3A_1506 : i32 to vector<16xi32>
      %sub3A_1508 = arith.subi %get3A_1505, %sub3A_1507 : vector<16xi32>
      %ge3A_1509 = arith.constant 0 : i32
      %ge3A_1510 = vector.broadcast %ge3A_1509 : i32 to vector<16xi32>
      %ge3A_1511 = arith.cmpi sge, %sub3A_1508, %ge3A_1510 : vector<16xi32>
      %lt3A_1512 = arith.constant 8192 : i32
      %lt3A_1513 = vector.broadcast %lt3A_1512 : i32 to vector<16xi32>
      %lt3A_1514 = arith.cmpi slt, %sub3A_1508, %lt3A_1513 : vector<16xi32>
      %and3A_1515 = arith.andi %ge3A_1511, %lt3A_1514 : vector<16xi1>
      %jit3A_1516 = arith.constant 0 : i32
      %jit3A_1517 = arith.constant 8191 : i32
      %max3A_1518 = vector.broadcast %jit3A_1516 : i32 to vector<16xi32>
      %max3A_1519 = arith.maxsi %max3A_1518, %sub3A_1508 : vector<16xi32>
      %min3A_1520 = vector.broadcast %jit3A_1517 : i32 to vector<16xi32>
      %min3A_1521 = arith.minsi %min3A_1520, %max3A_1519 : vector<16xi32>
      %mul3A_1522 = arith.constant 16 : i32
      %mul3A_1523 = arith.muli %add3A_1501, %mul3A_1522 : i32
      %add3A_1524 = vector.broadcast %mul3A_1523 : i32 to vector<16xi32>
      %add3A_1525 = arith.addi %add3A_1524, %iota3A : vector<16xi32>
      %broadcast_in_dim3A = arith.constant 0 : i32
      %broadcast_in_dim3A_1526 = vector.broadcast %broadcast_in_dim3A : i32 to vector<16xi32>
      %gather3A_1527 = tpu.vector_load_idx %arg11[%broadcast_in_dim3A_1526, %min3A_1521] : memref<4x8192xf32, #tpu.memory_space<vmem>>[vector<16xi32>, vector<16xi32>], vector<16xf32>,
      tpu.vector_store_idx %arg12[%broadcast_in_dim3A_1526, %add3A_1525], %gather3A_1527 masked %and3A_1515 : memref<4x4096xf32, #tpu.memory_space<vmem>>[vector<16xi32>, vector<16xi32>], vector<16xf32>, vector<16xi1>
      %broadcast_in_dim3A_1528 = arith.constant 1 : i32
      %broadcast_in_dim3A_1529 = vector.broadcast %broadcast_in_dim3A_1528 : i32 to vector<16xi32>
      %gather3A_1530 = tpu.vector_load_idx %arg11[%broadcast_in_dim3A_1529, %min3A_1521] : memref<4x8192xf32, #tpu.memory_space<vmem>>[vector<16xi32>, vector<16xi32>], vector<16xf32>,
      tpu.vector_store_idx %arg12[%broadcast_in_dim3A_1529, %add3A_1525], %gather3A_1530 masked %and3A_1515 : memref<4x4096xf32, #tpu.memory_space<vmem>>[vector<16xi32>, vector<16xi32>], vector<16xf32>, vector<16xi1>
      %broadcast_in_dim3A_1531 = arith.constant 2 : i32
      %broadcast_in_dim3A_1532 = vector.broadcast %broadcast_in_dim3A_1531 : i32 to vector<16xi32>
      %gather3A_1533 = tpu.vector_load_idx %arg11[%broadcast_in_dim3A_1532, %min3A_1521] : memref<4x8192xf32, #tpu.memory_space<vmem>>[vector<16xi32>, vector<16xi32>], vector<16xf32>,
      tpu.vector_store_idx %arg12[%broadcast_in_dim3A_1532, %add3A_1525], %gather3A_1533 masked %and3A_1515 : memref<4x4096xf32, #tpu.memory_space<vmem>>[vector<16xi32>, vector<16xi32>], vector<16xf32>, vector<16xi1>
      %broadcast_in_dim3A_1534 = arith.constant 3 : i32
      %broadcast_in_dim3A_1535 = vector.broadcast %broadcast_in_dim3A_1534 : i32 to vector<16xi32>
      %gather3A_1536 = tpu.vector_load_idx %arg11[%broadcast_in_dim3A_1535, %min3A_1521] : memref<4x8192xf32, #tpu.memory_space<vmem>>[vector<16xi32>, vector<16xi32>], vector<16xf32>,
      tpu.vector_store_idx %arg12[%broadcast_in_dim3A_1535, %add3A_1525], %gather3A_1536 masked %and3A_1515 : memref<4x4096xf32, #tpu.memory_space<vmem>>[vector<16xi32>, vector<16xi32>], vector<16xf32>, vector<16xi1>
      %mul3A_1537 = arith.constant 4 : i32
      %mul3A_1538 = arith.muli %scan3A_1494, %mul3A_1537 : i32
      %add3A_1539 = arith.constant 208 : i32
      %add3A_1540 = arith.addi %add3A_1539, %mul3A_1538 : i32
      %add3A_1541 = arith.constant 1 : i32
      %add3A_1542 = arith.addi %add3A_1540, %add3A_1541 : i32
      %mul3A_1543 = arith.constant 16 : i32
      %mul3A_1544 = arith.muli %add3A_1542, %mul3A_1543 : i32
      %get3A_1545 = arith.index_cast %mul3A_1544 : i32 to index
      %get3A_1546 = tpu.vector_load %arg9[%get3A_1545] {strides = array<i32>} : memref<4096xi32, #tpu.memory_space<vmem>>, vector<16xi32>,
      %sub3A_1547 = arith.constant 8192 : i32
      %sub3A_1548 = vector.broadcast %sub3A_1547 : i32 to vector<16xi32>
      %sub3A_1549 = arith.subi %get3A_1546, %sub3A_1548 : vector<16xi32>
      %ge3A_1550 = arith.constant 0 : i32
      %ge3A_1551 = vector.broadcast %ge3A_1550 : i32 to vector<16xi32>
      %ge3A_1552 = arith.cmpi sge, %sub3A_1549, %ge3A_1551 : vector<16xi32>
      %lt3A_1553 = arith.constant 8192 : i32
      %lt3A_1554 = vector.broadcast %lt3A_1553 : i32 to vector<16xi32>
      %lt3A_1555 = arith.cmpi slt, %sub3A_1549, %lt3A_1554 : vector<16xi32>
      %and3A_1556 = arith.andi %ge3A_1552, %lt3A_1555 : vector<16xi1>
      %jit3A_1557 = arith.constant 0 : i32
      %jit3A_1558 = arith.constant 8191 : i32
      %max3A_1559 = vector.broadcast %jit3A_1557 : i32 to vector<16xi32>
      %max3A_1560 = arith.maxsi %max3A_1559, %sub3A_1549 : vector<16xi32>
      %min3A_1561 = vector.broadcast %jit3A_1558 : i32 to vector<16xi32>
      %min3A_1562 = arith.minsi %min3A_1561, %max3A_1560 : vector<16xi32>
      %mul3A_1563 = arith.constant 16 : i32
      %mul3A_1564 = arith.muli %add3A_1542, %mul3A_1563 : i32
      %add3A_1565 = vector.broadcast %mul3A_1564 : i32 to vector<16xi32>
      %add3A_1566 = arith.addi %add3A_1565, %iota3A : vector<16xi32>
      %broadcast_in_dim3A_1567 = arith.constant 0 : i32
      %broadcast_in_dim3A_1568 = vector.broadcast %broadcast_in_dim3A_1567 : i32 to vector<16xi32>
      %gather3A_1569 = tpu.vector_load_idx %arg11[%broadcast_in_dim3A_1568, %min3A_1562] : memref<4x8192xf32, #tpu.memory_space<vmem>>[vector<16xi32>, vector<16xi32>], vector<16xf32>,
      tpu.vector_store_idx %arg12[%broadcast_in_dim3A_1568, %add3A_1566], %gather3A_1569 masked %and3A_1556 : memref<4x4096xf32, #tpu.memory_space<vmem>>[vector<16xi32>, vector<16xi32>], vector<16xf32>, vector<16xi1>
      %broadcast_in_dim3A_1570 = arith.constant 1 : i32
      %broadcast_in_dim3A_1571 = vector.broadcast %broadcast_in_dim3A_1570 : i32 to vector<16xi32>
      %gather3A_1572 = tpu.vector_load_idx %arg11[%broadcast_in_dim3A_1571, %min3A_1562] : memref<4x8192xf32, #tpu.memory_space<vmem>>[vector<16xi32>, vector<16xi32>], vector<16xf32>,
      tpu.vector_store_idx %arg12[%broadcast_in_dim3A_1571, %add3A_1566], %gather3A_1572 masked %and3A_1556 : memref<4x4096xf32, #tpu.memory_space<vmem>>[vector<16xi32>, vector<16xi32>], vector<16xf32>, vector<16xi1>
      %broadcast_in_dim3A_1573 = arith.constant 2 : i32
      %broadcast_in_dim3A_1574 = vector.broadcast %broadcast_in_dim3A_1573 : i32 to vector<16xi32>
      %gather3A_1575 = tpu.vector_load_idx %arg11[%broadcast_in_dim3A_1574, %min3A_1562] : memref<4x8192xf32, #tpu.memory_space<vmem>>[vector<16xi32>, vector<16xi32>], vector<16xf32>,
      tpu.vector_store_idx %arg12[%broadcast_in_dim3A_1574, %add3A_1566], %gather3A_1575 masked %and3A_1556 : memref<4x4096xf32, #tpu.memory_space<vmem>>[vector<16xi32>, vector<16xi32>], vector<16xf32>, vector<16xi1>
      %broadcast_in_dim3A_1576 = arith.constant 3 : i32
      %broadcast_in_dim3A_1577 = vector.broadcast %broadcast_in_dim3A_1576 : i32 to vector<16xi32>
      %gather3A_1578 = tpu.vector_load_idx %arg11[%broadcast_in_dim3A_1577, %min3A_1562] : memref<4x8192xf32, #tpu.memory_space<vmem>>[vector<16xi32>, vector<16xi32>], vector<16xf32>,
      tpu.vector_store_idx %arg12[%broadcast_in_dim3A_1577, %add3A_1566], %gather3A_1578 masked %and3A_1556 : memref<4x4096xf32, #tpu.memory_space<vmem>>[vector<16xi32>, vector<16xi32>], vector<16xf32>, vector<16xi1>
      %mul3A_1579 = arith.constant 4 : i32
      %mul3A_1580 = arith.muli %scan3A_1494, %mul3A_1579 : i32
      %add3A_1581 = arith.constant 208 : i32
      %add3A_1582 = arith.addi %add3A_1581, %mul3A_1580 : i32
      %add3A_1583 = arith.constant 2 : i32
      %add3A_1584 = arith.addi %add3A_1582, %add3A_1583 : i32
      %mul3A_1585 = arith.constant 16 : i32
      %mul3A_1586 = arith.muli %add3A_1584, %mul3A_1585 : i32
      %get3A_1587 = arith.index_cast %mul3A_1586 : i32 to index
      %get3A_1588 = tpu.vector_load %arg9[%get3A_1587] {strides = array<i32>} : memref<4096xi32, #tpu.memory_space<vmem>>, vector<16xi32>,
      %sub3A_1589 = arith.constant 8192 : i32
      %sub3A_1590 = vector.broadcast %sub3A_1589 : i32 to vector<16xi32>
      %sub3A_1591 = arith.subi %get3A_1588, %sub3A_1590 : vector<16xi32>
      %ge3A_1592 = arith.constant 0 : i32
      %ge3A_1593 = vector.broadcast %ge3A_1592 : i32 to vector<16xi32>
      %ge3A_1594 = arith.cmpi sge, %sub3A_1591, %ge3A_1593 : vector<16xi32>
      %lt3A_1595 = arith.constant 8192 : i32
      %lt3A_1596 = vector.broadcast %lt3A_1595 : i32 to vector<16xi32>
      %lt3A_1597 = arith.cmpi slt, %sub3A_1591, %lt3A_1596 : vector<16xi32>
      %and3A_1598 = arith.andi %ge3A_1594, %lt3A_1597 : vector<16xi1>
      %jit3A_1599 = arith.constant 0 : i32
      %jit3A_1600 = arith.constant 8191 : i32
      %max3A_1601 = vector.broadcast %jit3A_1599 : i32 to vector<16xi32>
      %max3A_1602 = arith.maxsi %max3A_1601, %sub3A_1591 : vector<16xi32>
      %min3A_1603 = vector.broadcast %jit3A_1600 : i32 to vector<16xi32>
      %min3A_1604 = arith.minsi %min3A_1603, %max3A_1602 : vector<16xi32>
      %mul3A_1605 = arith.constant 16 : i32
      %mul3A_1606 = arith.muli %add3A_1584, %mul3A_1605 : i32
      %add3A_1607 = vector.broadcast %mul3A_1606 : i32 to vector<16xi32>
      %add3A_1608 = arith.addi %add3A_1607, %iota3A : vector<16xi32>
      %broadcast_in_dim3A_1609 = arith.constant 0 : i32
      %broadcast_in_dim3A_1610 = vector.broadcast %broadcast_in_dim3A_1609 : i32 to vector<16xi32>
      %gather3A_1611 = tpu.vector_load_idx %arg11[%broadcast_in_dim3A_1610, %min3A_1604] : memref<4x8192xf32, #tpu.memory_space<vmem>>[vector<16xi32>, vector<16xi32>], vector<16xf32>,
      tpu.vector_store_idx %arg12[%broadcast_in_dim3A_1610, %add3A_1608], %gather3A_1611 masked %and3A_1598 : memref<4x4096xf32, #tpu.memory_space<vmem>>[vector<16xi32>, vector<16xi32>], vector<16xf32>, vector<16xi1>
      %broadcast_in_dim3A_1612 = arith.constant 1 : i32
      %broadcast_in_dim3A_1613 = vector.broadcast %broadcast_in_dim3A_1612 : i32 to vector<16xi32>
      %gather3A_1614 = tpu.vector_load_idx %arg11[%broadcast_in_dim3A_1613, %min3A_1604] : memref<4x8192xf32, #tpu.memory_space<vmem>>[vector<16xi32>, vector<16xi32>], vector<16xf32>,
      tpu.vector_store_idx %arg12[%broadcast_in_dim3A_1613, %add3A_1608], %gather3A_1614 masked %and3A_1598 : memref<4x4096xf32, #tpu.memory_space<vmem>>[vector<16xi32>, vector<16xi32>], vector<16xf32>, vector<16xi1>
      %broadcast_in_dim3A_1615 = arith.constant 2 : i32
      %broadcast_in_dim3A_1616 = vector.broadcast %broadcast_in_dim3A_1615 : i32 to vector<16xi32>
      %gather3A_1617 = tpu.vector_load_idx %arg11[%broadcast_in_dim3A_1616, %min3A_1604] : memref<4x8192xf32, #tpu.memory_space<vmem>>[vector<16xi32>, vector<16xi32>], vector<16xf32>,
      tpu.vector_store_idx %arg12[%broadcast_in_dim3A_1616, %add3A_1608], %gather3A_1617 masked %and3A_1598 : memref<4x4096xf32, #tpu.memory_space<vmem>>[vector<16xi32>, vector<16xi32>], vector<16xf32>, vector<16xi1>
      %broadcast_in_dim3A_1618 = arith.constant 3 : i32
      %broadcast_in_dim3A_1619 = vector.broadcast %broadcast_in_dim3A_1618 : i32 to vector<16xi32>
      %gather3A_1620 = tpu.vector_load_idx %arg11[%broadcast_in_dim3A_1619, %min3A_1604] : memref<4x8192xf32, #tpu.memory_space<vmem>>[vector<16xi32>, vector<16xi32>], vector<16xf32>,
      tpu.vector_store_idx %arg12[%broadcast_in_dim3A_1619, %add3A_1608], %gather3A_1620 masked %and3A_1598 : memref<4x4096xf32, #tpu.memory_space<vmem>>[vector<16xi32>, vector<16xi32>], vector<16xf32>, vector<16xi1>
      %mul3A_1621 = arith.constant 4 : i32
      %mul3A_1622 = arith.muli %scan3A_1494, %mul3A_1621 : i32
      %add3A_1623 = arith.constant 208 : i32
      %add3A_1624 = arith.addi %add3A_1623, %mul3A_1622 : i32
      %add3A_1625 = arith.constant 3 : i32
      %add3A_1626 = arith.addi %add3A_1624, %add3A_1625 : i32
      %mul3A_1627 = arith.constant 16 : i32
      %mul3A_1628 = arith.muli %add3A_1626, %mul3A_1627 : i32
      %get3A_1629 = arith.index_cast %mul3A_1628 : i32 to index
      %get3A_1630 = tpu.vector_load %arg9[%get3A_1629] {strides = array<i32>} : memref<4096xi32, #tpu.memory_space<vmem>>, vector<16xi32>,
      %sub3A_1631 = arith.constant 8192 : i32
      %sub3A_1632 = vector.broadcast %sub3A_1631 : i32 to vector<16xi32>
      %sub3A_1633 = arith.subi %get3A_1630, %sub3A_1632 : vector<16xi32>
      %ge3A_1634 = arith.constant 0 : i32
      %ge3A_1635 = vector.broadcast %ge3A_1634 : i32 to vector<16xi32>
      %ge3A_1636 = arith.cmpi sge, %sub3A_1633, %ge3A_1635 : vector<16xi32>
      %lt3A_1637 = arith.constant 8192 : i32
      %lt3A_1638 = vector.broadcast %lt3A_1637 : i32 to vector<16xi32>
      %lt3A_1639 = arith.cmpi slt, %sub3A_1633, %lt3A_1638 : vector<16xi32>
      %and3A_1640 = arith.andi %ge3A_1636, %lt3A_1639 : vector<16xi1>
      %jit3A_1641 = arith.constant 0 : i32
      %jit3A_1642 = arith.constant 8191 : i32
      %max3A_1643 = vector.broadcast %jit3A_1641 : i32 to vector<16xi32>
      %max3A_1644 = arith.maxsi %max3A_1643, %sub3A_1633 : vector<16xi32>
      %min3A_1645 = vector.broadcast %jit3A_1642 : i32 to vector<16xi32>
      %min3A_1646 = arith.minsi %min3A_1645, %max3A_1644 : vector<16xi32>
      %mul3A_1647 = arith.constant 16 : i32
      %mul3A_1648 = arith.muli %add3A_1626, %mul3A_1647 : i32
      %add3A_1649 = vector.broadcast %mul3A_1648 : i32 to vector<16xi32>
      %add3A_1650 = arith.addi %add3A_1649, %iota3A : vector<16xi32>
      %broadcast_in_dim3A_1651 = arith.constant 0 : i32
      %broadcast_in_dim3A_1652 = vector.broadcast %broadcast_in_dim3A_1651 : i32 to vector<16xi32>
      %gather3A_1653 = tpu.vector_load_idx %arg11[%broadcast_in_dim3A_1652, %min3A_1646] : memref<4x8192xf32, #tpu.memory_space<vmem>>[vector<16xi32>, vector<16xi32>], vector<16xf32>,
      tpu.vector_store_idx %arg12[%broadcast_in_dim3A_1652, %add3A_1650], %gather3A_1653 masked %and3A_1640 : memref<4x4096xf32, #tpu.memory_space<vmem>>[vector<16xi32>, vector<16xi32>], vector<16xf32>, vector<16xi1>
      %broadcast_in_dim3A_1654 = arith.constant 1 : i32
      %broadcast_in_dim3A_1655 = vector.broadcast %broadcast_in_dim3A_1654 : i32 to vector<16xi32>
      %gather3A_1656 = tpu.vector_load_idx %arg11[%broadcast_in_dim3A_1655, %min3A_1646] : memref<4x8192xf32, #tpu.memory_space<vmem>>[vector<16xi32>, vector<16xi32>], vector<16xf32>,
      tpu.vector_store_idx %arg12[%broadcast_in_dim3A_1655, %add3A_1650], %gather3A_1656 masked %and3A_1640 : memref<4x4096xf32, #tpu.memory_space<vmem>>[vector<16xi32>, vector<16xi32>], vector<16xf32>, vector<16xi1>
      %broadcast_in_dim3A_1657 = arith.constant 2 : i32
      %broadcast_in_dim3A_1658 = vector.broadcast %broadcast_in_dim3A_1657 : i32 to vector<16xi32>
      %gather3A_1659 = tpu.vector_load_idx %arg11[%broadcast_in_dim3A_1658, %min3A_1646] : memref<4x8192xf32, #tpu.memory_space<vmem>>[vector<16xi32>, vector<16xi32>], vector<16xf32>,
      tpu.vector_store_idx %arg12[%broadcast_in_dim3A_1658, %add3A_1650], %gather3A_1659 masked %and3A_1640 : memref<4x4096xf32, #tpu.memory_space<vmem>>[vector<16xi32>, vector<16xi32>], vector<16xf32>, vector<16xi1>
      %broadcast_in_dim3A_1660 = arith.constant 3 : i32
      %broadcast_in_dim3A_1661 = vector.broadcast %broadcast_in_dim3A_1660 : i32 to vector<16xi32>
      %gather3A_1662 = tpu.vector_load_idx %arg11[%broadcast_in_dim3A_1661, %min3A_1646] : memref<4x8192xf32, #tpu.memory_space<vmem>>[vector<16xi32>, vector<16xi32>], vector<16xf32>,
      tpu.vector_store_idx %arg12[%broadcast_in_dim3A_1661, %add3A_1650], %gather3A_1662 masked %and3A_1640 : memref<4x4096xf32, #tpu.memory_space<vmem>>[vector<16xi32>, vector<16xi32>], vector<16xf32>, vector<16xi1>
      %scan3A_1663 = arith.constant 0 : i32
      scf.yield %scan3A_1663 : i32
    }
    %scan3A_1034 = arith.constant 12 : i32
    %dma_wait3A_1035 = arith.constant 0 : i32
    %dma_wait3A_1036 = arith.constant 0 : i32
    %dma_wait3A_1037 = arith.constant 0 : i32
    %dma_wait3A_1038 = arith.constant 0 : i32
    %dma_wait3A_1039 = tpu.memref_slice %arg10[%dma_wait3A_1035, %dma_wait3A_1036, %dma_wait3A_1037, %dma_wait3A_1038] : memref<4x8x8x256xf32, #tpu.memory_space<vmem>> -> memref<1x8x8x256xf32, #tpu.memory_space<vmem>>
    %dma_wait3A_1040 = tpu.memref_squeeze %dma_wait3A_1039 : memref<1x8x8x256xf32, #tpu.memory_space<vmem>> -> memref<8x8x256xf32, #tpu.memory_space<vmem>>
    %dma_wait3A_1041 = arith.constant 0 : i32
    %dma_wait3A_1042 = arith.constant 0 : i32
    %dma_wait3A_1043 = tpu.memref_slice %arg6[%add3A_839, %dma_wait3A_1041, %dma_wait3A_1042] : memref<4096x8x256xf32, #tpu.memory_space<hbm>> -> memref<8x8x256xf32, #tpu.memory_space<hbm>>
    %dma_wait3A_1044 = arith.constant 0 : i32
    %dma_wait3A_1045 = arith.constant 0 : i32
    %dma_wait3A_1046 = tpu.memref_slice %arg6[%add3A_839, %dma_wait3A_1044, %dma_wait3A_1045] : memref<4096x8x256xf32, #tpu.memory_space<hbm>> -> memref<8x8x256xf32, #tpu.memory_space<hbm>>
    %dma_wait3A_1047 = arith.constant 0 : i32
    %dma_wait3A_1048 = arith.constant 0 : i32
    %dma_wait3A_1049 = arith.constant 0 : i32
    %dma_wait3A_1050 = tpu.memref_slice %arg10[%dma_wait3A_1035, %dma_wait3A_1047, %dma_wait3A_1048, %dma_wait3A_1049] : memref<4x8x8x256xf32, #tpu.memory_space<vmem>> -> memref<1x8x8x256xf32, #tpu.memory_space<vmem>>
    %dma_wait3A_1051 = tpu.memref_squeeze %dma_wait3A_1050 : memref<1x8x8x256xf32, #tpu.memory_space<vmem>> -> memref<8x8x256xf32, #tpu.memory_space<vmem>>
    tpu.wait_dma2 semaphore(%arg16 : memref<!tpu.dma_semaphore, #tpu.memory_space<semaphore_mem>>) src(%dma_wait3A_1051 : memref<8x8x256xf32, #tpu.memory_space<vmem>>) dst(%dma_wait3A_1046 : memref<8x8x256xf32, #tpu.memory_space<hbm>>)
    %dma_wait3A_1052 = arith.constant 1 : i32
    %dma_wait3A_1053 = arith.constant 0 : i32
    %dma_wait3A_1054 = arith.constant 0 : i32
    %dma_wait3A_1055 = arith.constant 0 : i32
    %dma_wait3A_1056 = tpu.memref_slice %arg10[%dma_wait3A_1052, %dma_wait3A_1053, %dma_wait3A_1054, %dma_wait3A_1055] : memref<4x8x8x256xf32, #tpu.memory_space<vmem>> -> memref<1x8x8x256xf32, #tpu.memory_space<vmem>>
    %dma_wait3A_1057 = tpu.memref_squeeze %dma_wait3A_1056 : memref<1x8x8x256xf32, #tpu.memory_space<vmem>> -> memref<8x8x256xf32, #tpu.memory_space<vmem>>
    %dma_wait3A_1058 = arith.constant 0 : i32
    %dma_wait3A_1059 = arith.constant 0 : i32
    %dma_wait3A_1060 = tpu.memref_slice %arg6[%add3A_906, %dma_wait3A_1058, %dma_wait3A_1059] : memref<4096x8x256xf32, #tpu.memory_space<hbm>> -> memref<8x8x256xf32, #tpu.memory_space<hbm>>
    %dma_wait3A_1061 = arith.constant 0 : i32
    %dma_wait3A_1062 = arith.constant 0 : i32
    %dma_wait3A_1063 = tpu.memref_slice %arg6[%add3A_906, %dma_wait3A_1061, %dma_wait3A_1062] : memref<4096x8x256xf32, #tpu.memory_space<hbm>> -> memref<8x8x256xf32, #tpu.memory_space<hbm>>
    %dma_wait3A_1064 = arith.constant 0 : i32
    %dma_wait3A_1065 = arith.constant 0 : i32
    %dma_wait3A_1066 = arith.constant 0 : i32
    %dma_wait3A_1067 = tpu.memref_slice %arg10[%dma_wait3A_1052, %dma_wait3A_1064, %dma_wait3A_1065, %dma_wait3A_1066] : memref<4x8x8x256xf32, #tpu.memory_space<vmem>> -> memref<1x8x8x256xf32, #tpu.memory_space<vmem>>
    %dma_wait3A_1068 = tpu.memref_squeeze %dma_wait3A_1067 : memref<1x8x8x256xf32, #tpu.memory_space<vmem>> -> memref<8x8x256xf32, #tpu.memory_space<vmem>>
    tpu.wait_dma2 semaphore(%arg16 : memref<!tpu.dma_semaphore, #tpu.memory_space<semaphore_mem>>) src(%dma_wait3A_1068 : memref<8x8x256xf32, #tpu.memory_space<vmem>>) dst(%dma_wait3A_1063 : memref<8x8x256xf32, #tpu.memory_space<hbm>>)
    %dma_wait3A_1069 = arith.constant 2 : i32
    %dma_wait3A_1070 = arith.constant 0 : i32
    %dma_wait3A_1071 = arith.constant 0 : i32
    %dma_wait3A_1072 = arith.constant 0 : i32
    %dma_wait3A_1073 = tpu.memref_slice %arg10[%dma_wait3A_1069, %dma_wait3A_1070, %dma_wait3A_1071, %dma_wait3A_1072] : memref<4x8x8x256xf32, #tpu.memory_space<vmem>> -> memref<1x8x8x256xf32, #tpu.memory_space<vmem>>
    %dma_wait3A_1074 = tpu.memref_squeeze %dma_wait3A_1073 : memref<1x8x8x256xf32, #tpu.memory_space<vmem>> -> memref<8x8x256xf32, #tpu.memory_space<vmem>>
    %dma_wait3A_1075 = arith.constant 0 : i32
    %dma_wait3A_1076 = arith.constant 0 : i32
    %dma_wait3A_1077 = tpu.memref_slice %arg6[%add3A_973, %dma_wait3A_1075, %dma_wait3A_1076] : memref<4096x8x256xf32, #tpu.memory_space<hbm>> -> memref<8x8x256xf32, #tpu.memory_space<hbm>>
    %dma_wait3A_1078 = arith.constant 0 : i32
    %dma_wait3A_1079 = arith.constant 0 : i32
    %dma_wait3A_1080 = tpu.memref_slice %arg6[%add3A_973, %dma_wait3A_1078, %dma_wait3A_1079] : memref<4096x8x256xf32, #tpu.memory_space<hbm>> -> memref<8x8x256xf32, #tpu.memory_space<hbm>>
    %dma_wait3A_1081 = arith.constant 0 : i32
    %dma_wait3A_1082 = arith.constant 0 : i32
    %dma_wait3A_1083 = arith.constant 0 : i32
    %dma_wait3A_1084 = tpu.memref_slice %arg10[%dma_wait3A_1069, %dma_wait3A_1081, %dma_wait3A_1082, %dma_wait3A_1083] : memref<4x8x8x256xf32, #tpu.memory_space<vmem>> -> memref<1x8x8x256xf32, #tpu.memory_space<vmem>>
    %dma_wait3A_1085 = tpu.memref_squeeze %dma_wait3A_1084 : memref<1x8x8x256xf32, #tpu.memory_space<vmem>> -> memref<8x8x256xf32, #tpu.memory_space<vmem>>
    tpu.wait_dma2 semaphore(%arg16 : memref<!tpu.dma_semaphore, #tpu.memory_space<semaphore_mem>>) src(%dma_wait3A_1085 : memref<8x8x256xf32, #tpu.memory_space<vmem>>) dst(%dma_wait3A_1080 : memref<8x8x256xf32, #tpu.memory_space<hbm>>)
    %dma_wait3A_1086 = arith.constant 3 : i32
    %dma_wait3A_1087 = arith.constant 0 : i32
    %dma_wait3A_1088 = arith.constant 0 : i32
    %dma_wait3A_1089 = arith.constant 0 : i32
    %dma_wait3A_1090 = tpu.memref_slice %arg10[%dma_wait3A_1086, %dma_wait3A_1087, %dma_wait3A_1088, %dma_wait3A_1089] : memref<4x8x8x256xf32, #tpu.memory_space<vmem>> -> memref<1x8x8x256xf32, #tpu.memory_space<vmem>>
    %dma_wait3A_1091 = tpu.memref_squeeze %dma_wait3A_1090 : memref<1x8x8x256xf32, #tpu.memory_space<vmem>> -> memref<8x8x256xf32, #tpu.memory_space<vmem>>
    %dma_wait3A_1092 = arith.constant 0 : i32
    %dma_wait3A_1093 = arith.constant 0 : i32
    %dma_wait3A_1094 = tpu.memref_slice %arg6[%add3A_1010, %dma_wait3A_1092, %dma_wait3A_1093] : memref<4096x8x256xf32, #tpu.memory_space<hbm>> -> memref<8x8x256xf32, #tpu.memory_space<hbm>>
    %dma_wait3A_1095 = arith.constant 0 : i32
    %dma_wait3A_1096 = arith.constant 0 : i32
    %dma_wait3A_1097 = tpu.memref_slice %arg6[%add3A_1010, %dma_wait3A_1095, %dma_wait3A_1096] : memref<4096x8x256xf32, #tpu.memory_space<hbm>> -> memref<8x8x256xf32, #tpu.memory_space<hbm>>
    %dma_wait3A_1098 = arith.constant 0 : i32
    %dma_wait3A_1099 = arith.constant 0 : i32
    %dma_wait3A_1100 = arith.constant 0 : i32
    %dma_wait3A_1101 = tpu.memref_slice %arg10[%dma_wait3A_1086, %dma_wait3A_1098, %dma_wait3A_1099, %dma_wait3A_1100] : memref<4x8x8x256xf32, #tpu.memory_space<vmem>> -> memref<1x8x8x256xf32, #tpu.memory_space<vmem>>
    %dma_wait3A_1102 = tpu.memref_squeeze %dma_wait3A_1101 : memref<1x8x8x256xf32, #tpu.memory_space<vmem>> -> memref<8x8x256xf32, #tpu.memory_space<vmem>>
    tpu.wait_dma2 semaphore(%arg16 : memref<!tpu.dma_semaphore, #tpu.memory_space<semaphore_mem>>) src(%dma_wait3A_1102 : memref<8x8x256xf32, #tpu.memory_space<vmem>>) dst(%dma_wait3A_1097 : memref<8x8x256xf32, #tpu.memory_space<hbm>>)
    "tpu.region"() ({
      %run_scoped3A = tpu.sem_alloc : memref<!tpu.dma_semaphore, #tpu.memory_space<semaphore_mem>>
      %dma_start3A_1494 = arith.constant 0 : i32
      %dma_start3A_1495 = arith.constant 0 : i32
      %dma_start3A_1496 = tpu.memref_slice %arg7[%select_n3A, %select_n3A_32, %dma_start3A_1494, %dma_start3A_1495] : memref<8x4x4x4096xf32, #tpu.memory_space<hbm>> -> memref<1x1x4x4096xf32, #tpu.memory_space<hbm>>
      %dma_start3A_1497 = tpu.memref_squeeze %dma_start3A_1496 : memref<1x1x4x4096xf32, #tpu.memory_space<hbm>> -> memref<4x4096xf32, #tpu.memory_space<hbm>>
      %dma_start3A_1498 = arith.constant 0 : i32
      %dma_start3A_1499 = arith.constant 0 : i32
      %dma_start3A_1500 = tpu.memref_slice %arg7[%select_n3A, %select_n3A_32, %dma_start3A_1498, %dma_start3A_1499] : memref<8x4x4x4096xf32, #tpu.memory_space<hbm>> -> memref<1x1x4x4096xf32, #tpu.memory_space<hbm>>
      %dma_start3A_1501 = tpu.memref_squeeze %dma_start3A_1500 : memref<1x1x4x4096xf32, #tpu.memory_space<hbm>> -> memref<4x4096xf32, #tpu.memory_space<hbm>>
      tpu.enqueue_dma source(%arg12 : memref<4x4096xf32, #tpu.memory_space<vmem>>) target(%dma_start3A_1501 : memref<4x4096xf32, #tpu.memory_space<hbm>>) target_semaphore(%run_scoped3A : memref<!tpu.dma_semaphore, #tpu.memory_space<semaphore_mem>>)
      %dma_wait3A_1502 = arith.constant 0 : i32
      %dma_wait3A_1503 = arith.constant 0 : i32
      %dma_wait3A_1504 = tpu.memref_slice %arg7[%select_n3A, %select_n3A_32, %dma_wait3A_1502, %dma_wait3A_1503] : memref<8x4x4x4096xf32, #tpu.memory_space<hbm>> -> memref<1x1x4x4096xf32, #tpu.memory_space<hbm>>
      %dma_wait3A_1505 = tpu.memref_squeeze %dma_wait3A_1504 : memref<1x1x4x4096xf32, #tpu.memory_space<hbm>> -> memref<4x4096xf32, #tpu.memory_space<hbm>>
      %dma_wait3A_1506 = arith.constant 0 : i32
      %dma_wait3A_1507 = arith.constant 0 : i32
      %dma_wait3A_1508 = tpu.memref_slice %arg7[%select_n3A, %select_n3A_32, %dma_wait3A_1506, %dma_wait3A_1507] : memref<8x4x4x4096xf32, #tpu.memory_space<hbm>> -> memref<1x1x4x4096xf32, #tpu.memory_space<hbm>>
      %dma_wait3A_1509 = tpu.memref_squeeze %dma_wait3A_1508 : memref<1x1x4x4096xf32, #tpu.memory_space<hbm>> -> memref<4x4096xf32, #tpu.memory_space<hbm>>
      tpu.wait_dma2 semaphore(%run_scoped3A : memref<!tpu.dma_semaphore, #tpu.memory_space<semaphore_mem>>) src(%arg12 : memref<4x4096xf32, #tpu.memory_space<vmem>>) dst(%dma_wait3A_1509 : memref<4x4096xf32, #tpu.memory_space<hbm>>)
      tpu.yield
    }) : () -> ()
    %dma_wait3A_1103 = arith.constant 0 : i32
    %dma_wait3A_1104 = tpu.memref_slice %arg5[%dma_wait3A_1103] : memref<16384xi32, #tpu.memory_space<hbm>> -> memref<8192xi32, #tpu.memory_space<hbm>>
    %dma_wait3A_1105 = arith.constant 0 : i32
    %dma_wait3A_1106 = tpu.memref_slice %arg5[%dma_wait3A_1105] : memref<16384xi32, #tpu.memory_space<hbm>> -> memref<8192xi32, #tpu.memory_space<hbm>>
    tpu.wait_dma2 semaphore(%arg18 : memref<!tpu.dma_semaphore, #tpu.memory_space<semaphore_mem>>) src(%dma_wait3A_1106 : memref<8192xi32, #tpu.memory_space<hbm>>) dst(%arg13 : memref<8192xi32, #tpu.memory_space<vmem>>)
    %add3A_1107 = arith.constant 0 : i32
    %add3A_1108 = arith.addi %mul3A_2, %add3A_1107 : i32
    %get3A = arith.index_cast %add3A_1108 : i32 to index
    %get3A_1109 = tpu.vector_load %arg9[%get3A] {strides = array<i32>} : memref<4096xi32, #tpu.memory_space<vmem>>, vector<16xi32>,
    %sub3A_1110 = arith.constant 0 : i32
    %sub3A_1111 = vector.broadcast %sub3A_1110 : i32 to vector<16xi32>
    %sub3A_1112 = arith.subi %get3A_1109, %sub3A_1111 : vector<16xi32>
    %ge3A = arith.constant 0 : i32
    %ge3A_1113 = vector.broadcast %ge3A : i32 to vector<16xi32>
    %ge3A_1114 = arith.cmpi sge, %sub3A_1112, %ge3A_1113 : vector<16xi32>
    %lt3A_1115 = arith.constant 8192 : i32
    %lt3A_1116 = vector.broadcast %lt3A_1115 : i32 to vector<16xi32>
    %lt3A_1117 = arith.cmpi slt, %sub3A_1112, %lt3A_1116 : vector<16xi32>
    %and3A_1118 = arith.andi %ge3A_1114, %lt3A_1117 : vector<16xi1>
    %jit3A_1119 = arith.constant 0 : i32
    %jit3A_1120 = arith.constant 8191 : i32
    %max3A = vector.broadcast %jit3A_1119 : i32 to vector<16xi32>
    %max3A_1121 = arith.maxsi %max3A, %sub3A_1112 : vector<16xi32>
    %min3A = vector.broadcast %jit3A_1120 : i32 to vector<16xi32>
    %min3A_1122 = arith.minsi %min3A, %max3A_1121 : vector<16xi32>
    %gather3A = tpu.vector_load_idx %arg13[%min3A_1122] : memref<8192xi32, #tpu.memory_space<vmem>>[vector<16xi32>], vector<16xi32>,
    %add3A_1123 = arith.constant 0 : i32
    %add3A_1124 = vector.broadcast %add3A_1123 : i32 to vector<16xi32>
    %add3A_1125 = arith.addi %add3A_1124, %iota3A : vector<16xi32>
    tpu.vector_store_idx %arg14[%add3A_1125], %gather3A masked %and3A_1118 : memref<128xi32, #tpu.memory_space<vmem>>[vector<16xi32>], vector<16xi32>, vector<16xi1>
    %add3A_1126 = arith.constant 16 : i32
    %add3A_1127 = arith.addi %mul3A_2, %add3A_1126 : i32
    %get3A_1128 = arith.index_cast %add3A_1127 : i32 to index
    %get3A_1129 = tpu.vector_load %arg9[%get3A_1128] {strides = array<i32>} : memref<4096xi32, #tpu.memory_space<vmem>>, vector<16xi32>,
    %sub3A_1130 = arith.constant 0 : i32
    %sub3A_1131 = vector.broadcast %sub3A_1130 : i32 to vector<16xi32>
    %sub3A_1132 = arith.subi %get3A_1129, %sub3A_1131 : vector<16xi32>
    %ge3A_1133 = arith.constant 0 : i32
    %ge3A_1134 = vector.broadcast %ge3A_1133 : i32 to vector<16xi32>
    %ge3A_1135 = arith.cmpi sge, %sub3A_1132, %ge3A_1134 : vector<16xi32>
    %lt3A_1136 = arith.constant 8192 : i32
    %lt3A_1137 = vector.broadcast %lt3A_1136 : i32 to vector<16xi32>
    %lt3A_1138 = arith.cmpi slt, %sub3A_1132, %lt3A_1137 : vector<16xi32>
    %and3A_1139 = arith.andi %ge3A_1135, %lt3A_1138 : vector<16xi1>
    %jit3A_1140 = arith.constant 0 : i32
    %jit3A_1141 = arith.constant 8191 : i32
    %max3A_1142 = vector.broadcast %jit3A_1140 : i32 to vector<16xi32>
    %max3A_1143 = arith.maxsi %max3A_1142, %sub3A_1132 : vector<16xi32>
    %min3A_1144 = vector.broadcast %jit3A_1141 : i32 to vector<16xi32>
    %min3A_1145 = arith.minsi %min3A_1144, %max3A_1143 : vector<16xi32>
    %gather3A_1146 = tpu.vector_load_idx %arg13[%min3A_1145] : memref<8192xi32, #tpu.memory_space<vmem>>[vector<16xi32>], vector<16xi32>,
    %add3A_1147 = arith.constant 16 : i32
    %add3A_1148 = vector.broadcast %add3A_1147 : i32 to vector<16xi32>
    %add3A_1149 = arith.addi %add3A_1148, %iota3A : vector<16xi32>
    tpu.vector_store_idx %arg14[%add3A_1149], %gather3A_1146 masked %and3A_1139 : memref<128xi32, #tpu.memory_space<vmem>>[vector<16xi32>], vector<16xi32>, vector<16xi1>
    %add3A_1150 = arith.constant 32 : i32
    %add3A_1151 = arith.addi %mul3A_2, %add3A_1150 : i32
    %get3A_1152 = arith.index_cast %add3A_1151 : i32 to index
    %get3A_1153 = tpu.vector_load %arg9[%get3A_1152] {strides = array<i32>} : memref<4096xi32, #tpu.memory_space<vmem>>, vector<16xi32>,
    %sub3A_1154 = arith.constant 0 : i32
    %sub3A_1155 = vector.broadcast %sub3A_1154 : i32 to vector<16xi32>
    %sub3A_1156 = arith.subi %get3A_1153, %sub3A_1155 : vector<16xi32>
    %ge3A_1157 = arith.constant 0 : i32
    %ge3A_1158 = vector.broadcast %ge3A_1157 : i32 to vector<16xi32>
    %ge3A_1159 = arith.cmpi sge, %sub3A_1156, %ge3A_1158 : vector<16xi32>
    %lt3A_1160 = arith.constant 8192 : i32
    %lt3A_1161 = vector.broadcast %lt3A_1160 : i32 to vector<16xi32>
    %lt3A_1162 = arith.cmpi slt, %sub3A_1156, %lt3A_1161 : vector<16xi32>
    %and3A_1163 = arith.andi %ge3A_1159, %lt3A_1162 : vector<16xi1>
    %jit3A_1164 = arith.constant 0 : i32
    %jit3A_1165 = arith.constant 8191 : i32
    %max3A_1166 = vector.broadcast %jit3A_1164 : i32 to vector<16xi32>
    %max3A_1167 = arith.maxsi %max3A_1166, %sub3A_1156 : vector<16xi32>
    %min3A_1168 = vector.broadcast %jit3A_1165 : i32 to vector<16xi32>
    %min3A_1169 = arith.minsi %min3A_1168, %max3A_1167 : vector<16xi32>
    %gather3A_1170 = tpu.vector_load_idx %arg13[%min3A_1169] : memref<8192xi32, #tpu.memory_space<vmem>>[vector<16xi32>], vector<16xi32>,
    %add3A_1171 = arith.constant 32 : i32
    %add3A_1172 = vector.broadcast %add3A_1171 : i32 to vector<16xi32>
    %add3A_1173 = arith.addi %add3A_1172, %iota3A : vector<16xi32>
    tpu.vector_store_idx %arg14[%add3A_1173], %gather3A_1170 masked %and3A_1163 : memref<128xi32, #tpu.memory_space<vmem>>[vector<16xi32>], vector<16xi32>, vector<16xi1>
    %add3A_1174 = arith.constant 48 : i32
    %add3A_1175 = arith.addi %mul3A_2, %add3A_1174 : i32
    %get3A_1176 = arith.index_cast %add3A_1175 : i32 to index
    %get3A_1177 = tpu.vector_load %arg9[%get3A_1176] {strides = array<i32>} : memref<4096xi32, #tpu.memory_space<vmem>>, vector<16xi32>,
    %sub3A_1178 = arith.constant 0 : i32
    %sub3A_1179 = vector.broadcast %sub3A_1178 : i32 to vector<16xi32>
    %sub3A_1180 = arith.subi %get3A_1177, %sub3A_1179 : vector<16xi32>
    %ge3A_1181 = arith.constant 0 : i32
    %ge3A_1182 = vector.broadcast %ge3A_1181 : i32 to vector<16xi32>
    %ge3A_1183 = arith.cmpi sge, %sub3A_1180, %ge3A_1182 : vector<16xi32>
    %lt3A_1184 = arith.constant 8192 : i32
    %lt3A_1185 = vector.broadcast %lt3A_1184 : i32 to vector<16xi32>
    %lt3A_1186 = arith.cmpi slt, %sub3A_1180, %lt3A_1185 : vector<16xi32>
    %and3A_1187 = arith.andi %ge3A_1183, %lt3A_1186 : vector<16xi1>
    %jit3A_1188 = arith.constant 0 : i32
    %jit3A_1189 = arith.constant 8191 : i32
    %max3A_1190 = vector.broadcast %jit3A_1188 : i32 to vector<16xi32>
    %max3A_1191 = arith.maxsi %max3A_1190, %sub3A_1180 : vector<16xi32>
    %min3A_1192 = vector.broadcast %jit3A_1189 : i32 to vector<16xi32>
    %min3A_1193 = arith.minsi %min3A_1192, %max3A_1191 : vector<16xi32>
    %gather3A_1194 = tpu.vector_load_idx %arg13[%min3A_1193] : memref<8192xi32, #tpu.memory_space<vmem>>[vector<16xi32>], vector<16xi32>,
    %add3A_1195 = arith.constant 48 : i32
    %add3A_1196 = vector.broadcast %add3A_1195 : i32 to vector<16xi32>
    %add3A_1197 = arith.addi %add3A_1196, %iota3A : vector<16xi32>
    tpu.vector_store_idx %arg14[%add3A_1197], %gather3A_1194 masked %and3A_1187 : memref<128xi32, #tpu.memory_space<vmem>>[vector<16xi32>], vector<16xi32>, vector<16xi1>
    %add3A_1198 = arith.constant 64 : i32
    %add3A_1199 = arith.addi %mul3A_2, %add3A_1198 : i32
    %get3A_1200 = arith.index_cast %add3A_1199 : i32 to index
    %get3A_1201 = tpu.vector_load %arg9[%get3A_1200] {strides = array<i32>} : memref<4096xi32, #tpu.memory_space<vmem>>, vector<16xi32>,
    %sub3A_1202 = arith.constant 0 : i32
    %sub3A_1203 = vector.broadcast %sub3A_1202 : i32 to vector<16xi32>
    %sub3A_1204 = arith.subi %get3A_1201, %sub3A_1203 : vector<16xi32>
    %ge3A_1205 = arith.constant 0 : i32
    %ge3A_1206 = vector.broadcast %ge3A_1205 : i32 to vector<16xi32>
    %ge3A_1207 = arith.cmpi sge, %sub3A_1204, %ge3A_1206 : vector<16xi32>
    %lt3A_1208 = arith.constant 8192 : i32
    %lt3A_1209 = vector.broadcast %lt3A_1208 : i32 to vector<16xi32>
    %lt3A_1210 = arith.cmpi slt, %sub3A_1204, %lt3A_1209 : vector<16xi32>
    %and3A_1211 = arith.andi %ge3A_1207, %lt3A_1210 : vector<16xi1>
    %jit3A_1212 = arith.constant 0 : i32
    %jit3A_1213 = arith.constant 8191 : i32
    %max3A_1214 = vector.broadcast %jit3A_1212 : i32 to vector<16xi32>
    %max3A_1215 = arith.maxsi %max3A_1214, %sub3A_1204 : vector<16xi32>
    %min3A_1216 = vector.broadcast %jit3A_1213 : i32 to vector<16xi32>
    %min3A_1217 = arith.minsi %min3A_1216, %max3A_1215 : vector<16xi32>
    %gather3A_1218 = tpu.vector_load_idx %arg13[%min3A_1217] : memref<8192xi32, #tpu.memory_space<vmem>>[vector<16xi32>], vector<16xi32>,
    %add3A_1219 = arith.constant 64 : i32
    %add3A_1220 = vector.broadcast %add3A_1219 : i32 to vector<16xi32>
    %add3A_1221 = arith.addi %add3A_1220, %iota3A : vector<16xi32>
    tpu.vector_store_idx %arg14[%add3A_1221], %gather3A_1218 masked %and3A_1211 : memref<128xi32, #tpu.memory_space<vmem>>[vector<16xi32>], vector<16xi32>, vector<16xi1>
    %add3A_1222 = arith.constant 80 : i32
    %add3A_1223 = arith.addi %mul3A_2, %add3A_1222 : i32
    %get3A_1224 = arith.index_cast %add3A_1223 : i32 to index
    %get3A_1225 = tpu.vector_load %arg9[%get3A_1224] {strides = array<i32>} : memref<4096xi32, #tpu.memory_space<vmem>>, vector<16xi32>,
    %sub3A_1226 = arith.constant 0 : i32
    %sub3A_1227 = vector.broadcast %sub3A_1226 : i32 to vector<16xi32>
    %sub3A_1228 = arith.subi %get3A_1225, %sub3A_1227 : vector<16xi32>
    %ge3A_1229 = arith.constant 0 : i32
    %ge3A_1230 = vector.broadcast %ge3A_1229 : i32 to vector<16xi32>
    %ge3A_1231 = arith.cmpi sge, %sub3A_1228, %ge3A_1230 : vector<16xi32>
    %lt3A_1232 = arith.constant 8192 : i32
    %lt3A_1233 = vector.broadcast %lt3A_1232 : i32 to vector<16xi32>
    %lt3A_1234 = arith.cmpi slt, %sub3A_1228, %lt3A_1233 : vector<16xi32>
    %and3A_1235 = arith.andi %ge3A_1231, %lt3A_1234 : vector<16xi1>
    %jit3A_1236 = arith.constant 0 : i32
    %jit3A_1237 = arith.constant 8191 : i32
    %max3A_1238 = vector.broadcast %jit3A_1236 : i32 to vector<16xi32>
    %max3A_1239 = arith.maxsi %max3A_1238, %sub3A_1228 : vector<16xi32>
    %min3A_1240 = vector.broadcast %jit3A_1237 : i32 to vector<16xi32>
    %min3A_1241 = arith.minsi %min3A_1240, %max3A_1239 : vector<16xi32>
    %gather3A_1242 = tpu.vector_load_idx %arg13[%min3A_1241] : memref<8192xi32, #tpu.memory_space<vmem>>[vector<16xi32>], vector<16xi32>,
    %add3A_1243 = arith.constant 80 : i32
    %add3A_1244 = vector.broadcast %add3A_1243 : i32 to vector<16xi32>
    %add3A_1245 = arith.addi %add3A_1244, %iota3A : vector<16xi32>
    tpu.vector_store_idx %arg14[%add3A_1245], %gather3A_1242 masked %and3A_1235 : memref<128xi32, #tpu.memory_space<vmem>>[vector<16xi32>], vector<16xi32>, vector<16xi1>
    %add3A_1246 = arith.constant 96 : i32
    %add3A_1247 = arith.addi %mul3A_2, %add3A_1246 : i32
    %get3A_1248 = arith.index_cast %add3A_1247 : i32 to index
    %get3A_1249 = tpu.vector_load %arg9[%get3A_1248] {strides = array<i32>} : memref<4096xi32, #tpu.memory_space<vmem>>, vector<16xi32>,
    %sub3A_1250 = arith.constant 0 : i32
    %sub3A_1251 = vector.broadcast %sub3A_1250 : i32 to vector<16xi32>
    %sub3A_1252 = arith.subi %get3A_1249, %sub3A_1251 : vector<16xi32>
    %ge3A_1253 = arith.constant 0 : i32
    %ge3A_1254 = vector.broadcast %ge3A_1253 : i32 to vector<16xi32>
    %ge3A_1255 = arith.cmpi sge, %sub3A_1252, %ge3A_1254 : vector<16xi32>
    %lt3A_1256 = arith.constant 8192 : i32
    %lt3A_1257 = vector.broadcast %lt3A_1256 : i32 to vector<16xi32>
    %lt3A_1258 = arith.cmpi slt, %sub3A_1252, %lt3A_1257 : vector<16xi32>
    %and3A_1259 = arith.andi %ge3A_1255, %lt3A_1258 : vector<16xi1>
    %jit3A_1260 = arith.constant 0 : i32
    %jit3A_1261 = arith.constant 8191 : i32
    %max3A_1262 = vector.broadcast %jit3A_1260 : i32 to vector<16xi32>
    %max3A_1263 = arith.maxsi %max3A_1262, %sub3A_1252 : vector<16xi32>
    %min3A_1264 = vector.broadcast %jit3A_1261 : i32 to vector<16xi32>
    %min3A_1265 = arith.minsi %min3A_1264, %max3A_1263 : vector<16xi32>
    %gather3A_1266 = tpu.vector_load_idx %arg13[%min3A_1265] : memref<8192xi32, #tpu.memory_space<vmem>>[vector<16xi32>], vector<16xi32>,
    %add3A_1267 = arith.constant 96 : i32
    %add3A_1268 = vector.broadcast %add3A_1267 : i32 to vector<16xi32>
    %add3A_1269 = arith.addi %add3A_1268, %iota3A : vector<16xi32>
    tpu.vector_store_idx %arg14[%add3A_1269], %gather3A_1266 masked %and3A_1259 : memref<128xi32, #tpu.memory_space<vmem>>[vector<16xi32>], vector<16xi32>, vector<16xi1>
    %add3A_1270 = arith.constant 112 : i32
    %add3A_1271 = arith.addi %mul3A_2, %add3A_1270 : i32
    %get3A_1272 = arith.index_cast %add3A_1271 : i32 to index
    %get3A_1273 = tpu.vector_load %arg9[%get3A_1272] {strides = array<i32>} : memref<4096xi32, #tpu.memory_space<vmem>>, vector<16xi32>,
    %sub3A_1274 = arith.constant 0 : i32
    %sub3A_1275 = vector.broadcast %sub3A_1274 : i32 to vector<16xi32>
    %sub3A_1276 = arith.subi %get3A_1273, %sub3A_1275 : vector<16xi32>
    %ge3A_1277 = arith.constant 0 : i32
    %ge3A_1278 = vector.broadcast %ge3A_1277 : i32 to vector<16xi32>
    %ge3A_1279 = arith.cmpi sge, %sub3A_1276, %ge3A_1278 : vector<16xi32>
    %lt3A_1280 = arith.constant 8192 : i32
    %lt3A_1281 = vector.broadcast %lt3A_1280 : i32 to vector<16xi32>
    %lt3A_1282 = arith.cmpi slt, %sub3A_1276, %lt3A_1281 : vector<16xi32>
    %and3A_1283 = arith.andi %ge3A_1279, %lt3A_1282 : vector<16xi1>
    %jit3A_1284 = arith.constant 0 : i32
    %jit3A_1285 = arith.constant 8191 : i32
    %max3A_1286 = vector.broadcast %jit3A_1284 : i32 to vector<16xi32>
    %max3A_1287 = arith.maxsi %max3A_1286, %sub3A_1276 : vector<16xi32>
    %min3A_1288 = vector.broadcast %jit3A_1285 : i32 to vector<16xi32>
    %min3A_1289 = arith.minsi %min3A_1288, %max3A_1287 : vector<16xi32>
    %gather3A_1290 = tpu.vector_load_idx %arg13[%min3A_1289] : memref<8192xi32, #tpu.memory_space<vmem>>[vector<16xi32>], vector<16xi32>,
    %add3A_1291 = arith.constant 112 : i32
    %add3A_1292 = vector.broadcast %add3A_1291 : i32 to vector<16xi32>
    %add3A_1293 = arith.addi %add3A_1292, %iota3A : vector<16xi32>
    tpu.vector_store_idx %arg14[%add3A_1293], %gather3A_1290 masked %and3A_1283 : memref<128xi32, #tpu.memory_space<vmem>>[vector<16xi32>], vector<16xi32>, vector<16xi1>
    %dma_start3A_1294 = arith.constant 8192 : i32
    %dma_start3A_1295 = tpu.memref_slice %arg5[%dma_start3A_1294] : memref<16384xi32, #tpu.memory_space<hbm>> -> memref<8192xi32, #tpu.memory_space<hbm>>
    %dma_start3A_1296 = arith.constant 8192 : i32
    %dma_start3A_1297 = tpu.memref_slice %arg5[%dma_start3A_1296] : memref<16384xi32, #tpu.memory_space<hbm>> -> memref<8192xi32, #tpu.memory_space<hbm>>
    tpu.enqueue_dma source(%dma_start3A_1297 : memref<8192xi32, #tpu.memory_space<hbm>>) target(%arg13 : memref<8192xi32, #tpu.memory_space<vmem>>) target_semaphore(%arg18 : memref<!tpu.dma_semaphore, #tpu.memory_space<semaphore_mem>>)
    %dma_wait3A_1298 = arith.constant 8192 : i32
    %dma_wait3A_1299 = tpu.memref_slice %arg5[%dma_wait3A_1298] : memref<16384xi32, #tpu.memory_space<hbm>> -> memref<8192xi32, #tpu.memory_space<hbm>>
    %dma_wait3A_1300 = arith.constant 8192 : i32
    %dma_wait3A_1301 = tpu.memref_slice %arg5[%dma_wait3A_1300] : memref<16384xi32, #tpu.memory_space<hbm>> -> memref<8192xi32, #tpu.memory_space<hbm>>
    tpu.wait_dma2 semaphore(%arg18 : memref<!tpu.dma_semaphore, #tpu.memory_space<semaphore_mem>>) src(%dma_wait3A_1301 : memref<8192xi32, #tpu.memory_space<hbm>>) dst(%arg13 : memref<8192xi32, #tpu.memory_space<vmem>>)
    %add3A_1302 = arith.constant 0 : i32
    %add3A_1303 = arith.addi %mul3A_2, %add3A_1302 : i32
    %get3A_1304 = arith.index_cast %add3A_1303 : i32 to index
    %get3A_1305 = tpu.vector_load %arg9[%get3A_1304] {strides = array<i32>} : memref<4096xi32, #tpu.memory_space<vmem>>, vector<16xi32>,
    %sub3A_1306 = arith.constant 8192 : i32
    %sub3A_1307 = vector.broadcast %sub3A_1306 : i32 to vector<16xi32>
    %sub3A_1308 = arith.subi %get3A_1305, %sub3A_1307 : vector<16xi32>
    %ge3A_1309 = arith.constant 0 : i32
    %ge3A_1310 = vector.broadcast %ge3A_1309 : i32 to vector<16xi32>
    %ge3A_1311 = arith.cmpi sge, %sub3A_1308, %ge3A_1310 : vector<16xi32>
    %lt3A_1312 = arith.constant 8192 : i32
    %lt3A_1313 = vector.broadcast %lt3A_1312 : i32 to vector<16xi32>
    %lt3A_1314 = arith.cmpi slt, %sub3A_1308, %lt3A_1313 : vector<16xi32>
    %and3A_1315 = arith.andi %ge3A_1311, %lt3A_1314 : vector<16xi1>
    %jit3A_1316 = arith.constant 0 : i32
    %jit3A_1317 = arith.constant 8191 : i32
    %max3A_1318 = vector.broadcast %jit3A_1316 : i32 to vector<16xi32>
    %max3A_1319 = arith.maxsi %max3A_1318, %sub3A_1308 : vector<16xi32>
    %min3A_1320 = vector.broadcast %jit3A_1317 : i32 to vector<16xi32>
    %min3A_1321 = arith.minsi %min3A_1320, %max3A_1319 : vector<16xi32>
    %gather3A_1322 = tpu.vector_load_idx %arg13[%min3A_1321] : memref<8192xi32, #tpu.memory_space<vmem>>[vector<16xi32>], vector<16xi32>,
    %add3A_1323 = arith.constant 0 : i32
    %add3A_1324 = vector.broadcast %add3A_1323 : i32 to vector<16xi32>
    %add3A_1325 = arith.addi %add3A_1324, %iota3A : vector<16xi32>
    tpu.vector_store_idx %arg14[%add3A_1325], %gather3A_1322 masked %and3A_1315 : memref<128xi32, #tpu.memory_space<vmem>>[vector<16xi32>], vector<16xi32>, vector<16xi1>
    %add3A_1326 = arith.constant 16 : i32
    %add3A_1327 = arith.addi %mul3A_2, %add3A_1326 : i32
    %get3A_1328 = arith.index_cast %add3A_1327 : i32 to index
    %get3A_1329 = tpu.vector_load %arg9[%get3A_1328] {strides = array<i32>} : memref<4096xi32, #tpu.memory_space<vmem>>, vector<16xi32>,
    %sub3A_1330 = arith.constant 8192 : i32
    %sub3A_1331 = vector.broadcast %sub3A_1330 : i32 to vector<16xi32>
    %sub3A_1332 = arith.subi %get3A_1329, %sub3A_1331 : vector<16xi32>
    %ge3A_1333 = arith.constant 0 : i32
    %ge3A_1334 = vector.broadcast %ge3A_1333 : i32 to vector<16xi32>
    %ge3A_1335 = arith.cmpi sge, %sub3A_1332, %ge3A_1334 : vector<16xi32>
    %lt3A_1336 = arith.constant 8192 : i32
    %lt3A_1337 = vector.broadcast %lt3A_1336 : i32 to vector<16xi32>
    %lt3A_1338 = arith.cmpi slt, %sub3A_1332, %lt3A_1337 : vector<16xi32>
    %and3A_1339 = arith.andi %ge3A_1335, %lt3A_1338 : vector<16xi1>
    %jit3A_1340 = arith.constant 0 : i32
    %jit3A_1341 = arith.constant 8191 : i32
    %max3A_1342 = vector.broadcast %jit3A_1340 : i32 to vector<16xi32>
    %max3A_1343 = arith.maxsi %max3A_1342, %sub3A_1332 : vector<16xi32>
    %min3A_1344 = vector.broadcast %jit3A_1341 : i32 to vector<16xi32>
    %min3A_1345 = arith.minsi %min3A_1344, %max3A_1343 : vector<16xi32>
    %gather3A_1346 = tpu.vector_load_idx %arg13[%min3A_1345] : memref<8192xi32, #tpu.memory_space<vmem>>[vector<16xi32>], vector<16xi32>,
    %add3A_1347 = arith.constant 16 : i32
    %add3A_1348 = vector.broadcast %add3A_1347 : i32 to vector<16xi32>
    %add3A_1349 = arith.addi %add3A_1348, %iota3A : vector<16xi32>
    tpu.vector_store_idx %arg14[%add3A_1349], %gather3A_1346 masked %and3A_1339 : memref<128xi32, #tpu.memory_space<vmem>>[vector<16xi32>], vector<16xi32>, vector<16xi1>
    %add3A_1350 = arith.constant 32 : i32
    %add3A_1351 = arith.addi %mul3A_2, %add3A_1350 : i32
    %get3A_1352 = arith.index_cast %add3A_1351 : i32 to index
    %get3A_1353 = tpu.vector_load %arg9[%get3A_1352] {strides = array<i32>} : memref<4096xi32, #tpu.memory_space<vmem>>, vector<16xi32>,
    %sub3A_1354 = arith.constant 8192 : i32
    %sub3A_1355 = vector.broadcast %sub3A_1354 : i32 to vector<16xi32>
    %sub3A_1356 = arith.subi %get3A_1353, %sub3A_1355 : vector<16xi32>
    %ge3A_1357 = arith.constant 0 : i32
    %ge3A_1358 = vector.broadcast %ge3A_1357 : i32 to vector<16xi32>
    %ge3A_1359 = arith.cmpi sge, %sub3A_1356, %ge3A_1358 : vector<16xi32>
    %lt3A_1360 = arith.constant 8192 : i32
    %lt3A_1361 = vector.broadcast %lt3A_1360 : i32 to vector<16xi32>
    %lt3A_1362 = arith.cmpi slt, %sub3A_1356, %lt3A_1361 : vector<16xi32>
    %and3A_1363 = arith.andi %ge3A_1359, %lt3A_1362 : vector<16xi1>
    %jit3A_1364 = arith.constant 0 : i32
    %jit3A_1365 = arith.constant 8191 : i32
    %max3A_1366 = vector.broadcast %jit3A_1364 : i32 to vector<16xi32>
    %max3A_1367 = arith.maxsi %max3A_1366, %sub3A_1356 : vector<16xi32>
    %min3A_1368 = vector.broadcast %jit3A_1365 : i32 to vector<16xi32>
    %min3A_1369 = arith.minsi %min3A_1368, %max3A_1367 : vector<16xi32>
    %gather3A_1370 = tpu.vector_load_idx %arg13[%min3A_1369] : memref<8192xi32, #tpu.memory_space<vmem>>[vector<16xi32>], vector<16xi32>,
    %add3A_1371 = arith.constant 32 : i32
    %add3A_1372 = vector.broadcast %add3A_1371 : i32 to vector<16xi32>
    %add3A_1373 = arith.addi %add3A_1372, %iota3A : vector<16xi32>
    tpu.vector_store_idx %arg14[%add3A_1373], %gather3A_1370 masked %and3A_1363 : memref<128xi32, #tpu.memory_space<vmem>>[vector<16xi32>], vector<16xi32>, vector<16xi1>
    %add3A_1374 = arith.constant 48 : i32
    %add3A_1375 = arith.addi %mul3A_2, %add3A_1374 : i32
    %get3A_1376 = arith.index_cast %add3A_1375 : i32 to index
    %get3A_1377 = tpu.vector_load %arg9[%get3A_1376] {strides = array<i32>} : memref<4096xi32, #tpu.memory_space<vmem>>, vector<16xi32>,
    %sub3A_1378 = arith.constant 8192 : i32
    %sub3A_1379 = vector.broadcast %sub3A_1378 : i32 to vector<16xi32>
    %sub3A_1380 = arith.subi %get3A_1377, %sub3A_1379 : vector<16xi32>
    %ge3A_1381 = arith.constant 0 : i32
    %ge3A_1382 = vector.broadcast %ge3A_1381 : i32 to vector<16xi32>
    %ge3A_1383 = arith.cmpi sge, %sub3A_1380, %ge3A_1382 : vector<16xi32>
    %lt3A_1384 = arith.constant 8192 : i32
    %lt3A_1385 = vector.broadcast %lt3A_1384 : i32 to vector<16xi32>
    %lt3A_1386 = arith.cmpi slt, %sub3A_1380, %lt3A_1385 : vector<16xi32>
    %and3A_1387 = arith.andi %ge3A_1383, %lt3A_1386 : vector<16xi1>
    %jit3A_1388 = arith.constant 0 : i32
    %jit3A_1389 = arith.constant 8191 : i32
    %max3A_1390 = vector.broadcast %jit3A_1388 : i32 to vector<16xi32>
    %max3A_1391 = arith.maxsi %max3A_1390, %sub3A_1380 : vector<16xi32>
    %min3A_1392 = vector.broadcast %jit3A_1389 : i32 to vector<16xi32>
    %min3A_1393 = arith.minsi %min3A_1392, %max3A_1391 : vector<16xi32>
    %gather3A_1394 = tpu.vector_load_idx %arg13[%min3A_1393] : memref<8192xi32, #tpu.memory_space<vmem>>[vector<16xi32>], vector<16xi32>,
    %add3A_1395 = arith.constant 48 : i32
    %add3A_1396 = vector.broadcast %add3A_1395 : i32 to vector<16xi32>
    %add3A_1397 = arith.addi %add3A_1396, %iota3A : vector<16xi32>
    tpu.vector_store_idx %arg14[%add3A_1397], %gather3A_1394 masked %and3A_1387 : memref<128xi32, #tpu.memory_space<vmem>>[vector<16xi32>], vector<16xi32>, vector<16xi1>
    %add3A_1398 = arith.constant 64 : i32
    %add3A_1399 = arith.addi %mul3A_2, %add3A_1398 : i32
    %get3A_1400 = arith.index_cast %add3A_1399 : i32 to index
    %get3A_1401 = tpu.vector_load %arg9[%get3A_1400] {strides = array<i32>} : memref<4096xi32, #tpu.memory_space<vmem>>, vector<16xi32>,
    %sub3A_1402 = arith.constant 8192 : i32
    %sub3A_1403 = vector.broadcast %sub3A_1402 : i32 to vector<16xi32>
    %sub3A_1404 = arith.subi %get3A_1401, %sub3A_1403 : vector<16xi32>
    %ge3A_1405 = arith.constant 0 : i32
    %ge3A_1406 = vector.broadcast %ge3A_1405 : i32 to vector<16xi32>
    %ge3A_1407 = arith.cmpi sge, %sub3A_1404, %ge3A_1406 : vector<16xi32>
    %lt3A_1408 = arith.constant 8192 : i32
    %lt3A_1409 = vector.broadcast %lt3A_1408 : i32 to vector<16xi32>
    %lt3A_1410 = arith.cmpi slt, %sub3A_1404, %lt3A_1409 : vector<16xi32>
    %and3A_1411 = arith.andi %ge3A_1407, %lt3A_1410 : vector<16xi1>
    %jit3A_1412 = arith.constant 0 : i32
    %jit3A_1413 = arith.constant 8191 : i32
    %max3A_1414 = vector.broadcast %jit3A_1412 : i32 to vector<16xi32>
    %max3A_1415 = arith.maxsi %max3A_1414, %sub3A_1404 : vector<16xi32>
    %min3A_1416 = vector.broadcast %jit3A_1413 : i32 to vector<16xi32>
    %min3A_1417 = arith.minsi %min3A_1416, %max3A_1415 : vector<16xi32>
    %gather3A_1418 = tpu.vector_load_idx %arg13[%min3A_1417] : memref<8192xi32, #tpu.memory_space<vmem>>[vector<16xi32>], vector<16xi32>,
    %add3A_1419 = arith.constant 64 : i32
    %add3A_1420 = vector.broadcast %add3A_1419 : i32 to vector<16xi32>
    %add3A_1421 = arith.addi %add3A_1420, %iota3A : vector<16xi32>
    tpu.vector_store_idx %arg14[%add3A_1421], %gather3A_1418 masked %and3A_1411 : memref<128xi32, #tpu.memory_space<vmem>>[vector<16xi32>], vector<16xi32>, vector<16xi1>
    %add3A_1422 = arith.constant 80 : i32
    %add3A_1423 = arith.addi %mul3A_2, %add3A_1422 : i32
    %get3A_1424 = arith.index_cast %add3A_1423 : i32 to index
    %get3A_1425 = tpu.vector_load %arg9[%get3A_1424] {strides = array<i32>} : memref<4096xi32, #tpu.memory_space<vmem>>, vector<16xi32>,
    %sub3A_1426 = arith.constant 8192 : i32
    %sub3A_1427 = vector.broadcast %sub3A_1426 : i32 to vector<16xi32>
    %sub3A_1428 = arith.subi %get3A_1425, %sub3A_1427 : vector<16xi32>
    %ge3A_1429 = arith.constant 0 : i32
    %ge3A_1430 = vector.broadcast %ge3A_1429 : i32 to vector<16xi32>
    %ge3A_1431 = arith.cmpi sge, %sub3A_1428, %ge3A_1430 : vector<16xi32>
    %lt3A_1432 = arith.constant 8192 : i32
    %lt3A_1433 = vector.broadcast %lt3A_1432 : i32 to vector<16xi32>
    %lt3A_1434 = arith.cmpi slt, %sub3A_1428, %lt3A_1433 : vector<16xi32>
    %and3A_1435 = arith.andi %ge3A_1431, %lt3A_1434 : vector<16xi1>
    %jit3A_1436 = arith.constant 0 : i32
    %jit3A_1437 = arith.constant 8191 : i32
    %max3A_1438 = vector.broadcast %jit3A_1436 : i32 to vector<16xi32>
    %max3A_1439 = arith.maxsi %max3A_1438, %sub3A_1428 : vector<16xi32>
    %min3A_1440 = vector.broadcast %jit3A_1437 : i32 to vector<16xi32>
    %min3A_1441 = arith.minsi %min3A_1440, %max3A_1439 : vector<16xi32>
    %gather3A_1442 = tpu.vector_load_idx %arg13[%min3A_1441] : memref<8192xi32, #tpu.memory_space<vmem>>[vector<16xi32>], vector<16xi32>,
    %add3A_1443 = arith.constant 80 : i32
    %add3A_1444 = vector.broadcast %add3A_1443 : i32 to vector<16xi32>
    %add3A_1445 = arith.addi %add3A_1444, %iota3A : vector<16xi32>
    tpu.vector_store_idx %arg14[%add3A_1445], %gather3A_1442 masked %and3A_1435 : memref<128xi32, #tpu.memory_space<vmem>>[vector<16xi32>], vector<16xi32>, vector<16xi1>
    %add3A_1446 = arith.constant 96 : i32
    %add3A_1447 = arith.addi %mul3A_2, %add3A_1446 : i32
    %get3A_1448 = arith.index_cast %add3A_1447 : i32 to index
    %get3A_1449 = tpu.vector_load %arg9[%get3A_1448] {strides = array<i32>} : memref<4096xi32, #tpu.memory_space<vmem>>, vector<16xi32>,
    %sub3A_1450 = arith.constant 8192 : i32
    %sub3A_1451 = vector.broadcast %sub3A_1450 : i32 to vector<16xi32>
    %sub3A_1452 = arith.subi %get3A_1449, %sub3A_1451 : vector<16xi32>
    %ge3A_1453 = arith.constant 0 : i32
    %ge3A_1454 = vector.broadcast %ge3A_1453 : i32 to vector<16xi32>
    %ge3A_1455 = arith.cmpi sge, %sub3A_1452, %ge3A_1454 : vector<16xi32>
    %lt3A_1456 = arith.constant 8192 : i32
    %lt3A_1457 = vector.broadcast %lt3A_1456 : i32 to vector<16xi32>
    %lt3A_1458 = arith.cmpi slt, %sub3A_1452, %lt3A_1457 : vector<16xi32>
    %and3A_1459 = arith.andi %ge3A_1455, %lt3A_1458 : vector<16xi1>
    %jit3A_1460 = arith.constant 0 : i32
    %jit3A_1461 = arith.constant 8191 : i32
    %max3A_1462 = vector.broadcast %jit3A_1460 : i32 to vector<16xi32>
    %max3A_1463 = arith.maxsi %max3A_1462, %sub3A_1452 : vector<16xi32>
    %min3A_1464 = vector.broadcast %jit3A_1461 : i32 to vector<16xi32>
    %min3A_1465 = arith.minsi %min3A_1464, %max3A_1463 : vector<16xi32>
    %gather3A_1466 = tpu.vector_load_idx %arg13[%min3A_1465] : memref<8192xi32, #tpu.memory_space<vmem>>[vector<16xi32>], vector<16xi32>,
    %add3A_1467 = arith.constant 96 : i32
    %add3A_1468 = vector.broadcast %add3A_1467 : i32 to vector<16xi32>
    %add3A_1469 = arith.addi %add3A_1468, %iota3A : vector<16xi32>
    tpu.vector_store_idx %arg14[%add3A_1469], %gather3A_1466 masked %and3A_1459 : memref<128xi32, #tpu.memory_space<vmem>>[vector<16xi32>], vector<16xi32>, vector<16xi1>
    %add3A_1470 = arith.constant 112 : i32
    %add3A_1471 = arith.addi %mul3A_2, %add3A_1470 : i32
    %get3A_1472 = arith.index_cast %add3A_1471 : i32 to index
    %get3A_1473 = tpu.vector_load %arg9[%get3A_1472] {strides = array<i32>} : memref<4096xi32, #tpu.memory_space<vmem>>, vector<16xi32>,
    %sub3A_1474 = arith.constant 8192 : i32
    %sub3A_1475 = vector.broadcast %sub3A_1474 : i32 to vector<16xi32>
    %sub3A_1476 = arith.subi %get3A_1473, %sub3A_1475 : vector<16xi32>
    %ge3A_1477 = arith.constant 0 : i32
    %ge3A_1478 = vector.broadcast %ge3A_1477 : i32 to vector<16xi32>
    %ge3A_1479 = arith.cmpi sge, %sub3A_1476, %ge3A_1478 : vector<16xi32>
    %lt3A_1480 = arith.constant 8192 : i32
    %lt3A_1481 = vector.broadcast %lt3A_1480 : i32 to vector<16xi32>
    %lt3A_1482 = arith.cmpi slt, %sub3A_1476, %lt3A_1481 : vector<16xi32>
    %and3A_1483 = arith.andi %ge3A_1479, %lt3A_1482 : vector<16xi1>
    %jit3A_1484 = arith.constant 0 : i32
    %jit3A_1485 = arith.constant 8191 : i32
    %max3A_1486 = vector.broadcast %jit3A_1484 : i32 to vector<16xi32>
    %max3A_1487 = arith.maxsi %max3A_1486, %sub3A_1476 : vector<16xi32>
    %min3A_1488 = vector.broadcast %jit3A_1485 : i32 to vector<16xi32>
    %min3A_1489 = arith.minsi %min3A_1488, %max3A_1487 : vector<16xi32>
    %gather3A_1490 = tpu.vector_load_idx %arg13[%min3A_1489] : memref<8192xi32, #tpu.memory_space<vmem>>[vector<16xi32>], vector<16xi32>,
    %add3A_1491 = arith.constant 112 : i32
    %add3A_1492 = vector.broadcast %add3A_1491 : i32 to vector<16xi32>
    %add3A_1493 = arith.addi %add3A_1492, %iota3A : vector<16xi32>
    tpu.vector_store_idx %arg14[%add3A_1493], %gather3A_1490 masked %and3A_1483 : memref<128xi32, #tpu.memory_space<vmem>>[vector<16xi32>], vector<16xi32>, vector<16xi1>
    "tpu.region"() ({
      %run_scoped3A = tpu.sem_alloc : memref<!tpu.dma_semaphore, #tpu.memory_space<semaphore_mem>>
      %dma_start3A_1494 = tpu.memref_slice %arg8[%mul3A_2] : memref<4096xi32, #tpu.memory_space<hbm>> -> memref<128xi32, #tpu.memory_space<hbm>>
      %dma_start3A_1495 = tpu.memref_slice %arg8[%mul3A_2] : memref<4096xi32, #tpu.memory_space<hbm>> -> memref<128xi32, #tpu.memory_space<hbm>>
      tpu.enqueue_dma source(%arg14 : memref<128xi32, #tpu.memory_space<vmem>>) target(%dma_start3A_1495 : memref<128xi32, #tpu.memory_space<hbm>>) target_semaphore(%run_scoped3A : memref<!tpu.dma_semaphore, #tpu.memory_space<semaphore_mem>>)
      %dma_wait3A_1496 = tpu.memref_slice %arg8[%mul3A_2] : memref<4096xi32, #tpu.memory_space<hbm>> -> memref<128xi32, #tpu.memory_space<hbm>>
      %dma_wait3A_1497 = tpu.memref_slice %arg8[%mul3A_2] : memref<4096xi32, #tpu.memory_space<hbm>> -> memref<128xi32, #tpu.memory_space<hbm>>
      tpu.wait_dma2 semaphore(%run_scoped3A : memref<!tpu.dma_semaphore, #tpu.memory_space<semaphore_mem>>) src(%arg14 : memref<128xi32, #tpu.memory_space<vmem>>) dst(%dma_wait3A_1497 : memref<128xi32, #tpu.memory_space<hbm>>)
      tpu.yield
    }) : () -> ()
    return
  }
}

</mosaic_0001>

<sc_bundles>
// kernel: _retrieve.3.cloned.1.call-start
scs
__scs_entry_jumppad:
0x0: {  	(pc) =	sbr.rel $0x88, $3  }
0x1: {  	(tag) =	ssettag $0x0;
	lr =	simm.s32 $0x1  }
0x2: {  	[smem:$0x3F9D] =	sst lr;
	_ =	strace $0xD0000000  }
0x3: {  	_ = 	snop  }
0x4: {  	_ = 	snop  }
0x5: {  	_ = 	snop  }
0x6: {  	_ = 	snop  }
0x7: {  	_ = 	snop  }
__scs_overlays_trampoline_lowered:
0x8: {  	[smem:$0x3FAC] =	sst s0  }
0x9: {  	[smem:$0x3FAD] =	sst s1  }
0xa: {  	[smem:$0x3FAE] =	sst s2  }
0xb: {  	[smem:$0x3FAF] =	sst s3  }
0xc: {  	[smem:$0x3FB0] =	sst s4  }
0xd: {  	[smem:$0x3FB1] =	sst s5  }
0xe: {  	[smem:$0x3FB2] =	sst s6  }
0xf: {  	[smem:$0x3FB3] =	sst s7  }
0x10: {  	[smem:$0x3FB4] =	sst s8  }
0x11: {  	[smem:$0x3FB5] =	sst s9;
	s0 =	simm.s32 @!p0 $0x0  }
0x12: {  	s1 =	sld [smem:$0x3F9B];
	s0 =	simm.s32 @p0 $0x1  }
0x13: {  	[smem:$0x3FB6] =	sst s0;
	s0 =	simm.s32 @!p1 $0x0  }
0x14: {  	s2 =	sld [smem:$0x3F9A];
	s0 =	simm.s32 @p1 $0x1  }
0x15: {  	[smem:$0x3FB7] =	sst s0;
	s0 =	simm.s32 @!p2 $0x0  }
0x16: {  	s3 =	sld [smem:$0x3FDB];
	s0 =	simm.s32 @p2 $0x1  }
0x17: {  	s4 =	simm.s32 $0x1BF5;
	[smem:$0x3FB9] =	sst s0  }
0x18: {  	s0 =	sld [smem:$0x3F9C];
	_ =	swait.ge [sflag:s4], $0x0  }
0x19: {  	s7 =	sld [smem:$0x3F9D]  }
0x1a: {  	s8 =	sadd.s32 $0xFFFFE003, lr  }
0x1b: {  	s9 =	sadd.s32 $0xFFFFFEF7, lr;
	s5 =	simm.s32 $0xFFFFFFFF;
	p2 =	slt.u32 s8, $0xFFFFF086  }
0x1c: {  	p1 =	slt.u32 s9, $0xF7A;
	s5 =	simm.s32 @!p2 $0x0  }
0x1d: {  	s5 =	simm.s32 @p1 $0x1;
	p0 =	seq.s32 s7, s2  }
0x1e: {  	s7 =	smul.u32 @!p0 $0xF7A, s2;
	p2 =	seq.s32 @!p0 s5, $0x0  }
0x1f: {  	s9 =	smul.u32 $0xF7A, s1;
	s8 =	simm.s32 @!p0 $0x1BF5;
	p2 =	por !p2, p0  }
0x20: {  	[sflag:s8] =	ssyncset.s32 @!p0 $0xFFFFF086;
	s6 =	sadd.s32 @!p0 s3, s7;
	s7 =	simm.s32 @!p0 $0x108  }
0x21: {  	s3 =	sadd.s32 s3, s9;
	s6 =	sadd.s32 @!p0 $0x88, s6;
	s7 =	simm.s32 @p2 $0x1082  }
0x22: {  	[simem:s7], [sflag:s8] =	dma.local @!p0 [hbm:s6], $0xF7A  }
0x23: {  	s9 =	sor.u32 $0xD0000000, s2;
	s6 =	simm.s32 $0x108;
	_ =	swait.ge @!p0 [sflag:s8], $0x0  }
0x24: {  	s3 =	sadd.s32 $0x88, s3;
	s6 =	simm.s32 @!p1 $0x1082;
	[sflag:s4] =	ssyncset.s32 $0xFFFFF086  }
0x25: {  	[simem:s6], [sflag:s4] =	dma.local [hbm:s3], $0xF7A  }
0x26: {  	[smem:$0x3F9D] =	sst s1;
	(tag) =	ssettag s2;
	_ =	strace s9  }
0x27: {  	s1 =	sld [smem:$0x3FAD]  }
0x28: {  	s2 =	sld [smem:$0x3FAE]  }
0x29: {  	s4 =	sld [smem:$0x3FB0]  }
0x2a: {  	p0 =	seq.s32 s5, $0x0;
	s5 =	sld [smem:$0x3FB1]  }
0x2b: {  	s6 =	sld [smem:$0x3FB2]  }
0x2c: {  	s7 =	sld [smem:$0x3FB3]  }
0x2d: {  	s3 =	simm.s32 $0x108;
	s8 =	sld [smem:$0x3FB4]  }
0x2e: {  	s3 =	simm.s32 @!p0 $0x1082;
	s9 =	sld [smem:$0x3FB5]  }
0x2f: {  	lr =	sadd.s32 s0, s3;
	s0 =	sld [smem:$0x3FAC]  }
0x30: {  	s3 =	sld [smem:$0x3FAF]  }
0x31: {  	[smem:$0x3FB8] =	sst s10  }
0x32: {  	s10 =	sld [smem:$0x3FB6];
	_ =	sdelay $0x3  }
0x33: {  	p0 =	seq.s32 s10, $0x1;
	s10 =	sld [smem:$0x3FB8];
	_ =	sdelay $0x3  }
0x34: {  	[smem:$0x3FB8] =	sst s10  }
0x35: {  	s10 =	sld [smem:$0x3FB7];
	_ =	sdelay $0x3  }
0x36: {  	p1 =	seq.s32 s10, $0x1;
	s10 =	sld [smem:$0x3FB8];
	_ =	sdelay $0x3  }
0x37: {  	[smem:$0x3FB8] =	sst s10  }
0x38: {  	s10 =	sld [smem:$0x3FB9]  }
0x39: {  	_ = 	snop;
	(pc) =	sbr.ind lr, $3  }
0x3a: {  	_ = 	snop  }
0x3b: {  	_ = 	snop  }
0x3c: {  	p2 =	seq.s32 s10, $0x1;
	s10 =	sld [smem:$0x3FB8]  }
0x3d: {  	_ =	shalt  }
0x3e: {  	_ =	shalt  }
0x3f: {  	_ =	shalt  }
0x40: {  	_ =	shalt  }
0x41: {  	_ =	shalt  }
0x42: {  	_ =	shalt  }
0x43: {  	_ =	shalt  }
0x44: {  	_ =	shalt  }
0x45: {  	_ =	shalt  }
0x46: {  	_ =	shalt  }
0x47: {  	_ =	shalt  }
0x48: {  	_ =	shalt  }
0x49: {  	_ =	shalt  }
0x4a: {  	_ =	shalt  }
0x4b: {  	_ =	shalt  }
0x4c: {  	_ =	shalt  }
0x4d: {  	_ =	shalt  }
0x4e: {  	_ =	shalt  }
0x4f: {  	_ =	shalt  }
0x50: {  	_ =	shalt  }
0x51: {  	_ =	shalt  }
0x52: {  	_ =	shalt  }
0x53: {  	_ =	shalt  }
0x54: {  	_ =	shalt  }
0x55: {  	_ =	shalt  }
0x56: {  	_ =	shalt  }
0x57: {  	_ =	shalt  }
0x58: {  	_ =	shalt  }
0x59: {  	_ =	shalt  }
0x5a: {  	_ =	shalt  }
0x5b: {  	_ =	shalt  }
0x5c: {  	_ =	shalt  }
0x5d: {  	_ =	shalt  }
0x5e: {  	_ =	shalt  }
0x5f: {  	_ =	shalt  }
0x60: {  	_ =	shalt  }
0x61: {  	_ =	shalt  }
0x62: {  	_ =	shalt  }
0x63: {  	_ =	shalt  }
0x64: {  	_ =	shalt  }
0x65: {  	_ =	shalt  }
0x66: {  	_ =	shalt  }
0x67: {  	_ =	shalt  }
0x68: {  	_ =	shalt  }
0x69: {  	_ =	shalt  }
0x6a: {  	_ =	shalt  }
0x6b: {  	_ =	shalt  }
0x6c: {  	_ =	shalt  }
0x6d: {  	_ =	shalt  }
0x6e: {  	_ =	shalt  }
0x6f: {  	_ =	shalt  }
0x70: {  	_ =	shalt  }
0x71: {  	_ =	shalt  }
0x72: {  	_ =	shalt  }
0x73: {  	_ =	shalt  }
0x74: {  	_ =	shalt  }
0x75: {  	_ =	shalt  }
0x76: {  	_ =	shalt  }
0x77: {  	_ =	shalt  }
0x78: {  	_ =	shalt  }
0x79: {  	_ =	shalt  }
0x7a: {  	_ =	shalt  }
0x7b: {  	_ =	shalt  }
0x7c: {  	_ =	shalt  }
0x7d: {  	_ =	shalt  }
0x7e: {  	_ =	shalt  }
0x7f: {  	_ =	shalt  }
0x80: {  	_ =	shalt  }
0x81: {  	_ =	shalt  }
0x82: {  	_ =	shalt  }
0x83: {  	_ =	shalt  }
0x84: {  	_ =	shalt  }
0x85: {  	_ =	shalt  }
0x86: {  	_ =	shalt  }
0x87: {  	_ =	shalt  }
.Lfunc_end0:
.L_simem_size_0:
called_computation_lowered:
.L_overlay_start_0:
0x88: {  	s2 =	sld [smem:$0x3FD9]  }
0x89: {  	s3 =	sld [smem:$0x3FFE];
	_ =	sdelay $0x1  }
0x8a: {  	s1 =	srdreg.scid  }
0x8b: {  	s0 =	sand.u32 $0x1, s1  }
0x8c: {  	s15 =	sshll.u32 s0, $0xA;
	s2 =	sadd.s32 s3, s2  }
0x8d: {  	s2 =	sadd.s32 s2, s15  }
0x8e: {  	[smem:$0x3FC4] =	sst s2  }
0x8f: {  	_ = 	snop  }
0x90: {  	s2 =	sld [smem:$0x3FC9]  }
0x91: {  	s16 =	sld [smem:$0x3FD0]  }
0x92: {  	s4 =	sld [smem:$0x3FC8]  }
0x93: {  	s5 =	sld [smem:$0x3FC7]  }
0x94: {  	s7 =	simm.s32 $0xA;
	s8 =	simm.s32 $0x10;
	s6 =	sld [smem:$0x3FC6]  }
0x95: {  	[smem:s8], [sflag:s7] =	dma.local [hbm:s16], $0x1  }
0x96: {  	_ =	swait.eq [sflag:s7], $0x1  }
0x97: {  	s17 =	sld [smem:$0x10];
	[sflag:s7] =	ssyncset.done $0x0  }
0x98: {  	s18 =	sld [smem:$0x11];
	[sflag:s7] =	ssyncadd.s32 $0xFFFFFFFF  }
0x99: {  	s19 =	sld [smem:$0x12];
	(tm) =	ssettm $0x1  }
0x9a: {  	s9 =	sld [smem:$0x3FFB];
	_ =	sdelay $0x3  }
0x9b: {  	_ =	strace s9  }
0x9c: {  	s9 =	sld [smem:$0x3FFC];
	_ =	sdelay $0x3  }
0x9d: {  	_ =	strace s9  }
0x9e: {  	s9 =	sld [smem:$0x3FFD];
	_ =	sdelay $0x3  }
0x9f: {  	_ =	strace s9  }
0xa0: {  	_ =	strace $0x8FFFFFFF  }
0xa1: {  	s20 =	sld [smem:$0x3FDB];
	_ =	sdelay $0x1  }
0xa2: {  	s10 =	simm.s32 $_scs_section_size  }
0xa3: {  	s11 =	simm.s32 $_size__tile_overlayer_lowered;
	s12 =	simm.s32 $_tile_overlayer_lowered  }
0xa4: {  	s23 =	simm.s32 $0x1BFF;
	s22 =	sshll.u32 s12, $0x1;
	s9 =	sadd.s32 s10, s20  }
0xa5: {  	s13 =	simm.s32 $0x0;
	s21 =	sshll.u32 s11, $0x1;
	s11 =	sadd.s32 s22, s9  }
0xa6: {  	[timem:s13], [sflag:s23] =	dma.local [hbm:s11], s21  }
0xa7: {  	_ =	swait.ge [sflag:s23], s21  }
0xa8: {  	s10 =	ssub.s32 $0x0, s21;
	[sflag:s23] =	ssyncset.done $0x0  }
0xa9: {  	[sflag:s23] =	ssyncadd.s32 s10;
	_ =	sdelay $0x1  }
0xaa: {  	s24 =	simm.s32 $0x1B8B  }
0xab: {  	_ =	swait.ge [sflag:s24], $0x1  }
0xac: {  	[sflag:s24] =	ssyncset.done $0x0  }
0xad: {  	s25 =	simm.s32 $0x1B8E;
	[sflag:s24] =	ssyncadd.s32 $0xFFFFFFFF  }
0xae: {  	s26 =	simm.s32 $execute0_lowered;
	[smem:$0x3FD2] =	sst s25  }
0xaf: {  	s10 =	sshll.u32 s26, $0x1;
	_ =	strace $0x80000046;
	[dreg:$0x1] =	wrdreg $0xFFFFFFFF  }
0xb0: {  	s28 =	simm.s32 $_size_execute0_lowered;
	s9 =	sadd.s32 s9, s10;
	[dreg:$0x0] =	wrdreg $0x0  }
0xb1: {  	s10 =	sshll.u32 s28, $0x1;
	[dreg:$0x2] =	wrdreg s9  }
0xb2: {  	[dreg:$0x3] =	wrdreg s10  }
0xb3: {  	[dreg:$0x4] =	wrdreg $0xC0  }
0xb4: {  	_ =	task [dreg:s13], $0x5FFFF  }
0xb5: {  	[dreg:$0x1] =	wrdreg $0xFFFFFFFF  }
0xb6: {  	[dreg:$0x0] =	wrdreg $0x60  }
0xb7: {  	[dreg:$0x2] =	wrdreg s2  }
0xb8: {  	[dreg:$0x3] =	wrdreg s4  }
0xb9: {  	[dreg:$0x4] =	wrdreg s5  }
0xba: {  	[dreg:$0x5] =	wrdreg s6  }
0xbb: {  	[dreg:$0x6] =	wrdreg s17  }
0xbc: {  	[dreg:$0x7] =	wrdreg s18  }
0xbd: {  	[dreg:$0x8] =	wrdreg s19  }
0xbe: {  	[dreg:$0x9] =	wrdreg $0x9  }
0xbf: {  	_ =	task.clear_ibuf [dreg:s13], $0xAFFFF;
	_ =	strace $0x90000046  }
0xc0: {  	s29 =	simm.s32 $0x9;
	_ =	strace $0x80000048  }
0xc1: {  	_ =	swait.ge [sflag:s29], $0x1  }
0xc2: {  	[sflag:s29] =	ssyncadd.s32 $0xFFFFFFFF  }
0xc3: {  	_ =	strace $0x90000048  }
0xc4: {  	_ =	sfence  }
0xc5: {  	s30 =	sld [smem:$0x0];
	_ =	sdelay $0x2  }
0xc6: {  	s31 =	sshll.u32 s1, $0xD;
	s1 =	sshrl.u32 s1, $0x2  }
0xc7: {  	s3 =	sand.u32 $0x4000, s31;
	s1 =	sadd.s32 s1, s30  }
0xc8: {  	s0 =	sor.u32 s3, s0;
	s1 =	sshll.u32 s1, $0x11  }
0xc9: {  	s0 =	sor.u32 s1, s0  }
0xca: {  	s0 =	sadd.s32 $0x8F2B, s0  }
0xcb: {  	[sflag:s0] =	ssyncadd.remote.s32 $0x1  }
0xcc: {  	_ =	sfence.sel $0xFFFF  }
0xcd: {  	[dreg:$0x0] =	wrdreg $0xFFFFFFFF;
	(pc) =	sbr.abs _section_cstart, $3  }
0xce: {  	[dreg:$0x1] =	wrdreg $0xFFFFFFFF  }
0xcf: {  	_ =	task.clear_ibuf [dreg:s13], $0x2FFFF;
	_ =	strace $0x9FFFFFFF  }
0xd0: {  	(tm) =	ssettm $0x7FFFFFFF  }
0xd1: {  	_ =	shalt  }
tec
execute0_lowered:
.L_overlay_start_1:
0x0: {  	(tag) =	ssettag $0x1  }
0x1: {  	s5 =	rddreg [dreg:$0x2]  }
0x2: {  	s0 =	rddreg [dreg:$0x4];
	s2 =	srdreg.scid  }
0x3: {  	s4 =	stileid.u32;
	s1 =	simm.s32 $0x0;
	s28 =	simm.s32 $0x5000  }
0x4: {  	s30 =	simm.s32 $0x1D000;
	s2 =	sand.u32 $0x1, s2;
	s3 =	sshll.u32 s4, $0x1  }
0x5: {  	[smem:$0x7FF] =	sst s1;
	s6 =	sshrl.u32 s4, $0x1;
	s3 =	sor.u32 s2, s3  }
0x6: {  	s2 =	ssub.s32 $0x2, s2;
	s7 =	sshll.u32 s6, $0xF;
	s8 =	sand.u32 $0x3, s3  }
0x7: {  	s19 =	sshrl.u32 s2, $0x1;
	s21 =	sshll.u32 s3, $0xF;
	s9 =	sshll.u32 s8, $0xD  }
0x8: {  	s4 =	ssub.s32 s2, s19;
	s2 =	sshll.u32 s3, $0x7;
	s3 =	sshll.u32 s3, $0x4  }
0x9: {  	s7 =	sor.u32 s7, s9;
	s20 =	sor.u32 $0x8, s2;
	s22 =	sor.u32 $0x10, s2  }
0xa: {  	s24 =	sor.u32 $0x18, s2;
	s26 =	sor.u32 $0x20, s2;
	s11 =	sor.u32 $0x28, s2  }
0xb: {  	s13 =	sor.u32 $0x30, s2;
	s15 =	sor.u32 $0x38, s2;
	[dreg:$0x8] =	wrdreg s20  }
0xc: {  	s18 =	sor.u32 $0x40, s2;
	s29 =	sor.u32 $0x68, s2;
	[dreg:$0xa] =	wrdreg s22  }
0xd: {  	s31 =	sor.u32 $0x70, s2;
	s10 =	sadd.s32 s5, s7;
	[dreg:$0xc] =	wrdreg s24  }
0xe: {  	s5 =	sadd.s32 s0, s21;
	s23 =	sshll.u32 s20, $0x8;
	[dreg:$0xe] =	wrdreg s26  }
0xf: {  	s25 =	sshll.u32 s22, $0x8;
	s9 =	sshll.u32 s24, $0x8;
	[dreg:$0x10] =	wrdreg s11  }
0x10: {  	s12 =	sshll.u32 s26, $0x8;
	s14 =	sshll.u32 s11, $0x8;
	[dreg:$0x12] =	wrdreg s13  }
0x11: {  	s16 =	sshll.u32 s13, $0x8;
	[dreg:$0x14] =	wrdreg s15;
	s17 =	sshll.u32 s15, $0x8  }
0x12: {  	s20 =	sor.u32 $0x48, s2;
	s19 =	sshll.u32 s18, $0x8;
	s13 =	rddreg [dreg:$0x5]  }
0x13: {  	s22 =	sor.u32 $0x50, s2;
	s24 =	sor.u32 $0x58, s2;
	s15 =	rddreg [dreg:$0x3]  }
0x14: {  	s26 =	sor.u32 $0x60, s2;
	[dreg:$0x9] =	wrdreg s5;
	s5 =	sadd.s32 s0, s23  }
0x15: {  	s11 =	sshll.u32 s31, $0x8;
	[dreg:$0xb] =	wrdreg s5;
	s5 =	sadd.s32 s0, s25  }
0x16: {  	s21 =	sshll.u32 s20, $0x8;
	[dreg:$0xd] =	wrdreg s5;
	s5 =	sadd.s32 s0, s9  }
0x17: {  	s23 =	sshll.u32 s22, $0x8;
	[dreg:$0xf] =	wrdreg s5;
	s5 =	sadd.s32 s0, s12  }
0x18: {  	s7 =	sshll.u32 s26, $0x8;
	[dreg:$0x11] =	wrdreg s5;
	s5 =	sadd.s32 s0, s14  }
0x19: {  	s25 =	sshll.u32 s24, $0x8;
	[dreg:$0x13] =	wrdreg s5;
	s5 =	sadd.s32 s0, s16  }
0x1a: {  	s9 =	sshll.u32 s29, $0x8;
	s12 =	sshll.u32 s6, $0xD;
	[dreg:$0x15] =	wrdreg s5  }
0x1b: {  	s6 =	simm.s32 $0x4;
	s5 =	sadd.s32 s0, s17;
	s17 =	rddreg [dreg:$0x6]  }
0x1c: {  	s14 =	sadd.s32 s13, s12;
	[dreg:$0x16] =	wrdreg s5;
	s5 =	sadd.s32 s0, s19  }
0x1d: {  	s13 =	simm.s32 $0xD000;
	s19 =	sadd.s32 s17, s3;
	[dreg:$0x17] =	wrdreg s5  }
0x1e: {  	s16 =	sshll.u32 s8, $0xB;
	s5 =	sadd.s32 s0, s21;
	[smem:$0x7FA] =	sst s19  }
0x1f: {  	s3 =	simm.s32 $0x2;
	[dreg:$0x18] =	wrdreg s5;
	s5 =	sadd.s32 s0, s23  }
0x20: {  	s17 =	simm.s32 $0x1F000;
	[dreg:$0x19] =	wrdreg s5;
	s5 =	sadd.s32 s0, s25  }
0x21: {  	s21 =	smax.u32 s4, $0x1;
	s4 =	simm.s32 $0x3;
	[dreg:$0x1a] =	wrdreg s5  }
0x22: {  	s19 =	simm.s32 $0x0;
	s5 =	sadd.s32 s0, s7;
	s7 =	rddreg [dreg:$0x1]  }
0x23: {  	[dreg:$0x1b] =	wrdreg s5;
	s5 =	sadd.s32 s0, s9;
	s9 =	sor.u32 $0x78, s2  }
0x24: {  	[dreg:$0x1c] =	wrdreg s5;
	s5 =	sadd.s32 s0, s11;
	s11 =	sshll.u32 s9, $0x8  }
0x25: {  	s23 =	sadd.s32 $0x1000, s10;
	[dreg:$0x1d] =	wrdreg s5;
	s0 =	sadd.s32 s0, s11  }
0x26: {  	s25 =	sadd.s32 $0x400, s15;
	[dreg:$0x1e] =	wrdreg s0;
	s0 =	sadd.s32 s16, s14  }
0x27: {  	s15 =	simm.s32 $0x19000;
	s5 =	simm.s32 $0x1;
	[dreg:$0x1f] =	wrdreg s0  }
0x28: {  	s11 =	simm.s32 $0x9000;
	_ =	strace $0x80000047;
	[smem:$0x7FB] =	sst s21  }
0x29: {  	s16 =	smov.u32 s10;
	s0 =	simm.s32 $0x11000;
	[smem:$0x7FC] =	sst s23  }
0x2a: {  	vm0 =	vmmov $0xff;
	v0 =	vlaneseq.u32;
	[smem:$0x7FD] =	sst s25;
	s23 =	simm.s32 $0x5;
	s25 =	simm.s32 $0x1000  }
.LBB2_1:
0x2b: {  	s8 =	rddreg [dreg:$0x0]  }
0x2c: {  	[tilespmem:s1], [sflag:$0x5] =	stream.linear.gather [hbm4b:s8+s1], $0x1000, $0x38;
	[tilespmem:$0x1F080] =	vst v63  }
0x2d: {  	_ =	swait.ge [sflag:s23], $0x1000  }
0x2e: {  	[sflag:s23] =	ssyncset.done $0x0  }
0x2f: {  	[sflag:s23] =	ssyncadd.s32 $0xFFFFF000  }
0x30: {  	v1 =	vld.msk [tilespmem:s2+$0x0], $0xff;
	_ =	sdelay $0x4  }
0x31: {  	v1 =	vshll.u32 v1, $0xB  }
0x32: {  	v1 =	vperm.xlane v1, v0;
	_ =	sdelay $0x4  }
0x33: {  	s14 =	rddreg [dreg:$0x8]  }
0x34: {  	[tilespmem:s25], [sflag:$0x1] =	stream.indirect_vreg.gather [hbm4b:s7+s1], $0x800, v1, vm0, $0x38;
	[tilespmem:$0x1F080] =	vst v63  }
0x35: {  	v1 =	vld.msk [tilespmem:s14+$0x0], $0xff;
	_ =	sdelay $0x4  }
0x36: {  	v1 =	vshll.u32 v1, $0xB  }
0x37: {  	v1 =	vperm.xlane v1, v0;
	_ =	sdelay $0x5  }
0x38: {  	[tilespmem:s28], [sflag:$0x1] =	stream.indirect_vreg.gather [hbm4b:s7+s1], $0x800, v1, vm0, $0x38;
	[tilespmem:$0x1F080] =	vst v63  }
0x39: {  	s21 =	rddreg [dreg:$0x3]  }
0x3a: {  	[tilespmem:s30], [sflag:$0x4] =	stream.linear.gather [hbm4b:s21+s1], $0x2000, $0x38;
	[tilespmem:$0x1F080] =	vst v63  }
0x3b: {  	_ = 	snop  }
0x3c: {  	[tilespmem:s0], [sflag:$0x3] =	stream.linear.gather [hbm4b:s16+s1], $0x8000, $0x38;
	[tilespmem:$0x1F080] =	vst v63  }
0x3d: {  	_ =	swait.ge [sflag:s5], $0x4000  }
0x3e: {  	[sflag:s5] =	ssyncset.done $0x0;
	s10 =	rddreg [dreg:$0x9]  }
0x3f: {  	s12 =	rddreg [dreg:$0xa];
	[sflag:s5] =	ssyncadd.s32 $0xFFFFC000  }
0x40: {  	[hbm4b:s10+s1] =	stream.linear.scatter [tilespmem:s25], [sflag:$0x2], $0x4000, $0x38;
	[tilespmem:$0x1F080] =	vst v63  }
0x41: {  	v1 =	vld.msk [tilespmem:s12+$0x0], $0xff;
	_ =	sdelay $0x4  }
0x42: {  	v1 =	vshll.u32 v1, $0xB  }
0x43: {  	v1 =	vperm.xlane v1, v0;
	_ =	sdelay $0x5  }
0x44: {  	[tilespmem:s11], [sflag:$0x1] =	stream.indirect_vreg.gather [hbm4b:s7+s1], $0x800, v1, vm0, $0x38;
	[tilespmem:$0x1F080] =	vst v63  }
0x45: {  	_ =	swait.ge [sflag:s5], $0x4000  }
0x46: {  	[sflag:s5] =	ssyncset.done $0x0;
	s14 =	rddreg [dreg:$0xb]  }
0x47: {  	s21 =	rddreg [dreg:$0xc];
	[sflag:s5] =	ssyncadd.s32 $0xFFFFC000  }
0x48: {  	[hbm4b:s14+s1] =	stream.linear.scatter [tilespmem:s28], [sflag:$0x2], $0x4000, $0x38;
	[tilespmem:$0x1F080] =	vst v63  }
0x49: {  	v1 =	vld.msk [tilespmem:s21+$0x0], $0xff;
	_ =	sdelay $0x4  }
0x4a: {  	v1 =	vshll.u32 v1, $0xB  }
0x4b: {  	v1 =	vperm.xlane v1, v0;
	_ =	sdelay $0x5  }
0x4c: {  	[tilespmem:s13], [sflag:$0x1] =	stream.indirect_vreg.gather [hbm4b:s7+s1], $0x800, v1, vm0, $0x38;
	[tilespmem:$0x1F080] =	vst v63  }
0x4d: {  	_ =	swait.ge [sflag:s5], $0x4000  }
0x4e: {  	[sflag:s5] =	ssyncset.done $0x0  }
0x4f: {  	s10 =	rddreg [dreg:$0xd];
	[sflag:s5] =	ssyncadd.s32 $0xFFFFC000  }
0x50: {  	[hbm4b:s10+s1] =	stream.linear.scatter [tilespmem:s11], [sflag:$0x2], $0x4000, $0x38;
	[tilespmem:$0x1F080] =	vst v63  }
0x51: {  	_ =	swait.ge [sflag:s3], $0x4000  }
0x52: {  	[sflag:s3] =	ssyncset.done $0x0  }
0x53: {  	s12 =	rddreg [dreg:$0xe];
	[sflag:s3] =	ssyncadd.s32 $0xFFFFC000  }
0x54: {  	v1 =	vld.msk [tilespmem:s12+$0x0], $0xff;
	_ =	sdelay $0x4  }
0x55: {  	v1 =	vshll.u32 v1, $0xB  }
0x56: {  	v1 =	vperm.xlane v1, v0;
	_ =	sdelay $0x5  }
0x57: {  	[tilespmem:s25], [sflag:$0x1] =	stream.indirect_vreg.gather [hbm4b:s7+s1], $0x800, v1, vm0, $0x38;
	[tilespmem:$0x1F080] =	vst v63  }
0x58: {  	_ =	swait.ge [sflag:s5], $0x4000  }
0x59: {  	[sflag:s5] =	ssyncset.done $0x0  }
0x5a: {  	s14 =	rddreg [dreg:$0xf];
	[sflag:s5] =	ssyncadd.s32 $0xFFFFC000  }
0x5b: {  	[hbm4b:s14+s1] =	stream.linear.scatter [tilespmem:s13], [sflag:$0x2], $0x4000, $0x38;
	[tilespmem:$0x1F080] =	vst v63  }
0x5c: {  	_ =	swait.ge [sflag:s3], $0x4000  }
0x5d: {  	[sflag:s3] =	ssyncset.done $0x0  }
0x5e: {  	s21 =	rddreg [dreg:$0x10];
	[sflag:s3] =	ssyncadd.s32 $0xFFFFC000  }
0x5f: {  	v1 =	vld.msk [tilespmem:s21+$0x0], $0xff;
	_ =	sdelay $0x4  }
0x60: {  	v1 =	vshll.u32 v1, $0xB  }
0x61: {  	v1 =	vperm.xlane v1, v0;
	_ =	sdelay $0x5  }
0x62: {  	[tilespmem:s28], [sflag:$0x1] =	stream.indirect_vreg.gather [hbm4b:s7+s1], $0x800, v1, vm0, $0x38;
	[tilespmem:$0x1F080] =	vst v63  }
0x63: {  	_ =	swait.ge [sflag:s4], $0x8000  }
0x64: {  	[sflag:s4] =	ssyncset.done $0x0  }
0x65: {  	s8 =	simm.s32 $0x30;
	s21 =	simm.s32 $0x20;
	[sflag:s4] =	ssyncadd.s32 $0xFFFF8000  }
.LBB2_2:
0x66: {  	v1 =	vld [tilespmem:s21+$0xFFFFFFE0];
	_ =	sdelay $0x4  }
0x67: {  	vm1 =	vgt.s32 v1, $0x0  }
0x68: {  	v2 =	vnsel vm1, $0x0, v1  }
0x69: {  	v2 =	vmin.u32 v2, $0x1FFF  }
0x6a: {  	v3 =	vshll.u32 v2, $0x2  }
0x6b: {  	v2 =	vand.u32 $0x7F, v2;
	v3 =	vand.u32 $0x7E00, v3  }
0x6c: {  	v2 =	vor.u32 v2, v3  }
0x6d: {  	s10 =	sadd.s32 $0xFFFFFFD0, s8  }
0x6e: {  	v3 =	vmov s10  }
0x6f: {  	v4 =	vor.u32 s10, v0;
	v3 =	vshll.u32 v3, $0x2  }
0x70: {  	vm1 =	vlt.u32 v1, $0x2000;
	v1 =	vand.u32 $0x4F, v4;
	v46 =	vand.u32 $0xE00, v3  }
0x71: {  	v4 =	vor.u32 v1, v46;
	v5 =	vld.idx.msk [tilespmem:v2+s0+$0x0], $0xffff  }
0x72: {  	v6 =	vor.u32 $0x80, v2;
	_ =	sdelay $0x3  }
0x73: {  	[tilespmem:v4+s15+$0x0] =	vst.idx.msk vm1, v5  }
0x74: {  	v4 =	vor.u32 $0x80, v4;
	v5 =	vld.idx.msk [tilespmem:v6+s0+$0x0], $0xffff  }
0x75: {  	v47 =	vor.u32 $0x100, v2;
	_ =	sdelay $0x3  }
0x76: {  	v1 =	vor.u32 v3, v1;
	[tilespmem:v4+s15+$0x0] =	vst.idx.msk vm1, v5  }
0x77: {  	v48 =	vor.u32 $0x100, v1;
	v3 =	vld.idx.msk [tilespmem:v47+s0+$0x0], $0xffff  }
0x78: {  	v2 =	vor.u32 $0x180, v2;
	_ =	sdelay $0x3  }
0x79: {  	[tilespmem:v48+s15+$0x0] =	vst.idx.msk vm1, v3  }
0x7a: {  	v1 =	vor.u32 $0x180, v1;
	v2 =	vld.idx.msk [tilespmem:v2+s0+$0x0], $0xffff;
	_ =	sdelay $0x4  }
0x7b: {  	[tilespmem:v1+s15+$0x0] =	vst.idx.msk vm1, v2  }
0x7c: {  	v1 =	vld [tilespmem:s21+$0xFFFFFFF0];
	_ =	sdelay $0x4  }
0x7d: {  	vm1 =	vgt.s32 v1, $0x0  }
0x7e: {  	v2 =	vnsel vm1, $0x0, v1  }
0x7f: {  	v2 =	vmin.u32 v2, $0x1FFF  }
0x80: {  	v3 =	vshll.u32 v2, $0x2  }
0x81: {  	v2 =	vand.u32 $0x7F, v2;
	v3 =	vand.u32 $0x7E00, v3  }
0x82: {  	v2 =	vor.u32 v2, v3  }
0x83: {  	s12 =	sadd.s32 $0xFFFFFFE0, s8  }
0x84: {  	v3 =	vmov s12  }
0x85: {  	v49 =	vor.u32 s12, v0;
	v3 =	vshll.u32 v3, $0x2  }
0x86: {  	vm1 =	vlt.u32 v1, $0x2000;
	v1 =	vand.u32 $0x5F, v49;
	v3 =	vand.u32 $0xE00, v3  }
0x87: {  	v1 =	vor.u32 v1, v3;
	v50 =	vld.idx.msk [tilespmem:v2+s0+$0x0], $0xffff  }
0x88: {  	v3 =	vor.u32 $0x80, v2;
	_ =	sdelay $0x3  }
0x89: {  	[tilespmem:v1+s15+$0x0] =	vst.idx.msk vm1, v50  }
0x8a: {  	v51 =	vor.u32 $0x80, v1;
	v3 =	vld.idx.msk [tilespmem:v3+s0+$0x0], $0xffff  }
0x8b: {  	v52 =	vor.u32 $0x100, v2;
	_ =	sdelay $0x3  }
0x8c: {  	[tilespmem:v51+s15+$0x0] =	vst.idx.msk vm1, v3  }
0x8d: {  	v53 =	vor.u32 $0x100, v1;
	v3 =	vld.idx.msk [tilespmem:v52+s0+$0x0], $0xffff  }
0x8e: {  	v2 =	vor.u32 $0x180, v2;
	_ =	sdelay $0x3  }
0x8f: {  	[tilespmem:v53+s15+$0x0] =	vst.idx.msk vm1, v3  }
0x90: {  	v1 =	vor.u32 $0x180, v1;
	v2 =	vld.idx.msk [tilespmem:v2+s0+$0x0], $0xffff;
	_ =	sdelay $0x4  }
0x91: {  	[tilespmem:v1+s15+$0x0] =	vst.idx.msk vm1, v2  }
0x92: {  	v1 =	vld [tilespmem:s21+$0x0];
	_ =	sdelay $0x4  }
0x93: {  	vm1 =	vgt.s32 v1, $0x0  }
0x94: {  	v2 =	vnsel vm1, $0x0, v1  }
0x95: {  	v2 =	vmin.u32 v2, $0x1FFF  }
0x96: {  	v3 =	vshll.u32 v2, $0x2  }
0x97: {  	v2 =	vand.u32 $0x7F, v2;
	v3 =	vand.u32 $0x7E00, v3  }
0x98: {  	v2 =	vor.u32 v2, v3  }
0x99: {  	s14 =	sadd.s32 $0xFFFFFFF0, s8  }
0x9a: {  	v3 =	vmov s14  }
0x9b: {  	v54 =	vor.u32 s14, v0;
	v3 =	vshll.u32 v3, $0x2  }
0x9c: {  	vm1 =	vlt.u32 v1, $0x2000;
	v1 =	vand.u32 $0x6F, v54;
	v55 =	vand.u32 $0xE00, v3  }
0x9d: {  	v4 =	vor.u32 v1, v55;
	v56 =	vld.idx.msk [tilespmem:v2+s0+$0x0], $0xffff  }
0x9e: {  	v57 =	vor.u32 $0x80, v2;
	_ =	sdelay $0x3  }
0x9f: {  	[tilespmem:v4+s15+$0x0] =	vst.idx.msk vm1, v56  }
0xa0: {  	v58 =	vor.u32 $0x80, v4;
	v5 =	vld.idx.msk [tilespmem:v57+s0+$0x0], $0xffff  }
0xa1: {  	v7 =	vor.u32 $0x100, v2;
	_ =	sdelay $0x3  }
0xa2: {  	[tilespmem:v58+s15+$0x0] =	vst.idx.msk vm1, v5  }
0xa3: {  	v4 =	vor.u32 $0x100, v4;
	v5 =	vld.idx.msk [tilespmem:v7+s0+$0x0], $0xffff  }
0xa4: {  	v2 =	vor.u32 $0x180, v2;
	_ =	sdelay $0x3  }
0xa5: {  	v1 =	vor.u32 v1, v3;
	[tilespmem:v4+s15+$0x0] =	vst.idx.msk vm1, v5  }
0xa6: {  	v1 =	vor.u32 $0x180, v1;
	v2 =	vld.idx.msk [tilespmem:v2+s0+$0x0], $0xffff;
	_ =	sdelay $0x4  }
0xa7: {  	[tilespmem:v1+s15+$0x0] =	vst.idx.msk vm1, v2  }
0xa8: {  	v1 =	vld [tilespmem:s21+$0x10];
	_ =	sdelay $0x4  }
0xa9: {  	vm1 =	vgt.s32 v1, $0x0  }
0xaa: {  	v2 =	vnsel vm1, $0x0, v1  }
0xab: {  	v2 =	vmin.u32 v2, $0x1FFF  }
0xac: {  	v3 =	vshll.u32 v2, $0x2  }
0xad: {  	v2 =	vand.u32 $0x7F, v2;
	v3 =	vand.u32 $0x7E00, v3  }
0xae: {  	v2 =	vor.u32 v2, v3;
	_ =	sdelay $0x1  }
0xaf: {  	v3 =	vmov s8  }
0xb0: {  	v59 =	vor.u32 s8, v0;
	v3 =	vshll.u32 v3, $0x2  }
0xb1: {  	vm1 =	vlt.u32 v1, $0x2000;
	v1 =	vand.u32 $0x7F, v59;
	v3 =	vand.u32 $0xE00, v3  }
0xb2: {  	v1 =	vor.u32 v1, v3;
	v60 =	vld.idx.msk [tilespmem:v2+s0+$0x0], $0xffff  }
0xb3: {  	v3 =	vor.u32 $0x80, v2;
	_ =	sdelay $0x3  }
0xb4: {  	[tilespmem:v1+s15+$0x0] =	vst.idx.msk vm1, v60  }
0xb5: {  	v61 =	vor.u32 $0x80, v1;
	v3 =	vld.idx.msk [tilespmem:v3+s0+$0x0], $0xffff  }
0xb6: {  	v62 =	vor.u32 $0x100, v2;
	_ =	sdelay $0x3  }
0xb7: {  	[tilespmem:v61+s15+$0x0] =	vst.idx.msk vm1, v3  }
0xb8: {  	v63 =	vor.u32 $0x100, v1;
	v3 =	vld.idx.msk [tilespmem:v62+s0+$0x0], $0xffff  }
0xb9: {  	v2 =	vor.u32 $0x180, v2;
	_ =	sdelay $0x3  }
0xba: {  	[tilespmem:v63+s15+$0x0] =	vst.idx.msk vm1, v3  }
0xbb: {  	p0 =	sne.s32 s8, $0x2B0;
	v1 =	vor.u32 $0x180, v1;
	v2 =	vld.idx.msk [tilespmem:v2+s0+$0x0], $0xffff  }
.Ltmp0:
0xbc: {  	_ = 	snop;
	(pc) =	sbr.rel @p0 .LBB2_2-.Ltmp0, $2  }
0xbd: {  	_ =	sdelay $0x2  }
0xbe: {  	s21 =	sadd.s32 $0x40, s21;
	s8 =	sadd.s32 $0x40, s8;
	[tilespmem:v1+s15+$0x0] =	vst.idx.msk vm1, v2  }
0xbf: {  	_ =	swait.ge [sflag:s5], $0x4000  }
0xc0: {  	[sflag:s5] =	ssyncset.done $0x0  }
0xc1: {  	s8 =	rddreg [dreg:$0x11];
	[sflag:s5] =	ssyncadd.s32 $0xFFFFC000  }
0xc2: {  	[hbm4b:s8+s1] =	stream.linear.scatter [tilespmem:s25], [sflag:$0x2], $0x4000, $0x38;
	[tilespmem:$0x1F080] =	vst v63  }
0xc3: {  	_ =	swait.ge [sflag:s3], $0x4000  }
0xc4: {  	[sflag:s3] =	ssyncset.done $0x0  }
0xc5: {  	s21 =	rddreg [dreg:$0x12];
	[sflag:s3] =	ssyncadd.s32 $0xFFFFC000  }
0xc6: {  	v1 =	vld.msk [tilespmem:s21+$0x0], $0xff;
	_ =	sdelay $0x4  }
0xc7: {  	v1 =	vshll.u32 v1, $0xB  }
0xc8: {  	v1 =	vperm.xlane v1, v0;
	_ =	sdelay $0x4  }
0xc9: {  	s8 =	simm.s32 $0x2C0;
	s21 =	simm.s32 $0x2F0  }
0xca: {  	[tilespmem:s11], [sflag:$0x1] =	stream.indirect_vreg.gather [hbm4b:s7+s1], $0x800, v1, vm0, $0x38;
	[tilespmem:$0x1F080] =	vst v63  }
.LBB2_4:
0xcb: {  	v1 =	vld [tilespmem:s21+$0xFFFFFFD0];
	_ =	sdelay $0x4  }
0xcc: {  	vm1 =	vgt.s32 v1, $0x0  }
0xcd: {  	v2 =	vnsel vm1, $0x0, v1  }
0xce: {  	v2 =	vmin.u32 v2, $0x1FFF  }
0xcf: {  	v3 =	vshll.u32 v2, $0x2  }
0xd0: {  	v2 =	vand.u32 $0x7F, v2;
	v3 =	vand.u32 $0x7E00, v3  }
0xd1: {  	v2 =	vor.u32 v2, v3;
	_ =	sdelay $0x1  }
0xd2: {  	v3 =	vmov s8  }
0xd3: {  	v4 =	vor.u32 s8, v0;
	v3 =	vshll.u32 v3, $0x2  }
0xd4: {  	vm1 =	vlt.u32 v1, $0x2000;
	v1 =	vand.u32 $0x4F, v4;
	v46 =	vand.u32 $0x1E00, v3  }
0xd5: {  	v4 =	vor.u32 v1, v46;
	v5 =	vld.idx.msk [tilespmem:v2+s0+$0x0], $0xffff  }
0xd6: {  	v6 =	vor.u32 $0x80, v2;
	_ =	sdelay $0x3  }
0xd7: {  	[tilespmem:v4+s15+$0x0] =	vst.idx.msk vm1, v5  }
0xd8: {  	v4 =	vor.u32 $0x80, v4;
	v5 =	vld.idx.msk [tilespmem:v6+s0+$0x0], $0xffff  }
0xd9: {  	v47 =	vor.u32 $0x100, v2;
	_ =	sdelay $0x3  }
0xda: {  	v1 =	vor.u32 v3, v1;
	[tilespmem:v4+s15+$0x0] =	vst.idx.msk vm1, v5  }
0xdb: {  	v48 =	vor.u32 $0x100, v1;
	v3 =	vld.idx.msk [tilespmem:v47+s0+$0x0], $0xffff  }
0xdc: {  	v2 =	vor.u32 $0x180, v2;
	_ =	sdelay $0x3  }
0xdd: {  	[tilespmem:v48+s15+$0x0] =	vst.idx.msk vm1, v3  }
0xde: {  	v1 =	vor.u32 $0x180, v1;
	v2 =	vld.idx.msk [tilespmem:v2+s0+$0x0], $0xffff;
	_ =	sdelay $0x4  }
0xdf: {  	[tilespmem:v1+s15+$0x0] =	vst.idx.msk vm1, v2  }
0xe0: {  	v1 =	vld [tilespmem:s21+$0xFFFFFFE0];
	_ =	sdelay $0x4  }
0xe1: {  	vm1 =	vgt.s32 v1, $0x0  }
0xe2: {  	v2 =	vnsel vm1, $0x0, v1  }
0xe3: {  	v2 =	vmin.u32 v2, $0x1FFF  }
0xe4: {  	v3 =	vshll.u32 v2, $0x2  }
0xe5: {  	v2 =	vand.u32 $0x7F, v2;
	v3 =	vand.u32 $0x7E00, v3  }
0xe6: {  	v2 =	vor.u32 v2, v3  }
0xe7: {  	s10 =	sadd.s32 $0x10, s8  }
0xe8: {  	v3 =	vmov s10  }
0xe9: {  	v49 =	vor.u32 s10, v0;
	v3 =	vshll.u32 v3, $0x2  }
0xea: {  	vm1 =	vlt.u32 v1, $0x2000;
	v1 =	vand.u32 $0x5F, v49;
	v3 =	vand.u32 $0x1E00, v3  }
0xeb: {  	v1 =	vor.u32 v1, v3;
	v50 =	vld.idx.msk [tilespmem:v2+s0+$0x0], $0xffff  }
0xec: {  	v3 =	vor.u32 $0x80, v2;
	_ =	sdelay $0x3  }
0xed: {  	[tilespmem:v1+s15+$0x0] =	vst.idx.msk vm1, v50  }
0xee: {  	v51 =	vor.u32 $0x80, v1;
	v3 =	vld.idx.msk [tilespmem:v3+s0+$0x0], $0xffff  }
0xef: {  	v52 =	vor.u32 $0x100, v2;
	_ =	sdelay $0x3  }
0xf0: {  	[tilespmem:v51+s15+$0x0] =	vst.idx.msk vm1, v3  }
0xf1: {  	v53 =	vor.u32 $0x100, v1;
	v3 =	vld.idx.msk [tilespmem:v52+s0+$0x0], $0xffff  }
0xf2: {  	v2 =	vor.u32 $0x180, v2;
	_ =	sdelay $0x3  }
0xf3: {  	[tilespmem:v53+s15+$0x0] =	vst.idx.msk vm1, v3  }
0xf4: {  	v1 =	vor.u32 $0x180, v1;
	v2 =	vld.idx.msk [tilespmem:v2+s0+$0x0], $0xffff;
	_ =	sdelay $0x4  }
0xf5: {  	[tilespmem:v1+s15+$0x0] =	vst.idx.msk vm1, v2  }
0xf6: {  	v1 =	vld [tilespmem:s21+$0xFFFFFFF0];
	_ =	sdelay $0x4  }
0xf7: {  	vm1 =	vgt.s32 v1, $0x0  }
0xf8: {  	v2 =	vnsel vm1, $0x0, v1  }
0xf9: {  	v2 =	vmin.u32 v2, $0x1FFF  }
0xfa: {  	v3 =	vshll.u32 v2, $0x2  }
0xfb: {  	v2 =	vand.u32 $0x7F, v2;
	v3 =	vand.u32 $0x7E00, v3  }
0xfc: {  	v2 =	vor.u32 v2, v3  }
0xfd: {  	s12 =	sadd.s32 $0x20, s8  }
0xfe: {  	v3 =	vmov s12  }
0xff: {  	v54 =	vor.u32 s12, v0;
	v3 =	vshll.u32 v3, $0x2  }
0x100: {  	vm1 =	vlt.u32 v1, $0x2000;
	v1 =	vand.u32 $0x6F, v54;
	v55 =	vand.u32 $0x1E00, v3  }
0x101: {  	v4 =	vor.u32 v1, v55;
	v56 =	vld.idx.msk [tilespmem:v2+s0+$0x0], $0xffff  }
0x102: {  	v57 =	vor.u32 $0x80, v2;
	_ =	sdelay $0x3  }
0x103: {  	[tilespmem:v4+s15+$0x0] =	vst.idx.msk vm1, v56  }
0x104: {  	v58 =	vor.u32 $0x80, v4;
	v5 =	vld.idx.msk [tilespmem:v57+s0+$0x0], $0xffff  }
0x105: {  	v7 =	vor.u32 $0x100, v2;
	_ =	sdelay $0x3  }
0x106: {  	[tilespmem:v58+s15+$0x0] =	vst.idx.msk vm1, v5  }
0x107: {  	v4 =	vor.u32 $0x100, v4;
	v5 =	vld.idx.msk [tilespmem:v7+s0+$0x0], $0xffff  }
0x108: {  	v2 =	vor.u32 $0x180, v2;
	_ =	sdelay $0x3  }
0x109: {  	v1 =	vor.u32 v1, v3;
	[tilespmem:v4+s15+$0x0] =	vst.idx.msk vm1, v5  }
0x10a: {  	v1 =	vor.u32 $0x180, v1;
	v2 =	vld.idx.msk [tilespmem:v2+s0+$0x0], $0xffff;
	_ =	sdelay $0x4  }
0x10b: {  	[tilespmem:v1+s15+$0x0] =	vst.idx.msk vm1, v2  }
0x10c: {  	v1 =	vld [tilespmem:s21+$0x0];
	_ =	sdelay $0x4  }
0x10d: {  	vm1 =	vgt.s32 v1, $0x0  }
0x10e: {  	v2 =	vnsel vm1, $0x0, v1  }
0x10f: {  	v2 =	vmin.u32 v2, $0x1FFF  }
0x110: {  	v3 =	vshll.u32 v2, $0x2  }
0x111: {  	v2 =	vand.u32 $0x7F, v2;
	v3 =	vand.u32 $0x7E00, v3  }
0x112: {  	v2 =	vor.u32 v2, v3  }
0x113: {  	s14 =	sadd.s32 $0x30, s8  }
0x114: {  	v3 =	vmov s14  }
0x115: {  	v59 =	vor.u32 s14, v0;
	v3 =	vshll.u32 v3, $0x2  }
0x116: {  	vm1 =	vlt.u32 v1, $0x2000;
	v1 =	vand.u32 $0x7F, v59;
	v3 =	vand.u32 $0x1E00, v3  }
0x117: {  	v1 =	vor.u32 v1, v3;
	v60 =	vld.idx.msk [tilespmem:v2+s0+$0x0], $0xffff  }
0x118: {  	v3 =	vor.u32 $0x80, v2;
	_ =	sdelay $0x3  }
0x119: {  	[tilespmem:v1+s15+$0x0] =	vst.idx.msk vm1, v60  }
0x11a: {  	v61 =	vor.u32 $0x80, v1;
	v3 =	vld.idx.msk [tilespmem:v3+s0+$0x0], $0xffff  }
0x11b: {  	v62 =	vor.u32 $0x100, v2;
	_ =	sdelay $0x3  }
0x11c: {  	[tilespmem:v61+s15+$0x0] =	vst.idx.msk vm1, v3  }
0x11d: {  	v63 =	vor.u32 $0x100, v1;
	v3 =	vld.idx.msk [tilespmem:v62+s0+$0x0], $0xffff  }
0x11e: {  	v2 =	vor.u32 $0x180, v2;
	_ =	sdelay $0x3  }
0x11f: {  	[tilespmem:v63+s15+$0x0] =	vst.idx.msk vm1, v3  }
0x120: {  	p0 =	sne.s32 s8, $0x540;
	v1 =	vor.u32 $0x180, v1;
	v2 =	vld.idx.msk [tilespmem:v2+s0+$0x0], $0xffff  }
.Ltmp1:
0x121: {  	_ = 	snop;
	(pc) =	sbr.rel @p0 .LBB2_4-.Ltmp1, $2  }
0x122: {  	_ =	sdelay $0x2  }
0x123: {  	s8 =	sadd.s32 $0x40, s8;
	s21 =	sadd.s32 $0x40, s21;
	[tilespmem:v1+s15+$0x0] =	vst.idx.msk vm1, v2  }
0x124: {  	_ =	swait.ge [sflag:s5], $0x4000  }
0x125: {  	[sflag:s5] =	ssyncset.done $0x0  }
0x126: {  	s21 =	simm.s32 $0x0;
	s8 =	rddreg [dreg:$0x13];
	[sflag:s5] =	ssyncadd.s32 $0xFFFFC000  }
0x127: {  	[hbm4b:s8+s21] =	stream.linear.scatter [tilespmem:s28], [sflag:$0x2], $0x4000, $0x38;
	[tilespmem:$0x1F080] =	vst v63  }
0x128: {  	_ =	swait.ge [sflag:s3], $0x4000  }
0x129: {  	[sflag:s3] =	ssyncset.done $0x0  }
0x12a: {  	s14 =	rddreg [dreg:$0x14];
	[sflag:s3] =	ssyncadd.s32 $0xFFFFC000  }
0x12b: {  	v1 =	vld.msk [tilespmem:s14+$0x0], $0xff;
	_ =	sdelay $0x4  }
0x12c: {  	v1 =	vshll.u32 v1, $0xB  }
0x12d: {  	v1 =	vperm.xlane v1, v0;
	_ =	sdelay $0x4  }
0x12e: {  	s8 =	simm.s32 $0x5B0  }
0x12f: {  	[tilespmem:s13], [sflag:$0x1] =	stream.indirect_vreg.gather [hbm4b:s7+s21], $0x800, v1, vm0, $0x38;
	[tilespmem:$0x1F080] =	vst v63  }
.LBB2_6:
0x130: {  	s10 =	sadd.s32 $0x580, s21  }
0x131: {  	s14 =	sand.u32 $0x40, s21;
	s12 =	sand.u32 $0xF80, s10  }
0x132: {  	s12 =	sor.u32 s14, s12  }
0x133: {  	v1 =	vld [tilespmem:s12+$0x0];
	_ =	sdelay $0x4  }
0x134: {  	vm1 =	vgt.s32 v1, $0x0  }
0x135: {  	v2 =	vnsel vm1, $0x0, v1  }
0x136: {  	v2 =	vmin.u32 v2, $0x1FFF  }
0x137: {  	v3 =	vshll.u32 v2, $0x2  }
0x138: {  	v2 =	vand.u32 $0x7F, v2;
	v3 =	vand.u32 $0x7E00, v3  }
0x139: {  	v2 =	vor.u32 v2, v3;
	_ =	sdelay $0x1  }
0x13a: {  	v3 =	vmov s10  }
0x13b: {  	v4 =	vor.u32 s10, v0;
	v3 =	vshll.u32 v3, $0x2  }
0x13c: {  	vm1 =	vlt.u32 v1, $0x2000;
	v1 =	vand.u32 $0x4F, v4;
	v46 =	vand.u32 $0x3E00, v3  }
0x13d: {  	v4 =	vor.u32 v1, v46;
	v5 =	vld.idx.msk [tilespmem:v2+s0+$0x0], $0xffff  }
0x13e: {  	v6 =	vor.u32 $0x80, v2;
	_ =	sdelay $0x3  }
0x13f: {  	[tilespmem:v4+s15+$0x0] =	vst.idx.msk vm1, v5  }
0x140: {  	v4 =	vor.u32 $0x80, v4;
	v5 =	vld.idx.msk [tilespmem:v6+s0+$0x0], $0xffff  }
0x141: {  	v47 =	vor.u32 $0x100, v2;
	_ =	sdelay $0x3  }
0x142: {  	v1 =	vor.u32 v3, v1;
	[tilespmem:v4+s15+$0x0] =	vst.idx.msk vm1, v5  }
0x143: {  	v48 =	vor.u32 $0x100, v1;
	v3 =	vld.idx.msk [tilespmem:v47+s0+$0x0], $0xffff  }
0x144: {  	v2 =	vor.u32 $0x180, v2;
	_ =	sdelay $0x3  }
0x145: {  	[tilespmem:v48+s15+$0x0] =	vst.idx.msk vm1, v3  }
0x146: {  	v1 =	vor.u32 $0x180, v1;
	v2 =	vld.idx.msk [tilespmem:v2+s0+$0x0], $0xffff;
	_ =	sdelay $0x4  }
0x147: {  	[tilespmem:v1+s15+$0x0] =	vst.idx.msk vm1, v2  }
0x148: {  	v1 =	vld [tilespmem:s8+$0xFFFFFFE0];
	_ =	sdelay $0x4  }
0x149: {  	vm1 =	vgt.s32 v1, $0x0  }
0x14a: {  	v2 =	vnsel vm1, $0x0, v1  }
0x14b: {  	v2 =	vmin.u32 v2, $0x1FFF  }
0x14c: {  	v3 =	vshll.u32 v2, $0x2  }
0x14d: {  	v2 =	vand.u32 $0x7F, v2;
	v3 =	vand.u32 $0x7E00, v3  }
0x14e: {  	v2 =	vor.u32 v2, v3  }
0x14f: {  	s14 =	sadd.s32 $0x590, s21  }
0x150: {  	v3 =	vmov s14  }
0x151: {  	v49 =	vor.u32 s14, v0;
	v3 =	vshll.u32 v3, $0x2  }
0x152: {  	vm1 =	vlt.u32 v1, $0x2000;
	v1 =	vand.u32 $0x5F, v49;
	v3 =	vand.u32 $0x3E00, v3  }
0x153: {  	v1 =	vor.u32 v1, v3;
	v50 =	vld.idx.msk [tilespmem:v2+s0+$0x0], $0xffff  }
0x154: {  	v3 =	vor.u32 $0x80, v2;
	_ =	sdelay $0x3  }
0x155: {  	[tilespmem:v1+s15+$0x0] =	vst.idx.msk vm1, v50  }
0x156: {  	v51 =	vor.u32 $0x80, v1;
	v3 =	vld.idx.msk [tilespmem:v3+s0+$0x0], $0xffff  }
0x157: {  	v52 =	vor.u32 $0x100, v2;
	_ =	sdelay $0x3  }
0x158: {  	[tilespmem:v51+s15+$0x0] =	vst.idx.msk vm1, v3  }
0x159: {  	v53 =	vor.u32 $0x100, v1;
	v3 =	vld.idx.msk [tilespmem:v52+s0+$0x0], $0xffff  }
0x15a: {  	v2 =	vor.u32 $0x180, v2;
	_ =	sdelay $0x3  }
0x15b: {  	[tilespmem:v53+s15+$0x0] =	vst.idx.msk vm1, v3  }
0x15c: {  	v1 =	vor.u32 $0x180, v1;
	v2 =	vld.idx.msk [tilespmem:v2+s0+$0x0], $0xffff;
	_ =	sdelay $0x4  }
0x15d: {  	[tilespmem:v1+s15+$0x0] =	vst.idx.msk vm1, v2  }
0x15e: {  	v1 =	vld [tilespmem:s8+$0xFFFFFFF0];
	_ =	sdelay $0x4  }
0x15f: {  	vm1 =	vgt.s32 v1, $0x0  }
0x160: {  	v2 =	vnsel vm1, $0x0, v1  }
0x161: {  	v2 =	vmin.u32 v2, $0x1FFF  }
0x162: {  	v3 =	vshll.u32 v2, $0x2  }
0x163: {  	v2 =	vand.u32 $0x7F, v2;
	v3 =	vand.u32 $0x7E00, v3  }
0x164: {  	v2 =	vor.u32 v2, v3  }
0x165: {  	s12 =	sadd.s32 $0x5A0, s21  }
0x166: {  	v3 =	vmov s12  }
0x167: {  	v54 =	vor.u32 s12, v0;
	v3 =	vshll.u32 v3, $0x2  }
0x168: {  	vm1 =	vlt.u32 v1, $0x2000;
	v1 =	vand.u32 $0x6F, v54;
	v55 =	vand.u32 $0x3E00, v3  }
0x169: {  	v4 =	vor.u32 v1, v55;
	v56 =	vld.idx.msk [tilespmem:v2+s0+$0x0], $0xffff  }
0x16a: {  	v57 =	vor.u32 $0x80, v2;
	_ =	sdelay $0x3  }
0x16b: {  	[tilespmem:v4+s15+$0x0] =	vst.idx.msk vm1, v56  }
0x16c: {  	v58 =	vor.u32 $0x80, v4;
	v5 =	vld.idx.msk [tilespmem:v57+s0+$0x0], $0xffff  }
0x16d: {  	v7 =	vor.u32 $0x100, v2;
	_ =	sdelay $0x3  }
0x16e: {  	[tilespmem:v58+s15+$0x0] =	vst.idx.msk vm1, v5  }
0x16f: {  	v4 =	vor.u32 $0x100, v4;
	v5 =	vld.idx.msk [tilespmem:v7+s0+$0x0], $0xffff  }
0x170: {  	v2 =	vor.u32 $0x180, v2;
	_ =	sdelay $0x3  }
0x171: {  	v1 =	vor.u32 v1, v3;
	[tilespmem:v4+s15+$0x0] =	vst.idx.msk vm1, v5  }
0x172: {  	v1 =	vor.u32 $0x180, v1;
	v2 =	vld.idx.msk [tilespmem:v2+s0+$0x0], $0xffff;
	_ =	sdelay $0x4  }
0x173: {  	[tilespmem:v1+s15+$0x0] =	vst.idx.msk vm1, v2  }
0x174: {  	v1 =	vld [tilespmem:s8+$0x0];
	_ =	sdelay $0x4  }
0x175: {  	vm1 =	vgt.s32 v1, $0x0  }
0x176: {  	v2 =	vnsel vm1, $0x0, v1  }
0x177: {  	v2 =	vmin.u32 v2, $0x1FFF  }
0x178: {  	v3 =	vshll.u32 v2, $0x2  }
0x179: {  	v2 =	vand.u32 $0x7F, v2;
	v3 =	vand.u32 $0x7E00, v3  }
0x17a: {  	v2 =	vor.u32 v2, v3  }
0x17b: {  	s14 =	sadd.s32 $0x5B0, s21  }
0x17c: {  	v3 =	vmov s14  }
0x17d: {  	v59 =	vor.u32 s14, v0;
	v3 =	vshll.u32 v3, $0x2  }
0x17e: {  	vm1 =	vlt.u32 v1, $0x2000;
	v1 =	vand.u32 $0x7F, v59;
	v3 =	vand.u32 $0x3E00, v3  }
0x17f: {  	v1 =	vor.u32 v1, v3;
	v60 =	vld.idx.msk [tilespmem:v2+s0+$0x0], $0xffff  }
0x180: {  	v3 =	vor.u32 $0x80, v2;
	_ =	sdelay $0x3  }
0x181: {  	[tilespmem:v1+s15+$0x0] =	vst.idx.msk vm1, v60  }
0x182: {  	v61 =	vor.u32 $0x80, v1;
	v3 =	vld.idx.msk [tilespmem:v3+s0+$0x0], $0xffff  }
0x183: {  	v62 =	vor.u32 $0x100, v2;
	_ =	sdelay $0x3  }
0x184: {  	[tilespmem:v61+s15+$0x0] =	vst.idx.msk vm1, v3  }
0x185: {  	v63 =	vor.u32 $0x100, v1;
	v3 =	vld.idx.msk [tilespmem:v62+s0+$0x0], $0xffff  }
0x186: {  	v2 =	vor.u32 $0x180, v2;
	_ =	sdelay $0x3  }
0x187: {  	[tilespmem:v63+s15+$0x0] =	vst.idx.msk vm1, v3  }
0x188: {  	p0 =	sne.s32 s21, $0x280;
	v1 =	vor.u32 $0x180, v1;
	v2 =	vld.idx.msk [tilespmem:v2+s0+$0x0], $0xffff  }
.Ltmp2:
0x189: {  	_ = 	snop;
	(pc) =	sbr.rel @p0 .LBB2_6-.Ltmp2, $2  }
0x18a: {  	_ =	sdelay $0x2  }
0x18b: {  	s21 =	sadd.s32 $0x40, s21;
	s8 =	sadd.s32 $0x40, s8;
	[tilespmem:v1+s15+$0x0] =	vst.idx.msk vm1, v2  }
0x18c: {  	_ =	swait.ge [sflag:s5], $0x4000  }
0x18d: {  	[sflag:s5] =	ssyncset.done $0x0  }
0x18e: {  	s8 =	rddreg [dreg:$0x15];
	[sflag:s5] =	ssyncadd.s32 $0xFFFFC000  }
0x18f: {  	[hbm4b:s8+s1] =	stream.linear.scatter [tilespmem:s11], [sflag:$0x2], $0x4000, $0x38;
	[tilespmem:$0x1F080] =	vst v63  }
0x190: {  	_ =	swait.ge [sflag:s3], $0x4000  }
0x191: {  	[sflag:s3] =	ssyncset.done $0x0  }
0x192: {  	[sflag:s3] =	ssyncadd.s32 $0xFFFFC000  }
0x193: {  	v1 =	vld.msk [tilespmem:s18+$0x0], $0xff;
	_ =	sdelay $0x4  }
0x194: {  	v1 =	vshll.u32 v1, $0xB  }
0x195: {  	v1 =	vperm.xlane v1, v0;
	_ =	sdelay $0x4  }
0x196: {  	s21 =	simm.s32 $0x870;
	s8 =	simm.s32 $0x840  }
0x197: {  	[tilespmem:s25], [sflag:$0x1] =	stream.indirect_vreg.gather [hbm4b:s7+s1], $0x800, v1, vm0, $0x38;
	[tilespmem:$0x1F080] =	vst v63  }
.LBB2_8:
0x198: {  	v1 =	vld [tilespmem:s21+$0xFFFFFFD0];
	_ =	sdelay $0x4  }
0x199: {  	vm1 =	vgt.s32 v1, $0x0  }
0x19a: {  	v2 =	vnsel vm1, $0x0, v1  }
0x19b: {  	v2 =	vmin.u32 v2, $0x1FFF  }
0x19c: {  	v3 =	vshll.u32 v2, $0x2  }
0x19d: {  	v2 =	vand.u32 $0x7F, v2;
	v3 =	vand.u32 $0x7E00, v3  }
0x19e: {  	v2 =	vor.u32 v2, v3;
	_ =	sdelay $0x1  }
0x19f: {  	v3 =	vmov s8  }
0x1a0: {  	v4 =	vor.u32 s8, v0;
	v3 =	vshll.u32 v3, $0x2  }
0x1a1: {  	vm1 =	vlt.u32 v1, $0x2000;
	v1 =	vand.u32 $0x4F, v4;
	v46 =	vand.u32 $0x3E00, v3  }
0x1a2: {  	v4 =	vor.u32 v1, v46;
	v5 =	vld.idx.msk [tilespmem:v2+s0+$0x0], $0xffff  }
0x1a3: {  	v6 =	vor.u32 $0x80, v2;
	_ =	sdelay $0x3  }
0x1a4: {  	[tilespmem:v4+s15+$0x0] =	vst.idx.msk vm1, v5  }
0x1a5: {  	v4 =	vor.u32 $0x80, v4;
	v5 =	vld.idx.msk [tilespmem:v6+s0+$0x0], $0xffff  }
0x1a6: {  	v47 =	vor.u32 $0x100, v2;
	_ =	sdelay $0x3  }
0x1a7: {  	v1 =	vor.u32 v3, v1;
	[tilespmem:v4+s15+$0x0] =	vst.idx.msk vm1, v5  }
0x1a8: {  	v48 =	vor.u32 $0x100, v1;
	v3 =	vld.idx.msk [tilespmem:v47+s0+$0x0], $0xffff  }
0x1a9: {  	v2 =	vor.u32 $0x180, v2;
	_ =	sdelay $0x3  }
0x1aa: {  	[tilespmem:v48+s15+$0x0] =	vst.idx.msk vm1, v3  }
0x1ab: {  	v1 =	vor.u32 $0x180, v1;
	v2 =	vld.idx.msk [tilespmem:v2+s0+$0x0], $0xffff;
	_ =	sdelay $0x4  }
0x1ac: {  	[tilespmem:v1+s15+$0x0] =	vst.idx.msk vm1, v2  }
0x1ad: {  	v1 =	vld [tilespmem:s21+$0xFFFFFFE0];
	_ =	sdelay $0x4  }
0x1ae: {  	vm1 =	vgt.s32 v1, $0x0  }
0x1af: {  	v2 =	vnsel vm1, $0x0, v1  }
0x1b0: {  	v2 =	vmin.u32 v2, $0x1FFF  }
0x1b1: {  	v3 =	vshll.u32 v2, $0x2  }
0x1b2: {  	v2 =	vand.u32 $0x7F, v2;
	v3 =	vand.u32 $0x7E00, v3  }
0x1b3: {  	v2 =	vor.u32 v2, v3  }
0x1b4: {  	s10 =	sadd.s32 $0x10, s8  }
0x1b5: {  	v3 =	vmov s10  }
0x1b6: {  	v49 =	vor.u32 s10, v0;
	v3 =	vshll.u32 v3, $0x2  }
0x1b7: {  	vm1 =	vlt.u32 v1, $0x2000;
	v1 =	vand.u32 $0x5F, v49;
	v3 =	vand.u32 $0x3E00, v3  }
0x1b8: {  	v1 =	vor.u32 v1, v3;
	v50 =	vld.idx.msk [tilespmem:v2+s0+$0x0], $0xffff  }
0x1b9: {  	v3 =	vor.u32 $0x80, v2;
	_ =	sdelay $0x3  }
0x1ba: {  	[tilespmem:v1+s15+$0x0] =	vst.idx.msk vm1, v50  }
0x1bb: {  	v51 =	vor.u32 $0x80, v1;
	v3 =	vld.idx.msk [tilespmem:v3+s0+$0x0], $0xffff  }
0x1bc: {  	v52 =	vor.u32 $0x100, v2;
	_ =	sdelay $0x3  }
0x1bd: {  	[tilespmem:v51+s15+$0x0] =	vst.idx.msk vm1, v3  }
0x1be: {  	v53 =	vor.u32 $0x100, v1;
	v3 =	vld.idx.msk [tilespmem:v52+s0+$0x0], $0xffff  }
0x1bf: {  	v2 =	vor.u32 $0x180, v2;
	_ =	sdelay $0x3  }
0x1c0: {  	[tilespmem:v53+s15+$0x0] =	vst.idx.msk vm1, v3  }
0x1c1: {  	v1 =	vor.u32 $0x180, v1;
	v2 =	vld.idx.msk [tilespmem:v2+s0+$0x0], $0xffff;
	_ =	sdelay $0x4  }
0x1c2: {  	[tilespmem:v1+s15+$0x0] =	vst.idx.msk vm1, v2  }
0x1c3: {  	v1 =	vld [tilespmem:s21+$0xFFFFFFF0];
	_ =	sdelay $0x4  }
0x1c4: {  	vm1 =	vgt.s32 v1, $0x0  }
0x1c5: {  	v2 =	vnsel vm1, $0x0, v1  }
0x1c6: {  	v2 =	vmin.u32 v2, $0x1FFF  }
0x1c7: {  	v3 =	vshll.u32 v2, $0x2  }
0x1c8: {  	v2 =	vand.u32 $0x7F, v2;
	v3 =	vand.u32 $0x7E00, v3  }
0x1c9: {  	v2 =	vor.u32 v2, v3  }
0x1ca: {  	s12 =	sadd.s32 $0x20, s8  }
0x1cb: {  	v3 =	vmov s12  }
0x1cc: {  	v54 =	vor.u32 s12, v0;
	v3 =	vshll.u32 v3, $0x2  }
0x1cd: {  	vm1 =	vlt.u32 v1, $0x2000;
	v1 =	vand.u32 $0x6F, v54;
	v55 =	vand.u32 $0x3E00, v3  }
0x1ce: {  	v4 =	vor.u32 v1, v55;
	v56 =	vld.idx.msk [tilespmem:v2+s0+$0x0], $0xffff  }
0x1cf: {  	v57 =	vor.u32 $0x80, v2;
	_ =	sdelay $0x3  }
0x1d0: {  	[tilespmem:v4+s15+$0x0] =	vst.idx.msk vm1, v56  }
0x1d1: {  	v58 =	vor.u32 $0x80, v4;
	v5 =	vld.idx.msk [tilespmem:v57+s0+$0x0], $0xffff  }
0x1d2: {  	v7 =	vor.u32 $0x100, v2;
	_ =	sdelay $0x3  }
0x1d3: {  	[tilespmem:v58+s15+$0x0] =	vst.idx.msk vm1, v5  }
0x1d4: {  	v4 =	vor.u32 $0x100, v4;
	v5 =	vld.idx.msk [tilespmem:v7+s0+$0x0], $0xffff  }
0x1d5: {  	v2 =	vor.u32 $0x180, v2;
	_ =	sdelay $0x3  }
0x1d6: {  	v1 =	vor.u32 v1, v3;
	[tilespmem:v4+s15+$0x0] =	vst.idx.msk vm1, v5  }
0x1d7: {  	v1 =	vor.u32 $0x180, v1;
	v2 =	vld.idx.msk [tilespmem:v2+s0+$0x0], $0xffff;
	_ =	sdelay $0x4  }
0x1d8: {  	[tilespmem:v1+s15+$0x0] =	vst.idx.msk vm1, v2  }
0x1d9: {  	v1 =	vld [tilespmem:s21+$0x0];
	_ =	sdelay $0x4  }
0x1da: {  	vm1 =	vgt.s32 v1, $0x0  }
0x1db: {  	v2 =	vnsel vm1, $0x0, v1  }
0x1dc: {  	v2 =	vmin.u32 v2, $0x1FFF  }
0x1dd: {  	v3 =	vshll.u32 v2, $0x2  }
0x1de: {  	v2 =	vand.u32 $0x7F, v2;
	v3 =	vand.u32 $0x7E00, v3  }
0x1df: {  	v2 =	vor.u32 v2, v3  }
0x1e0: {  	s14 =	sadd.s32 $0x30, s8  }
0x1e1: {  	v3 =	vmov s14  }
0x1e2: {  	v59 =	vor.u32 s14, v0;
	v3 =	vshll.u32 v3, $0x2  }
0x1e3: {  	vm1 =	vlt.u32 v1, $0x2000;
	v1 =	vand.u32 $0x7F, v59;
	v3 =	vand.u32 $0x3E00, v3  }
0x1e4: {  	v1 =	vor.u32 v1, v3;
	v60 =	vld.idx.msk [tilespmem:v2+s0+$0x0], $0xffff  }
0x1e5: {  	v3 =	vor.u32 $0x80, v2;
	_ =	sdelay $0x3  }
0x1e6: {  	[tilespmem:v1+s15+$0x0] =	vst.idx.msk vm1, v60  }
0x1e7: {  	v61 =	vor.u32 $0x80, v1;
	v3 =	vld.idx.msk [tilespmem:v3+s0+$0x0], $0xffff  }
0x1e8: {  	v62 =	vor.u32 $0x100, v2;
	_ =	sdelay $0x3  }
0x1e9: {  	[tilespmem:v61+s15+$0x0] =	vst.idx.msk vm1, v3  }
0x1ea: {  	v63 =	vor.u32 $0x100, v1;
	v3 =	vld.idx.msk [tilespmem:v62+s0+$0x0], $0xffff  }
0x1eb: {  	v2 =	vor.u32 $0x180, v2;
	_ =	sdelay $0x3  }
0x1ec: {  	[tilespmem:v63+s15+$0x0] =	vst.idx.msk vm1, v3  }
0x1ed: {  	p0 =	sne.s32 s8, $0xAC0;
	v1 =	vor.u32 $0x180, v1;
	v2 =	vld.idx.msk [tilespmem:v2+s0+$0x0], $0xffff  }
.Ltmp3:
0x1ee: {  	_ = 	snop;
	(pc) =	sbr.rel @p0 .LBB2_8-.Ltmp3, $2  }
0x1ef: {  	_ =	sdelay $0x2  }
0x1f0: {  	s8 =	sadd.s32 $0x40, s8;
	s21 =	sadd.s32 $0x40, s21;
	[tilespmem:v1+s15+$0x0] =	vst.idx.msk vm1, v2  }
0x1f1: {  	_ =	swait.ge [sflag:s5], $0x4000  }
0x1f2: {  	[sflag:s5] =	ssyncset.done $0x0  }
0x1f3: {  	s21 =	simm.s32 $0x0;
	s8 =	rddreg [dreg:$0x16];
	[sflag:s5] =	ssyncadd.s32 $0xFFFFC000  }
0x1f4: {  	[hbm4b:s8+s21] =	stream.linear.scatter [tilespmem:s13], [sflag:$0x2], $0x4000, $0x38;
	[tilespmem:$0x1F080] =	vst v63  }
0x1f5: {  	_ =	swait.ge [sflag:s3], $0x4000  }
0x1f6: {  	[sflag:s3] =	ssyncset.done $0x0  }
0x1f7: {  	[sflag:s3] =	ssyncadd.s32 $0xFFFFC000  }
0x1f8: {  	v1 =	vld.msk [tilespmem:s20+$0x0], $0xff;
	_ =	sdelay $0x4  }
0x1f9: {  	v1 =	vshll.u32 v1, $0xB  }
0x1fa: {  	v1 =	vperm.xlane v1, v0;
	_ =	sdelay $0x4  }
0x1fb: {  	s8 =	simm.s32 $0xB30  }
0x1fc: {  	[tilespmem:s28], [sflag:$0x1] =	stream.indirect_vreg.gather [hbm4b:s7+s21], $0x800, v1, vm0, $0x38;
	[tilespmem:$0x1F080] =	vst v63  }
.LBB2_10:
0x1fd: {  	s10 =	sadd.s32 $0xB00, s21  }
0x1fe: {  	s14 =	sand.u32 $0x40, s21;
	s12 =	sand.u32 $0xF80, s10  }
0x1ff: {  	s12 =	sor.u32 s14, s12  }
0x200: {  	v1 =	vld [tilespmem:s12+$0x0];
	_ =	sdelay $0x4  }
0x201: {  	vm1 =	vgt.s32 v1, $0x0  }
0x202: {  	v2 =	vnsel vm1, $0x0, v1  }
0x203: {  	v2 =	vmin.u32 v2, $0x1FFF  }
0x204: {  	v3 =	vshll.u32 v2, $0x2  }
0x205: {  	v2 =	vand.u32 $0x7F, v2;
	v3 =	vand.u32 $0x7E00, v3  }
0x206: {  	v2 =	vor.u32 v2, v3;
	_ =	sdelay $0x1  }
0x207: {  	v3 =	vmov s10  }
0x208: {  	v4 =	vor.u32 s10, v0;
	v3 =	vshll.u32 v3, $0x2  }
0x209: {  	vm1 =	vlt.u32 v1, $0x2000;
	v1 =	vand.u32 $0x4F, v4;
	v46 =	vand.u32 $0x3E00, v3  }
0x20a: {  	v4 =	vor.u32 v1, v46;
	v5 =	vld.idx.msk [tilespmem:v2+s0+$0x0], $0xffff  }
0x20b: {  	v6 =	vor.u32 $0x80, v2;
	_ =	sdelay $0x3  }
0x20c: {  	[tilespmem:v4+s15+$0x0] =	vst.idx.msk vm1, v5  }
0x20d: {  	v4 =	vor.u32 $0x80, v4;
	v5 =	vld.idx.msk [tilespmem:v6+s0+$0x0], $0xffff  }
0x20e: {  	v47 =	vor.u32 $0x100, v2;
	_ =	sdelay $0x3  }
0x20f: {  	v1 =	vor.u32 v3, v1;
	[tilespmem:v4+s15+$0x0] =	vst.idx.msk vm1, v5  }
0x210: {  	v48 =	vor.u32 $0x100, v1;
	v3 =	vld.idx.msk [tilespmem:v47+s0+$0x0], $0xffff  }
0x211: {  	v2 =	vor.u32 $0x180, v2;
	_ =	sdelay $0x3  }
0x212: {  	[tilespmem:v48+s15+$0x0] =	vst.idx.msk vm1, v3  }
0x213: {  	v1 =	vor.u32 $0x180, v1;
	v2 =	vld.idx.msk [tilespmem:v2+s0+$0x0], $0xffff;
	_ =	sdelay $0x4  }
0x214: {  	[tilespmem:v1+s15+$0x0] =	vst.idx.msk vm1, v2  }
0x215: {  	v1 =	vld [tilespmem:s8+$0xFFFFFFE0];
	_ =	sdelay $0x4  }
0x216: {  	vm1 =	vgt.s32 v1, $0x0  }
0x217: {  	v2 =	vnsel vm1, $0x0, v1  }
0x218: {  	v2 =	vmin.u32 v2, $0x1FFF  }
0x219: {  	v3 =	vshll.u32 v2, $0x2  }
0x21a: {  	v2 =	vand.u32 $0x7F, v2;
	v3 =	vand.u32 $0x7E00, v3  }
0x21b: {  	v2 =	vor.u32 v2, v3  }
0x21c: {  	s14 =	sadd.s32 $0xB10, s21  }
0x21d: {  	v3 =	vmov s14  }
0x21e: {  	v49 =	vor.u32 s14, v0;
	v3 =	vshll.u32 v3, $0x2  }
0x21f: {  	vm1 =	vlt.u32 v1, $0x2000;
	v1 =	vand.u32 $0x5F, v49;
	v3 =	vand.u32 $0x3E00, v3  }
0x220: {  	v1 =	vor.u32 v1, v3;
	v50 =	vld.idx.msk [tilespmem:v2+s0+$0x0], $0xffff  }
0x221: {  	v3 =	vor.u32 $0x80, v2;
	_ =	sdelay $0x3  }
0x222: {  	[tilespmem:v1+s15+$0x0] =	vst.idx.msk vm1, v50  }
0x223: {  	v51 =	vor.u32 $0x80, v1;
	v3 =	vld.idx.msk [tilespmem:v3+s0+$0x0], $0xffff  }
0x224: {  	v52 =	vor.u32 $0x100, v2;
	_ =	sdelay $0x3  }
0x225: {  	[tilespmem:v51+s15+$0x0] =	vst.idx.msk vm1, v3  }
0x226: {  	v53 =	vor.u32 $0x100, v1;
	v3 =	vld.idx.msk [tilespmem:v52+s0+$0x0], $0xffff  }
0x227: {  	v2 =	vor.u32 $0x180, v2;
	_ =	sdelay $0x3  }
0x228: {  	[tilespmem:v53+s15+$0x0] =	vst.idx.msk vm1, v3  }
0x229: {  	v1 =	vor.u32 $0x180, v1;
	v2 =	vld.idx.msk [tilespmem:v2+s0+$0x0], $0xffff;
	_ =	sdelay $0x4  }
0x22a: {  	[tilespmem:v1+s15+$0x0] =	vst.idx.msk vm1, v2  }
0x22b: {  	v1 =	vld [tilespmem:s8+$0xFFFFFFF0];
	_ =	sdelay $0x4  }
0x22c: {  	vm1 =	vgt.s32 v1, $0x0  }
0x22d: {  	v2 =	vnsel vm1, $0x0, v1  }
0x22e: {  	v2 =	vmin.u32 v2, $0x1FFF  }
0x22f: {  	v3 =	vshll.u32 v2, $0x2  }
0x230: {  	v2 =	vand.u32 $0x7F, v2;
	v3 =	vand.u32 $0x7E00, v3  }
0x231: {  	v2 =	vor.u32 v2, v3  }
0x232: {  	s12 =	sadd.s32 $0xB20, s21  }
0x233: {  	v3 =	vmov s12  }
0x234: {  	v54 =	vor.u32 s12, v0;
	v3 =	vshll.u32 v3, $0x2  }
0x235: {  	vm1 =	vlt.u32 v1, $0x2000;
	v1 =	vand.u32 $0x6F, v54;
	v55 =	vand.u32 $0x3E00, v3  }
0x236: {  	v4 =	vor.u32 v1, v55;
	v56 =	vld.idx.msk [tilespmem:v2+s0+$0x0], $0xffff  }
0x237: {  	v57 =	vor.u32 $0x80, v2;
	_ =	sdelay $0x3  }
0x238: {  	[tilespmem:v4+s15+$0x0] =	vst.idx.msk vm1, v56  }
0x239: {  	v58 =	vor.u32 $0x80, v4;
	v5 =	vld.idx.msk [tilespmem:v57+s0+$0x0], $0xffff  }
0x23a: {  	v7 =	vor.u32 $0x100, v2;
	_ =	sdelay $0x3  }
0x23b: {  	[tilespmem:v58+s15+$0x0] =	vst.idx.msk vm1, v5  }
0x23c: {  	v4 =	vor.u32 $0x100, v4;
	v5 =	vld.idx.msk [tilespmem:v7+s0+$0x0], $0xffff  }
0x23d: {  	v2 =	vor.u32 $0x180, v2;
	_ =	sdelay $0x3  }
0x23e: {  	v1 =	vor.u32 v1, v3;
	[tilespmem:v4+s15+$0x0] =	vst.idx.msk vm1, v5  }
0x23f: {  	v1 =	vor.u32 $0x180, v1;
	v2 =	vld.idx.msk [tilespmem:v2+s0+$0x0], $0xffff;
	_ =	sdelay $0x4  }
0x240: {  	[tilespmem:v1+s15+$0x0] =	vst.idx.msk vm1, v2  }
0x241: {  	v1 =	vld [tilespmem:s8+$0x0];
	_ =	sdelay $0x4  }
0x242: {  	vm1 =	vgt.s32 v1, $0x0  }
0x243: {  	v2 =	vnsel vm1, $0x0, v1  }
0x244: {  	v2 =	vmin.u32 v2, $0x1FFF  }
0x245: {  	v3 =	vshll.u32 v2, $0x2  }
0x246: {  	v2 =	vand.u32 $0x7F, v2;
	v3 =	vand.u32 $0x7E00, v3  }
0x247: {  	v2 =	vor.u32 v2, v3  }
0x248: {  	s14 =	sadd.s32 $0xB30, s21  }
0x249: {  	v3 =	vmov s14  }
0x24a: {  	v59 =	vor.u32 s14, v0;
	v3 =	vshll.u32 v3, $0x2  }
0x24b: {  	vm1 =	vlt.u32 v1, $0x2000;
	v1 =	vand.u32 $0x7F, v59;
	v3 =	vand.u32 $0x3E00, v3  }
0x24c: {  	v1 =	vor.u32 v1, v3;
	v60 =	vld.idx.msk [tilespmem:v2+s0+$0x0], $0xffff  }
0x24d: {  	v3 =	vor.u32 $0x80, v2;
	_ =	sdelay $0x3  }
0x24e: {  	[tilespmem:v1+s15+$0x0] =	vst.idx.msk vm1, v60  }
0x24f: {  	v61 =	vor.u32 $0x80, v1;
	v3 =	vld.idx.msk [tilespmem:v3+s0+$0x0], $0xffff  }
0x250: {  	v62 =	vor.u32 $0x100, v2;
	_ =	sdelay $0x3  }
0x251: {  	[tilespmem:v61+s15+$0x0] =	vst.idx.msk vm1, v3  }
0x252: {  	v63 =	vor.u32 $0x100, v1;
	v3 =	vld.idx.msk [tilespmem:v62+s0+$0x0], $0xffff  }
0x253: {  	v2 =	vor.u32 $0x180, v2;
	_ =	sdelay $0x3  }
0x254: {  	[tilespmem:v63+s15+$0x0] =	vst.idx.msk vm1, v3  }
0x255: {  	p0 =	sne.s32 s21, $0x240;
	v1 =	vor.u32 $0x180, v1;
	v2 =	vld.idx.msk [tilespmem:v2+s0+$0x0], $0xffff  }
.Ltmp4:
0x256: {  	_ = 	snop;
	(pc) =	sbr.rel @p0 .LBB2_10-.Ltmp4, $2  }
0x257: {  	_ =	sdelay $0x2  }
0x258: {  	s21 =	sadd.s32 $0x40, s21;
	s8 =	sadd.s32 $0x40, s8;
	[tilespmem:v1+s15+$0x0] =	vst.idx.msk vm1, v2  }
0x259: {  	_ =	swait.ge [sflag:s5], $0x4000  }
0x25a: {  	[sflag:s5] =	ssyncset.done $0x0  }
0x25b: {  	s21 =	simm.s32 $0x0;
	s8 =	rddreg [dreg:$0x17];
	[sflag:s5] =	ssyncadd.s32 $0xFFFFC000  }
0x25c: {  	[hbm4b:s8+s21] =	stream.linear.scatter [tilespmem:s25], [sflag:$0x2], $0x4000, $0x38;
	[tilespmem:$0x1F080] =	vst v63  }
0x25d: {  	_ =	swait.ge [sflag:s3], $0x4000  }
0x25e: {  	[sflag:s3] =	ssyncset.done $0x0  }
0x25f: {  	[sflag:s3] =	ssyncadd.s32 $0xFFFFC000  }
0x260: {  	v1 =	vld.msk [tilespmem:s22+$0x0], $0xff;
	_ =	sdelay $0x4  }
0x261: {  	v1 =	vshll.u32 v1, $0xB  }
0x262: {  	v1 =	vperm.xlane v1, v0;
	_ =	sdelay $0x4  }
0x263: {  	s8 =	simm.s32 $0xDB0  }
0x264: {  	[tilespmem:s11], [sflag:$0x1] =	stream.indirect_vreg.gather [hbm4b:s7+s21], $0x800, v1, vm0, $0x38;
	[tilespmem:$0x1F080] =	vst v63  }
.LBB2_12:
0x265: {  	s10 =	sadd.s32 $0xD80, s21  }
0x266: {  	s14 =	sand.u32 $0x40, s21;
	s12 =	sand.u32 $0x1F80, s10  }
0x267: {  	s12 =	sor.u32 s14, s12  }
0x268: {  	v1 =	vld [tilespmem:s12+$0x0];
	_ =	sdelay $0x4  }
0x269: {  	vm1 =	vgt.s32 v1, $0x0  }
0x26a: {  	v2 =	vnsel vm1, $0x0, v1  }
0x26b: {  	v2 =	vmin.u32 v2, $0x1FFF  }
0x26c: {  	v3 =	vshll.u32 v2, $0x2  }
0x26d: {  	v2 =	vand.u32 $0x7F, v2;
	v3 =	vand.u32 $0x7E00, v3  }
0x26e: {  	v2 =	vor.u32 v2, v3;
	_ =	sdelay $0x1  }
0x26f: {  	v3 =	vmov s10  }
0x270: {  	v4 =	vor.u32 s10, v0;
	v3 =	vshll.u32 v3, $0x2  }
0x271: {  	vm1 =	vlt.u32 v1, $0x2000;
	v1 =	vand.u32 $0x4F, v4;
	v46 =	vand.u32 $0x7E00, v3  }
0x272: {  	v4 =	vor.u32 v1, v46;
	v5 =	vld.idx.msk [tilespmem:v2+s0+$0x0], $0xffff  }
0x273: {  	v6 =	vor.u32 $0x80, v2;
	_ =	sdelay $0x3  }
0x274: {  	[tilespmem:v4+s15+$0x0] =	vst.idx.msk vm1, v5  }
0x275: {  	v4 =	vor.u32 $0x80, v4;
	v5 =	vld.idx.msk [tilespmem:v6+s0+$0x0], $0xffff  }
0x276: {  	v47 =	vor.u32 $0x100, v2;
	_ =	sdelay $0x3  }
0x277: {  	v1 =	vor.u32 v3, v1;
	[tilespmem:v4+s15+$0x0] =	vst.idx.msk vm1, v5  }
0x278: {  	v48 =	vor.u32 $0x100, v1;
	v3 =	vld.idx.msk [tilespmem:v47+s0+$0x0], $0xffff  }
0x279: {  	v2 =	vor.u32 $0x180, v2;
	_ =	sdelay $0x3  }
0x27a: {  	[tilespmem:v48+s15+$0x0] =	vst.idx.msk vm1, v3  }
0x27b: {  	v1 =	vor.u32 $0x180, v1;
	v2 =	vld.idx.msk [tilespmem:v2+s0+$0x0], $0xffff;
	_ =	sdelay $0x4  }
0x27c: {  	[tilespmem:v1+s15+$0x0] =	vst.idx.msk vm1, v2  }
0x27d: {  	v1 =	vld [tilespmem:s8+$0xFFFFFFE0];
	_ =	sdelay $0x4  }
0x27e: {  	vm1 =	vgt.s32 v1, $0x0  }
0x27f: {  	v2 =	vnsel vm1, $0x0, v1  }
0x280: {  	v2 =	vmin.u32 v2, $0x1FFF  }
0x281: {  	v3 =	vshll.u32 v2, $0x2  }
0x282: {  	v2 =	vand.u32 $0x7F, v2;
	v3 =	vand.u32 $0x7E00, v3  }
0x283: {  	v2 =	vor.u32 v2, v3  }
0x284: {  	s14 =	sadd.s32 $0xD90, s21  }
0x285: {  	v3 =	vmov s14  }
0x286: {  	v49 =	vor.u32 s14, v0;
	v3 =	vshll.u32 v3, $0x2  }
0x287: {  	vm1 =	vlt.u32 v1, $0x2000;
	v1 =	vand.u32 $0x5F, v49;
	v3 =	vand.u32 $0x7E00, v3  }
0x288: {  	v1 =	vor.u32 v1, v3;
	v50 =	vld.idx.msk [tilespmem:v2+s0+$0x0], $0xffff  }
0x289: {  	v3 =	vor.u32 $0x80, v2;
	_ =	sdelay $0x3  }
0x28a: {  	[tilespmem:v1+s15+$0x0] =	vst.idx.msk vm1, v50  }
0x28b: {  	v51 =	vor.u32 $0x80, v1;
	v3 =	vld.idx.msk [tilespmem:v3+s0+$0x0], $0xffff  }
0x28c: {  	v52 =	vor.u32 $0x100, v2;
	_ =	sdelay $0x3  }
0x28d: {  	[tilespmem:v51+s15+$0x0] =	vst.idx.msk vm1, v3  }
0x28e: {  	v53 =	vor.u32 $0x100, v1;
	v3 =	vld.idx.msk [tilespmem:v52+s0+$0x0], $0xffff  }
0x28f: {  	v2 =	vor.u32 $0x180, v2;
	_ =	sdelay $0x3  }
0x290: {  	[tilespmem:v53+s15+$0x0] =	vst.idx.msk vm1, v3  }
0x291: {  	v1 =	vor.u32 $0x180, v1;
	v2 =	vld.idx.msk [tilespmem:v2+s0+$0x0], $0xffff;
	_ =	sdelay $0x4  }
0x292: {  	[tilespmem:v1+s15+$0x0] =	vst.idx.msk vm1, v2  }
0x293: {  	v1 =	vld [tilespmem:s8+$0xFFFFFFF0];
	_ =	sdelay $0x4  }
0x294: {  	vm1 =	vgt.s32 v1, $0x0  }
0x295: {  	v2 =	vnsel vm1, $0x0, v1  }
0x296: {  	v2 =	vmin.u32 v2, $0x1FFF  }
0x297: {  	v3 =	vshll.u32 v2, $0x2  }
0x298: {  	v2 =	vand.u32 $0x7F, v2;
	v3 =	vand.u32 $0x7E00, v3  }
0x299: {  	v2 =	vor.u32 v2, v3  }
0x29a: {  	s12 =	sadd.s32 $0xDA0, s21  }
0x29b: {  	v3 =	vmov s12  }
0x29c: {  	v54 =	vor.u32 s12, v0;
	v3 =	vshll.u32 v3, $0x2  }
0x29d: {  	vm1 =	vlt.u32 v1, $0x2000;
	v1 =	vand.u32 $0x6F, v54;
	v55 =	vand.u32 $0x7E00, v3  }
0x29e: {  	v4 =	vor.u32 v1, v55;
	v56 =	vld.idx.msk [tilespmem:v2+s0+$0x0], $0xffff  }
0x29f: {  	v57 =	vor.u32 $0x80, v2;
	_ =	sdelay $0x3  }
0x2a0: {  	[tilespmem:v4+s15+$0x0] =	vst.idx.msk vm1, v56  }
0x2a1: {  	v58 =	vor.u32 $0x80, v4;
	v5 =	vld.idx.msk [tilespmem:v57+s0+$0x0], $0xffff  }
0x2a2: {  	v7 =	vor.u32 $0x100, v2;
	_ =	sdelay $0x3  }
0x2a3: {  	[tilespmem:v58+s15+$0x0] =	vst.idx.msk vm1, v5  }
0x2a4: {  	v4 =	vor.u32 $0x100, v4;
	v5 =	vld.idx.msk [tilespmem:v7+s0+$0x0], $0xffff  }
0x2a5: {  	v2 =	vor.u32 $0x180, v2;
	_ =	sdelay $0x3  }
0x2a6: {  	v1 =	vor.u32 v1, v3;
	[tilespmem:v4+s15+$0x0] =	vst.idx.msk vm1, v5  }
0x2a7: {  	v1 =	vor.u32 $0x180, v1;
	v2 =	vld.idx.msk [tilespmem:v2+s0+$0x0], $0xffff;
	_ =	sdelay $0x4  }
0x2a8: {  	[tilespmem:v1+s15+$0x0] =	vst.idx.msk vm1, v2  }
0x2a9: {  	v1 =	vld [tilespmem:s8+$0x0];
	_ =	sdelay $0x4  }
0x2aa: {  	vm1 =	vgt.s32 v1, $0x0  }
0x2ab: {  	v2 =	vnsel vm1, $0x0, v1  }
0x2ac: {  	v2 =	vmin.u32 v2, $0x1FFF  }
0x2ad: {  	v3 =	vshll.u32 v2, $0x2  }
0x2ae: {  	v2 =	vand.u32 $0x7F, v2;
	v3 =	vand.u32 $0x7E00, v3  }
0x2af: {  	v2 =	vor.u32 v2, v3  }
0x2b0: {  	s14 =	sadd.s32 $0xDB0, s21  }
0x2b1: {  	v3 =	vmov s14  }
0x2b2: {  	v59 =	vor.u32 s14, v0;
	v3 =	vshll.u32 v3, $0x2  }
0x2b3: {  	vm1 =	vlt.u32 v1, $0x2000;
	v1 =	vand.u32 $0x7F, v59;
	v3 =	vand.u32 $0x7E00, v3  }
0x2b4: {  	v1 =	vor.u32 v1, v3;
	v60 =	vld.idx.msk [tilespmem:v2+s0+$0x0], $0xffff  }
0x2b5: {  	v3 =	vor.u32 $0x80, v2;
	_ =	sdelay $0x3  }
0x2b6: {  	[tilespmem:v1+s15+$0x0] =	vst.idx.msk vm1, v60  }
0x2b7: {  	v61 =	vor.u32 $0x80, v1;
	v3 =	vld.idx.msk [tilespmem:v3+s0+$0x0], $0xffff  }
0x2b8: {  	v62 =	vor.u32 $0x100, v2;
	_ =	sdelay $0x3  }
0x2b9: {  	[tilespmem:v61+s15+$0x0] =	vst.idx.msk vm1, v3  }
0x2ba: {  	v63 =	vor.u32 $0x100, v1;
	v3 =	vld.idx.msk [tilespmem:v62+s0+$0x0], $0xffff  }
0x2bb: {  	v2 =	vor.u32 $0x180, v2;
	_ =	sdelay $0x3  }
0x2bc: {  	[tilespmem:v63+s15+$0x0] =	vst.idx.msk vm1, v3  }
0x2bd: {  	p0 =	sne.s32 s21, $0x240;
	v1 =	vor.u32 $0x180, v1;
	v2 =	vld.idx.msk [tilespmem:v2+s0+$0x0], $0xffff  }
.Ltmp5:
0x2be: {  	_ = 	snop;
	(pc) =	sbr.rel @p0 .LBB2_12-.Ltmp5, $2  }
0x2bf: {  	_ =	sdelay $0x2  }
0x2c0: {  	s21 =	sadd.s32 $0x40, s21;
	s8 =	sadd.s32 $0x40, s8;
	[tilespmem:v1+s15+$0x0] =	vst.idx.msk vm1, v2  }
0x2c1: {  	s8 =	sld [smem:$0x7FC];
	_ =	sdelay $0x2  }
0x2c2: {  	[tilespmem:s0], [sflag:$0x3] =	stream.linear.gather [hbm4b:s8+s1], $0x8000, $0x38;
	[tilespmem:$0x1F080] =	vst v63  }
0x2c3: {  	_ =	swait.ge [sflag:s5], $0x4000  }
0x2c4: {  	[sflag:s5] =	ssyncset.done $0x0  }
0x2c5: {  	s12 =	rddreg [dreg:$0x18];
	[sflag:s5] =	ssyncadd.s32 $0xFFFFC000  }
0x2c6: {  	[hbm4b:s12+s1] =	stream.linear.scatter [tilespmem:s28], [sflag:$0x2], $0x4000, $0x38;
	[tilespmem:$0x1F080] =	vst v63  }
0x2c7: {  	_ =	swait.ge [sflag:s3], $0x4000  }
0x2c8: {  	[sflag:s3] =	ssyncset.done $0x0  }
0x2c9: {  	[sflag:s3] =	ssyncadd.s32 $0xFFFFC000  }
0x2ca: {  	v1 =	vld.msk [tilespmem:s24+$0x0], $0xff;
	_ =	sdelay $0x4  }
0x2cb: {  	v1 =	vshll.u32 v1, $0xB  }
0x2cc: {  	v1 =	vperm.xlane v1, v0;
	_ =	sdelay $0x5  }
0x2cd: {  	[tilespmem:s13], [sflag:$0x1] =	stream.indirect_vreg.gather [hbm4b:s7+s1], $0x800, v1, vm0, $0x38;
	[tilespmem:$0x1F080] =	vst v63  }
0x2ce: {  	_ =	swait.ge [sflag:s5], $0x4000  }
0x2cf: {  	[sflag:s5] =	ssyncset.done $0x0  }
0x2d0: {  	s14 =	rddreg [dreg:$0x19];
	[sflag:s5] =	ssyncadd.s32 $0xFFFFC000  }
0x2d1: {  	[hbm4b:s14+s1] =	stream.linear.scatter [tilespmem:s11], [sflag:$0x2], $0x4000, $0x38;
	[tilespmem:$0x1F080] =	vst v63  }
0x2d2: {  	_ =	swait.ge [sflag:s3], $0x4000  }
0x2d3: {  	[sflag:s3] =	ssyncset.done $0x0  }
0x2d4: {  	[sflag:s3] =	ssyncadd.s32 $0xFFFFC000  }
0x2d5: {  	v1 =	vld.msk [tilespmem:s26+$0x0], $0xff;
	_ =	sdelay $0x4  }
0x2d6: {  	v1 =	vshll.u32 v1, $0xB  }
0x2d7: {  	v1 =	vperm.xlane v1, v0;
	_ =	sdelay $0x5  }
0x2d8: {  	[tilespmem:s25], [sflag:$0x1] =	stream.indirect_vreg.gather [hbm4b:s7+s1], $0x800, v1, vm0, $0x38;
	[tilespmem:$0x1F080] =	vst v63  }
0x2d9: {  	_ =	swait.ge [sflag:s5], $0x4000  }
0x2da: {  	[sflag:s5] =	ssyncset.done $0x0  }
0x2db: {  	s21 =	rddreg [dreg:$0x1a];
	[sflag:s5] =	ssyncadd.s32 $0xFFFFC000  }
0x2dc: {  	[hbm4b:s21+s1] =	stream.linear.scatter [tilespmem:s13], [sflag:$0x2], $0x4000, $0x38;
	[tilespmem:$0x1F080] =	vst v63  }
0x2dd: {  	_ =	swait.ge [sflag:s3], $0x4000  }
0x2de: {  	[sflag:s3] =	ssyncset.done $0x0  }
0x2df: {  	[sflag:s3] =	ssyncadd.s32 $0xFFFFC000  }
0x2e0: {  	v1 =	vld.msk [tilespmem:s29+$0x0], $0xff;
	_ =	sdelay $0x4  }
0x2e1: {  	v1 =	vshll.u32 v1, $0xB  }
0x2e2: {  	v1 =	vperm.xlane v1, v0;
	_ =	sdelay $0x5  }
0x2e3: {  	[tilespmem:s28], [sflag:$0x1] =	stream.indirect_vreg.gather [hbm4b:s7+s1], $0x800, v1, vm0, $0x38;
	[tilespmem:$0x1F080] =	vst v63  }
0x2e4: {  	_ =	swait.ge [sflag:s4], $0x8000  }
0x2e5: {  	[sflag:s4] =	ssyncset.done $0x0  }
0x2e6: {  	s8 =	simm.s32 $0x30;
	s21 =	simm.s32 $0x20;
	[sflag:s4] =	ssyncadd.s32 $0xFFFF8000  }
.LBB2_14:
0x2e7: {  	v1 =	vld [tilespmem:s21+$0xFFFFFFE0];
	_ =	sdelay $0x4  }
0x2e8: {  	v2 =	vadd.s32 $0xFFFFE000, v1  }
0x2e9: {  	vm1 =	vgt.s32 v2, $0x0  }
0x2ea: {  	v2 =	vnsel vm1, $0x0, v2  }
0x2eb: {  	v2 =	vmin.u32 v2, $0x1FFF  }
0x2ec: {  	v3 =	vshll.u32 v2, $0x2  }
0x2ed: {  	v2 =	vand.u32 $0x7F, v2;
	v3 =	vand.u32 $0x7E00, v3  }
0x2ee: {  	v2 =	vor.u32 v2, v3  }
0x2ef: {  	s10 =	sadd.s32 $0xFFFFFFD0, s8  }
0x2f0: {  	v3 =	vmov s10  }
0x2f1: {  	v4 =	vor.u32 s10, v0;
	v1 =	vand.u32 $0xFFFFE000, v1;
	v3 =	vshll.u32 v3, $0x2  }
0x2f2: {  	vm1 =	veq.s32 v1, $0x2000;
	v1 =	vand.u32 $0x4F, v4;
	v46 =	vand.u32 $0xE00, v3  }
0x2f3: {  	v4 =	vor.u32 v1, v46;
	v5 =	vld.idx.msk [tilespmem:v2+s0+$0x0], $0xffff  }
0x2f4: {  	v6 =	vor.u32 $0x80, v2;
	_ =	sdelay $0x3  }
0x2f5: {  	[tilespmem:v4+s15+$0x0] =	vst.idx.msk vm1, v5  }
0x2f6: {  	v4 =	vor.u32 $0x80, v4;
	v5 =	vld.idx.msk [tilespmem:v6+s0+$0x0], $0xffff  }
0x2f7: {  	v47 =	vor.u32 $0x100, v2;
	_ =	sdelay $0x3  }
0x2f8: {  	v1 =	vor.u32 v3, v1;
	[tilespmem:v4+s15+$0x0] =	vst.idx.msk vm1, v5  }
0x2f9: {  	v48 =	vor.u32 $0x100, v1;
	v3 =	vld.idx.msk [tilespmem:v47+s0+$0x0], $0xffff  }
0x2fa: {  	v2 =	vor.u32 $0x180, v2;
	_ =	sdelay $0x3  }
0x2fb: {  	[tilespmem:v48+s15+$0x0] =	vst.idx.msk vm1, v3  }
0x2fc: {  	v1 =	vor.u32 $0x180, v1;
	v2 =	vld.idx.msk [tilespmem:v2+s0+$0x0], $0xffff;
	_ =	sdelay $0x4  }
0x2fd: {  	[tilespmem:v1+s15+$0x0] =	vst.idx.msk vm1, v2  }
0x2fe: {  	v1 =	vld [tilespmem:s21+$0xFFFFFFF0];
	_ =	sdelay $0x4  }
0x2ff: {  	v2 =	vadd.s32 $0xFFFFE000, v1  }
0x300: {  	vm1 =	vgt.s32 v2, $0x0  }
0x301: {  	v2 =	vnsel vm1, $0x0, v2  }
0x302: {  	v2 =	vmin.u32 v2, $0x1FFF  }
0x303: {  	v3 =	vshll.u32 v2, $0x2  }
0x304: {  	v2 =	vand.u32 $0x7F, v2;
	v3 =	vand.u32 $0x7E00, v3  }
0x305: {  	v2 =	vor.u32 v2, v3  }
0x306: {  	s12 =	sadd.s32 $0xFFFFFFE0, s8  }
0x307: {  	v3 =	vmov s12  }
0x308: {  	v49 =	vor.u32 s12, v0;
	v1 =	vand.u32 $0xFFFFE000, v1;
	v3 =	vshll.u32 v3, $0x2  }
0x309: {  	vm1 =	veq.s32 v1, $0x2000;
	v1 =	vand.u32 $0x5F, v49;
	v3 =	vand.u32 $0xE00, v3  }
0x30a: {  	v1 =	vor.u32 v1, v3;
	v50 =	vld.idx.msk [tilespmem:v2+s0+$0x0], $0xffff  }
0x30b: {  	v3 =	vor.u32 $0x80, v2;
	_ =	sdelay $0x3  }
0x30c: {  	[tilespmem:v1+s15+$0x0] =	vst.idx.msk vm1, v50  }
0x30d: {  	v51 =	vor.u32 $0x80, v1;
	v3 =	vld.idx.msk [tilespmem:v3+s0+$0x0], $0xffff  }
0x30e: {  	v52 =	vor.u32 $0x100, v2;
	_ =	sdelay $0x3  }
0x30f: {  	[tilespmem:v51+s15+$0x0] =	vst.idx.msk vm1, v3  }
0x310: {  	v53 =	vor.u32 $0x100, v1;
	v3 =	vld.idx.msk [tilespmem:v52+s0+$0x0], $0xffff  }
0x311: {  	v2 =	vor.u32 $0x180, v2;
	_ =	sdelay $0x3  }
0x312: {  	[tilespmem:v53+s15+$0x0] =	vst.idx.msk vm1, v3  }
0x313: {  	v1 =	vor.u32 $0x180, v1;
	v2 =	vld.idx.msk [tilespmem:v2+s0+$0x0], $0xffff;
	_ =	sdelay $0x4  }
0x314: {  	[tilespmem:v1+s15+$0x0] =	vst.idx.msk vm1, v2  }
0x315: {  	v1 =	vld [tilespmem:s21+$0x0];
	_ =	sdelay $0x4  }
0x316: {  	v2 =	vadd.s32 $0xFFFFE000, v1  }
0x317: {  	vm1 =	vgt.s32 v2, $0x0  }
0x318: {  	v2 =	vnsel vm1, $0x0, v2  }
0x319: {  	v2 =	vmin.u32 v2, $0x1FFF  }
0x31a: {  	v3 =	vshll.u32 v2, $0x2  }
0x31b: {  	v2 =	vand.u32 $0x7F, v2;
	v3 =	vand.u32 $0x7E00, v3  }
0x31c: {  	v2 =	vor.u32 v2, v3  }
0x31d: {  	s14 =	sadd.s32 $0xFFFFFFF0, s8  }
0x31e: {  	v3 =	vmov s14  }
0x31f: {  	v54 =	vor.u32 s14, v0;
	v1 =	vand.u32 $0xFFFFE000, v1;
	v3 =	vshll.u32 v3, $0x2  }
0x320: {  	vm1 =	veq.s32 v1, $0x2000;
	v1 =	vand.u32 $0x6F, v54;
	v55 =	vand.u32 $0xE00, v3  }
0x321: {  	v4 =	vor.u32 v1, v55;
	v56 =	vld.idx.msk [tilespmem:v2+s0+$0x0], $0xffff  }
0x322: {  	v57 =	vor.u32 $0x80, v2;
	_ =	sdelay $0x3  }
0x323: {  	[tilespmem:v4+s15+$0x0] =	vst.idx.msk vm1, v56  }
0x324: {  	v58 =	vor.u32 $0x80, v4;
	v5 =	vld.idx.msk [tilespmem:v57+s0+$0x0], $0xffff  }
0x325: {  	v7 =	vor.u32 $0x100, v2;
	_ =	sdelay $0x3  }
0x326: {  	[tilespmem:v58+s15+$0x0] =	vst.idx.msk vm1, v5  }
0x327: {  	v4 =	vor.u32 $0x100, v4;
	v5 =	vld.idx.msk [tilespmem:v7+s0+$0x0], $0xffff  }
0x328: {  	v2 =	vor.u32 $0x180, v2;
	_ =	sdelay $0x3  }
0x329: {  	v1 =	vor.u32 v1, v3;
	[tilespmem:v4+s15+$0x0] =	vst.idx.msk vm1, v5  }
0x32a: {  	v1 =	vor.u32 $0x180, v1;
	v2 =	vld.idx.msk [tilespmem:v2+s0+$0x0], $0xffff;
	_ =	sdelay $0x4  }
0x32b: {  	[tilespmem:v1+s15+$0x0] =	vst.idx.msk vm1, v2  }
0x32c: {  	v1 =	vld [tilespmem:s21+$0x10];
	_ =	sdelay $0x4  }
0x32d: {  	v2 =	vadd.s32 $0xFFFFE000, v1  }
0x32e: {  	vm1 =	vgt.s32 v2, $0x0  }
0x32f: {  	v2 =	vnsel vm1, $0x0, v2  }
0x330: {  	v2 =	vmin.u32 v2, $0x1FFF  }
0x331: {  	v3 =	vshll.u32 v2, $0x2  }
0x332: {  	v2 =	vand.u32 $0x7F, v2;
	v3 =	vand.u32 $0x7E00, v3  }
0x333: {  	v2 =	vor.u32 v2, v3;
	_ =	sdelay $0x1  }
0x334: {  	v3 =	vmov s8  }
0x335: {  	v59 =	vor.u32 s8, v0;
	v1 =	vand.u32 $0xFFFFE000, v1;
	v3 =	vshll.u32 v3, $0x2  }
0x336: {  	vm1 =	veq.s32 v1, $0x2000;
	v1 =	vand.u32 $0x7F, v59;
	v3 =	vand.u32 $0xE00, v3  }
0x337: {  	v1 =	vor.u32 v1, v3;
	v60 =	vld.idx.msk [tilespmem:v2+s0+$0x0], $0xffff  }
0x338: {  	v3 =	vor.u32 $0x80, v2;
	_ =	sdelay $0x3  }
0x339: {  	[tilespmem:v1+s15+$0x0] =	vst.idx.msk vm1, v60  }
0x33a: {  	v61 =	vor.u32 $0x80, v1;
	v3 =	vld.idx.msk [tilespmem:v3+s0+$0x0], $0xffff  }
0x33b: {  	v62 =	vor.u32 $0x100, v2;
	_ =	sdelay $0x3  }
0x33c: {  	[tilespmem:v61+s15+$0x0] =	vst.idx.msk vm1, v3  }
0x33d: {  	v63 =	vor.u32 $0x100, v1;
	v3 =	vld.idx.msk [tilespmem:v62+s0+$0x0], $0xffff  }
0x33e: {  	v2 =	vor.u32 $0x180, v2;
	_ =	sdelay $0x3  }
0x33f: {  	[tilespmem:v63+s15+$0x0] =	vst.idx.msk vm1, v3  }
0x340: {  	p0 =	sne.s32 s8, $0x330;
	v1 =	vor.u32 $0x180, v1;
	v2 =	vld.idx.msk [tilespmem:v2+s0+$0x0], $0xffff  }
.Ltmp6:
0x341: {  	_ = 	snop;
	(pc) =	sbr.rel @p0 .LBB2_14-.Ltmp6, $2  }
0x342: {  	_ =	sdelay $0x2  }
0x343: {  	s21 =	sadd.s32 $0x40, s21;
	s8 =	sadd.s32 $0x40, s8;
	[tilespmem:v1+s15+$0x0] =	vst.idx.msk vm1, v2  }
0x344: {  	_ =	swait.ge [sflag:s5], $0x4000  }
0x345: {  	[sflag:s5] =	ssyncset.done $0x0  }
0x346: {  	s8 =	rddreg [dreg:$0x1b];
	[sflag:s5] =	ssyncadd.s32 $0xFFFFC000  }
0x347: {  	[hbm4b:s8+s1] =	stream.linear.scatter [tilespmem:s25], [sflag:$0x2], $0x4000, $0x38;
	[tilespmem:$0x1F080] =	vst v63  }
0x348: {  	_ =	swait.ge [sflag:s3], $0x4000  }
0x349: {  	[sflag:s3] =	ssyncset.done $0x0  }
0x34a: {  	[sflag:s3] =	ssyncadd.s32 $0xFFFFC000  }
0x34b: {  	v1 =	vld.msk [tilespmem:s31+$0x0], $0xff;
	_ =	sdelay $0x4  }
0x34c: {  	v1 =	vshll.u32 v1, $0xB  }
0x34d: {  	v1 =	vperm.xlane v1, v0;
	_ =	sdelay $0x4  }
0x34e: {  	s21 =	simm.s32 $0x370;
	s8 =	simm.s32 $0x340  }
0x34f: {  	[tilespmem:s11], [sflag:$0x1] =	stream.indirect_vreg.gather [hbm4b:s7+s1], $0x800, v1, vm0, $0x38;
	[tilespmem:$0x1F080] =	vst v63  }
.LBB2_16:
0x350: {  	v1 =	vld [tilespmem:s21+$0xFFFFFFD0];
	_ =	sdelay $0x4  }
0x351: {  	v2 =	vadd.s32 $0xFFFFE000, v1  }
0x352: {  	vm1 =	vgt.s32 v2, $0x0  }
0x353: {  	v2 =	vnsel vm1, $0x0, v2  }
0x354: {  	v2 =	vmin.u32 v2, $0x1FFF  }
0x355: {  	v3 =	vshll.u32 v2, $0x2  }
0x356: {  	v2 =	vand.u32 $0x7F, v2;
	v3 =	vand.u32 $0x7E00, v3  }
0x357: {  	v2 =	vor.u32 v2, v3;
	_ =	sdelay $0x1  }
0x358: {  	v3 =	vmov s8  }
0x359: {  	v4 =	vor.u32 s8, v0;
	v1 =	vand.u32 $0xFFFFE000, v1;
	v3 =	vshll.u32 v3, $0x2  }
0x35a: {  	vm1 =	veq.s32 v1, $0x2000;
	v1 =	vand.u32 $0x4F, v4;
	v46 =	vand.u32 $0x1E00, v3  }
0x35b: {  	v4 =	vor.u32 v1, v46;
	v5 =	vld.idx.msk [tilespmem:v2+s0+$0x0], $0xffff  }
0x35c: {  	v6 =	vor.u32 $0x80, v2;
	_ =	sdelay $0x3  }
0x35d: {  	[tilespmem:v4+s15+$0x0] =	vst.idx.msk vm1, v5  }
0x35e: {  	v4 =	vor.u32 $0x80, v4;
	v5 =	vld.idx.msk [tilespmem:v6+s0+$0x0], $0xffff  }
0x35f: {  	v47 =	vor.u32 $0x100, v2;
	_ =	sdelay $0x3  }
0x360: {  	v1 =	vor.u32 v3, v1;
	[tilespmem:v4+s15+$0x0] =	vst.idx.msk vm1, v5  }
0x361: {  	v48 =	vor.u32 $0x100, v1;
	v3 =	vld.idx.msk [tilespmem:v47+s0+$0x0], $0xffff  }
0x362: {  	v2 =	vor.u32 $0x180, v2;
	_ =	sdelay $0x3  }
0x363: {  	[tilespmem:v48+s15+$0x0] =	vst.idx.msk vm1, v3  }
0x364: {  	v1 =	vor.u32 $0x180, v1;
	v2 =	vld.idx.msk [tilespmem:v2+s0+$0x0], $0xffff;
	_ =	sdelay $0x4  }
0x365: {  	[tilespmem:v1+s15+$0x0] =	vst.idx.msk vm1, v2  }
0x366: {  	v1 =	vld [tilespmem:s21+$0xFFFFFFE0];
	_ =	sdelay $0x4  }
0x367: {  	v2 =	vadd.s32 $0xFFFFE000, v1  }
0x368: {  	vm1 =	vgt.s32 v2, $0x0  }
0x369: {  	v2 =	vnsel vm1, $0x0, v2  }
0x36a: {  	v2 =	vmin.u32 v2, $0x1FFF  }
0x36b: {  	v3 =	vshll.u32 v2, $0x2  }
0x36c: {  	v2 =	vand.u32 $0x7F, v2;
	v3 =	vand.u32 $0x7E00, v3  }
0x36d: {  	v2 =	vor.u32 v2, v3  }
0x36e: {  	s10 =	sadd.s32 $0x10, s8  }
0x36f: {  	v3 =	vmov s10  }
0x370: {  	v49 =	vor.u32 s10, v0;
	v1 =	vand.u32 $0xFFFFE000, v1;
	v3 =	vshll.u32 v3, $0x2  }
0x371: {  	vm1 =	veq.s32 v1, $0x2000;
	v1 =	vand.u32 $0x5F, v49;
	v3 =	vand.u32 $0x1E00, v3  }
0x372: {  	v1 =	vor.u32 v1, v3;
	v50 =	vld.idx.msk [tilespmem:v2+s0+$0x0], $0xffff  }
0x373: {  	v3 =	vor.u32 $0x80, v2;
	_ =	sdelay $0x3  }
0x374: {  	[tilespmem:v1+s15+$0x0] =	vst.idx.msk vm1, v50  }
0x375: {  	v51 =	vor.u32 $0x80, v1;
	v3 =	vld.idx.msk [tilespmem:v3+s0+$0x0], $0xffff  }
0x376: {  	v52 =	vor.u32 $0x100, v2;
	_ =	sdelay $0x3  }
0x377: {  	[tilespmem:v51+s15+$0x0] =	vst.idx.msk vm1, v3  }
0x378: {  	v53 =	vor.u32 $0x100, v1;
	v3 =	vld.idx.msk [tilespmem:v52+s0+$0x0], $0xffff  }
0x379: {  	v2 =	vor.u32 $0x180, v2;
	_ =	sdelay $0x3  }
0x37a: {  	[tilespmem:v53+s15+$0x0] =	vst.idx.msk vm1, v3  }
0x37b: {  	v1 =	vor.u32 $0x180, v1;
	v2 =	vld.idx.msk [tilespmem:v2+s0+$0x0], $0xffff;
	_ =	sdelay $0x4  }
0x37c: {  	[tilespmem:v1+s15+$0x0] =	vst.idx.msk vm1, v2  }
0x37d: {  	v1 =	vld [tilespmem:s21+$0xFFFFFFF0];
	_ =	sdelay $0x4  }
0x37e: {  	v2 =	vadd.s32 $0xFFFFE000, v1  }
0x37f: {  	vm1 =	vgt.s32 v2, $0x0  }
0x380: {  	v2 =	vnsel vm1, $0x0, v2  }
0x381: {  	v2 =	vmin.u32 v2, $0x1FFF  }
0x382: {  	v3 =	vshll.u32 v2, $0x2  }
0x383: {  	v2 =	vand.u32 $0x7F, v2;
	v3 =	vand.u32 $0x7E00, v3  }
0x384: {  	v2 =	vor.u32 v2, v3  }
0x385: {  	s12 =	sadd.s32 $0x20, s8  }
0x386: {  	v3 =	vmov s12  }
0x387: {  	v54 =	vor.u32 s12, v0;
	v1 =	vand.u32 $0xFFFFE000, v1;
	v3 =	vshll.u32 v3, $0x2  }
0x388: {  	vm1 =	veq.s32 v1, $0x2000;
	v1 =	vand.u32 $0x6F, v54;
	v55 =	vand.u32 $0x1E00, v3  }
0x389: {  	v4 =	vor.u32 v1, v55;
	v56 =	vld.idx.msk [tilespmem:v2+s0+$0x0], $0xffff  }
0x38a: {  	v57 =	vor.u32 $0x80, v2;
	_ =	sdelay $0x3  }
0x38b: {  	[tilespmem:v4+s15+$0x0] =	vst.idx.msk vm1, v56  }
0x38c: {  	v58 =	vor.u32 $0x80, v4;
	v5 =	vld.idx.msk [tilespmem:v57+s0+$0x0], $0xffff  }
0x38d: {  	v7 =	vor.u32 $0x100, v2;
	_ =	sdelay $0x3  }
0x38e: {  	[tilespmem:v58+s15+$0x0] =	vst.idx.msk vm1, v5  }
0x38f: {  	v4 =	vor.u32 $0x100, v4;
	v5 =	vld.idx.msk [tilespmem:v7+s0+$0x0], $0xffff  }
0x390: {  	v2 =	vor.u32 $0x180, v2;
	_ =	sdelay $0x3  }
0x391: {  	v1 =	vor.u32 v1, v3;
	[tilespmem:v4+s15+$0x0] =	vst.idx.msk vm1, v5  }
0x392: {  	v1 =	vor.u32 $0x180, v1;
	v2 =	vld.idx.msk [tilespmem:v2+s0+$0x0], $0xffff;
	_ =	sdelay $0x4  }
0x393: {  	[tilespmem:v1+s15+$0x0] =	vst.idx.msk vm1, v2  }
0x394: {  	v1 =	vld [tilespmem:s21+$0x0];
	_ =	sdelay $0x4  }
0x395: {  	v2 =	vadd.s32 $0xFFFFE000, v1  }
0x396: {  	vm1 =	vgt.s32 v2, $0x0  }
0x397: {  	v2 =	vnsel vm1, $0x0, v2  }
0x398: {  	v2 =	vmin.u32 v2, $0x1FFF  }
0x399: {  	v3 =	vshll.u32 v2, $0x2  }
0x39a: {  	v2 =	vand.u32 $0x7F, v2;
	v3 =	vand.u32 $0x7E00, v3  }
0x39b: {  	v2 =	vor.u32 v2, v3  }
0x39c: {  	s14 =	sadd.s32 $0x30, s8  }
0x39d: {  	v3 =	vmov s14  }
0x39e: {  	v59 =	vor.u32 s14, v0;
	v1 =	vand.u32 $0xFFFFE000, v1;
	v3 =	vshll.u32 v3, $0x2  }
0x39f: {  	vm1 =	veq.s32 v1, $0x2000;
	v1 =	vand.u32 $0x7F, v59;
	v3 =	vand.u32 $0x1E00, v3  }
0x3a0: {  	v1 =	vor.u32 v1, v3;
	v60 =	vld.idx.msk [tilespmem:v2+s0+$0x0], $0xffff  }
0x3a1: {  	v3 =	vor.u32 $0x80, v2;
	_ =	sdelay $0x3  }
0x3a2: {  	[tilespmem:v1+s15+$0x0] =	vst.idx.msk vm1, v60  }
0x3a3: {  	v61 =	vor.u32 $0x80, v1;
	v3 =	vld.idx.msk [tilespmem:v3+s0+$0x0], $0xffff  }
0x3a4: {  	v62 =	vor.u32 $0x100, v2;
	_ =	sdelay $0x3  }
0x3a5: {  	[tilespmem:v61+s15+$0x0] =	vst.idx.msk vm1, v3  }
0x3a6: {  	v63 =	vor.u32 $0x100, v1;
	v3 =	vld.idx.msk [tilespmem:v62+s0+$0x0], $0xffff  }
0x3a7: {  	v2 =	vor.u32 $0x180, v2;
	_ =	sdelay $0x3  }
0x3a8: {  	[tilespmem:v63+s15+$0x0] =	vst.idx.msk vm1, v3  }
0x3a9: {  	p0 =	sne.s32 s8, $0x640;
	v1 =	vor.u32 $0x180, v1;
	v2 =	vld.idx.msk [tilespmem:v2+s0+$0x0], $0xffff  }
.Ltmp7:
0x3aa: {  	_ = 	snop;
	(pc) =	sbr.rel @p0 .LBB2_16-.Ltmp7, $2  }
0x3ab: {  	_ =	sdelay $0x2  }
0x3ac: {  	s8 =	sadd.s32 $0x40, s8;
	s21 =	sadd.s32 $0x40, s21;
	[tilespmem:v1+s15+$0x0] =	vst.idx.msk vm1, v2  }
0x3ad: {  	_ =	swait.ge [sflag:s5], $0x4000  }
0x3ae: {  	[sflag:s5] =	ssyncset.done $0x0  }
0x3af: {  	s21 =	simm.s32 $0x0;
	s8 =	rddreg [dreg:$0x1c];
	[sflag:s5] =	ssyncadd.s32 $0xFFFFC000  }
0x3b0: {  	[hbm4b:s8+s21] =	stream.linear.scatter [tilespmem:s28], [sflag:$0x2], $0x4000, $0x38;
	[tilespmem:$0x1F080] =	vst v63  }
0x3b1: {  	_ =	swait.ge [sflag:s3], $0x4000  }
0x3b2: {  	[sflag:s3] =	ssyncset.done $0x0  }
0x3b3: {  	[sflag:s3] =	ssyncadd.s32 $0xFFFFC000  }
0x3b4: {  	v1 =	vld.msk [tilespmem:s9+$0x0], $0xff;
	_ =	sdelay $0x4  }
0x3b5: {  	v1 =	vshll.u32 v1, $0xB  }
0x3b6: {  	v1 =	vperm.xlane v1, v0;
	_ =	sdelay $0x4  }
0x3b7: {  	s8 =	simm.s32 $0x6B0  }
0x3b8: {  	[tilespmem:s13], [sflag:$0x1] =	stream.indirect_vreg.gather [hbm4b:s7+s21], $0x800, v1, vm0, $0x38;
	[tilespmem:$0x1F080] =	vst v63  }
.LBB2_18:
0x3b9: {  	s10 =	sadd.s32 $0x680, s21  }
0x3ba: {  	s14 =	sand.u32 $0x40, s21;
	s12 =	sand.u32 $0xF80, s10  }
0x3bb: {  	s12 =	sor.u32 s14, s12  }
0x3bc: {  	v1 =	vld [tilespmem:s12+$0x0];
	_ =	sdelay $0x4  }
0x3bd: {  	v2 =	vadd.s32 $0xFFFFE000, v1  }
0x3be: {  	vm1 =	vgt.s32 v2, $0x0  }
0x3bf: {  	v2 =	vnsel vm1, $0x0, v2  }
0x3c0: {  	v2 =	vmin.u32 v2, $0x1FFF  }
0x3c1: {  	v3 =	vshll.u32 v2, $0x2  }
0x3c2: {  	v2 =	vand.u32 $0x7F, v2;
	v3 =	vand.u32 $0x7E00, v3  }
0x3c3: {  	v2 =	vor.u32 v2, v3;
	_ =	sdelay $0x1  }
0x3c4: {  	v3 =	vmov s10  }
0x3c5: {  	v4 =	vor.u32 s10, v0;
	v1 =	vand.u32 $0xFFFFE000, v1;
	v3 =	vshll.u32 v3, $0x2  }
0x3c6: {  	vm1 =	veq.s32 v1, $0x2000;
	v1 =	vand.u32 $0x4F, v4;
	v46 =	vand.u32 $0x3E00, v3  }
0x3c7: {  	v4 =	vor.u32 v1, v46;
	v5 =	vld.idx.msk [tilespmem:v2+s0+$0x0], $0xffff  }
0x3c8: {  	v6 =	vor.u32 $0x80, v2;
	_ =	sdelay $0x3  }
0x3c9: {  	[tilespmem:v4+s15+$0x0] =	vst.idx.msk vm1, v5  }
0x3ca: {  	v4 =	vor.u32 $0x80, v4;
	v5 =	vld.idx.msk [tilespmem:v6+s0+$0x0], $0xffff  }
0x3cb: {  	v47 =	vor.u32 $0x100, v2;
	_ =	sdelay $0x3  }
0x3cc: {  	v1 =	vor.u32 v3, v1;
	[tilespmem:v4+s15+$0x0] =	vst.idx.msk vm1, v5  }
0x3cd: {  	v48 =	vor.u32 $0x100, v1;
	v3 =	vld.idx.msk [tilespmem:v47+s0+$0x0], $0xffff  }
0x3ce: {  	v2 =	vor.u32 $0x180, v2;
	_ =	sdelay $0x3  }
0x3cf: {  	[tilespmem:v48+s15+$0x0] =	vst.idx.msk vm1, v3  }
0x3d0: {  	v1 =	vor.u32 $0x180, v1;
	v2 =	vld.idx.msk [tilespmem:v2+s0+$0x0], $0xffff;
	_ =	sdelay $0x4  }
0x3d1: {  	[tilespmem:v1+s15+$0x0] =	vst.idx.msk vm1, v2  }
0x3d2: {  	v1 =	vld [tilespmem:s8+$0xFFFFFFE0];
	_ =	sdelay $0x4  }
0x3d3: {  	v2 =	vadd.s32 $0xFFFFE000, v1  }
0x3d4: {  	vm1 =	vgt.s32 v2, $0x0  }
0x3d5: {  	v2 =	vnsel vm1, $0x0, v2  }
0x3d6: {  	v2 =	vmin.u32 v2, $0x1FFF  }
0x3d7: {  	v3 =	vshll.u32 v2, $0x2  }
0x3d8: {  	v2 =	vand.u32 $0x7F, v2;
	v3 =	vand.u32 $0x7E00, v3  }
0x3d9: {  	v2 =	vor.u32 v2, v3  }
0x3da: {  	s14 =	sadd.s32 $0x690, s21  }
0x3db: {  	v3 =	vmov s14  }
0x3dc: {  	v49 =	vor.u32 s14, v0;
	v1 =	vand.u32 $0xFFFFE000, v1;
	v3 =	vshll.u32 v3, $0x2  }
0x3dd: {  	vm1 =	veq.s32 v1, $0x2000;
	v1 =	vand.u32 $0x5F, v49;
	v3 =	vand.u32 $0x3E00, v3  }
0x3de: {  	v1 =	vor.u32 v1, v3;
	v50 =	vld.idx.msk [tilespmem:v2+s0+$0x0], $0xffff  }
0x3df: {  	v3 =	vor.u32 $0x80, v2;
	_ =	sdelay $0x3  }
0x3e0: {  	[tilespmem:v1+s15+$0x0] =	vst.idx.msk vm1, v50  }
0x3e1: {  	v51 =	vor.u32 $0x80, v1;
	v3 =	vld.idx.msk [tilespmem:v3+s0+$0x0], $0xffff  }
0x3e2: {  	v52 =	vor.u32 $0x100, v2;
	_ =	sdelay $0x3  }
0x3e3: {  	[tilespmem:v51+s15+$0x0] =	vst.idx.msk vm1, v3  }
0x3e4: {  	v53 =	vor.u32 $0x100, v1;
	v3 =	vld.idx.msk [tilespmem:v52+s0+$0x0], $0xffff  }
0x3e5: {  	v2 =	vor.u32 $0x180, v2;
	_ =	sdelay $0x3  }
0x3e6: {  	[tilespmem:v53+s15+$0x0] =	vst.idx.msk vm1, v3  }
0x3e7: {  	v1 =	vor.u32 $0x180, v1;
	v2 =	vld.idx.msk [tilespmem:v2+s0+$0x0], $0xffff;
	_ =	sdelay $0x4  }
0x3e8: {  	[tilespmem:v1+s15+$0x0] =	vst.idx.msk vm1, v2  }
0x3e9: {  	v1 =	vld [tilespmem:s8+$0xFFFFFFF0];
	_ =	sdelay $0x4  }
0x3ea: {  	v2 =	vadd.s32 $0xFFFFE000, v1  }
0x3eb: {  	vm1 =	vgt.s32 v2, $0x0  }
0x3ec: {  	v2 =	vnsel vm1, $0x0, v2  }
0x3ed: {  	v2 =	vmin.u32 v2, $0x1FFF  }
0x3ee: {  	v3 =	vshll.u32 v2, $0x2  }
0x3ef: {  	v2 =	vand.u32 $0x7F, v2;
	v3 =	vand.u32 $0x7E00, v3  }
0x3f0: {  	v2 =	vor.u32 v2, v3  }
0x3f1: {  	s12 =	sadd.s32 $0x6A0, s21  }
0x3f2: {  	v3 =	vmov s12  }
0x3f3: {  	v54 =	vor.u32 s12, v0;
	v1 =	vand.u32 $0xFFFFE000, v1;
	v3 =	vshll.u32 v3, $0x2  }
0x3f4: {  	vm1 =	veq.s32 v1, $0x2000;
	v1 =	vand.u32 $0x6F, v54;
	v55 =	vand.u32 $0x3E00, v3  }
0x3f5: {  	v4 =	vor.u32 v1, v55;
	v56 =	vld.idx.msk [tilespmem:v2+s0+$0x0], $0xffff  }
0x3f6: {  	v57 =	vor.u32 $0x80, v2;
	_ =	sdelay $0x3  }
0x3f7: {  	[tilespmem:v4+s15+$0x0] =	vst.idx.msk vm1, v56  }
0x3f8: {  	v58 =	vor.u32 $0x80, v4;
	v5 =	vld.idx.msk [tilespmem:v57+s0+$0x0], $0xffff  }
0x3f9: {  	v7 =	vor.u32 $0x100, v2;
	_ =	sdelay $0x3  }
0x3fa: {  	[tilespmem:v58+s15+$0x0] =	vst.idx.msk vm1, v5  }
0x3fb: {  	v4 =	vor.u32 $0x100, v4;
	v5 =	vld.idx.msk [tilespmem:v7+s0+$0x0], $0xffff  }
0x3fc: {  	v2 =	vor.u32 $0x180, v2;
	_ =	sdelay $0x3  }
0x3fd: {  	v1 =	vor.u32 v1, v3;
	[tilespmem:v4+s15+$0x0] =	vst.idx.msk vm1, v5  }
0x3fe: {  	v1 =	vor.u32 $0x180, v1;
	v2 =	vld.idx.msk [tilespmem:v2+s0+$0x0], $0xffff;
	_ =	sdelay $0x4  }
0x3ff: {  	[tilespmem:v1+s15+$0x0] =	vst.idx.msk vm1, v2  }
0x400: {  	v1 =	vld [tilespmem:s8+$0x0];
	_ =	sdelay $0x4  }
0x401: {  	v2 =	vadd.s32 $0xFFFFE000, v1  }
0x402: {  	vm1 =	vgt.s32 v2, $0x0  }
0x403: {  	v2 =	vnsel vm1, $0x0, v2  }
0x404: {  	v2 =	vmin.u32 v2, $0x1FFF  }
0x405: {  	v3 =	vshll.u32 v2, $0x2  }
0x406: {  	v2 =	vand.u32 $0x7F, v2;
	v3 =	vand.u32 $0x7E00, v3  }
0x407: {  	v2 =	vor.u32 v2, v3  }
0x408: {  	s14 =	sadd.s32 $0x6B0, s21  }
0x409: {  	v3 =	vmov s14  }
0x40a: {  	v59 =	vor.u32 s14, v0;
	v1 =	vand.u32 $0xFFFFE000, v1;
	v3 =	vshll.u32 v3, $0x2  }
0x40b: {  	vm1 =	veq.s32 v1, $0x2000;
	v1 =	vand.u32 $0x7F, v59;
	v3 =	vand.u32 $0x3E00, v3  }
0x40c: {  	v1 =	vor.u32 v1, v3;
	v60 =	vld.idx.msk [tilespmem:v2+s0+$0x0], $0xffff  }
0x40d: {  	v3 =	vor.u32 $0x80, v2;
	_ =	sdelay $0x3  }
0x40e: {  	[tilespmem:v1+s15+$0x0] =	vst.idx.msk vm1, v60  }
0x40f: {  	v61 =	vor.u32 $0x80, v1;
	v3 =	vld.idx.msk [tilespmem:v3+s0+$0x0], $0xffff  }
0x410: {  	v62 =	vor.u32 $0x100, v2;
	_ =	sdelay $0x3  }
0x411: {  	[tilespmem:v61+s15+$0x0] =	vst.idx.msk vm1, v3  }
0x412: {  	v63 =	vor.u32 $0x100, v1;
	v3 =	vld.idx.msk [tilespmem:v62+s0+$0x0], $0xffff  }
0x413: {  	v2 =	vor.u32 $0x180, v2;
	_ =	sdelay $0x3  }
0x414: {  	[tilespmem:v63+s15+$0x0] =	vst.idx.msk vm1, v3  }
0x415: {  	p0 =	sne.s32 s21, $0x300;
	v1 =	vor.u32 $0x180, v1;
	v2 =	vld.idx.msk [tilespmem:v2+s0+$0x0], $0xffff  }
.Ltmp8:
0x416: {  	_ = 	snop;
	(pc) =	sbr.rel @p0 .LBB2_18-.Ltmp8, $2  }
0x417: {  	_ =	sdelay $0x2  }
0x418: {  	s21 =	sadd.s32 $0x40, s21;
	s8 =	sadd.s32 $0x40, s8;
	[tilespmem:v1+s15+$0x0] =	vst.idx.msk vm1, v2  }
0x419: {  	_ =	swait.ge [sflag:s5], $0x4000  }
0x41a: {  	[sflag:s5] =	ssyncset.done $0x0  }
0x41b: {  	s8 =	rddreg [dreg:$0x1d];
	[sflag:s5] =	ssyncadd.s32 $0xFFFFC000  }
0x41c: {  	[hbm4b:s8+s1] =	stream.linear.scatter [tilespmem:s11], [sflag:$0x2], $0x4000, $0x38;
	[tilespmem:$0x1F080] =	vst v63  }
0x41d: {  	s21 =	simm.s32 $0x9F0;
	s8 =	simm.s32 $0x9C0  }
.LBB2_20:
0x41e: {  	v1 =	vld [tilespmem:s21+$0xFFFFFFD0];
	_ =	sdelay $0x4  }
0x41f: {  	v2 =	vadd.s32 $0xFFFFE000, v1  }
0x420: {  	vm1 =	vgt.s32 v2, $0x0  }
0x421: {  	v2 =	vnsel vm1, $0x0, v2  }
0x422: {  	v2 =	vmin.u32 v2, $0x1FFF  }
0x423: {  	v3 =	vshll.u32 v2, $0x2  }
0x424: {  	v2 =	vand.u32 $0x7F, v2;
	v3 =	vand.u32 $0x7E00, v3  }
0x425: {  	v2 =	vor.u32 v2, v3;
	_ =	sdelay $0x1  }
0x426: {  	v3 =	vmov s8  }
0x427: {  	v4 =	vor.u32 s8, v0;
	v1 =	vand.u32 $0xFFFFE000, v1;
	v3 =	vshll.u32 v3, $0x2  }
0x428: {  	vm1 =	veq.s32 v1, $0x2000;
	v1 =	vand.u32 $0x4F, v4;
	v46 =	vand.u32 $0x3E00, v3  }
0x429: {  	v4 =	vor.u32 v1, v46;
	v5 =	vld.idx.msk [tilespmem:v2+s0+$0x0], $0xffff  }
0x42a: {  	v6 =	vor.u32 $0x80, v2;
	_ =	sdelay $0x3  }
0x42b: {  	[tilespmem:v4+s15+$0x0] =	vst.idx.msk vm1, v5  }
0x42c: {  	v4 =	vor.u32 $0x80, v4;
	v5 =	vld.idx.msk [tilespmem:v6+s0+$0x0], $0xffff  }
0x42d: {  	v47 =	vor.u32 $0x100, v2;
	_ =	sdelay $0x3  }
0x42e: {  	v1 =	vor.u32 v3, v1;
	[tilespmem:v4+s15+$0x0] =	vst.idx.msk vm1, v5  }
0x42f: {  	v48 =	vor.u32 $0x100, v1;
	v3 =	vld.idx.msk [tilespmem:v47+s0+$0x0], $0xffff  }
0x430: {  	v2 =	vor.u32 $0x180, v2;
	_ =	sdelay $0x3  }
0x431: {  	[tilespmem:v48+s15+$0x0] =	vst.idx.msk vm1, v3  }
0x432: {  	v1 =	vor.u32 $0x180, v1;
	v2 =	vld.idx.msk [tilespmem:v2+s0+$0x0], $0xffff;
	_ =	sdelay $0x4  }
0x433: {  	[tilespmem:v1+s15+$0x0] =	vst.idx.msk vm1, v2  }
0x434: {  	v1 =	vld [tilespmem:s21+$0xFFFFFFE0];
	_ =	sdelay $0x4  }
0x435: {  	v2 =	vadd.s32 $0xFFFFE000, v1  }
0x436: {  	vm1 =	vgt.s32 v2, $0x0  }
0x437: {  	v2 =	vnsel vm1, $0x0, v2  }
0x438: {  	v2 =	vmin.u32 v2, $0x1FFF  }
0x439: {  	v3 =	vshll.u32 v2, $0x2  }
0x43a: {  	v2 =	vand.u32 $0x7F, v2;
	v3 =	vand.u32 $0x7E00, v3  }
0x43b: {  	v2 =	vor.u32 v2, v3  }
0x43c: {  	s10 =	sadd.s32 $0x10, s8  }
0x43d: {  	v3 =	vmov s10  }
0x43e: {  	v49 =	vor.u32 s10, v0;
	v1 =	vand.u32 $0xFFFFE000, v1;
	v3 =	vshll.u32 v3, $0x2  }
0x43f: {  	vm1 =	veq.s32 v1, $0x2000;
	v1 =	vand.u32 $0x5F, v49;
	v3 =	vand.u32 $0x3E00, v3  }
0x440: {  	v1 =	vor.u32 v1, v3;
	v50 =	vld.idx.msk [tilespmem:v2+s0+$0x0], $0xffff  }
0x441: {  	v3 =	vor.u32 $0x80, v2;
	_ =	sdelay $0x3  }
0x442: {  	[tilespmem:v1+s15+$0x0] =	vst.idx.msk vm1, v50  }
0x443: {  	v51 =	vor.u32 $0x80, v1;
	v3 =	vld.idx.msk [tilespmem:v3+s0+$0x0], $0xffff  }
0x444: {  	v52 =	vor.u32 $0x100, v2;
	_ =	sdelay $0x3  }
0x445: {  	[tilespmem:v51+s15+$0x0] =	vst.idx.msk vm1, v3  }
0x446: {  	v53 =	vor.u32 $0x100, v1;
	v3 =	vld.idx.msk [tilespmem:v52+s0+$0x0], $0xffff  }
0x447: {  	v2 =	vor.u32 $0x180, v2;
	_ =	sdelay $0x3  }
0x448: {  	[tilespmem:v53+s15+$0x0] =	vst.idx.msk vm1, v3  }
0x449: {  	v1 =	vor.u32 $0x180, v1;
	v2 =	vld.idx.msk [tilespmem:v2+s0+$0x0], $0xffff;
	_ =	sdelay $0x4  }
0x44a: {  	[tilespmem:v1+s15+$0x0] =	vst.idx.msk vm1, v2  }
0x44b: {  	v1 =	vld [tilespmem:s21+$0xFFFFFFF0];
	_ =	sdelay $0x4  }
0x44c: {  	v2 =	vadd.s32 $0xFFFFE000, v1  }
0x44d: {  	vm1 =	vgt.s32 v2, $0x0  }
0x44e: {  	v2 =	vnsel vm1, $0x0, v2  }
0x44f: {  	v2 =	vmin.u32 v2, $0x1FFF  }
0x450: {  	v3 =	vshll.u32 v2, $0x2  }
0x451: {  	v2 =	vand.u32 $0x7F, v2;
	v3 =	vand.u32 $0x7E00, v3  }
0x452: {  	v2 =	vor.u32 v2, v3  }
0x453: {  	s12 =	sadd.s32 $0x20, s8  }
0x454: {  	v3 =	vmov s12  }
0x455: {  	v54 =	vor.u32 s12, v0;
	v1 =	vand.u32 $0xFFFFE000, v1;
	v3 =	vshll.u32 v3, $0x2  }
0x456: {  	vm1 =	veq.s32 v1, $0x2000;
	v1 =	vand.u32 $0x6F, v54;
	v55 =	vand.u32 $0x3E00, v3  }
0x457: {  	v4 =	vor.u32 v1, v55;
	v56 =	vld.idx.msk [tilespmem:v2+s0+$0x0], $0xffff  }
0x458: {  	v57 =	vor.u32 $0x80, v2;
	_ =	sdelay $0x3  }
0x459: {  	[tilespmem:v4+s15+$0x0] =	vst.idx.msk vm1, v56  }
0x45a: {  	v58 =	vor.u32 $0x80, v4;
	v5 =	vld.idx.msk [tilespmem:v57+s0+$0x0], $0xffff  }
0x45b: {  	v7 =	vor.u32 $0x100, v2;
	_ =	sdelay $0x3  }
0x45c: {  	[tilespmem:v58+s15+$0x0] =	vst.idx.msk vm1, v5  }
0x45d: {  	v4 =	vor.u32 $0x100, v4;
	v5 =	vld.idx.msk [tilespmem:v7+s0+$0x0], $0xffff  }
0x45e: {  	v2 =	vor.u32 $0x180, v2;
	_ =	sdelay $0x3  }
0x45f: {  	v1 =	vor.u32 v1, v3;
	[tilespmem:v4+s15+$0x0] =	vst.idx.msk vm1, v5  }
0x460: {  	v1 =	vor.u32 $0x180, v1;
	v2 =	vld.idx.msk [tilespmem:v2+s0+$0x0], $0xffff;
	_ =	sdelay $0x4  }
0x461: {  	[tilespmem:v1+s15+$0x0] =	vst.idx.msk vm1, v2  }
0x462: {  	v1 =	vld [tilespmem:s21+$0x0];
	_ =	sdelay $0x4  }
0x463: {  	v2 =	vadd.s32 $0xFFFFE000, v1  }
0x464: {  	vm1 =	vgt.s32 v2, $0x0  }
0x465: {  	v2 =	vnsel vm1, $0x0, v2  }
0x466: {  	v2 =	vmin.u32 v2, $0x1FFF  }
0x467: {  	v3 =	vshll.u32 v2, $0x2  }
0x468: {  	v2 =	vand.u32 $0x7F, v2;
	v3 =	vand.u32 $0x7E00, v3  }
0x469: {  	v2 =	vor.u32 v2, v3  }
0x46a: {  	s14 =	sadd.s32 $0x30, s8  }
0x46b: {  	v3 =	vmov s14  }
0x46c: {  	v59 =	vor.u32 s14, v0;
	v1 =	vand.u32 $0xFFFFE000, v1;
	v3 =	vshll.u32 v3, $0x2  }
0x46d: {  	vm1 =	veq.s32 v1, $0x2000;
	v1 =	vand.u32 $0x7F, v59;
	v3 =	vand.u32 $0x3E00, v3  }
0x46e: {  	v1 =	vor.u32 v1, v3;
	v60 =	vld.idx.msk [tilespmem:v2+s0+$0x0], $0xffff  }
0x46f: {  	v3 =	vor.u32 $0x80, v2;
	_ =	sdelay $0x3  }
0x470: {  	[tilespmem:v1+s15+$0x0] =	vst.idx.msk vm1, v60  }
0x471: {  	v61 =	vor.u32 $0x80, v1;
	v3 =	vld.idx.msk [tilespmem:v3+s0+$0x0], $0xffff  }
0x472: {  	v62 =	vor.u32 $0x100, v2;
	_ =	sdelay $0x3  }
0x473: {  	[tilespmem:v61+s15+$0x0] =	vst.idx.msk vm1, v3  }
0x474: {  	v63 =	vor.u32 $0x100, v1;
	v3 =	vld.idx.msk [tilespmem:v62+s0+$0x0], $0xffff  }
0x475: {  	v2 =	vor.u32 $0x180, v2;
	_ =	sdelay $0x3  }
0x476: {  	[tilespmem:v63+s15+$0x0] =	vst.idx.msk vm1, v3  }
0x477: {  	p0 =	sne.s32 s8, $0xCC0;
	v1 =	vor.u32 $0x180, v1;
	v2 =	vld.idx.msk [tilespmem:v2+s0+$0x0], $0xffff  }
.Ltmp9:
0x478: {  	_ = 	snop;
	(pc) =	sbr.rel @p0 .LBB2_20-.Ltmp9, $2  }
0x479: {  	_ =	sdelay $0x2  }
0x47a: {  	s8 =	sadd.s32 $0x40, s8;
	s21 =	sadd.s32 $0x40, s21;
	[tilespmem:v1+s15+$0x0] =	vst.idx.msk vm1, v2  }
0x47b: {  	_ =	swait.ge [sflag:s5], $0x4000  }
0x47c: {  	[sflag:s5] =	ssyncset.done $0x0  }
0x47d: {  	s21 =	simm.s32 $0x0;
	s8 =	rddreg [dreg:$0x1e];
	[sflag:s5] =	ssyncadd.s32 $0xFFFFC000  }
0x47e: {  	[hbm4b:s8+s21] =	stream.linear.scatter [tilespmem:s13], [sflag:$0x2], $0x4000, $0x38;
	[tilespmem:$0x1F080] =	vst v63  }
0x47f: {  	s8 =	simm.s32 $0xD30  }
.LBB2_22:
0x480: {  	s10 =	sadd.s32 $0xD00, s21  }
0x481: {  	s14 =	sand.u32 $0x40, s21;
	s12 =	sand.u32 $0x1F80, s10  }
0x482: {  	s12 =	sor.u32 s14, s12  }
0x483: {  	v1 =	vld [tilespmem:s12+$0x0];
	_ =	sdelay $0x4  }
0x484: {  	v2 =	vadd.s32 $0xFFFFE000, v1  }
0x485: {  	vm1 =	vgt.s32 v2, $0x0  }
0x486: {  	v2 =	vnsel vm1, $0x0, v2  }
0x487: {  	v2 =	vmin.u32 v2, $0x1FFF  }
0x488: {  	v3 =	vshll.u32 v2, $0x2  }
0x489: {  	v2 =	vand.u32 $0x7F, v2;
	v3 =	vand.u32 $0x7E00, v3  }
0x48a: {  	v2 =	vor.u32 v2, v3;
	_ =	sdelay $0x1  }
0x48b: {  	v3 =	vmov s10  }
0x48c: {  	v4 =	vor.u32 s10, v0;
	v1 =	vand.u32 $0xFFFFE000, v1;
	v3 =	vshll.u32 v3, $0x2  }
0x48d: {  	vm1 =	veq.s32 v1, $0x2000;
	v1 =	vand.u32 $0x4F, v4;
	v46 =	vand.u32 $0x7E00, v3  }
0x48e: {  	v4 =	vor.u32 v1, v46;
	v5 =	vld.idx.msk [tilespmem:v2+s0+$0x0], $0xffff  }
0x48f: {  	v6 =	vor.u32 $0x80, v2;
	_ =	sdelay $0x3  }
0x490: {  	[tilespmem:v4+s15+$0x0] =	vst.idx.msk vm1, v5  }
0x491: {  	v4 =	vor.u32 $0x80, v4;
	v5 =	vld.idx.msk [tilespmem:v6+s0+$0x0], $0xffff  }
0x492: {  	v47 =	vor.u32 $0x100, v2;
	_ =	sdelay $0x3  }
0x493: {  	v1 =	vor.u32 v3, v1;
	[tilespmem:v4+s15+$0x0] =	vst.idx.msk vm1, v5  }
0x494: {  	v48 =	vor.u32 $0x100, v1;
	v3 =	vld.idx.msk [tilespmem:v47+s0+$0x0], $0xffff  }
0x495: {  	v2 =	vor.u32 $0x180, v2;
	_ =	sdelay $0x3  }
0x496: {  	[tilespmem:v48+s15+$0x0] =	vst.idx.msk vm1, v3  }
0x497: {  	v1 =	vor.u32 $0x180, v1;
	v2 =	vld.idx.msk [tilespmem:v2+s0+$0x0], $0xffff;
	_ =	sdelay $0x4  }
0x498: {  	[tilespmem:v1+s15+$0x0] =	vst.idx.msk vm1, v2  }
0x499: {  	v1 =	vld [tilespmem:s8+$0xFFFFFFE0];
	_ =	sdelay $0x4  }
0x49a: {  	v2 =	vadd.s32 $0xFFFFE000, v1  }
0x49b: {  	vm1 =	vgt.s32 v2, $0x0  }
0x49c: {  	v2 =	vnsel vm1, $0x0, v2  }
0x49d: {  	v2 =	vmin.u32 v2, $0x1FFF  }
0x49e: {  	v3 =	vshll.u32 v2, $0x2  }
0x49f: {  	v2 =	vand.u32 $0x7F, v2;
	v3 =	vand.u32 $0x7E00, v3  }
0x4a0: {  	v2 =	vor.u32 v2, v3  }
0x4a1: {  	s14 =	sadd.s32 $0xD10, s21  }
0x4a2: {  	v3 =	vmov s14  }
0x4a3: {  	v49 =	vor.u32 s14, v0;
	v1 =	vand.u32 $0xFFFFE000, v1;
	v3 =	vshll.u32 v3, $0x2  }
0x4a4: {  	vm1 =	veq.s32 v1, $0x2000;
	v1 =	vand.u32 $0x5F, v49;
	v3 =	vand.u32 $0x7E00, v3  }
0x4a5: {  	v1 =	vor.u32 v1, v3;
	v50 =	vld.idx.msk [tilespmem:v2+s0+$0x0], $0xffff  }
0x4a6: {  	v3 =	vor.u32 $0x80, v2;
	_ =	sdelay $0x3  }
0x4a7: {  	[tilespmem:v1+s15+$0x0] =	vst.idx.msk vm1, v50  }
0x4a8: {  	v51 =	vor.u32 $0x80, v1;
	v3 =	vld.idx.msk [tilespmem:v3+s0+$0x0], $0xffff  }
0x4a9: {  	v52 =	vor.u32 $0x100, v2;
	_ =	sdelay $0x3  }
0x4aa: {  	[tilespmem:v51+s15+$0x0] =	vst.idx.msk vm1, v3  }
0x4ab: {  	v53 =	vor.u32 $0x100, v1;
	v3 =	vld.idx.msk [tilespmem:v52+s0+$0x0], $0xffff  }
0x4ac: {  	v2 =	vor.u32 $0x180, v2;
	_ =	sdelay $0x3  }
0x4ad: {  	[tilespmem:v53+s15+$0x0] =	vst.idx.msk vm1, v3  }
0x4ae: {  	v1 =	vor.u32 $0x180, v1;
	v2 =	vld.idx.msk [tilespmem:v2+s0+$0x0], $0xffff;
	_ =	sdelay $0x4  }
0x4af: {  	[tilespmem:v1+s15+$0x0] =	vst.idx.msk vm1, v2  }
0x4b0: {  	v1 =	vld [tilespmem:s8+$0xFFFFFFF0];
	_ =	sdelay $0x4  }
0x4b1: {  	v2 =	vadd.s32 $0xFFFFE000, v1  }
0x4b2: {  	vm1 =	vgt.s32 v2, $0x0  }
0x4b3: {  	v2 =	vnsel vm1, $0x0, v2  }
0x4b4: {  	v2 =	vmin.u32 v2, $0x1FFF  }
0x4b5: {  	v3 =	vshll.u32 v2, $0x2  }
0x4b6: {  	v2 =	vand.u32 $0x7F, v2;
	v3 =	vand.u32 $0x7E00, v3  }
0x4b7: {  	v2 =	vor.u32 v2, v3  }
0x4b8: {  	s12 =	sadd.s32 $0xD20, s21  }
0x4b9: {  	v3 =	vmov s12  }
0x4ba: {  	v54 =	vor.u32 s12, v0;
	v1 =	vand.u32 $0xFFFFE000, v1;
	v3 =	vshll.u32 v3, $0x2  }
0x4bb: {  	vm1 =	veq.s32 v1, $0x2000;
	v1 =	vand.u32 $0x6F, v54;
	v55 =	vand.u32 $0x7E00, v3  }
0x4bc: {  	v4 =	vor.u32 v1, v55;
	v56 =	vld.idx.msk [tilespmem:v2+s0+$0x0], $0xffff  }
0x4bd: {  	v57 =	vor.u32 $0x80, v2;
	_ =	sdelay $0x3  }
0x4be: {  	[tilespmem:v4+s15+$0x0] =	vst.idx.msk vm1, v56  }
0x4bf: {  	v58 =	vor.u32 $0x80, v4;
	v5 =	vld.idx.msk [tilespmem:v57+s0+$0x0], $0xffff  }
0x4c0: {  	v7 =	vor.u32 $0x100, v2;
	_ =	sdelay $0x3  }
0x4c1: {  	[tilespmem:v58+s15+$0x0] =	vst.idx.msk vm1, v5  }
0x4c2: {  	v4 =	vor.u32 $0x100, v4;
	v5 =	vld.idx.msk [tilespmem:v7+s0+$0x0], $0xffff  }
0x4c3: {  	v2 =	vor.u32 $0x180, v2;
	_ =	sdelay $0x3  }
0x4c4: {  	v1 =	vor.u32 v1, v3;
	[tilespmem:v4+s15+$0x0] =	vst.idx.msk vm1, v5  }
0x4c5: {  	v1 =	vor.u32 $0x180, v1;
	v2 =	vld.idx.msk [tilespmem:v2+s0+$0x0], $0xffff;
	_ =	sdelay $0x4  }
0x4c6: {  	[tilespmem:v1+s15+$0x0] =	vst.idx.msk vm1, v2  }
0x4c7: {  	v1 =	vld [tilespmem:s8+$0x0];
	_ =	sdelay $0x4  }
0x4c8: {  	v2 =	vadd.s32 $0xFFFFE000, v1  }
0x4c9: {  	vm1 =	vgt.s32 v2, $0x0  }
0x4ca: {  	v2 =	vnsel vm1, $0x0, v2  }
0x4cb: {  	v2 =	vmin.u32 v2, $0x1FFF  }
0x4cc: {  	v3 =	vshll.u32 v2, $0x2  }
0x4cd: {  	v2 =	vand.u32 $0x7F, v2;
	v3 =	vand.u32 $0x7E00, v3  }
0x4ce: {  	v2 =	vor.u32 v2, v3  }
0x4cf: {  	s14 =	sadd.s32 $0xD30, s21  }
0x4d0: {  	v3 =	vmov s14  }
0x4d1: {  	v59 =	vor.u32 s14, v0;
	v1 =	vand.u32 $0xFFFFE000, v1;
	v3 =	vshll.u32 v3, $0x2  }
0x4d2: {  	vm1 =	veq.s32 v1, $0x2000;
	v1 =	vand.u32 $0x7F, v59;
	v3 =	vand.u32 $0x7E00, v3  }
0x4d3: {  	v1 =	vor.u32 v1, v3;
	v60 =	vld.idx.msk [tilespmem:v2+s0+$0x0], $0xffff  }
0x4d4: {  	v3 =	vor.u32 $0x80, v2;
	_ =	sdelay $0x3  }
0x4d5: {  	[tilespmem:v1+s15+$0x0] =	vst.idx.msk vm1, v60  }
0x4d6: {  	v61 =	vor.u32 $0x80, v1;
	v3 =	vld.idx.msk [tilespmem:v3+s0+$0x0], $0xffff  }
0x4d7: {  	v62 =	vor.u32 $0x100, v2;
	_ =	sdelay $0x3  }
0x4d8: {  	[tilespmem:v61+s15+$0x0] =	vst.idx.msk vm1, v3  }
0x4d9: {  	v63 =	vor.u32 $0x100, v1;
	v3 =	vld.idx.msk [tilespmem:v62+s0+$0x0], $0xffff  }
0x4da: {  	v2 =	vor.u32 $0x180, v2;
	_ =	sdelay $0x3  }
0x4db: {  	[tilespmem:v63+s15+$0x0] =	vst.idx.msk vm1, v3  }
0x4dc: {  	p0 =	sne.s32 s21, $0x2C0;
	v1 =	vor.u32 $0x180, v1;
	v2 =	vld.idx.msk [tilespmem:v2+s0+$0x0], $0xffff  }
.Ltmp10:
0x4dd: {  	_ = 	snop;
	(pc) =	sbr.rel @p0 .LBB2_22-.Ltmp10, $2  }
0x4de: {  	_ =	sdelay $0x2  }
0x4df: {  	s21 =	sadd.s32 $0x40, s21;
	s8 =	sadd.s32 $0x40, s8;
	[tilespmem:v1+s15+$0x0] =	vst.idx.msk vm1, v2  }
0x4e0: {  	_ =	swait.ge [sflag:s3], $0x4000  }
0x4e1: {  	[sflag:s3] =	ssyncset.done $0x0  }
0x4e2: {  	[sflag:s3] =	ssyncadd.s32 $0xFFFFC000  }
0x4e3: {  	_ =	swait.ge [sflag:s3], $0x4000  }
0x4e4: {  	[sflag:s3] =	ssyncset.done $0x0  }
0x4e5: {  	[sflag:s3] =	ssyncadd.s32 $0xFFFFC000  }
0x4e6: {  	_ =	swait.ge [sflag:s3], $0x4000  }
0x4e7: {  	[sflag:s3] =	ssyncset.done $0x0  }
0x4e8: {  	[sflag:s3] =	ssyncadd.s32 $0xFFFFC000  }
0x4e9: {  	_ =	swait.ge [sflag:s3], $0x4000  }
0x4ea: {  	[sflag:s3] =	ssyncset.done $0x0  }
0x4eb: {  	s8 =	rddreg [dreg:$0x1f];
	[sflag:s3] =	ssyncadd.s32 $0xFFFFC000  }
0x4ec: {  	[hbm4b:s8+s1] =	stream.linear.scatter [tilespmem:s15], [sflag:$0x5], $0x4000, $0x38;
	[tilespmem:$0x1F080] =	vst v63  }
0x4ed: {  	_ =	swait.ge [sflag:s23], $0x4000  }
0x4ee: {  	[sflag:s23] =	ssyncset.done $0x0  }
0x4ef: {  	[sflag:s23] =	ssyncadd.s32 $0xFFFFC000  }
0x4f0: {  	_ =	swait.ge [sflag:s6], $0x2000  }
0x4f1: {  	[sflag:s6] =	ssyncset.done $0x0  }
0x4f2: {  	[sflag:s6] =	ssyncadd.s32 $0xFFFFE000  }
0x4f3: {  	v1 =	vld [tilespmem:s2+$0x0];
	_ =	sdelay $0x4  }
0x4f4: {  	vm1 =	vgt.s32 v1, $0x0  }
0x4f5: {  	v2 =	vnsel vm1, $0x0, v1  }
0x4f6: {  	v2 =	vmin.u32 v2, $0x1FFF;
	_ =	sdelay $0x3  }
0x4f7: {  	vm1 =	vlt.u32 v1, $0x2000  }
0x4f8: {  	v1 =	vld.idx.msk [tilespmem:v2+s30+$0x0], $0xffff;
	_ =	sdelay $0x4  }
0x4f9: {  	[tilespmem:v0+s17+$0x0] =	vst.idx.msk vm1, v1  }
0x4fa: {  	v1 =	vld [tilespmem:s2+$0x10];
	_ =	sdelay $0x4  }
0x4fb: {  	vm1 =	vgt.s32 v1, $0x0  }
0x4fc: {  	v2 =	vnsel vm1, $0x0, v1  }
0x4fd: {  	v2 =	vmin.u32 v2, $0x1FFF;
	_ =	sdelay $0x3  }
0x4fe: {  	vm1 =	vlt.u32 v1, $0x2000  }
0x4ff: {  	v1 =	vld.idx.msk [tilespmem:v2+s30+$0x0], $0xffff;
	v2 =	vor.u32 $0x10, v0;
	_ =	sdelay $0x4  }
0x500: {  	[tilespmem:v2+s17+$0x0] =	vst.idx.msk vm1, v1  }
0x501: {  	v1 =	vld [tilespmem:s2+$0x20];
	_ =	sdelay $0x4  }
0x502: {  	vm1 =	vgt.s32 v1, $0x0  }
0x503: {  	v3 =	vnsel vm1, $0x0, v1  }
0x504: {  	v3 =	vmin.u32 v3, $0x1FFF;
	_ =	sdelay $0x3  }
0x505: {  	vm1 =	vlt.u32 v1, $0x2000  }
0x506: {  	v1 =	vld.idx.msk [tilespmem:v3+s30+$0x0], $0xffff;
	v3 =	vor.u32 $0x20, v0;
	_ =	sdelay $0x4  }
0x507: {  	[tilespmem:v3+s17+$0x0] =	vst.idx.msk vm1, v1  }
0x508: {  	v1 =	vld [tilespmem:s2+$0x30];
	_ =	sdelay $0x4  }
0x509: {  	vm1 =	vgt.s32 v1, $0x0  }
0x50a: {  	v4 =	vnsel vm1, $0x0, v1  }
0x50b: {  	v4 =	vmin.u32 v4, $0x1FFF;
	_ =	sdelay $0x3  }
0x50c: {  	vm1 =	vlt.u32 v1, $0x2000  }
0x50d: {  	v58 =	vor.u32 $0x30, v0;
	v1 =	vld.idx.msk [tilespmem:v4+s30+$0x0], $0xffff;
	_ =	sdelay $0x4  }
0x50e: {  	[tilespmem:v58+s17+$0x0] =	vst.idx.msk vm1, v1  }
0x50f: {  	v1 =	vld [tilespmem:s2+$0x40];
	_ =	sdelay $0x4  }
0x510: {  	vm1 =	vgt.s32 v1, $0x0  }
0x511: {  	v5 =	vnsel vm1, $0x0, v1  }
0x512: {  	v5 =	vmin.u32 v5, $0x1FFF;
	_ =	sdelay $0x3  }
0x513: {  	vm1 =	vlt.u32 v1, $0x2000  }
0x514: {  	v59 =	vor.u32 $0x40, v0;
	v1 =	vld.idx.msk [tilespmem:v5+s30+$0x0], $0xffff;
	_ =	sdelay $0x4  }
0x515: {  	[tilespmem:v59+s17+$0x0] =	vst.idx.msk vm1, v1  }
0x516: {  	v1 =	vld [tilespmem:s2+$0x50];
	_ =	sdelay $0x4  }
0x517: {  	vm1 =	vgt.s32 v1, $0x0  }
0x518: {  	v6 =	vnsel vm1, $0x0, v1  }
0x519: {  	v6 =	vmin.u32 v6, $0x1FFF;
	_ =	sdelay $0x3  }
0x51a: {  	vm1 =	vlt.u32 v1, $0x2000  }
0x51b: {  	v60 =	vor.u32 $0x50, v0;
	v1 =	vld.idx.msk [tilespmem:v6+s30+$0x0], $0xffff;
	_ =	sdelay $0x4  }
0x51c: {  	[tilespmem:v60+s17+$0x0] =	vst.idx.msk vm1, v1  }
0x51d: {  	v1 =	vld [tilespmem:s2+$0x60];
	_ =	sdelay $0x4  }
0x51e: {  	vm1 =	vgt.s32 v1, $0x0  }
0x51f: {  	v7 =	vnsel vm1, $0x0, v1  }
0x520: {  	v7 =	vmin.u32 v7, $0x1FFF;
	_ =	sdelay $0x3  }
0x521: {  	vm1 =	vlt.u32 v1, $0x2000  }
0x522: {  	v61 =	vor.u32 $0x60, v0;
	v1 =	vld.idx.msk [tilespmem:v7+s30+$0x0], $0xffff;
	_ =	sdelay $0x4  }
0x523: {  	[tilespmem:v61+s17+$0x0] =	vst.idx.msk vm1, v1  }
0x524: {  	v1 =	vld [tilespmem:s2+$0x70];
	_ =	sdelay $0x4  }
0x525: {  	vm1 =	vgt.s32 v1, $0x0  }
0x526: {  	v8 =	vnsel vm1, $0x0, v1  }
0x527: {  	v8 =	vmin.u32 v8, $0x1FFF;
	_ =	sdelay $0x3  }
0x528: {  	vm1 =	vlt.u32 v1, $0x2000  }
0x529: {  	v62 =	vor.u32 $0x70, v0;
	v1 =	vld.idx.msk [tilespmem:v8+s30+$0x0], $0xffff;
	_ =	sdelay $0x2  }
0x52a: {  	s12 =	sld [smem:$0x7FD];
	_ =	sdelay $0x1  }
0x52b: {  	[tilespmem:v62+s17+$0x0] =	vst.idx.msk vm1, v1  }
0x52c: {  	[tilespmem:s30], [sflag:$0x4] =	stream.linear.gather [hbm4b:s12+s1], $0x2000, $0x38;
	[tilespmem:$0x1F080] =	vst v63  }
0x52d: {  	_ =	swait.ge [sflag:s6], $0x2000  }
0x52e: {  	[sflag:s6] =	ssyncset.done $0x0  }
0x52f: {  	[sflag:s6] =	ssyncadd.s32 $0xFFFFE000  }
0x530: {  	v1 =	vld [tilespmem:s2+$0x0];
	_ =	sdelay $0x4  }
0x531: {  	v9 =	vadd.s32 $0xFFFFE000, v1  }
0x532: {  	vm1 =	vgt.s32 v9, $0x0  }
0x533: {  	v9 =	vnsel vm1, $0x0, v9  }
0x534: {  	v9 =	vmin.u32 v9, $0x1FFF;
	_ =	sdelay $0x2  }
0x535: {  	v1 =	vand.u32 $0xFFFFE000, v1  }
0x536: {  	vm1 =	veq.s32 v1, $0x2000  }
0x537: {  	v1 =	vld.idx.msk [tilespmem:v9+s30+$0x0], $0xffff;
	_ =	sdelay $0x4  }
0x538: {  	[tilespmem:v0+s17+$0x0] =	vst.idx.msk vm1, v1  }
0x539: {  	v1 =	vld [tilespmem:s2+$0x10];
	_ =	sdelay $0x4  }
0x53a: {  	v63 =	vadd.s32 $0xFFFFE000, v1  }
0x53b: {  	vm1 =	vgt.s32 v63, $0x0  }
0x53c: {  	v9 =	vnsel vm1, $0x0, v63  }
0x53d: {  	v9 =	vmin.u32 v9, $0x1FFF;
	_ =	sdelay $0x2  }
0x53e: {  	v1 =	vand.u32 $0xFFFFE000, v1  }
0x53f: {  	vm1 =	veq.s32 v1, $0x2000  }
0x540: {  	v1 =	vld.idx.msk [tilespmem:v9+s30+$0x0], $0xffff;
	_ =	sdelay $0x4  }
0x541: {  	[tilespmem:v2+s17+$0x0] =	vst.idx.msk vm1, v1  }
0x542: {  	v1 =	vld [tilespmem:s2+$0x20];
	_ =	sdelay $0x4  }
0x543: {  	v2 =	vadd.s32 $0xFFFFE000, v1  }
0x544: {  	vm1 =	vgt.s32 v2, $0x0  }
0x545: {  	v2 =	vnsel vm1, $0x0, v2  }
0x546: {  	v2 =	vmin.u32 v2, $0x1FFF;
	_ =	sdelay $0x2  }
0x547: {  	v1 =	vand.u32 $0xFFFFE000, v1  }
0x548: {  	vm1 =	veq.s32 v1, $0x2000  }
0x549: {  	v1 =	vld.idx.msk [tilespmem:v2+s30+$0x0], $0xffff;
	_ =	sdelay $0x4  }
0x54a: {  	[tilespmem:v3+s17+$0x0] =	vst.idx.msk vm1, v1  }
0x54b: {  	v1 =	vld [tilespmem:s2+$0x30];
	_ =	sdelay $0x4  }
0x54c: {  	v2 =	vadd.s32 $0xFFFFE000, v1  }
0x54d: {  	vm1 =	vgt.s32 v2, $0x0  }
0x54e: {  	v2 =	vnsel vm1, $0x0, v2  }
0x54f: {  	v2 =	vmin.u32 v2, $0x1FFF;
	_ =	sdelay $0x2  }
0x550: {  	v1 =	vand.u32 $0xFFFFE000, v1  }
0x551: {  	vm1 =	veq.s32 v1, $0x2000  }
0x552: {  	v1 =	vld.idx.msk [tilespmem:v2+s30+$0x0], $0xffff;
	_ =	sdelay $0x4  }
0x553: {  	[tilespmem:v58+s17+$0x0] =	vst.idx.msk vm1, v1  }
0x554: {  	v1 =	vld [tilespmem:s2+$0x40];
	_ =	sdelay $0x4  }
0x555: {  	v2 =	vadd.s32 $0xFFFFE000, v1  }
0x556: {  	vm1 =	vgt.s32 v2, $0x0  }
0x557: {  	v2 =	vnsel vm1, $0x0, v2  }
0x558: {  	v2 =	vmin.u32 v2, $0x1FFF;
	_ =	sdelay $0x2  }
0x559: {  	v1 =	vand.u32 $0xFFFFE000, v1  }
0x55a: {  	vm1 =	veq.s32 v1, $0x2000  }
0x55b: {  	v1 =	vld.idx.msk [tilespmem:v2+s30+$0x0], $0xffff;
	_ =	sdelay $0x4  }
0x55c: {  	[tilespmem:v59+s17+$0x0] =	vst.idx.msk vm1, v1  }
0x55d: {  	v1 =	vld [tilespmem:s2+$0x50];
	_ =	sdelay $0x4  }
0x55e: {  	v2 =	vadd.s32 $0xFFFFE000, v1  }
0x55f: {  	vm1 =	vgt.s32 v2, $0x0  }
0x560: {  	v2 =	vnsel vm1, $0x0, v2  }
0x561: {  	v2 =	vmin.u32 v2, $0x1FFF;
	_ =	sdelay $0x2  }
0x562: {  	v1 =	vand.u32 $0xFFFFE000, v1  }
0x563: {  	vm1 =	veq.s32 v1, $0x2000  }
0x564: {  	v1 =	vld.idx.msk [tilespmem:v2+s30+$0x0], $0xffff;
	_ =	sdelay $0x4  }
0x565: {  	[tilespmem:v60+s17+$0x0] =	vst.idx.msk vm1, v1  }
0x566: {  	v1 =	vld [tilespmem:s2+$0x60];
	_ =	sdelay $0x4  }
0x567: {  	v2 =	vadd.s32 $0xFFFFE000, v1  }
0x568: {  	vm1 =	vgt.s32 v2, $0x0  }
0x569: {  	v2 =	vnsel vm1, $0x0, v2  }
0x56a: {  	v2 =	vmin.u32 v2, $0x1FFF;
	_ =	sdelay $0x2  }
0x56b: {  	v1 =	vand.u32 $0xFFFFE000, v1  }
0x56c: {  	vm1 =	veq.s32 v1, $0x2000  }
0x56d: {  	v1 =	vld.idx.msk [tilespmem:v2+s30+$0x0], $0xffff;
	_ =	sdelay $0x4  }
0x56e: {  	[tilespmem:v61+s17+$0x0] =	vst.idx.msk vm1, v1  }
0x56f: {  	v1 =	vld [tilespmem:s2+$0x70];
	_ =	sdelay $0x4  }
0x570: {  	v2 =	vadd.s32 $0xFFFFE000, v1  }
0x571: {  	vm1 =	vgt.s32 v2, $0x0  }
0x572: {  	v2 =	vnsel vm1, $0x0, v2  }
0x573: {  	v2 =	vmin.u32 v2, $0x1FFF;
	_ =	sdelay $0x2  }
0x574: {  	v1 =	vand.u32 $0xFFFFE000, v1  }
0x575: {  	vm1 =	veq.s32 v1, $0x2000  }
0x576: {  	v1 =	vld.idx.msk [tilespmem:v2+s30+$0x0], $0xffff;
	_ =	sdelay $0x2  }
0x577: {  	s14 =	sld [smem:$0x7FA];
	_ =	sdelay $0x1  }
0x578: {  	[tilespmem:v62+s17+$0x0] =	vst.idx.msk vm1, v1  }
0x579: {  	[hbm4b:s14+s1] =	stream.linear.scatter [tilespmem:s17], [sflag:$0x5], $0x80, $0x38;
	[tilespmem:$0x1F080] =	vst v63  }
0x57a: {  	_ =	swait.ge [sflag:s23], $0x80  }
0x57b: {  	s21 =	sld [smem:$0x7FB];
	_ =	sdelay $0x1  }
0x57c: {  	s19 =	sadd.s32 $0x1, s19  }
0x57d: {  	p0 =	sne.s32 s19, s21  }
.Ltmp11:
0x57e: {  	_ = 	snop;
	(pc) =	sbr.rel @p0 .LBB2_1-.Ltmp11, $3  }
0x57f: {  	_ =	sdelay $0x1  }
0x580: {  	[sflag:s23] =	ssyncset.done $0x0  }
0x581: {  	[sflag:s23] =	ssyncadd.s32 $0xFFFFFF80  }
0x582: {  	_ =	sfence.sel $0x180000  }
0x583: {  	[bflag:$0x0] =	sbarrier.arrive $0xFFFF  }
0x584: {  	_ =	strace $0x90000047  }
0x585: {  	s0 =	stileid.u32;
	[bflag:$0x2] =	sbarrier.arrive $0xFFFF  }
0x586: {  	p0 =	sne.s32 s0, $0x0;
	s0 =	rddreg [dreg:$0x7]  }
0x587: {  	s0 =	sadd.s32 @!p0 $0x100000, s0  }
0x588: {  	[sflag:s0] =	ssyncadd.tile.s32 @!p0 $0x1;
	_ =	shalt  }
.Lfunc_end2:
_tile_overlayer_lowered:
.L_overlay_start_2:
0x589: {  	(tag) =	ssettag $0x2  }
0x58a: {  	s0 =	rddreg [dreg:$0x0];
	s2 =	stileid.u32  }
0x58b: {  	s1 =	rddreg [dreg:$0x1];
	p0 =	sne.s32 s2, $0x0  }
0x58c: {  	s3 =	rddreg [dreg:$0x2];
	[bflag:$0x3] =	sbarrier.arrive $0xFFFF;
	s2 =	simm.s32 @!p0 $0x1C05  }
0x58d: {  	[timem:s3], [sflag:s2] =	dma.local @!p0 [hbm:s0], s1  }
0x58e: {  	s0 =	simm.s32 @!p0 $0x5  }
0x58f: {  	_ =	swait.ge @!p0 [sflag:s0], s1  }
0x590: {  	s1 =	ssub.s32 @!p0 $0x0, s1;
	[sflag:s0] =	ssyncset.done @!p0 $0x0  }
0x591: {  	[sflag:s0] =	ssyncadd.s32 @!p0 s1  }
0x592: {  	[bflag:$0x3] =	sbarrier.arrive $0xFFFF  }
0x593: {  	_ =	shalt  }

</sc_bundles>
